<compile_context>
chip_gen: v7x
topology: tpu7x:2x2x1
jax: 0.10.2.dev20260603
libtpu: 0.0.44.dev20260713+nightly
codegen_flags: <defaults>
</compile_context>

<pallas_src>
import functools

import jax
import jax.numpy as jnp
from jax import lax
from jax.experimental import pallas as pl
from jax.experimental.pallas import tpu as pltpu
from jax.experimental.pallas import tpu_sc as plsc

L = 16


def _build_sc_kernel(B, N, G, mb, CHUNK):
    VECS = CHUNK // L
    NCHUNK = N // CHUNK
    C3 = B * G * 3

    mesh = plsc.VectorSubcoreMesh(core_axis_name="c", subcore_axis_name="s")

    @functools.partial(
        pl.kernel,
        out_type=[
            jax.ShapeDtypeStruct((B * mb * N * 5,), jnp.float32),
            jax.ShapeDtypeStruct((B * mb * N,), jnp.int32),
        ],
        mesh=mesh,
        compiler_params=pltpu.CompilerParams(needs_layout_passes=False),
        scratch_types=[
            pltpu.VMEM((C3,), jnp.float32),
            pltpu.VMEM((CHUNK,), jnp.int32),
            pltpu.VMEM((3 * CHUNK,), jnp.float32),
            pltpu.VMEM((CHUNK,), jnp.float32),
            pltpu.VMEM((CHUNK,), jnp.float32),
            pltpu.VMEM((5 * CHUNK,), jnp.float32),
            pltpu.VMEM((5 * CHUNK,), jnp.float32),
            pltpu.VMEM((CHUNK,), jnp.int32),
            pltpu.VMEM((CHUNK,), jnp.int32),
            pltpu.VMEM((L,), jnp.int32),
        ],
    )
    def sc_fn(xyz_hbm, cent_hbm, feats_hbm, idx_hbm, shift_hbm,
              out_hbm, idx2_hbm,
              ctab, idx_v, xyz_v, f0_v, f1_v, stg0, stg1, i2a, i2b, sh_v):
        b = lax.axis_index("s") * 2 + lax.axis_index("c")

        pltpu.sync_copy(cent_hbm, ctab)
        pltpu.sync_copy(shift_hbm, sh_v)
        shiftv = sh_v[...]
        c0v = shiftv + b * G
        c1v = c0v + G

        def chunk_body(g, carry):
            n0 = g * CHUNK
            p = b * N + n0
            pltpu.sync_copy(idx_hbm.at[pl.ds(p, CHUNK)], idx_v)
            pltpu.sync_copy(xyz_hbm.at[pl.ds(p * 3, 3 * CHUNK)], xyz_v)
            r0 = (mb * b) * N + n0
            pltpu.sync_copy(feats_hbm.at[pl.ds(r0, CHUNK)], f0_v)
            pltpu.sync_copy(feats_hbm.at[pl.ds(r0 + N, CHUNK)], f1_v)

            for v in range(VECS):
                idxv = idx_v[pl.ds(v * L, L)]
                ci = idxv * 3
                cx = plsc.load_gather(ctab, [ci])
                cy = plsc.load_gather(ctab, [ci + 1])
                cz = plsc.load_gather(ctab, [ci + 2])
                xidx = jnp.arange(L, dtype=jnp.int32) * 3 + (3 * L * v)
                px = plsc.load_gather(xyz_v, [xidx])
                py = plsc.load_gather(xyz_v, [xidx + 1])
                pz = plsc.load_gather(xyz_v, [xidx + 2])
                dx = px - cx
                dy = py - cy
                dz = pz - cz
                d2 = dx * dx + dy * dy + dz * dz
                ii = lax.bitcast_convert_type(d2, jnp.int32)
                ii = jnp.int32(0x5F3759DF) - lax.shift_right_logical(ii, 1)
                y = lax.bitcast_convert_type(ii, jnp.float32)
                xh = d2 * jnp.float32(0.5)
                for _ in range(3):
                    y = y * (jnp.float32(1.5) - xh * y * y)
                dist = d2 * y
                inv = jnp.float32(1.0) / (dist + jnp.float32(1e-8))
                nx = dx * inv
                ny = dy * inv
                nz = dz * inv
                f0 = f0_v[pl.ds(v * L, L)]
                f1 = f1_v[pl.ds(v * L, L)]
                s0 = jnp.arange(L, dtype=jnp.int32) * 5 + (5 * L * v)
                plsc.store_scatter(stg0, [s0], f0)
                plsc.store_scatter(stg0, [s0 + 1], nx)
                plsc.store_scatter(stg0, [s0 + 2], ny)
                plsc.store_scatter(stg0, [s0 + 3], nz)
                plsc.store_scatter(stg0, [s0 + 4], dist)
                plsc.store_scatter(stg1, [s0], f1)
                plsc.store_scatter(stg1, [s0 + 1], nx)
                plsc.store_scatter(stg1, [s0 + 2], ny)
                plsc.store_scatter(stg1, [s0 + 3], nz)
                plsc.store_scatter(stg1, [s0 + 4], dist)
                i2a[pl.ds(v * L, L)] = idxv + c0v
                i2b[pl.ds(v * L, L)] = idxv + c1v

            o0 = r0 * 5
            pltpu.sync_copy(stg0, out_hbm.at[pl.ds(o0, 5 * CHUNK)])
            pltpu.sync_copy(stg1, out_hbm.at[pl.ds(o0 + N * 5, 5 * CHUNK)])
            pltpu.sync_copy(i2a, idx2_hbm.at[pl.ds(r0, CHUNK)])
            pltpu.sync_copy(i2b, idx2_hbm.at[pl.ds(r0 + N, CHUNK)])
            return carry

        lax.fori_loop(0, NCHUNK, chunk_body, 0)

    return sc_fn


def kernel(xyz, centers, feats, idx, mask_batch):
    B, N, _ = xyz.shape
    G = centers.shape[1]
    mb = feats.shape[0] // B
    shift = jnp.full((L,), jnp.asarray(mask_batch, jnp.int32) - mb,
                     dtype=jnp.int32)
    sc_fn = _build_sc_kernel(B, N, G, mb, CHUNK=512)
    out_flat, idx2 = sc_fn(
        xyz.reshape(-1), centers.reshape(-1), feats.reshape(-1), idx, shift)
    return out_flat.reshape(B * mb, N, 5), idx2

# --- scband reference (transcript-rebuilt; emitter-appended) ---
"""Pipeline reference for scband-group-nn-78898549227875 (READ-ONLY COPY).

The authoritative reference and input builder live on the scoring server;
editing this copy changes nothing except your own understanding.
"""

import jax, jax.numpy as jnp
import numpy as np

NUM_GROUP = 1024


def setup_inputs(seed: int = 0) -> dict:
    key = jax.random.key(seed)
    k1, k2, k3, k4 = jax.random.split(key, 4)
    B, N, G = 32, 16384, 1024
    xyz = jax.random.normal(k1, (B, N, 3), dtype=jnp.float32)
    centers = jax.random.normal(k2, (B, G, 3), dtype=jnp.float32)
    mask_batch = 2
    feats = jax.random.normal(k3, (B * mask_batch, N), dtype=jnp.float32)
    idx = jax.random.randint(k4, (B * N,), 0, B * G, dtype=jnp.int32)
    return {"xyz": xyz, "centers": centers, "feats": feats, "idx": idx, "mask_batch": mask_batch}


def reference(xyz, centers, feats, idx, mask_batch):
    batch_size, num_points, _ = xyz.shape
    mb = feats.shape[0] // batch_size
    # gather center coordinates per point and compute relative offset
    neighborhood = xyz.reshape(-1, 3) - jnp.take(centers.reshape(-1, 3), idx, axis=0)
    neighborhood = neighborhood.reshape(batch_size, num_points, 3)
    neighborhood = jnp.repeat(neighborhood, mb, axis=0)
    dist = jnp.linalg.norm(neighborhood, ord=2, axis=-1, keepdims=True)
    neighborhood = neighborhood / (dist + 1e-08)
    idx_base = (jnp.arange(0, batch_size, dtype=idx.dtype) * NUM_GROUP).reshape(-1, 1)
    idx2 = idx.reshape(batch_size, num_points) - idx_base
    idx_base2 = (jnp.arange(0, batch_size * mb, dtype=idx.dtype) * NUM_GROUP).reshape(-1, 1)
    idx2 = jnp.repeat(idx2, mb, axis=0) + idx_base2
    idx2 = idx2.reshape(-1)
    idx2 = idx2 + jnp.asarray(mask_batch - mb, dtype=idx.dtype)
    neighborhood_feats = jnp.concatenate([feats[..., None], neighborhood, dist], axis=-1)
    return (neighborhood_feats, idx2)

if __name__ == "__main__":
    import jax
    _d = setup_inputs()
    print(jax.jit(kernel)(*tuple(_d.values())))

</pallas_src>

<mosaic_0001>
#map = affine_map<(d0, d1) -> (0)>
module attributes {stable_mosaic.version = 14 : i64} {
  func.func @sc_fn(%arg0: i32, %arg1: i32, %arg2: memref<1572864xf32, #tpu.memory_space<hbm>>, %arg3: memref<98304xf32, #tpu.memory_space<hbm>>, %arg4: memref<1048576xf32, #tpu.memory_space<hbm>>, %arg5: memref<524288xi32, #tpu.memory_space<hbm>>, %arg6: memref<16xi32, #tpu.memory_space<hbm>>, %arg7: memref<5242880xf32, #tpu.memory_space<hbm>>, %arg8: memref<1048576xi32, #tpu.memory_space<hbm>>, %arg9: memref<98304xf32, #tpu.memory_space<vmem>>, %arg10: memref<512xi32, #tpu.memory_space<vmem>>, %arg11: memref<1536xf32, #tpu.memory_space<vmem>>, %arg12: memref<512xf32, #tpu.memory_space<vmem>>, %arg13: memref<512xf32, #tpu.memory_space<vmem>>, %arg14: memref<2560xf32, #tpu.memory_space<vmem>>, %arg15: memref<2560xf32, #tpu.memory_space<vmem>>, %arg16: memref<512xi32, #tpu.memory_space<vmem>>, %arg17: memref<512xi32, #tpu.memory_space<vmem>>, %arg18: memref<16xi32, #tpu.memory_space<vmem>>) attributes {dimension_semantics = [#tpu.dimension_semantics<core_parallel>, #tpu.dimension_semantics<subcore_parallel>], iteration_bounds = array<i64: 2, 16>, scalar_prefetch = 0 : i64, scratch_operands = 10 : i64, tpu.core_type = #tpu.core_type<sc_vector_subcore>, window_params = [{transform_indices = #map}, {transform_indices = #map}, {transform_indices = #map}, {transform_indices = #map}, {transform_indices = #map}, {transform_indices = #map}, {transform_indices = #map}]} {
    %mul3A = arith.constant 2 : i32
    %mul3A_0 = arith.muli %arg1, %mul3A : i32
    %add3A = arith.addi %mul3A_0, %arg0 : i32
    "tpu.region"() ({
      %run_scoped3A = tpu.sem_alloc : memref<!tpu.dma_semaphore, #tpu.memory_space<semaphore_mem>>
      tpu.enqueue_dma source(%arg3 : memref<98304xf32, #tpu.memory_space<hbm>>) target(%arg9 : memref<98304xf32, #tpu.memory_space<vmem>>) target_semaphore(%run_scoped3A : memref<!tpu.dma_semaphore, #tpu.memory_space<semaphore_mem>>)
      tpu.wait_dma2 semaphore(%run_scoped3A : memref<!tpu.dma_semaphore, #tpu.memory_space<semaphore_mem>>) src(%arg3 : memref<98304xf32, #tpu.memory_space<hbm>>) dst(%arg9 : memref<98304xf32, #tpu.memory_space<vmem>>)
      tpu.yield
    }) : () -> ()
    "tpu.region"() ({
      %run_scoped3A = tpu.sem_alloc : memref<!tpu.dma_semaphore, #tpu.memory_space<semaphore_mem>>
      tpu.enqueue_dma source(%arg6 : memref<16xi32, #tpu.memory_space<hbm>>) target(%arg18 : memref<16xi32, #tpu.memory_space<vmem>>) target_semaphore(%run_scoped3A : memref<!tpu.dma_semaphore, #tpu.memory_space<semaphore_mem>>)
      tpu.wait_dma2 semaphore(%run_scoped3A : memref<!tpu.dma_semaphore, #tpu.memory_space<semaphore_mem>>) src(%arg6 : memref<16xi32, #tpu.memory_space<hbm>>) dst(%arg18 : memref<16xi32, #tpu.memory_space<vmem>>)
      tpu.yield
    }) : () -> ()
    %get3A = arith.constant 0 : index
    %get3A_1 = tpu.vector_load %arg18[%get3A] {strides = array<i32>} : memref<16xi32, #tpu.memory_space<vmem>>, vector<16xi32>,
    %mul3A_2 = arith.constant 1024 : i32
    %mul3A_3 = arith.muli %add3A, %mul3A_2 : i32
    %add3A_4 = vector.broadcast %mul3A_3 : i32 to vector<16xi32>
    %add3A_5 = arith.addi %get3A_1, %add3A_4 : vector<16xi32>
    %add3A_6 = arith.constant 1024 : i32
    %add3A_7 = vector.broadcast %add3A_6 : i32 to vector<16xi32>
    %add3A_8 = arith.addi %add3A_5, %add3A_7 : vector<16xi32>
    %scan3A = arith.constant 0 : i32
    %scan3A_9 = arith.constant 0 : i32
    %scan3A_10 = arith.constant 32 : i32
    %scan3A_11 = arith.addi %scan3A_9, %scan3A_10 : i32
    %scan3A_12 = arith.constant 1 : i32
    scf.for %scan3A_14 = %scan3A_9 to %scan3A_11 step %scan3A_12  : i32 {
      %mul3A_15 = arith.constant 512 : i32
      %mul3A_16 = arith.muli %scan3A_14, %mul3A_15 : i32
      %mul3A_17 = arith.constant 16384 : i32
      %mul3A_18 = arith.muli %add3A, %mul3A_17 : i32
      %add3A_19 = arith.addi %mul3A_18, %mul3A_16 : i32
      "tpu.region"() ({
        %run_scoped3A = tpu.sem_alloc : memref<!tpu.dma_semaphore, #tpu.memory_space<semaphore_mem>>
        %dma_start3A = tpu.memref_slice %arg5[%add3A_19] : memref<524288xi32, #tpu.memory_space<hbm>> -> memref<512xi32, #tpu.memory_space<hbm>>
        %dma_start3A_3804 = tpu.memref_slice %arg5[%add3A_19] : memref<524288xi32, #tpu.memory_space<hbm>> -> memref<512xi32, #tpu.memory_space<hbm>>
        tpu.enqueue_dma source(%dma_start3A_3804 : memref<512xi32, #tpu.memory_space<hbm>>) target(%arg10 : memref<512xi32, #tpu.memory_space<vmem>>) target_semaphore(%run_scoped3A : memref<!tpu.dma_semaphore, #tpu.memory_space<semaphore_mem>>)
        %dma_wait3A = tpu.memref_slice %arg5[%add3A_19] : memref<524288xi32, #tpu.memory_space<hbm>> -> memref<512xi32, #tpu.memory_space<hbm>>
        %dma_wait3A_3805 = tpu.memref_slice %arg5[%add3A_19] : memref<524288xi32, #tpu.memory_space<hbm>> -> memref<512xi32, #tpu.memory_space<hbm>>
        tpu.wait_dma2 semaphore(%run_scoped3A : memref<!tpu.dma_semaphore, #tpu.memory_space<semaphore_mem>>) src(%dma_wait3A_3805 : memref<512xi32, #tpu.memory_space<hbm>>) dst(%arg10 : memref<512xi32, #tpu.memory_space<vmem>>)
        tpu.yield
      }) : () -> ()
      %mul3A_20 = arith.constant 3 : i32
      %mul3A_21 = arith.muli %add3A_19, %mul3A_20 : i32
      "tpu.region"() ({
        %run_scoped3A = tpu.sem_alloc : memref<!tpu.dma_semaphore, #tpu.memory_space<semaphore_mem>>
        %dma_start3A = tpu.memref_slice %arg2[%mul3A_21] : memref<1572864xf32, #tpu.memory_space<hbm>> -> memref<1536xf32, #tpu.memory_space<hbm>>
        %dma_start3A_3804 = tpu.memref_slice %arg2[%mul3A_21] : memref<1572864xf32, #tpu.memory_space<hbm>> -> memref<1536xf32, #tpu.memory_space<hbm>>
        tpu.enqueue_dma source(%dma_start3A_3804 : memref<1536xf32, #tpu.memory_space<hbm>>) target(%arg11 : memref<1536xf32, #tpu.memory_space<vmem>>) target_semaphore(%run_scoped3A : memref<!tpu.dma_semaphore, #tpu.memory_space<semaphore_mem>>)
        %dma_wait3A = tpu.memref_slice %arg2[%mul3A_21] : memref<1572864xf32, #tpu.memory_space<hbm>> -> memref<1536xf32, #tpu.memory_space<hbm>>
        %dma_wait3A_3805 = tpu.memref_slice %arg2[%mul3A_21] : memref<1572864xf32, #tpu.memory_space<hbm>> -> memref<1536xf32, #tpu.memory_space<hbm>>
        tpu.wait_dma2 semaphore(%run_scoped3A : memref<!tpu.dma_semaphore, #tpu.memory_space<semaphore_mem>>) src(%dma_wait3A_3805 : memref<1536xf32, #tpu.memory_space<hbm>>) dst(%arg11 : memref<1536xf32, #tpu.memory_space<vmem>>)
        tpu.yield
      }) : () -> ()
      %mul3A_22 = arith.constant 2 : i32
      %mul3A_23 = arith.muli %mul3A_22, %add3A : i32
      %mul3A_24 = arith.constant 16384 : i32
      %mul3A_25 = arith.muli %mul3A_23, %mul3A_24 : i32
      %add3A_26 = arith.addi %mul3A_25, %mul3A_16 : i32
      "tpu.region"() ({
        %run_scoped3A = tpu.sem_alloc : memref<!tpu.dma_semaphore, #tpu.memory_space<semaphore_mem>>
        %dma_start3A = tpu.memref_slice %arg4[%add3A_26] : memref<1048576xf32, #tpu.memory_space<hbm>> -> memref<512xf32, #tpu.memory_space<hbm>>
        %dma_start3A_3804 = tpu.memref_slice %arg4[%add3A_26] : memref<1048576xf32, #tpu.memory_space<hbm>> -> memref<512xf32, #tpu.memory_space<hbm>>
        tpu.enqueue_dma source(%dma_start3A_3804 : memref<512xf32, #tpu.memory_space<hbm>>) target(%arg12 : memref<512xf32, #tpu.memory_space<vmem>>) target_semaphore(%run_scoped3A : memref<!tpu.dma_semaphore, #tpu.memory_space<semaphore_mem>>)
        %dma_wait3A = tpu.memref_slice %arg4[%add3A_26] : memref<1048576xf32, #tpu.memory_space<hbm>> -> memref<512xf32, #tpu.memory_space<hbm>>
        %dma_wait3A_3805 = tpu.memref_slice %arg4[%add3A_26] : memref<1048576xf32, #tpu.memory_space<hbm>> -> memref<512xf32, #tpu.memory_space<hbm>>
        tpu.wait_dma2 semaphore(%run_scoped3A : memref<!tpu.dma_semaphore, #tpu.memory_space<semaphore_mem>>) src(%dma_wait3A_3805 : memref<512xf32, #tpu.memory_space<hbm>>) dst(%arg12 : memref<512xf32, #tpu.memory_space<vmem>>)
        tpu.yield
      }) : () -> ()
      %add3A_27 = arith.constant 16384 : i32
      %add3A_28 = arith.addi %add3A_26, %add3A_27 : i32
      "tpu.region"() ({
        %run_scoped3A = tpu.sem_alloc : memref<!tpu.dma_semaphore, #tpu.memory_space<semaphore_mem>>
        %dma_start3A = tpu.memref_slice %arg4[%add3A_28] : memref<1048576xf32, #tpu.memory_space<hbm>> -> memref<512xf32, #tpu.memory_space<hbm>>
        %dma_start3A_3804 = tpu.memref_slice %arg4[%add3A_28] : memref<1048576xf32, #tpu.memory_space<hbm>> -> memref<512xf32, #tpu.memory_space<hbm>>
        tpu.enqueue_dma source(%dma_start3A_3804 : memref<512xf32, #tpu.memory_space<hbm>>) target(%arg13 : memref<512xf32, #tpu.memory_space<vmem>>) target_semaphore(%run_scoped3A : memref<!tpu.dma_semaphore, #tpu.memory_space<semaphore_mem>>)
        %dma_wait3A = tpu.memref_slice %arg4[%add3A_28] : memref<1048576xf32, #tpu.memory_space<hbm>> -> memref<512xf32, #tpu.memory_space<hbm>>
        %dma_wait3A_3805 = tpu.memref_slice %arg4[%add3A_28] : memref<1048576xf32, #tpu.memory_space<hbm>> -> memref<512xf32, #tpu.memory_space<hbm>>
        tpu.wait_dma2 semaphore(%run_scoped3A : memref<!tpu.dma_semaphore, #tpu.memory_space<semaphore_mem>>) src(%dma_wait3A_3805 : memref<512xf32, #tpu.memory_space<hbm>>) dst(%arg13 : memref<512xf32, #tpu.memory_space<vmem>>)
        tpu.yield
      }) : () -> ()
      %get3A_29 = arith.constant 0 : index
      %get3A_30 = tpu.vector_load %arg10[%get3A_29] {strides = array<i32>} : memref<512xi32, #tpu.memory_space<vmem>>, vector<16xi32>,
      %mul3A_31 = arith.constant 3 : i32
      %mul3A_32 = vector.broadcast %mul3A_31 : i32 to vector<16xi32>
      %mul3A_33 = arith.muli %get3A_30, %mul3A_32 : vector<16xi32>
      %gather3A = tpu.vector_load_idx %arg9[%mul3A_33] : memref<98304xf32, #tpu.memory_space<vmem>>[vector<16xi32>], vector<16xf32>,
      %add3A_34 = arith.constant 1 : i32
      %add3A_35 = vector.broadcast %add3A_34 : i32 to vector<16xi32>
      %add3A_36 = arith.addi %mul3A_33, %add3A_35 : vector<16xi32>
      %gather3A_37 = tpu.vector_load_idx %arg9[%add3A_36] : memref<98304xf32, #tpu.memory_space<vmem>>[vector<16xi32>], vector<16xf32>,
      %add3A_38 = arith.constant 2 : i32
      %add3A_39 = vector.broadcast %add3A_38 : i32 to vector<16xi32>
      %add3A_40 = arith.addi %mul3A_33, %add3A_39 : vector<16xi32>
      %gather3A_41 = tpu.vector_load_idx %arg9[%add3A_40] : memref<98304xf32, #tpu.memory_space<vmem>>[vector<16xi32>], vector<16xf32>,
      %iota3A = tpu.iota {dimensions = array<i32: 0>} : vector<16xi32>
      %mul3A_42 = arith.constant 3 : i32
      %mul3A_43 = vector.broadcast %mul3A_42 : i32 to vector<16xi32>
      %mul3A_44 = arith.muli %iota3A, %mul3A_43 : vector<16xi32>
      %add3A_45 = arith.constant 0 : i32
      %add3A_46 = vector.broadcast %add3A_45 : i32 to vector<16xi32>
      %add3A_47 = arith.addi %mul3A_44, %add3A_46 : vector<16xi32>
      %gather3A_48 = tpu.vector_load_idx %arg11[%add3A_47] : memref<1536xf32, #tpu.memory_space<vmem>>[vector<16xi32>], vector<16xf32>,
      %add3A_49 = arith.constant 1 : i32
      %add3A_50 = vector.broadcast %add3A_49 : i32 to vector<16xi32>
      %add3A_51 = arith.addi %add3A_47, %add3A_50 : vector<16xi32>
      %gather3A_52 = tpu.vector_load_idx %arg11[%add3A_51] : memref<1536xf32, #tpu.memory_space<vmem>>[vector<16xi32>], vector<16xf32>,
      %add3A_53 = arith.constant 2 : i32
      %add3A_54 = vector.broadcast %add3A_53 : i32 to vector<16xi32>
      %add3A_55 = arith.addi %add3A_47, %add3A_54 : vector<16xi32>
      %gather3A_56 = tpu.vector_load_idx %arg11[%add3A_55] : memref<1536xf32, #tpu.memory_space<vmem>>[vector<16xi32>], vector<16xf32>,
      %sub3A = arith.subf %gather3A_48, %gather3A : vector<16xf32>
      %sub3A_57 = arith.subf %gather3A_52, %gather3A_37 : vector<16xf32>
      %sub3A_58 = arith.subf %gather3A_56, %gather3A_41 : vector<16xf32>
      %mul3A_59 = arith.mulf %sub3A, %sub3A : vector<16xf32>
      %mul3A_60 = arith.mulf %sub3A_57, %sub3A_57 : vector<16xf32>
      %add3A_61 = arith.addf %mul3A_59, %mul3A_60 : vector<16xf32>
      %mul3A_62 = arith.mulf %sub3A_58, %sub3A_58 : vector<16xf32>
      %add3A_63 = arith.addf %add3A_61, %mul3A_62 : vector<16xf32>
      %bitcast_convert_type3A = tpu.bitcast %add3A_63 : vector<16xf32> -> vector<16xi32>
      %shift_right_logical3A = arith.constant 1 : i32
      %shift_right_logical3A_64 = vector.broadcast %shift_right_logical3A : i32 to vector<16xi32>
      %shift_right_logical3A_65 = arith.shrui %bitcast_convert_type3A, %shift_right_logical3A_64 : vector<16xi32>
      %sub3A_66 = arith.constant 1597463007 : i32
      %sub3A_67 = vector.broadcast %sub3A_66 : i32 to vector<16xi32>
      %sub3A_68 = arith.subi %sub3A_67, %shift_right_logical3A_65 : vector<16xi32>
      %bitcast_convert_type3A_69 = tpu.bitcast %sub3A_68 : vector<16xi32> -> vector<16xf32>
      %mul3A_70 = arith.constant 5.000000e-01 : f32
      %mul3A_71 = vector.broadcast %mul3A_70 : f32 to vector<16xf32>
      %mul3A_72 = arith.mulf %add3A_63, %mul3A_71 : vector<16xf32>
      %mul3A_73 = arith.mulf %mul3A_72, %bitcast_convert_type3A_69 : vector<16xf32>
      %mul3A_74 = arith.mulf %mul3A_73, %bitcast_convert_type3A_69 : vector<16xf32>
      %sub3A_75 = arith.constant 1.500000e+00 : f32
      %sub3A_76 = vector.broadcast %sub3A_75 : f32 to vector<16xf32>
      %sub3A_77 = arith.subf %sub3A_76, %mul3A_74 : vector<16xf32>
      %mul3A_78 = arith.mulf %bitcast_convert_type3A_69, %sub3A_77 : vector<16xf32>
      %mul3A_79 = arith.mulf %mul3A_72, %mul3A_78 : vector<16xf32>
      %mul3A_80 = arith.mulf %mul3A_79, %mul3A_78 : vector<16xf32>
      %sub3A_81 = arith.constant 1.500000e+00 : f32
      %sub3A_82 = vector.broadcast %sub3A_81 : f32 to vector<16xf32>
      %sub3A_83 = arith.subf %sub3A_82, %mul3A_80 : vector<16xf32>
      %mul3A_84 = arith.mulf %mul3A_78, %sub3A_83 : vector<16xf32>
      %mul3A_85 = arith.mulf %mul3A_72, %mul3A_84 : vector<16xf32>
      %mul3A_86 = arith.mulf %mul3A_85, %mul3A_84 : vector<16xf32>
      %sub3A_87 = arith.constant 1.500000e+00 : f32
      %sub3A_88 = vector.broadcast %sub3A_87 : f32 to vector<16xf32>
      %sub3A_89 = arith.subf %sub3A_88, %mul3A_86 : vector<16xf32>
      %mul3A_90 = arith.mulf %mul3A_84, %sub3A_89 : vector<16xf32>
      %mul3A_91 = arith.mulf %add3A_63, %mul3A_90 : vector<16xf32>
      %add3A_92 = arith.constant 9.99999993E-9 : f32
      %add3A_93 = vector.broadcast %add3A_92 : f32 to vector<16xf32>
      %add3A_94 = arith.addf %mul3A_91, %add3A_93 : vector<16xf32>
      %div3A = arith.constant 1.000000e+00 : f32
      %div3A_95 = vector.broadcast %div3A : f32 to vector<16xf32>
      %div3A_96 = arith.divf %div3A_95, %add3A_94 : vector<16xf32>
      %mul3A_97 = arith.mulf %sub3A, %div3A_96 : vector<16xf32>
      %mul3A_98 = arith.mulf %sub3A_57, %div3A_96 : vector<16xf32>
      %mul3A_99 = arith.mulf %sub3A_58, %div3A_96 : vector<16xf32>
      %get3A_100 = arith.constant 0 : index
      %get3A_101 = tpu.vector_load %arg12[%get3A_100] {strides = array<i32>} : memref<512xf32, #tpu.memory_space<vmem>>, vector<16xf32>,
      %get3A_102 = arith.constant 0 : index
      %get3A_103 = tpu.vector_load %arg13[%get3A_102] {strides = array<i32>} : memref<512xf32, #tpu.memory_space<vmem>>, vector<16xf32>,
      %iota3A_104 = tpu.iota {dimensions = array<i32: 0>} : vector<16xi32>
      %mul3A_105 = arith.constant 5 : i32
      %mul3A_106 = vector.broadcast %mul3A_105 : i32 to vector<16xi32>
      %mul3A_107 = arith.muli %iota3A_104, %mul3A_106 : vector<16xi32>
      %add3A_108 = arith.constant 0 : i32
      %add3A_109 = vector.broadcast %add3A_108 : i32 to vector<16xi32>
      %add3A_110 = arith.addi %mul3A_107, %add3A_109 : vector<16xi32>
      tpu.vector_store_idx %arg14[%add3A_110], %get3A_101 : memref<2560xf32, #tpu.memory_space<vmem>>[vector<16xi32>], vector<16xf32>,
      %add3A_111 = arith.constant 1 : i32
      %add3A_112 = vector.broadcast %add3A_111 : i32 to vector<16xi32>
      %add3A_113 = arith.addi %add3A_110, %add3A_112 : vector<16xi32>
      tpu.vector_store_idx %arg14[%add3A_113], %mul3A_97 : memref<2560xf32, #tpu.memory_space<vmem>>[vector<16xi32>], vector<16xf32>,
      %add3A_114 = arith.constant 2 : i32
      %add3A_115 = vector.broadcast %add3A_114 : i32 to vector<16xi32>
      %add3A_116 = arith.addi %add3A_110, %add3A_115 : vector<16xi32>
      tpu.vector_store_idx %arg14[%add3A_116], %mul3A_98 : memref<2560xf32, #tpu.memory_space<vmem>>[vector<16xi32>], vector<16xf32>,
      %add3A_117 = arith.constant 3 : i32
      %add3A_118 = vector.broadcast %add3A_117 : i32 to vector<16xi32>
      %add3A_119 = arith.addi %add3A_110, %add3A_118 : vector<16xi32>
      tpu.vector_store_idx %arg14[%add3A_119], %mul3A_99 : memref<2560xf32, #tpu.memory_space<vmem>>[vector<16xi32>], vector<16xf32>,
      %add3A_120 = arith.constant 4 : i32
      %add3A_121 = vector.broadcast %add3A_120 : i32 to vector<16xi32>
      %add3A_122 = arith.addi %add3A_110, %add3A_121 : vector<16xi32>
      tpu.vector_store_idx %arg14[%add3A_122], %mul3A_91 : memref<2560xf32, #tpu.memory_space<vmem>>[vector<16xi32>], vector<16xf32>,
      tpu.vector_store_idx %arg15[%add3A_110], %get3A_103 : memref<2560xf32, #tpu.memory_space<vmem>>[vector<16xi32>], vector<16xf32>,
      %add3A_123 = arith.constant 1 : i32
      %add3A_124 = vector.broadcast %add3A_123 : i32 to vector<16xi32>
      %add3A_125 = arith.addi %add3A_110, %add3A_124 : vector<16xi32>
      tpu.vector_store_idx %arg15[%add3A_125], %mul3A_97 : memref<2560xf32, #tpu.memory_space<vmem>>[vector<16xi32>], vector<16xf32>,
      %add3A_126 = arith.constant 2 : i32
      %add3A_127 = vector.broadcast %add3A_126 : i32 to vector<16xi32>
      %add3A_128 = arith.addi %add3A_110, %add3A_127 : vector<16xi32>
      tpu.vector_store_idx %arg15[%add3A_128], %mul3A_98 : memref<2560xf32, #tpu.memory_space<vmem>>[vector<16xi32>], vector<16xf32>,
      %add3A_129 = arith.constant 3 : i32
      %add3A_130 = vector.broadcast %add3A_129 : i32 to vector<16xi32>
      %add3A_131 = arith.addi %add3A_110, %add3A_130 : vector<16xi32>
      tpu.vector_store_idx %arg15[%add3A_131], %mul3A_99 : memref<2560xf32, #tpu.memory_space<vmem>>[vector<16xi32>], vector<16xf32>,
      %add3A_132 = arith.constant 4 : i32
      %add3A_133 = vector.broadcast %add3A_132 : i32 to vector<16xi32>
      %add3A_134 = arith.addi %add3A_110, %add3A_133 : vector<16xi32>
      tpu.vector_store_idx %arg15[%add3A_134], %mul3A_91 : memref<2560xf32, #tpu.memory_space<vmem>>[vector<16xi32>], vector<16xf32>,
      %add3A_135 = arith.addi %get3A_30, %add3A_5 : vector<16xi32>
      %swap3A = arith.constant 0 : index
      %swap3A_136 = tpu.vector_load %arg16[%swap3A] {strides = array<i32>} : memref<512xi32, #tpu.memory_space<vmem>>, vector<16xi32>,
      tpu.vector_store %arg16[%swap3A], %add3A_135 {strides = array<i32>} : memref<512xi32, #tpu.memory_space<vmem>>, vector<16xi32>,
      %add3A_137 = arith.addi %get3A_30, %add3A_8 : vector<16xi32>
      %swap3A_138 = arith.constant 0 : index
      %swap3A_139 = tpu.vector_load %arg17[%swap3A_138] {strides = array<i32>} : memref<512xi32, #tpu.memory_space<vmem>>, vector<16xi32>,
      tpu.vector_store %arg17[%swap3A_138], %add3A_137 {strides = array<i32>} : memref<512xi32, #tpu.memory_space<vmem>>, vector<16xi32>,
      %get3A_140 = arith.constant 16 : index
      %get3A_141 = tpu.vector_load %arg10[%get3A_140] {strides = array<i32>} : memref<512xi32, #tpu.memory_space<vmem>>, vector<16xi32>,
      %mul3A_142 = arith.constant 3 : i32
      %mul3A_143 = vector.broadcast %mul3A_142 : i32 to vector<16xi32>
      %mul3A_144 = arith.muli %get3A_141, %mul3A_143 : vector<16xi32>
      %gather3A_145 = tpu.vector_load_idx %arg9[%mul3A_144] : memref<98304xf32, #tpu.memory_space<vmem>>[vector<16xi32>], vector<16xf32>,
      %add3A_146 = arith.constant 1 : i32
      %add3A_147 = vector.broadcast %add3A_146 : i32 to vector<16xi32>
      %add3A_148 = arith.addi %mul3A_144, %add3A_147 : vector<16xi32>
      %gather3A_149 = tpu.vector_load_idx %arg9[%add3A_148] : memref<98304xf32, #tpu.memory_space<vmem>>[vector<16xi32>], vector<16xf32>,
      %add3A_150 = arith.constant 2 : i32
      %add3A_151 = vector.broadcast %add3A_150 : i32 to vector<16xi32>
      %add3A_152 = arith.addi %mul3A_144, %add3A_151 : vector<16xi32>
      %gather3A_153 = tpu.vector_load_idx %arg9[%add3A_152] : memref<98304xf32, #tpu.memory_space<vmem>>[vector<16xi32>], vector<16xf32>,
      %iota3A_154 = tpu.iota {dimensions = array<i32: 0>} : vector<16xi32>
      %mul3A_155 = arith.constant 3 : i32
      %mul3A_156 = vector.broadcast %mul3A_155 : i32 to vector<16xi32>
      %mul3A_157 = arith.muli %iota3A_154, %mul3A_156 : vector<16xi32>
      %add3A_158 = arith.constant 48 : i32
      %add3A_159 = vector.broadcast %add3A_158 : i32 to vector<16xi32>
      %add3A_160 = arith.addi %mul3A_157, %add3A_159 : vector<16xi32>
      %gather3A_161 = tpu.vector_load_idx %arg11[%add3A_160] : memref<1536xf32, #tpu.memory_space<vmem>>[vector<16xi32>], vector<16xf32>,
      %add3A_162 = arith.constant 1 : i32
      %add3A_163 = vector.broadcast %add3A_162 : i32 to vector<16xi32>
      %add3A_164 = arith.addi %add3A_160, %add3A_163 : vector<16xi32>
      %gather3A_165 = tpu.vector_load_idx %arg11[%add3A_164] : memref<1536xf32, #tpu.memory_space<vmem>>[vector<16xi32>], vector<16xf32>,
      %add3A_166 = arith.constant 2 : i32
      %add3A_167 = vector.broadcast %add3A_166 : i32 to vector<16xi32>
      %add3A_168 = arith.addi %add3A_160, %add3A_167 : vector<16xi32>
      %gather3A_169 = tpu.vector_load_idx %arg11[%add3A_168] : memref<1536xf32, #tpu.memory_space<vmem>>[vector<16xi32>], vector<16xf32>,
      %sub3A_170 = arith.subf %gather3A_161, %gather3A_145 : vector<16xf32>
      %sub3A_171 = arith.subf %gather3A_165, %gather3A_149 : vector<16xf32>
      %sub3A_172 = arith.subf %gather3A_169, %gather3A_153 : vector<16xf32>
      %mul3A_173 = arith.mulf %sub3A_170, %sub3A_170 : vector<16xf32>
      %mul3A_174 = arith.mulf %sub3A_171, %sub3A_171 : vector<16xf32>
      %add3A_175 = arith.addf %mul3A_173, %mul3A_174 : vector<16xf32>
      %mul3A_176 = arith.mulf %sub3A_172, %sub3A_172 : vector<16xf32>
      %add3A_177 = arith.addf %add3A_175, %mul3A_176 : vector<16xf32>
      %bitcast_convert_type3A_178 = tpu.bitcast %add3A_177 : vector<16xf32> -> vector<16xi32>
      %shift_right_logical3A_179 = arith.constant 1 : i32
      %shift_right_logical3A_180 = vector.broadcast %shift_right_logical3A_179 : i32 to vector<16xi32>
      %shift_right_logical3A_181 = arith.shrui %bitcast_convert_type3A_178, %shift_right_logical3A_180 : vector<16xi32>
      %sub3A_182 = arith.constant 1597463007 : i32
      %sub3A_183 = vector.broadcast %sub3A_182 : i32 to vector<16xi32>
      %sub3A_184 = arith.subi %sub3A_183, %shift_right_logical3A_181 : vector<16xi32>
      %bitcast_convert_type3A_185 = tpu.bitcast %sub3A_184 : vector<16xi32> -> vector<16xf32>
      %mul3A_186 = arith.constant 5.000000e-01 : f32
      %mul3A_187 = vector.broadcast %mul3A_186 : f32 to vector<16xf32>
      %mul3A_188 = arith.mulf %add3A_177, %mul3A_187 : vector<16xf32>
      %mul3A_189 = arith.mulf %mul3A_188, %bitcast_convert_type3A_185 : vector<16xf32>
      %mul3A_190 = arith.mulf %mul3A_189, %bitcast_convert_type3A_185 : vector<16xf32>
      %sub3A_191 = arith.constant 1.500000e+00 : f32
      %sub3A_192 = vector.broadcast %sub3A_191 : f32 to vector<16xf32>
      %sub3A_193 = arith.subf %sub3A_192, %mul3A_190 : vector<16xf32>
      %mul3A_194 = arith.mulf %bitcast_convert_type3A_185, %sub3A_193 : vector<16xf32>
      %mul3A_195 = arith.mulf %mul3A_188, %mul3A_194 : vector<16xf32>
      %mul3A_196 = arith.mulf %mul3A_195, %mul3A_194 : vector<16xf32>
      %sub3A_197 = arith.constant 1.500000e+00 : f32
      %sub3A_198 = vector.broadcast %sub3A_197 : f32 to vector<16xf32>
      %sub3A_199 = arith.subf %sub3A_198, %mul3A_196 : vector<16xf32>
      %mul3A_200 = arith.mulf %mul3A_194, %sub3A_199 : vector<16xf32>
      %mul3A_201 = arith.mulf %mul3A_188, %mul3A_200 : vector<16xf32>
      %mul3A_202 = arith.mulf %mul3A_201, %mul3A_200 : vector<16xf32>
      %sub3A_203 = arith.constant 1.500000e+00 : f32
      %sub3A_204 = vector.broadcast %sub3A_203 : f32 to vector<16xf32>
      %sub3A_205 = arith.subf %sub3A_204, %mul3A_202 : vector<16xf32>
      %mul3A_206 = arith.mulf %mul3A_200, %sub3A_205 : vector<16xf32>
      %mul3A_207 = arith.mulf %add3A_177, %mul3A_206 : vector<16xf32>
      %add3A_208 = arith.constant 9.99999993E-9 : f32
      %add3A_209 = vector.broadcast %add3A_208 : f32 to vector<16xf32>
      %add3A_210 = arith.addf %mul3A_207, %add3A_209 : vector<16xf32>
      %div3A_211 = arith.constant 1.000000e+00 : f32
      %div3A_212 = vector.broadcast %div3A_211 : f32 to vector<16xf32>
      %div3A_213 = arith.divf %div3A_212, %add3A_210 : vector<16xf32>
      %mul3A_214 = arith.mulf %sub3A_170, %div3A_213 : vector<16xf32>
      %mul3A_215 = arith.mulf %sub3A_171, %div3A_213 : vector<16xf32>
      %mul3A_216 = arith.mulf %sub3A_172, %div3A_213 : vector<16xf32>
      %get3A_217 = arith.constant 16 : index
      %get3A_218 = tpu.vector_load %arg12[%get3A_217] {strides = array<i32>} : memref<512xf32, #tpu.memory_space<vmem>>, vector<16xf32>,
      %get3A_219 = arith.constant 16 : index
      %get3A_220 = tpu.vector_load %arg13[%get3A_219] {strides = array<i32>} : memref<512xf32, #tpu.memory_space<vmem>>, vector<16xf32>,
      %iota3A_221 = tpu.iota {dimensions = array<i32: 0>} : vector<16xi32>
      %mul3A_222 = arith.constant 5 : i32
      %mul3A_223 = vector.broadcast %mul3A_222 : i32 to vector<16xi32>
      %mul3A_224 = arith.muli %iota3A_221, %mul3A_223 : vector<16xi32>
      %add3A_225 = arith.constant 80 : i32
      %add3A_226 = vector.broadcast %add3A_225 : i32 to vector<16xi32>
      %add3A_227 = arith.addi %mul3A_224, %add3A_226 : vector<16xi32>
      tpu.vector_store_idx %arg14[%add3A_227], %get3A_218 : memref<2560xf32, #tpu.memory_space<vmem>>[vector<16xi32>], vector<16xf32>,
      %add3A_228 = arith.constant 1 : i32
      %add3A_229 = vector.broadcast %add3A_228 : i32 to vector<16xi32>
      %add3A_230 = arith.addi %add3A_227, %add3A_229 : vector<16xi32>
      tpu.vector_store_idx %arg14[%add3A_230], %mul3A_214 : memref<2560xf32, #tpu.memory_space<vmem>>[vector<16xi32>], vector<16xf32>,
      %add3A_231 = arith.constant 2 : i32
      %add3A_232 = vector.broadcast %add3A_231 : i32 to vector<16xi32>
      %add3A_233 = arith.addi %add3A_227, %add3A_232 : vector<16xi32>
      tpu.vector_store_idx %arg14[%add3A_233], %mul3A_215 : memref<2560xf32, #tpu.memory_space<vmem>>[vector<16xi32>], vector<16xf32>,
      %add3A_234 = arith.constant 3 : i32
      %add3A_235 = vector.broadcast %add3A_234 : i32 to vector<16xi32>
      %add3A_236 = arith.addi %add3A_227, %add3A_235 : vector<16xi32>
      tpu.vector_store_idx %arg14[%add3A_236], %mul3A_216 : memref<2560xf32, #tpu.memory_space<vmem>>[vector<16xi32>], vector<16xf32>,
      %add3A_237 = arith.constant 4 : i32
      %add3A_238 = vector.broadcast %add3A_237 : i32 to vector<16xi32>
      %add3A_239 = arith.addi %add3A_227, %add3A_238 : vector<16xi32>
      tpu.vector_store_idx %arg14[%add3A_239], %mul3A_207 : memref<2560xf32, #tpu.memory_space<vmem>>[vector<16xi32>], vector<16xf32>,
      tpu.vector_store_idx %arg15[%add3A_227], %get3A_220 : memref<2560xf32, #tpu.memory_space<vmem>>[vector<16xi32>], vector<16xf32>,
      %add3A_240 = arith.constant 1 : i32
      %add3A_241 = vector.broadcast %add3A_240 : i32 to vector<16xi32>
      %add3A_242 = arith.addi %add3A_227, %add3A_241 : vector<16xi32>
      tpu.vector_store_idx %arg15[%add3A_242], %mul3A_214 : memref<2560xf32, #tpu.memory_space<vmem>>[vector<16xi32>], vector<16xf32>,
      %add3A_243 = arith.constant 2 : i32
      %add3A_244 = vector.broadcast %add3A_243 : i32 to vector<16xi32>
      %add3A_245 = arith.addi %add3A_227, %add3A_244 : vector<16xi32>
      tpu.vector_store_idx %arg15[%add3A_245], %mul3A_215 : memref<2560xf32, #tpu.memory_space<vmem>>[vector<16xi32>], vector<16xf32>,
      %add3A_246 = arith.constant 3 : i32
      %add3A_247 = vector.broadcast %add3A_246 : i32 to vector<16xi32>
      %add3A_248 = arith.addi %add3A_227, %add3A_247 : vector<16xi32>
      tpu.vector_store_idx %arg15[%add3A_248], %mul3A_216 : memref<2560xf32, #tpu.memory_space<vmem>>[vector<16xi32>], vector<16xf32>,
      %add3A_249 = arith.constant 4 : i32
      %add3A_250 = vector.broadcast %add3A_249 : i32 to vector<16xi32>
      %add3A_251 = arith.addi %add3A_227, %add3A_250 : vector<16xi32>
      tpu.vector_store_idx %arg15[%add3A_251], %mul3A_207 : memref<2560xf32, #tpu.memory_space<vmem>>[vector<16xi32>], vector<16xf32>,
      %add3A_252 = arith.addi %get3A_141, %add3A_5 : vector<16xi32>
      %swap3A_253 = arith.constant 16 : index
      %swap3A_254 = tpu.vector_load %arg16[%swap3A_253] {strides = array<i32>} : memref<512xi32, #tpu.memory_space<vmem>>, vector<16xi32>,
      tpu.vector_store %arg16[%swap3A_253], %add3A_252 {strides = array<i32>} : memref<512xi32, #tpu.memory_space<vmem>>, vector<16xi32>,
      %add3A_255 = arith.addi %get3A_141, %add3A_8 : vector<16xi32>
      %swap3A_256 = arith.constant 16 : index
      %swap3A_257 = tpu.vector_load %arg17[%swap3A_256] {strides = array<i32>} : memref<512xi32, #tpu.memory_space<vmem>>, vector<16xi32>,
      tpu.vector_store %arg17[%swap3A_256], %add3A_255 {strides = array<i32>} : memref<512xi32, #tpu.memory_space<vmem>>, vector<16xi32>,
      %get3A_258 = arith.constant 32 : index
      %get3A_259 = tpu.vector_load %arg10[%get3A_258] {strides = array<i32>} : memref<512xi32, #tpu.memory_space<vmem>>, vector<16xi32>,
      %mul3A_260 = arith.constant 3 : i32
      %mul3A_261 = vector.broadcast %mul3A_260 : i32 to vector<16xi32>
      %mul3A_262 = arith.muli %get3A_259, %mul3A_261 : vector<16xi32>
      %gather3A_263 = tpu.vector_load_idx %arg9[%mul3A_262] : memref<98304xf32, #tpu.memory_space<vmem>>[vector<16xi32>], vector<16xf32>,
      %add3A_264 = arith.constant 1 : i32
      %add3A_265 = vector.broadcast %add3A_264 : i32 to vector<16xi32>
      %add3A_266 = arith.addi %mul3A_262, %add3A_265 : vector<16xi32>
      %gather3A_267 = tpu.vector_load_idx %arg9[%add3A_266] : memref<98304xf32, #tpu.memory_space<vmem>>[vector<16xi32>], vector<16xf32>,
      %add3A_268 = arith.constant 2 : i32
      %add3A_269 = vector.broadcast %add3A_268 : i32 to vector<16xi32>
      %add3A_270 = arith.addi %mul3A_262, %add3A_269 : vector<16xi32>
      %gather3A_271 = tpu.vector_load_idx %arg9[%add3A_270] : memref<98304xf32, #tpu.memory_space<vmem>>[vector<16xi32>], vector<16xf32>,
      %iota3A_272 = tpu.iota {dimensions = array<i32: 0>} : vector<16xi32>
      %mul3A_273 = arith.constant 3 : i32
      %mul3A_274 = vector.broadcast %mul3A_273 : i32 to vector<16xi32>
      %mul3A_275 = arith.muli %iota3A_272, %mul3A_274 : vector<16xi32>
      %add3A_276 = arith.constant 96 : i32
      %add3A_277 = vector.broadcast %add3A_276 : i32 to vector<16xi32>
      %add3A_278 = arith.addi %mul3A_275, %add3A_277 : vector<16xi32>
      %gather3A_279 = tpu.vector_load_idx %arg11[%add3A_278] : memref<1536xf32, #tpu.memory_space<vmem>>[vector<16xi32>], vector<16xf32>,
      %add3A_280 = arith.constant 1 : i32
      %add3A_281 = vector.broadcast %add3A_280 : i32 to vector<16xi32>
      %add3A_282 = arith.addi %add3A_278, %add3A_281 : vector<16xi32>
      %gather3A_283 = tpu.vector_load_idx %arg11[%add3A_282] : memref<1536xf32, #tpu.memory_space<vmem>>[vector<16xi32>], vector<16xf32>,
      %add3A_284 = arith.constant 2 : i32
      %add3A_285 = vector.broadcast %add3A_284 : i32 to vector<16xi32>
      %add3A_286 = arith.addi %add3A_278, %add3A_285 : vector<16xi32>
      %gather3A_287 = tpu.vector_load_idx %arg11[%add3A_286] : memref<1536xf32, #tpu.memory_space<vmem>>[vector<16xi32>], vector<16xf32>,
      %sub3A_288 = arith.subf %gather3A_279, %gather3A_263 : vector<16xf32>
      %sub3A_289 = arith.subf %gather3A_283, %gather3A_267 : vector<16xf32>
      %sub3A_290 = arith.subf %gather3A_287, %gather3A_271 : vector<16xf32>
      %mul3A_291 = arith.mulf %sub3A_288, %sub3A_288 : vector<16xf32>
      %mul3A_292 = arith.mulf %sub3A_289, %sub3A_289 : vector<16xf32>
      %add3A_293 = arith.addf %mul3A_291, %mul3A_292 : vector<16xf32>
      %mul3A_294 = arith.mulf %sub3A_290, %sub3A_290 : vector<16xf32>
      %add3A_295 = arith.addf %add3A_293, %mul3A_294 : vector<16xf32>
      %bitcast_convert_type3A_296 = tpu.bitcast %add3A_295 : vector<16xf32> -> vector<16xi32>
      %shift_right_logical3A_297 = arith.constant 1 : i32
      %shift_right_logical3A_298 = vector.broadcast %shift_right_logical3A_297 : i32 to vector<16xi32>
      %shift_right_logical3A_299 = arith.shrui %bitcast_convert_type3A_296, %shift_right_logical3A_298 : vector<16xi32>
      %sub3A_300 = arith.constant 1597463007 : i32
      %sub3A_301 = vector.broadcast %sub3A_300 : i32 to vector<16xi32>
      %sub3A_302 = arith.subi %sub3A_301, %shift_right_logical3A_299 : vector<16xi32>
      %bitcast_convert_type3A_303 = tpu.bitcast %sub3A_302 : vector<16xi32> -> vector<16xf32>
      %mul3A_304 = arith.constant 5.000000e-01 : f32
      %mul3A_305 = vector.broadcast %mul3A_304 : f32 to vector<16xf32>
      %mul3A_306 = arith.mulf %add3A_295, %mul3A_305 : vector<16xf32>
      %mul3A_307 = arith.mulf %mul3A_306, %bitcast_convert_type3A_303 : vector<16xf32>
      %mul3A_308 = arith.mulf %mul3A_307, %bitcast_convert_type3A_303 : vector<16xf32>
      %sub3A_309 = arith.constant 1.500000e+00 : f32
      %sub3A_310 = vector.broadcast %sub3A_309 : f32 to vector<16xf32>
      %sub3A_311 = arith.subf %sub3A_310, %mul3A_308 : vector<16xf32>
      %mul3A_312 = arith.mulf %bitcast_convert_type3A_303, %sub3A_311 : vector<16xf32>
      %mul3A_313 = arith.mulf %mul3A_306, %mul3A_312 : vector<16xf32>
      %mul3A_314 = arith.mulf %mul3A_313, %mul3A_312 : vector<16xf32>
      %sub3A_315 = arith.constant 1.500000e+00 : f32
      %sub3A_316 = vector.broadcast %sub3A_315 : f32 to vector<16xf32>
      %sub3A_317 = arith.subf %sub3A_316, %mul3A_314 : vector<16xf32>
      %mul3A_318 = arith.mulf %mul3A_312, %sub3A_317 : vector<16xf32>
      %mul3A_319 = arith.mulf %mul3A_306, %mul3A_318 : vector<16xf32>
      %mul3A_320 = arith.mulf %mul3A_319, %mul3A_318 : vector<16xf32>
      %sub3A_321 = arith.constant 1.500000e+00 : f32
      %sub3A_322 = vector.broadcast %sub3A_321 : f32 to vector<16xf32>
      %sub3A_323 = arith.subf %sub3A_322, %mul3A_320 : vector<16xf32>
      %mul3A_324 = arith.mulf %mul3A_318, %sub3A_323 : vector<16xf32>
      %mul3A_325 = arith.mulf %add3A_295, %mul3A_324 : vector<16xf32>
      %add3A_326 = arith.constant 9.99999993E-9 : f32
      %add3A_327 = vector.broadcast %add3A_326 : f32 to vector<16xf32>
      %add3A_328 = arith.addf %mul3A_325, %add3A_327 : vector<16xf32>
      %div3A_329 = arith.constant 1.000000e+00 : f32
      %div3A_330 = vector.broadcast %div3A_329 : f32 to vector<16xf32>
      %div3A_331 = arith.divf %div3A_330, %add3A_328 : vector<16xf32>
      %mul3A_332 = arith.mulf %sub3A_288, %div3A_331 : vector<16xf32>
      %mul3A_333 = arith.mulf %sub3A_289, %div3A_331 : vector<16xf32>
      %mul3A_334 = arith.mulf %sub3A_290, %div3A_331 : vector<16xf32>
      %get3A_335 = arith.constant 32 : index
      %get3A_336 = tpu.vector_load %arg12[%get3A_335] {strides = array<i32>} : memref<512xf32, #tpu.memory_space<vmem>>, vector<16xf32>,
      %get3A_337 = arith.constant 32 : index
      %get3A_338 = tpu.vector_load %arg13[%get3A_337] {strides = array<i32>} : memref<512xf32, #tpu.memory_space<vmem>>, vector<16xf32>,
      %iota3A_339 = tpu.iota {dimensions = array<i32: 0>} : vector<16xi32>
      %mul3A_340 = arith.constant 5 : i32
      %mul3A_341 = vector.broadcast %mul3A_340 : i32 to vector<16xi32>
      %mul3A_342 = arith.muli %iota3A_339, %mul3A_341 : vector<16xi32>
      %add3A_343 = arith.constant 160 : i32
      %add3A_344 = vector.broadcast %add3A_343 : i32 to vector<16xi32>
      %add3A_345 = arith.addi %mul3A_342, %add3A_344 : vector<16xi32>
      tpu.vector_store_idx %arg14[%add3A_345], %get3A_336 : memref<2560xf32, #tpu.memory_space<vmem>>[vector<16xi32>], vector<16xf32>,
      %add3A_346 = arith.constant 1 : i32
      %add3A_347 = vector.broadcast %add3A_346 : i32 to vector<16xi32>
      %add3A_348 = arith.addi %add3A_345, %add3A_347 : vector<16xi32>
      tpu.vector_store_idx %arg14[%add3A_348], %mul3A_332 : memref<2560xf32, #tpu.memory_space<vmem>>[vector<16xi32>], vector<16xf32>,
      %add3A_349 = arith.constant 2 : i32
      %add3A_350 = vector.broadcast %add3A_349 : i32 to vector<16xi32>
      %add3A_351 = arith.addi %add3A_345, %add3A_350 : vector<16xi32>
      tpu.vector_store_idx %arg14[%add3A_351], %mul3A_333 : memref<2560xf32, #tpu.memory_space<vmem>>[vector<16xi32>], vector<16xf32>,
      %add3A_352 = arith.constant 3 : i32
      %add3A_353 = vector.broadcast %add3A_352 : i32 to vector<16xi32>
      %add3A_354 = arith.addi %add3A_345, %add3A_353 : vector<16xi32>
      tpu.vector_store_idx %arg14[%add3A_354], %mul3A_334 : memref<2560xf32, #tpu.memory_space<vmem>>[vector<16xi32>], vector<16xf32>,
      %add3A_355 = arith.constant 4 : i32
      %add3A_356 = vector.broadcast %add3A_355 : i32 to vector<16xi32>
      %add3A_357 = arith.addi %add3A_345, %add3A_356 : vector<16xi32>
      tpu.vector_store_idx %arg14[%add3A_357], %mul3A_325 : memref<2560xf32, #tpu.memory_space<vmem>>[vector<16xi32>], vector<16xf32>,
      tpu.vector_store_idx %arg15[%add3A_345], %get3A_338 : memref<2560xf32, #tpu.memory_space<vmem>>[vector<16xi32>], vector<16xf32>,
      %add3A_358 = arith.constant 1 : i32
      %add3A_359 = vector.broadcast %add3A_358 : i32 to vector<16xi32>
      %add3A_360 = arith.addi %add3A_345, %add3A_359 : vector<16xi32>
      tpu.vector_store_idx %arg15[%add3A_360], %mul3A_332 : memref<2560xf32, #tpu.memory_space<vmem>>[vector<16xi32>], vector<16xf32>,
      %add3A_361 = arith.constant 2 : i32
      %add3A_362 = vector.broadcast %add3A_361 : i32 to vector<16xi32>
      %add3A_363 = arith.addi %add3A_345, %add3A_362 : vector<16xi32>
      tpu.vector_store_idx %arg15[%add3A_363], %mul3A_333 : memref<2560xf32, #tpu.memory_space<vmem>>[vector<16xi32>], vector<16xf32>,
      %add3A_364 = arith.constant 3 : i32
      %add3A_365 = vector.broadcast %add3A_364 : i32 to vector<16xi32>
      %add3A_366 = arith.addi %add3A_345, %add3A_365 : vector<16xi32>
      tpu.vector_store_idx %arg15[%add3A_366], %mul3A_334 : memref<2560xf32, #tpu.memory_space<vmem>>[vector<16xi32>], vector<16xf32>,
      %add3A_367 = arith.constant 4 : i32
      %add3A_368 = vector.broadcast %add3A_367 : i32 to vector<16xi32>
      %add3A_369 = arith.addi %add3A_345, %add3A_368 : vector<16xi32>
      tpu.vector_store_idx %arg15[%add3A_369], %mul3A_325 : memref<2560xf32, #tpu.memory_space<vmem>>[vector<16xi32>], vector<16xf32>,
      %add3A_370 = arith.addi %get3A_259, %add3A_5 : vector<16xi32>
      %swap3A_371 = arith.constant 32 : index
      %swap3A_372 = tpu.vector_load %arg16[%swap3A_371] {strides = array<i32>} : memref<512xi32, #tpu.memory_space<vmem>>, vector<16xi32>,
      tpu.vector_store %arg16[%swap3A_371], %add3A_370 {strides = array<i32>} : memref<512xi32, #tpu.memory_space<vmem>>, vector<16xi32>,
      %add3A_373 = arith.addi %get3A_259, %add3A_8 : vector<16xi32>
      %swap3A_374 = arith.constant 32 : index
      %swap3A_375 = tpu.vector_load %arg17[%swap3A_374] {strides = array<i32>} : memref<512xi32, #tpu.memory_space<vmem>>, vector<16xi32>,
      tpu.vector_store %arg17[%swap3A_374], %add3A_373 {strides = array<i32>} : memref<512xi32, #tpu.memory_space<vmem>>, vector<16xi32>,
      %get3A_376 = arith.constant 48 : index
      %get3A_377 = tpu.vector_load %arg10[%get3A_376] {strides = array<i32>} : memref<512xi32, #tpu.memory_space<vmem>>, vector<16xi32>,
      %mul3A_378 = arith.constant 3 : i32
      %mul3A_379 = vector.broadcast %mul3A_378 : i32 to vector<16xi32>
      %mul3A_380 = arith.muli %get3A_377, %mul3A_379 : vector<16xi32>
      %gather3A_381 = tpu.vector_load_idx %arg9[%mul3A_380] : memref<98304xf32, #tpu.memory_space<vmem>>[vector<16xi32>], vector<16xf32>,
      %add3A_382 = arith.constant 1 : i32
      %add3A_383 = vector.broadcast %add3A_382 : i32 to vector<16xi32>
      %add3A_384 = arith.addi %mul3A_380, %add3A_383 : vector<16xi32>
      %gather3A_385 = tpu.vector_load_idx %arg9[%add3A_384] : memref<98304xf32, #tpu.memory_space<vmem>>[vector<16xi32>], vector<16xf32>,
      %add3A_386 = arith.constant 2 : i32
      %add3A_387 = vector.broadcast %add3A_386 : i32 to vector<16xi32>
      %add3A_388 = arith.addi %mul3A_380, %add3A_387 : vector<16xi32>
      %gather3A_389 = tpu.vector_load_idx %arg9[%add3A_388] : memref<98304xf32, #tpu.memory_space<vmem>>[vector<16xi32>], vector<16xf32>,
      %iota3A_390 = tpu.iota {dimensions = array<i32: 0>} : vector<16xi32>
      %mul3A_391 = arith.constant 3 : i32
      %mul3A_392 = vector.broadcast %mul3A_391 : i32 to vector<16xi32>
      %mul3A_393 = arith.muli %iota3A_390, %mul3A_392 : vector<16xi32>
      %add3A_394 = arith.constant 144 : i32
      %add3A_395 = vector.broadcast %add3A_394 : i32 to vector<16xi32>
      %add3A_396 = arith.addi %mul3A_393, %add3A_395 : vector<16xi32>
      %gather3A_397 = tpu.vector_load_idx %arg11[%add3A_396] : memref<1536xf32, #tpu.memory_space<vmem>>[vector<16xi32>], vector<16xf32>,
      %add3A_398 = arith.constant 1 : i32
      %add3A_399 = vector.broadcast %add3A_398 : i32 to vector<16xi32>
      %add3A_400 = arith.addi %add3A_396, %add3A_399 : vector<16xi32>
      %gather3A_401 = tpu.vector_load_idx %arg11[%add3A_400] : memref<1536xf32, #tpu.memory_space<vmem>>[vector<16xi32>], vector<16xf32>,
      %add3A_402 = arith.constant 2 : i32
      %add3A_403 = vector.broadcast %add3A_402 : i32 to vector<16xi32>
      %add3A_404 = arith.addi %add3A_396, %add3A_403 : vector<16xi32>
      %gather3A_405 = tpu.vector_load_idx %arg11[%add3A_404] : memref<1536xf32, #tpu.memory_space<vmem>>[vector<16xi32>], vector<16xf32>,
      %sub3A_406 = arith.subf %gather3A_397, %gather3A_381 : vector<16xf32>
      %sub3A_407 = arith.subf %gather3A_401, %gather3A_385 : vector<16xf32>
      %sub3A_408 = arith.subf %gather3A_405, %gather3A_389 : vector<16xf32>
      %mul3A_409 = arith.mulf %sub3A_406, %sub3A_406 : vector<16xf32>
      %mul3A_410 = arith.mulf %sub3A_407, %sub3A_407 : vector<16xf32>
      %add3A_411 = arith.addf %mul3A_409, %mul3A_410 : vector<16xf32>
      %mul3A_412 = arith.mulf %sub3A_408, %sub3A_408 : vector<16xf32>
      %add3A_413 = arith.addf %add3A_411, %mul3A_412 : vector<16xf32>
      %bitcast_convert_type3A_414 = tpu.bitcast %add3A_413 : vector<16xf32> -> vector<16xi32>
      %shift_right_logical3A_415 = arith.constant 1 : i32
      %shift_right_logical3A_416 = vector.broadcast %shift_right_logical3A_415 : i32 to vector<16xi32>
      %shift_right_logical3A_417 = arith.shrui %bitcast_convert_type3A_414, %shift_right_logical3A_416 : vector<16xi32>
      %sub3A_418 = arith.constant 1597463007 : i32
      %sub3A_419 = vector.broadcast %sub3A_418 : i32 to vector<16xi32>
      %sub3A_420 = arith.subi %sub3A_419, %shift_right_logical3A_417 : vector<16xi32>
      %bitcast_convert_type3A_421 = tpu.bitcast %sub3A_420 : vector<16xi32> -> vector<16xf32>
      %mul3A_422 = arith.constant 5.000000e-01 : f32
      %mul3A_423 = vector.broadcast %mul3A_422 : f32 to vector<16xf32>
      %mul3A_424 = arith.mulf %add3A_413, %mul3A_423 : vector<16xf32>
      %mul3A_425 = arith.mulf %mul3A_424, %bitcast_convert_type3A_421 : vector<16xf32>
      %mul3A_426 = arith.mulf %mul3A_425, %bitcast_convert_type3A_421 : vector<16xf32>
      %sub3A_427 = arith.constant 1.500000e+00 : f32
      %sub3A_428 = vector.broadcast %sub3A_427 : f32 to vector<16xf32>
      %sub3A_429 = arith.subf %sub3A_428, %mul3A_426 : vector<16xf32>
      %mul3A_430 = arith.mulf %bitcast_convert_type3A_421, %sub3A_429 : vector<16xf32>
      %mul3A_431 = arith.mulf %mul3A_424, %mul3A_430 : vector<16xf32>
      %mul3A_432 = arith.mulf %mul3A_431, %mul3A_430 : vector<16xf32>
      %sub3A_433 = arith.constant 1.500000e+00 : f32
      %sub3A_434 = vector.broadcast %sub3A_433 : f32 to vector<16xf32>
      %sub3A_435 = arith.subf %sub3A_434, %mul3A_432 : vector<16xf32>
      %mul3A_436 = arith.mulf %mul3A_430, %sub3A_435 : vector<16xf32>
      %mul3A_437 = arith.mulf %mul3A_424, %mul3A_436 : vector<16xf32>
      %mul3A_438 = arith.mulf %mul3A_437, %mul3A_436 : vector<16xf32>
      %sub3A_439 = arith.constant 1.500000e+00 : f32
      %sub3A_440 = vector.broadcast %sub3A_439 : f32 to vector<16xf32>
      %sub3A_441 = arith.subf %sub3A_440, %mul3A_438 : vector<16xf32>
      %mul3A_442 = arith.mulf %mul3A_436, %sub3A_441 : vector<16xf32>
      %mul3A_443 = arith.mulf %add3A_413, %mul3A_442 : vector<16xf32>
      %add3A_444 = arith.constant 9.99999993E-9 : f32
      %add3A_445 = vector.broadcast %add3A_444 : f32 to vector<16xf32>
      %add3A_446 = arith.addf %mul3A_443, %add3A_445 : vector<16xf32>
      %div3A_447 = arith.constant 1.000000e+00 : f32
      %div3A_448 = vector.broadcast %div3A_447 : f32 to vector<16xf32>
      %div3A_449 = arith.divf %div3A_448, %add3A_446 : vector<16xf32>
      %mul3A_450 = arith.mulf %sub3A_406, %div3A_449 : vector<16xf32>
      %mul3A_451 = arith.mulf %sub3A_407, %div3A_449 : vector<16xf32>
      %mul3A_452 = arith.mulf %sub3A_408, %div3A_449 : vector<16xf32>
      %get3A_453 = arith.constant 48 : index
      %get3A_454 = tpu.vector_load %arg12[%get3A_453] {strides = array<i32>} : memref<512xf32, #tpu.memory_space<vmem>>, vector<16xf32>,
      %get3A_455 = arith.constant 48 : index
      %get3A_456 = tpu.vector_load %arg13[%get3A_455] {strides = array<i32>} : memref<512xf32, #tpu.memory_space<vmem>>, vector<16xf32>,
      %iota3A_457 = tpu.iota {dimensions = array<i32: 0>} : vector<16xi32>
      %mul3A_458 = arith.constant 5 : i32
      %mul3A_459 = vector.broadcast %mul3A_458 : i32 to vector<16xi32>
      %mul3A_460 = arith.muli %iota3A_457, %mul3A_459 : vector<16xi32>
      %add3A_461 = arith.constant 240 : i32
      %add3A_462 = vector.broadcast %add3A_461 : i32 to vector<16xi32>
      %add3A_463 = arith.addi %mul3A_460, %add3A_462 : vector<16xi32>
      tpu.vector_store_idx %arg14[%add3A_463], %get3A_454 : memref<2560xf32, #tpu.memory_space<vmem>>[vector<16xi32>], vector<16xf32>,
      %add3A_464 = arith.constant 1 : i32
      %add3A_465 = vector.broadcast %add3A_464 : i32 to vector<16xi32>
      %add3A_466 = arith.addi %add3A_463, %add3A_465 : vector<16xi32>
      tpu.vector_store_idx %arg14[%add3A_466], %mul3A_450 : memref<2560xf32, #tpu.memory_space<vmem>>[vector<16xi32>], vector<16xf32>,
      %add3A_467 = arith.constant 2 : i32
      %add3A_468 = vector.broadcast %add3A_467 : i32 to vector<16xi32>
      %add3A_469 = arith.addi %add3A_463, %add3A_468 : vector<16xi32>
      tpu.vector_store_idx %arg14[%add3A_469], %mul3A_451 : memref<2560xf32, #tpu.memory_space<vmem>>[vector<16xi32>], vector<16xf32>,
      %add3A_470 = arith.constant 3 : i32
      %add3A_471 = vector.broadcast %add3A_470 : i32 to vector<16xi32>
      %add3A_472 = arith.addi %add3A_463, %add3A_471 : vector<16xi32>
      tpu.vector_store_idx %arg14[%add3A_472], %mul3A_452 : memref<2560xf32, #tpu.memory_space<vmem>>[vector<16xi32>], vector<16xf32>,
      %add3A_473 = arith.constant 4 : i32
      %add3A_474 = vector.broadcast %add3A_473 : i32 to vector<16xi32>
      %add3A_475 = arith.addi %add3A_463, %add3A_474 : vector<16xi32>
      tpu.vector_store_idx %arg14[%add3A_475], %mul3A_443 : memref<2560xf32, #tpu.memory_space<vmem>>[vector<16xi32>], vector<16xf32>,
      tpu.vector_store_idx %arg15[%add3A_463], %get3A_456 : memref<2560xf32, #tpu.memory_space<vmem>>[vector<16xi32>], vector<16xf32>,
      %add3A_476 = arith.constant 1 : i32
      %add3A_477 = vector.broadcast %add3A_476 : i32 to vector<16xi32>
      %add3A_478 = arith.addi %add3A_463, %add3A_477 : vector<16xi32>
      tpu.vector_store_idx %arg15[%add3A_478], %mul3A_450 : memref<2560xf32, #tpu.memory_space<vmem>>[vector<16xi32>], vector<16xf32>,
      %add3A_479 = arith.constant 2 : i32
      %add3A_480 = vector.broadcast %add3A_479 : i32 to vector<16xi32>
      %add3A_481 = arith.addi %add3A_463, %add3A_480 : vector<16xi32>
      tpu.vector_store_idx %arg15[%add3A_481], %mul3A_451 : memref<2560xf32, #tpu.memory_space<vmem>>[vector<16xi32>], vector<16xf32>,
      %add3A_482 = arith.constant 3 : i32
      %add3A_483 = vector.broadcast %add3A_482 : i32 to vector<16xi32>
      %add3A_484 = arith.addi %add3A_463, %add3A_483 : vector<16xi32>
      tpu.vector_store_idx %arg15[%add3A_484], %mul3A_452 : memref<2560xf32, #tpu.memory_space<vmem>>[vector<16xi32>], vector<16xf32>,
      %add3A_485 = arith.constant 4 : i32
      %add3A_486 = vector.broadcast %add3A_485 : i32 to vector<16xi32>
      %add3A_487 = arith.addi %add3A_463, %add3A_486 : vector<16xi32>
      tpu.vector_store_idx %arg15[%add3A_487], %mul3A_443 : memref<2560xf32, #tpu.memory_space<vmem>>[vector<16xi32>], vector<16xf32>,
      %add3A_488 = arith.addi %get3A_377, %add3A_5 : vector<16xi32>
      %swap3A_489 = arith.constant 48 : index
      %swap3A_490 = tpu.vector_load %arg16[%swap3A_489] {strides = array<i32>} : memref<512xi32, #tpu.memory_space<vmem>>, vector<16xi32>,
      tpu.vector_store %arg16[%swap3A_489], %add3A_488 {strides = array<i32>} : memref<512xi32, #tpu.memory_space<vmem>>, vector<16xi32>,
      %add3A_491 = arith.addi %get3A_377, %add3A_8 : vector<16xi32>
      %swap3A_492 = arith.constant 48 : index
      %swap3A_493 = tpu.vector_load %arg17[%swap3A_492] {strides = array<i32>} : memref<512xi32, #tpu.memory_space<vmem>>, vector<16xi32>,
      tpu.vector_store %arg17[%swap3A_492], %add3A_491 {strides = array<i32>} : memref<512xi32, #tpu.memory_space<vmem>>, vector<16xi32>,
      %get3A_494 = arith.constant 64 : index
      %get3A_495 = tpu.vector_load %arg10[%get3A_494] {strides = array<i32>} : memref<512xi32, #tpu.memory_space<vmem>>, vector<16xi32>,
      %mul3A_496 = arith.constant 3 : i32
      %mul3A_497 = vector.broadcast %mul3A_496 : i32 to vector<16xi32>
      %mul3A_498 = arith.muli %get3A_495, %mul3A_497 : vector<16xi32>
      %gather3A_499 = tpu.vector_load_idx %arg9[%mul3A_498] : memref<98304xf32, #tpu.memory_space<vmem>>[vector<16xi32>], vector<16xf32>,
      %add3A_500 = arith.constant 1 : i32
      %add3A_501 = vector.broadcast %add3A_500 : i32 to vector<16xi32>
      %add3A_502 = arith.addi %mul3A_498, %add3A_501 : vector<16xi32>
      %gather3A_503 = tpu.vector_load_idx %arg9[%add3A_502] : memref<98304xf32, #tpu.memory_space<vmem>>[vector<16xi32>], vector<16xf32>,
      %add3A_504 = arith.constant 2 : i32
      %add3A_505 = vector.broadcast %add3A_504 : i32 to vector<16xi32>
      %add3A_506 = arith.addi %mul3A_498, %add3A_505 : vector<16xi32>
      %gather3A_507 = tpu.vector_load_idx %arg9[%add3A_506] : memref<98304xf32, #tpu.memory_space<vmem>>[vector<16xi32>], vector<16xf32>,
      %iota3A_508 = tpu.iota {dimensions = array<i32: 0>} : vector<16xi32>
      %mul3A_509 = arith.constant 3 : i32
      %mul3A_510 = vector.broadcast %mul3A_509 : i32 to vector<16xi32>
      %mul3A_511 = arith.muli %iota3A_508, %mul3A_510 : vector<16xi32>
      %add3A_512 = arith.constant 192 : i32
      %add3A_513 = vector.broadcast %add3A_512 : i32 to vector<16xi32>
      %add3A_514 = arith.addi %mul3A_511, %add3A_513 : vector<16xi32>
      %gather3A_515 = tpu.vector_load_idx %arg11[%add3A_514] : memref<1536xf32, #tpu.memory_space<vmem>>[vector<16xi32>], vector<16xf32>,
      %add3A_516 = arith.constant 1 : i32
      %add3A_517 = vector.broadcast %add3A_516 : i32 to vector<16xi32>
      %add3A_518 = arith.addi %add3A_514, %add3A_517 : vector<16xi32>
      %gather3A_519 = tpu.vector_load_idx %arg11[%add3A_518] : memref<1536xf32, #tpu.memory_space<vmem>>[vector<16xi32>], vector<16xf32>,
      %add3A_520 = arith.constant 2 : i32
      %add3A_521 = vector.broadcast %add3A_520 : i32 to vector<16xi32>
      %add3A_522 = arith.addi %add3A_514, %add3A_521 : vector<16xi32>
      %gather3A_523 = tpu.vector_load_idx %arg11[%add3A_522] : memref<1536xf32, #tpu.memory_space<vmem>>[vector<16xi32>], vector<16xf32>,
      %sub3A_524 = arith.subf %gather3A_515, %gather3A_499 : vector<16xf32>
      %sub3A_525 = arith.subf %gather3A_519, %gather3A_503 : vector<16xf32>
      %sub3A_526 = arith.subf %gather3A_523, %gather3A_507 : vector<16xf32>
      %mul3A_527 = arith.mulf %sub3A_524, %sub3A_524 : vector<16xf32>
      %mul3A_528 = arith.mulf %sub3A_525, %sub3A_525 : vector<16xf32>
      %add3A_529 = arith.addf %mul3A_527, %mul3A_528 : vector<16xf32>
      %mul3A_530 = arith.mulf %sub3A_526, %sub3A_526 : vector<16xf32>
      %add3A_531 = arith.addf %add3A_529, %mul3A_530 : vector<16xf32>
      %bitcast_convert_type3A_532 = tpu.bitcast %add3A_531 : vector<16xf32> -> vector<16xi32>
      %shift_right_logical3A_533 = arith.constant 1 : i32
      %shift_right_logical3A_534 = vector.broadcast %shift_right_logical3A_533 : i32 to vector<16xi32>
      %shift_right_logical3A_535 = arith.shrui %bitcast_convert_type3A_532, %shift_right_logical3A_534 : vector<16xi32>
      %sub3A_536 = arith.constant 1597463007 : i32
      %sub3A_537 = vector.broadcast %sub3A_536 : i32 to vector<16xi32>
      %sub3A_538 = arith.subi %sub3A_537, %shift_right_logical3A_535 : vector<16xi32>
      %bitcast_convert_type3A_539 = tpu.bitcast %sub3A_538 : vector<16xi32> -> vector<16xf32>
      %mul3A_540 = arith.constant 5.000000e-01 : f32
      %mul3A_541 = vector.broadcast %mul3A_540 : f32 to vector<16xf32>
      %mul3A_542 = arith.mulf %add3A_531, %mul3A_541 : vector<16xf32>
      %mul3A_543 = arith.mulf %mul3A_542, %bitcast_convert_type3A_539 : vector<16xf32>
      %mul3A_544 = arith.mulf %mul3A_543, %bitcast_convert_type3A_539 : vector<16xf32>
      %sub3A_545 = arith.constant 1.500000e+00 : f32
      %sub3A_546 = vector.broadcast %sub3A_545 : f32 to vector<16xf32>
      %sub3A_547 = arith.subf %sub3A_546, %mul3A_544 : vector<16xf32>
      %mul3A_548 = arith.mulf %bitcast_convert_type3A_539, %sub3A_547 : vector<16xf32>
      %mul3A_549 = arith.mulf %mul3A_542, %mul3A_548 : vector<16xf32>
      %mul3A_550 = arith.mulf %mul3A_549, %mul3A_548 : vector<16xf32>
      %sub3A_551 = arith.constant 1.500000e+00 : f32
      %sub3A_552 = vector.broadcast %sub3A_551 : f32 to vector<16xf32>
      %sub3A_553 = arith.subf %sub3A_552, %mul3A_550 : vector<16xf32>
      %mul3A_554 = arith.mulf %mul3A_548, %sub3A_553 : vector<16xf32>
      %mul3A_555 = arith.mulf %mul3A_542, %mul3A_554 : vector<16xf32>
      %mul3A_556 = arith.mulf %mul3A_555, %mul3A_554 : vector<16xf32>
      %sub3A_557 = arith.constant 1.500000e+00 : f32
      %sub3A_558 = vector.broadcast %sub3A_557 : f32 to vector<16xf32>
      %sub3A_559 = arith.subf %sub3A_558, %mul3A_556 : vector<16xf32>
      %mul3A_560 = arith.mulf %mul3A_554, %sub3A_559 : vector<16xf32>
      %mul3A_561 = arith.mulf %add3A_531, %mul3A_560 : vector<16xf32>
      %add3A_562 = arith.constant 9.99999993E-9 : f32
      %add3A_563 = vector.broadcast %add3A_562 : f32 to vector<16xf32>
      %add3A_564 = arith.addf %mul3A_561, %add3A_563 : vector<16xf32>
      %div3A_565 = arith.constant 1.000000e+00 : f32
      %div3A_566 = vector.broadcast %div3A_565 : f32 to vector<16xf32>
      %div3A_567 = arith.divf %div3A_566, %add3A_564 : vector<16xf32>
      %mul3A_568 = arith.mulf %sub3A_524, %div3A_567 : vector<16xf32>
      %mul3A_569 = arith.mulf %sub3A_525, %div3A_567 : vector<16xf32>
      %mul3A_570 = arith.mulf %sub3A_526, %div3A_567 : vector<16xf32>
      %get3A_571 = arith.constant 64 : index
      %get3A_572 = tpu.vector_load %arg12[%get3A_571] {strides = array<i32>} : memref<512xf32, #tpu.memory_space<vmem>>, vector<16xf32>,
      %get3A_573 = arith.constant 64 : index
      %get3A_574 = tpu.vector_load %arg13[%get3A_573] {strides = array<i32>} : memref<512xf32, #tpu.memory_space<vmem>>, vector<16xf32>,
      %iota3A_575 = tpu.iota {dimensions = array<i32: 0>} : vector<16xi32>
      %mul3A_576 = arith.constant 5 : i32
      %mul3A_577 = vector.broadcast %mul3A_576 : i32 to vector<16xi32>
      %mul3A_578 = arith.muli %iota3A_575, %mul3A_577 : vector<16xi32>
      %add3A_579 = arith.constant 320 : i32
      %add3A_580 = vector.broadcast %add3A_579 : i32 to vector<16xi32>
      %add3A_581 = arith.addi %mul3A_578, %add3A_580 : vector<16xi32>
      tpu.vector_store_idx %arg14[%add3A_581], %get3A_572 : memref<2560xf32, #tpu.memory_space<vmem>>[vector<16xi32>], vector<16xf32>,
      %add3A_582 = arith.constant 1 : i32
      %add3A_583 = vector.broadcast %add3A_582 : i32 to vector<16xi32>
      %add3A_584 = arith.addi %add3A_581, %add3A_583 : vector<16xi32>
      tpu.vector_store_idx %arg14[%add3A_584], %mul3A_568 : memref<2560xf32, #tpu.memory_space<vmem>>[vector<16xi32>], vector<16xf32>,
      %add3A_585 = arith.constant 2 : i32
      %add3A_586 = vector.broadcast %add3A_585 : i32 to vector<16xi32>
      %add3A_587 = arith.addi %add3A_581, %add3A_586 : vector<16xi32>
      tpu.vector_store_idx %arg14[%add3A_587], %mul3A_569 : memref<2560xf32, #tpu.memory_space<vmem>>[vector<16xi32>], vector<16xf32>,
      %add3A_588 = arith.constant 3 : i32
      %add3A_589 = vector.broadcast %add3A_588 : i32 to vector<16xi32>
      %add3A_590 = arith.addi %add3A_581, %add3A_589 : vector<16xi32>
      tpu.vector_store_idx %arg14[%add3A_590], %mul3A_570 : memref<2560xf32, #tpu.memory_space<vmem>>[vector<16xi32>], vector<16xf32>,
      %add3A_591 = arith.constant 4 : i32
      %add3A_592 = vector.broadcast %add3A_591 : i32 to vector<16xi32>
      %add3A_593 = arith.addi %add3A_581, %add3A_592 : vector<16xi32>
      tpu.vector_store_idx %arg14[%add3A_593], %mul3A_561 : memref<2560xf32, #tpu.memory_space<vmem>>[vector<16xi32>], vector<16xf32>,
      tpu.vector_store_idx %arg15[%add3A_581], %get3A_574 : memref<2560xf32, #tpu.memory_space<vmem>>[vector<16xi32>], vector<16xf32>,
      %add3A_594 = arith.constant 1 : i32
      %add3A_595 = vector.broadcast %add3A_594 : i32 to vector<16xi32>
      %add3A_596 = arith.addi %add3A_581, %add3A_595 : vector<16xi32>
      tpu.vector_store_idx %arg15[%add3A_596], %mul3A_568 : memref<2560xf32, #tpu.memory_space<vmem>>[vector<16xi32>], vector<16xf32>,
      %add3A_597 = arith.constant 2 : i32
      %add3A_598 = vector.broadcast %add3A_597 : i32 to vector<16xi32>
      %add3A_599 = arith.addi %add3A_581, %add3A_598 : vector<16xi32>
      tpu.vector_store_idx %arg15[%add3A_599], %mul3A_569 : memref<2560xf32, #tpu.memory_space<vmem>>[vector<16xi32>], vector<16xf32>,
      %add3A_600 = arith.constant 3 : i32
      %add3A_601 = vector.broadcast %add3A_600 : i32 to vector<16xi32>
      %add3A_602 = arith.addi %add3A_581, %add3A_601 : vector<16xi32>
      tpu.vector_store_idx %arg15[%add3A_602], %mul3A_570 : memref<2560xf32, #tpu.memory_space<vmem>>[vector<16xi32>], vector<16xf32>,
      %add3A_603 = arith.constant 4 : i32
      %add3A_604 = vector.broadcast %add3A_603 : i32 to vector<16xi32>
      %add3A_605 = arith.addi %add3A_581, %add3A_604 : vector<16xi32>
      tpu.vector_store_idx %arg15[%add3A_605], %mul3A_561 : memref<2560xf32, #tpu.memory_space<vmem>>[vector<16xi32>], vector<16xf32>,
      %add3A_606 = arith.addi %get3A_495, %add3A_5 : vector<16xi32>
      %swap3A_607 = arith.constant 64 : index
      %swap3A_608 = tpu.vector_load %arg16[%swap3A_607] {strides = array<i32>} : memref<512xi32, #tpu.memory_space<vmem>>, vector<16xi32>,
      tpu.vector_store %arg16[%swap3A_607], %add3A_606 {strides = array<i32>} : memref<512xi32, #tpu.memory_space<vmem>>, vector<16xi32>,
      %add3A_609 = arith.addi %get3A_495, %add3A_8 : vector<16xi32>
      %swap3A_610 = arith.constant 64 : index
      %swap3A_611 = tpu.vector_load %arg17[%swap3A_610] {strides = array<i32>} : memref<512xi32, #tpu.memory_space<vmem>>, vector<16xi32>,
      tpu.vector_store %arg17[%swap3A_610], %add3A_609 {strides = array<i32>} : memref<512xi32, #tpu.memory_space<vmem>>, vector<16xi32>,
      %get3A_612 = arith.constant 80 : index
      %get3A_613 = tpu.vector_load %arg10[%get3A_612] {strides = array<i32>} : memref<512xi32, #tpu.memory_space<vmem>>, vector<16xi32>,
      %mul3A_614 = arith.constant 3 : i32
      %mul3A_615 = vector.broadcast %mul3A_614 : i32 to vector<16xi32>
      %mul3A_616 = arith.muli %get3A_613, %mul3A_615 : vector<16xi32>
      %gather3A_617 = tpu.vector_load_idx %arg9[%mul3A_616] : memref<98304xf32, #tpu.memory_space<vmem>>[vector<16xi32>], vector<16xf32>,
      %add3A_618 = arith.constant 1 : i32
      %add3A_619 = vector.broadcast %add3A_618 : i32 to vector<16xi32>
      %add3A_620 = arith.addi %mul3A_616, %add3A_619 : vector<16xi32>
      %gather3A_621 = tpu.vector_load_idx %arg9[%add3A_620] : memref<98304xf32, #tpu.memory_space<vmem>>[vector<16xi32>], vector<16xf32>,
      %add3A_622 = arith.constant 2 : i32
      %add3A_623 = vector.broadcast %add3A_622 : i32 to vector<16xi32>
      %add3A_624 = arith.addi %mul3A_616, %add3A_623 : vector<16xi32>
      %gather3A_625 = tpu.vector_load_idx %arg9[%add3A_624] : memref<98304xf32, #tpu.memory_space<vmem>>[vector<16xi32>], vector<16xf32>,
      %iota3A_626 = tpu.iota {dimensions = array<i32: 0>} : vector<16xi32>
      %mul3A_627 = arith.constant 3 : i32
      %mul3A_628 = vector.broadcast %mul3A_627 : i32 to vector<16xi32>
      %mul3A_629 = arith.muli %iota3A_626, %mul3A_628 : vector<16xi32>
      %add3A_630 = arith.constant 240 : i32
      %add3A_631 = vector.broadcast %add3A_630 : i32 to vector<16xi32>
      %add3A_632 = arith.addi %mul3A_629, %add3A_631 : vector<16xi32>
      %gather3A_633 = tpu.vector_load_idx %arg11[%add3A_632] : memref<1536xf32, #tpu.memory_space<vmem>>[vector<16xi32>], vector<16xf32>,
      %add3A_634 = arith.constant 1 : i32
      %add3A_635 = vector.broadcast %add3A_634 : i32 to vector<16xi32>
      %add3A_636 = arith.addi %add3A_632, %add3A_635 : vector<16xi32>
      %gather3A_637 = tpu.vector_load_idx %arg11[%add3A_636] : memref<1536xf32, #tpu.memory_space<vmem>>[vector<16xi32>], vector<16xf32>,
      %add3A_638 = arith.constant 2 : i32
      %add3A_639 = vector.broadcast %add3A_638 : i32 to vector<16xi32>
      %add3A_640 = arith.addi %add3A_632, %add3A_639 : vector<16xi32>
      %gather3A_641 = tpu.vector_load_idx %arg11[%add3A_640] : memref<1536xf32, #tpu.memory_space<vmem>>[vector<16xi32>], vector<16xf32>,
      %sub3A_642 = arith.subf %gather3A_633, %gather3A_617 : vector<16xf32>
      %sub3A_643 = arith.subf %gather3A_637, %gather3A_621 : vector<16xf32>
      %sub3A_644 = arith.subf %gather3A_641, %gather3A_625 : vector<16xf32>
      %mul3A_645 = arith.mulf %sub3A_642, %sub3A_642 : vector<16xf32>
      %mul3A_646 = arith.mulf %sub3A_643, %sub3A_643 : vector<16xf32>
      %add3A_647 = arith.addf %mul3A_645, %mul3A_646 : vector<16xf32>
      %mul3A_648 = arith.mulf %sub3A_644, %sub3A_644 : vector<16xf32>
      %add3A_649 = arith.addf %add3A_647, %mul3A_648 : vector<16xf32>
      %bitcast_convert_type3A_650 = tpu.bitcast %add3A_649 : vector<16xf32> -> vector<16xi32>
      %shift_right_logical3A_651 = arith.constant 1 : i32
      %shift_right_logical3A_652 = vector.broadcast %shift_right_logical3A_651 : i32 to vector<16xi32>
      %shift_right_logical3A_653 = arith.shrui %bitcast_convert_type3A_650, %shift_right_logical3A_652 : vector<16xi32>
      %sub3A_654 = arith.constant 1597463007 : i32
      %sub3A_655 = vector.broadcast %sub3A_654 : i32 to vector<16xi32>
      %sub3A_656 = arith.subi %sub3A_655, %shift_right_logical3A_653 : vector<16xi32>
      %bitcast_convert_type3A_657 = tpu.bitcast %sub3A_656 : vector<16xi32> -> vector<16xf32>
      %mul3A_658 = arith.constant 5.000000e-01 : f32
      %mul3A_659 = vector.broadcast %mul3A_658 : f32 to vector<16xf32>
      %mul3A_660 = arith.mulf %add3A_649, %mul3A_659 : vector<16xf32>
      %mul3A_661 = arith.mulf %mul3A_660, %bitcast_convert_type3A_657 : vector<16xf32>
      %mul3A_662 = arith.mulf %mul3A_661, %bitcast_convert_type3A_657 : vector<16xf32>
      %sub3A_663 = arith.constant 1.500000e+00 : f32
      %sub3A_664 = vector.broadcast %sub3A_663 : f32 to vector<16xf32>
      %sub3A_665 = arith.subf %sub3A_664, %mul3A_662 : vector<16xf32>
      %mul3A_666 = arith.mulf %bitcast_convert_type3A_657, %sub3A_665 : vector<16xf32>
      %mul3A_667 = arith.mulf %mul3A_660, %mul3A_666 : vector<16xf32>
      %mul3A_668 = arith.mulf %mul3A_667, %mul3A_666 : vector<16xf32>
      %sub3A_669 = arith.constant 1.500000e+00 : f32
      %sub3A_670 = vector.broadcast %sub3A_669 : f32 to vector<16xf32>
      %sub3A_671 = arith.subf %sub3A_670, %mul3A_668 : vector<16xf32>
      %mul3A_672 = arith.mulf %mul3A_666, %sub3A_671 : vector<16xf32>
      %mul3A_673 = arith.mulf %mul3A_660, %mul3A_672 : vector<16xf32>
      %mul3A_674 = arith.mulf %mul3A_673, %mul3A_672 : vector<16xf32>
      %sub3A_675 = arith.constant 1.500000e+00 : f32
      %sub3A_676 = vector.broadcast %sub3A_675 : f32 to vector<16xf32>
      %sub3A_677 = arith.subf %sub3A_676, %mul3A_674 : vector<16xf32>
      %mul3A_678 = arith.mulf %mul3A_672, %sub3A_677 : vector<16xf32>
      %mul3A_679 = arith.mulf %add3A_649, %mul3A_678 : vector<16xf32>
      %add3A_680 = arith.constant 9.99999993E-9 : f32
      %add3A_681 = vector.broadcast %add3A_680 : f32 to vector<16xf32>
      %add3A_682 = arith.addf %mul3A_679, %add3A_681 : vector<16xf32>
      %div3A_683 = arith.constant 1.000000e+00 : f32
      %div3A_684 = vector.broadcast %div3A_683 : f32 to vector<16xf32>
      %div3A_685 = arith.divf %div3A_684, %add3A_682 : vector<16xf32>
      %mul3A_686 = arith.mulf %sub3A_642, %div3A_685 : vector<16xf32>
      %mul3A_687 = arith.mulf %sub3A_643, %div3A_685 : vector<16xf32>
      %mul3A_688 = arith.mulf %sub3A_644, %div3A_685 : vector<16xf32>
      %get3A_689 = arith.constant 80 : index
      %get3A_690 = tpu.vector_load %arg12[%get3A_689] {strides = array<i32>} : memref<512xf32, #tpu.memory_space<vmem>>, vector<16xf32>,
      %get3A_691 = arith.constant 80 : index
      %get3A_692 = tpu.vector_load %arg13[%get3A_691] {strides = array<i32>} : memref<512xf32, #tpu.memory_space<vmem>>, vector<16xf32>,
      %iota3A_693 = tpu.iota {dimensions = array<i32: 0>} : vector<16xi32>
      %mul3A_694 = arith.constant 5 : i32
      %mul3A_695 = vector.broadcast %mul3A_694 : i32 to vector<16xi32>
      %mul3A_696 = arith.muli %iota3A_693, %mul3A_695 : vector<16xi32>
      %add3A_697 = arith.constant 400 : i32
      %add3A_698 = vector.broadcast %add3A_697 : i32 to vector<16xi32>
      %add3A_699 = arith.addi %mul3A_696, %add3A_698 : vector<16xi32>
      tpu.vector_store_idx %arg14[%add3A_699], %get3A_690 : memref<2560xf32, #tpu.memory_space<vmem>>[vector<16xi32>], vector<16xf32>,
      %add3A_700 = arith.constant 1 : i32
      %add3A_701 = vector.broadcast %add3A_700 : i32 to vector<16xi32>
      %add3A_702 = arith.addi %add3A_699, %add3A_701 : vector<16xi32>
      tpu.vector_store_idx %arg14[%add3A_702], %mul3A_686 : memref<2560xf32, #tpu.memory_space<vmem>>[vector<16xi32>], vector<16xf32>,
      %add3A_703 = arith.constant 2 : i32
      %add3A_704 = vector.broadcast %add3A_703 : i32 to vector<16xi32>
      %add3A_705 = arith.addi %add3A_699, %add3A_704 : vector<16xi32>
      tpu.vector_store_idx %arg14[%add3A_705], %mul3A_687 : memref<2560xf32, #tpu.memory_space<vmem>>[vector<16xi32>], vector<16xf32>,
      %add3A_706 = arith.constant 3 : i32
      %add3A_707 = vector.broadcast %add3A_706 : i32 to vector<16xi32>
      %add3A_708 = arith.addi %add3A_699, %add3A_707 : vector<16xi32>
      tpu.vector_store_idx %arg14[%add3A_708], %mul3A_688 : memref<2560xf32, #tpu.memory_space<vmem>>[vector<16xi32>], vector<16xf32>,
      %add3A_709 = arith.constant 4 : i32
      %add3A_710 = vector.broadcast %add3A_709 : i32 to vector<16xi32>
      %add3A_711 = arith.addi %add3A_699, %add3A_710 : vector<16xi32>
      tpu.vector_store_idx %arg14[%add3A_711], %mul3A_679 : memref<2560xf32, #tpu.memory_space<vmem>>[vector<16xi32>], vector<16xf32>,
      tpu.vector_store_idx %arg15[%add3A_699], %get3A_692 : memref<2560xf32, #tpu.memory_space<vmem>>[vector<16xi32>], vector<16xf32>,
      %add3A_712 = arith.constant 1 : i32
      %add3A_713 = vector.broadcast %add3A_712 : i32 to vector<16xi32>
      %add3A_714 = arith.addi %add3A_699, %add3A_713 : vector<16xi32>
      tpu.vector_store_idx %arg15[%add3A_714], %mul3A_686 : memref<2560xf32, #tpu.memory_space<vmem>>[vector<16xi32>], vector<16xf32>,
      %add3A_715 = arith.constant 2 : i32
      %add3A_716 = vector.broadcast %add3A_715 : i32 to vector<16xi32>
      %add3A_717 = arith.addi %add3A_699, %add3A_716 : vector<16xi32>
      tpu.vector_store_idx %arg15[%add3A_717], %mul3A_687 : memref<2560xf32, #tpu.memory_space<vmem>>[vector<16xi32>], vector<16xf32>,
      %add3A_718 = arith.constant 3 : i32
      %add3A_719 = vector.broadcast %add3A_718 : i32 to vector<16xi32>
      %add3A_720 = arith.addi %add3A_699, %add3A_719 : vector<16xi32>
      tpu.vector_store_idx %arg15[%add3A_720], %mul3A_688 : memref<2560xf32, #tpu.memory_space<vmem>>[vector<16xi32>], vector<16xf32>,
      %add3A_721 = arith.constant 4 : i32
      %add3A_722 = vector.broadcast %add3A_721 : i32 to vector<16xi32>
      %add3A_723 = arith.addi %add3A_699, %add3A_722 : vector<16xi32>
      tpu.vector_store_idx %arg15[%add3A_723], %mul3A_679 : memref<2560xf32, #tpu.memory_space<vmem>>[vector<16xi32>], vector<16xf32>,
      %add3A_724 = arith.addi %get3A_613, %add3A_5 : vector<16xi32>
      %swap3A_725 = arith.constant 80 : index
      %swap3A_726 = tpu.vector_load %arg16[%swap3A_725] {strides = array<i32>} : memref<512xi32, #tpu.memory_space<vmem>>, vector<16xi32>,
      tpu.vector_store %arg16[%swap3A_725], %add3A_724 {strides = array<i32>} : memref<512xi32, #tpu.memory_space<vmem>>, vector<16xi32>,
      %add3A_727 = arith.addi %get3A_613, %add3A_8 : vector<16xi32>
      %swap3A_728 = arith.constant 80 : index
      %swap3A_729 = tpu.vector_load %arg17[%swap3A_728] {strides = array<i32>} : memref<512xi32, #tpu.memory_space<vmem>>, vector<16xi32>,
      tpu.vector_store %arg17[%swap3A_728], %add3A_727 {strides = array<i32>} : memref<512xi32, #tpu.memory_space<vmem>>, vector<16xi32>,
      %get3A_730 = arith.constant 96 : index
      %get3A_731 = tpu.vector_load %arg10[%get3A_730] {strides = array<i32>} : memref<512xi32, #tpu.memory_space<vmem>>, vector<16xi32>,
      %mul3A_732 = arith.constant 3 : i32
      %mul3A_733 = vector.broadcast %mul3A_732 : i32 to vector<16xi32>
      %mul3A_734 = arith.muli %get3A_731, %mul3A_733 : vector<16xi32>
      %gather3A_735 = tpu.vector_load_idx %arg9[%mul3A_734] : memref<98304xf32, #tpu.memory_space<vmem>>[vector<16xi32>], vector<16xf32>,
      %add3A_736 = arith.constant 1 : i32
      %add3A_737 = vector.broadcast %add3A_736 : i32 to vector<16xi32>
      %add3A_738 = arith.addi %mul3A_734, %add3A_737 : vector<16xi32>
      %gather3A_739 = tpu.vector_load_idx %arg9[%add3A_738] : memref<98304xf32, #tpu.memory_space<vmem>>[vector<16xi32>], vector<16xf32>,
      %add3A_740 = arith.constant 2 : i32
      %add3A_741 = vector.broadcast %add3A_740 : i32 to vector<16xi32>
      %add3A_742 = arith.addi %mul3A_734, %add3A_741 : vector<16xi32>
      %gather3A_743 = tpu.vector_load_idx %arg9[%add3A_742] : memref<98304xf32, #tpu.memory_space<vmem>>[vector<16xi32>], vector<16xf32>,
      %iota3A_744 = tpu.iota {dimensions = array<i32: 0>} : vector<16xi32>
      %mul3A_745 = arith.constant 3 : i32
      %mul3A_746 = vector.broadcast %mul3A_745 : i32 to vector<16xi32>
      %mul3A_747 = arith.muli %iota3A_744, %mul3A_746 : vector<16xi32>
      %add3A_748 = arith.constant 288 : i32
      %add3A_749 = vector.broadcast %add3A_748 : i32 to vector<16xi32>
      %add3A_750 = arith.addi %mul3A_747, %add3A_749 : vector<16xi32>
      %gather3A_751 = tpu.vector_load_idx %arg11[%add3A_750] : memref<1536xf32, #tpu.memory_space<vmem>>[vector<16xi32>], vector<16xf32>,
      %add3A_752 = arith.constant 1 : i32
      %add3A_753 = vector.broadcast %add3A_752 : i32 to vector<16xi32>
      %add3A_754 = arith.addi %add3A_750, %add3A_753 : vector<16xi32>
      %gather3A_755 = tpu.vector_load_idx %arg11[%add3A_754] : memref<1536xf32, #tpu.memory_space<vmem>>[vector<16xi32>], vector<16xf32>,
      %add3A_756 = arith.constant 2 : i32
      %add3A_757 = vector.broadcast %add3A_756 : i32 to vector<16xi32>
      %add3A_758 = arith.addi %add3A_750, %add3A_757 : vector<16xi32>
      %gather3A_759 = tpu.vector_load_idx %arg11[%add3A_758] : memref<1536xf32, #tpu.memory_space<vmem>>[vector<16xi32>], vector<16xf32>,
      %sub3A_760 = arith.subf %gather3A_751, %gather3A_735 : vector<16xf32>
      %sub3A_761 = arith.subf %gather3A_755, %gather3A_739 : vector<16xf32>
      %sub3A_762 = arith.subf %gather3A_759, %gather3A_743 : vector<16xf32>
      %mul3A_763 = arith.mulf %sub3A_760, %sub3A_760 : vector<16xf32>
      %mul3A_764 = arith.mulf %sub3A_761, %sub3A_761 : vector<16xf32>
      %add3A_765 = arith.addf %mul3A_763, %mul3A_764 : vector<16xf32>
      %mul3A_766 = arith.mulf %sub3A_762, %sub3A_762 : vector<16xf32>
      %add3A_767 = arith.addf %add3A_765, %mul3A_766 : vector<16xf32>
      %bitcast_convert_type3A_768 = tpu.bitcast %add3A_767 : vector<16xf32> -> vector<16xi32>
      %shift_right_logical3A_769 = arith.constant 1 : i32
      %shift_right_logical3A_770 = vector.broadcast %shift_right_logical3A_769 : i32 to vector<16xi32>
      %shift_right_logical3A_771 = arith.shrui %bitcast_convert_type3A_768, %shift_right_logical3A_770 : vector<16xi32>
      %sub3A_772 = arith.constant 1597463007 : i32
      %sub3A_773 = vector.broadcast %sub3A_772 : i32 to vector<16xi32>
      %sub3A_774 = arith.subi %sub3A_773, %shift_right_logical3A_771 : vector<16xi32>
      %bitcast_convert_type3A_775 = tpu.bitcast %sub3A_774 : vector<16xi32> -> vector<16xf32>
      %mul3A_776 = arith.constant 5.000000e-01 : f32
      %mul3A_777 = vector.broadcast %mul3A_776 : f32 to vector<16xf32>
      %mul3A_778 = arith.mulf %add3A_767, %mul3A_777 : vector<16xf32>
      %mul3A_779 = arith.mulf %mul3A_778, %bitcast_convert_type3A_775 : vector<16xf32>
      %mul3A_780 = arith.mulf %mul3A_779, %bitcast_convert_type3A_775 : vector<16xf32>
      %sub3A_781 = arith.constant 1.500000e+00 : f32
      %sub3A_782 = vector.broadcast %sub3A_781 : f32 to vector<16xf32>
      %sub3A_783 = arith.subf %sub3A_782, %mul3A_780 : vector<16xf32>
      %mul3A_784 = arith.mulf %bitcast_convert_type3A_775, %sub3A_783 : vector<16xf32>
      %mul3A_785 = arith.mulf %mul3A_778, %mul3A_784 : vector<16xf32>
      %mul3A_786 = arith.mulf %mul3A_785, %mul3A_784 : vector<16xf32>
      %sub3A_787 = arith.constant 1.500000e+00 : f32
      %sub3A_788 = vector.broadcast %sub3A_787 : f32 to vector<16xf32>
      %sub3A_789 = arith.subf %sub3A_788, %mul3A_786 : vector<16xf32>
      %mul3A_790 = arith.mulf %mul3A_784, %sub3A_789 : vector<16xf32>
      %mul3A_791 = arith.mulf %mul3A_778, %mul3A_790 : vector<16xf32>
      %mul3A_792 = arith.mulf %mul3A_791, %mul3A_790 : vector<16xf32>
      %sub3A_793 = arith.constant 1.500000e+00 : f32
      %sub3A_794 = vector.broadcast %sub3A_793 : f32 to vector<16xf32>
      %sub3A_795 = arith.subf %sub3A_794, %mul3A_792 : vector<16xf32>
      %mul3A_796 = arith.mulf %mul3A_790, %sub3A_795 : vector<16xf32>
      %mul3A_797 = arith.mulf %add3A_767, %mul3A_796 : vector<16xf32>
      %add3A_798 = arith.constant 9.99999993E-9 : f32
      %add3A_799 = vector.broadcast %add3A_798 : f32 to vector<16xf32>
      %add3A_800 = arith.addf %mul3A_797, %add3A_799 : vector<16xf32>
      %div3A_801 = arith.constant 1.000000e+00 : f32
      %div3A_802 = vector.broadcast %div3A_801 : f32 to vector<16xf32>
      %div3A_803 = arith.divf %div3A_802, %add3A_800 : vector<16xf32>
      %mul3A_804 = arith.mulf %sub3A_760, %div3A_803 : vector<16xf32>
      %mul3A_805 = arith.mulf %sub3A_761, %div3A_803 : vector<16xf32>
      %mul3A_806 = arith.mulf %sub3A_762, %div3A_803 : vector<16xf32>
      %get3A_807 = arith.constant 96 : index
      %get3A_808 = tpu.vector_load %arg12[%get3A_807] {strides = array<i32>} : memref<512xf32, #tpu.memory_space<vmem>>, vector<16xf32>,
      %get3A_809 = arith.constant 96 : index
      %get3A_810 = tpu.vector_load %arg13[%get3A_809] {strides = array<i32>} : memref<512xf32, #tpu.memory_space<vmem>>, vector<16xf32>,
      %iota3A_811 = tpu.iota {dimensions = array<i32: 0>} : vector<16xi32>
      %mul3A_812 = arith.constant 5 : i32
      %mul3A_813 = vector.broadcast %mul3A_812 : i32 to vector<16xi32>
      %mul3A_814 = arith.muli %iota3A_811, %mul3A_813 : vector<16xi32>
      %add3A_815 = arith.constant 480 : i32
      %add3A_816 = vector.broadcast %add3A_815 : i32 to vector<16xi32>
      %add3A_817 = arith.addi %mul3A_814, %add3A_816 : vector<16xi32>
      tpu.vector_store_idx %arg14[%add3A_817], %get3A_808 : memref<2560xf32, #tpu.memory_space<vmem>>[vector<16xi32>], vector<16xf32>,
      %add3A_818 = arith.constant 1 : i32
      %add3A_819 = vector.broadcast %add3A_818 : i32 to vector<16xi32>
      %add3A_820 = arith.addi %add3A_817, %add3A_819 : vector<16xi32>
      tpu.vector_store_idx %arg14[%add3A_820], %mul3A_804 : memref<2560xf32, #tpu.memory_space<vmem>>[vector<16xi32>], vector<16xf32>,
      %add3A_821 = arith.constant 2 : i32
      %add3A_822 = vector.broadcast %add3A_821 : i32 to vector<16xi32>
      %add3A_823 = arith.addi %add3A_817, %add3A_822 : vector<16xi32>
      tpu.vector_store_idx %arg14[%add3A_823], %mul3A_805 : memref<2560xf32, #tpu.memory_space<vmem>>[vector<16xi32>], vector<16xf32>,
      %add3A_824 = arith.constant 3 : i32
      %add3A_825 = vector.broadcast %add3A_824 : i32 to vector<16xi32>
      %add3A_826 = arith.addi %add3A_817, %add3A_825 : vector<16xi32>
      tpu.vector_store_idx %arg14[%add3A_826], %mul3A_806 : memref<2560xf32, #tpu.memory_space<vmem>>[vector<16xi32>], vector<16xf32>,
      %add3A_827 = arith.constant 4 : i32
      %add3A_828 = vector.broadcast %add3A_827 : i32 to vector<16xi32>
      %add3A_829 = arith.addi %add3A_817, %add3A_828 : vector<16xi32>
      tpu.vector_store_idx %arg14[%add3A_829], %mul3A_797 : memref<2560xf32, #tpu.memory_space<vmem>>[vector<16xi32>], vector<16xf32>,
      tpu.vector_store_idx %arg15[%add3A_817], %get3A_810 : memref<2560xf32, #tpu.memory_space<vmem>>[vector<16xi32>], vector<16xf32>,
      %add3A_830 = arith.constant 1 : i32
      %add3A_831 = vector.broadcast %add3A_830 : i32 to vector<16xi32>
      %add3A_832 = arith.addi %add3A_817, %add3A_831 : vector<16xi32>
      tpu.vector_store_idx %arg15[%add3A_832], %mul3A_804 : memref<2560xf32, #tpu.memory_space<vmem>>[vector<16xi32>], vector<16xf32>,
      %add3A_833 = arith.constant 2 : i32
      %add3A_834 = vector.broadcast %add3A_833 : i32 to vector<16xi32>
      %add3A_835 = arith.addi %add3A_817, %add3A_834 : vector<16xi32>
      tpu.vector_store_idx %arg15[%add3A_835], %mul3A_805 : memref<2560xf32, #tpu.memory_space<vmem>>[vector<16xi32>], vector<16xf32>,
      %add3A_836 = arith.constant 3 : i32
      %add3A_837 = vector.broadcast %add3A_836 : i32 to vector<16xi32>
      %add3A_838 = arith.addi %add3A_817, %add3A_837 : vector<16xi32>
      tpu.vector_store_idx %arg15[%add3A_838], %mul3A_806 : memref<2560xf32, #tpu.memory_space<vmem>>[vector<16xi32>], vector<16xf32>,
      %add3A_839 = arith.constant 4 : i32
      %add3A_840 = vector.broadcast %add3A_839 : i32 to vector<16xi32>
      %add3A_841 = arith.addi %add3A_817, %add3A_840 : vector<16xi32>
      tpu.vector_store_idx %arg15[%add3A_841], %mul3A_797 : memref<2560xf32, #tpu.memory_space<vmem>>[vector<16xi32>], vector<16xf32>,
      %add3A_842 = arith.addi %get3A_731, %add3A_5 : vector<16xi32>
      %swap3A_843 = arith.constant 96 : index
      %swap3A_844 = tpu.vector_load %arg16[%swap3A_843] {strides = array<i32>} : memref<512xi32, #tpu.memory_space<vmem>>, vector<16xi32>,
      tpu.vector_store %arg16[%swap3A_843], %add3A_842 {strides = array<i32>} : memref<512xi32, #tpu.memory_space<vmem>>, vector<16xi32>,
      %add3A_845 = arith.addi %get3A_731, %add3A_8 : vector<16xi32>
      %swap3A_846 = arith.constant 96 : index
      %swap3A_847 = tpu.vector_load %arg17[%swap3A_846] {strides = array<i32>} : memref<512xi32, #tpu.memory_space<vmem>>, vector<16xi32>,
      tpu.vector_store %arg17[%swap3A_846], %add3A_845 {strides = array<i32>} : memref<512xi32, #tpu.memory_space<vmem>>, vector<16xi32>,
      %get3A_848 = arith.constant 112 : index
      %get3A_849 = tpu.vector_load %arg10[%get3A_848] {strides = array<i32>} : memref<512xi32, #tpu.memory_space<vmem>>, vector<16xi32>,
      %mul3A_850 = arith.constant 3 : i32
      %mul3A_851 = vector.broadcast %mul3A_850 : i32 to vector<16xi32>
      %mul3A_852 = arith.muli %get3A_849, %mul3A_851 : vector<16xi32>
      %gather3A_853 = tpu.vector_load_idx %arg9[%mul3A_852] : memref<98304xf32, #tpu.memory_space<vmem>>[vector<16xi32>], vector<16xf32>,
      %add3A_854 = arith.constant 1 : i32
      %add3A_855 = vector.broadcast %add3A_854 : i32 to vector<16xi32>
      %add3A_856 = arith.addi %mul3A_852, %add3A_855 : vector<16xi32>
      %gather3A_857 = tpu.vector_load_idx %arg9[%add3A_856] : memref<98304xf32, #tpu.memory_space<vmem>>[vector<16xi32>], vector<16xf32>,
      %add3A_858 = arith.constant 2 : i32
      %add3A_859 = vector.broadcast %add3A_858 : i32 to vector<16xi32>
      %add3A_860 = arith.addi %mul3A_852, %add3A_859 : vector<16xi32>
      %gather3A_861 = tpu.vector_load_idx %arg9[%add3A_860] : memref<98304xf32, #tpu.memory_space<vmem>>[vector<16xi32>], vector<16xf32>,
      %iota3A_862 = tpu.iota {dimensions = array<i32: 0>} : vector<16xi32>
      %mul3A_863 = arith.constant 3 : i32
      %mul3A_864 = vector.broadcast %mul3A_863 : i32 to vector<16xi32>
      %mul3A_865 = arith.muli %iota3A_862, %mul3A_864 : vector<16xi32>
      %add3A_866 = arith.constant 336 : i32
      %add3A_867 = vector.broadcast %add3A_866 : i32 to vector<16xi32>
      %add3A_868 = arith.addi %mul3A_865, %add3A_867 : vector<16xi32>
      %gather3A_869 = tpu.vector_load_idx %arg11[%add3A_868] : memref<1536xf32, #tpu.memory_space<vmem>>[vector<16xi32>], vector<16xf32>,
      %add3A_870 = arith.constant 1 : i32
      %add3A_871 = vector.broadcast %add3A_870 : i32 to vector<16xi32>
      %add3A_872 = arith.addi %add3A_868, %add3A_871 : vector<16xi32>
      %gather3A_873 = tpu.vector_load_idx %arg11[%add3A_872] : memref<1536xf32, #tpu.memory_space<vmem>>[vector<16xi32>], vector<16xf32>,
      %add3A_874 = arith.constant 2 : i32
      %add3A_875 = vector.broadcast %add3A_874 : i32 to vector<16xi32>
      %add3A_876 = arith.addi %add3A_868, %add3A_875 : vector<16xi32>
      %gather3A_877 = tpu.vector_load_idx %arg11[%add3A_876] : memref<1536xf32, #tpu.memory_space<vmem>>[vector<16xi32>], vector<16xf32>,
      %sub3A_878 = arith.subf %gather3A_869, %gather3A_853 : vector<16xf32>
      %sub3A_879 = arith.subf %gather3A_873, %gather3A_857 : vector<16xf32>
      %sub3A_880 = arith.subf %gather3A_877, %gather3A_861 : vector<16xf32>
      %mul3A_881 = arith.mulf %sub3A_878, %sub3A_878 : vector<16xf32>
      %mul3A_882 = arith.mulf %sub3A_879, %sub3A_879 : vector<16xf32>
      %add3A_883 = arith.addf %mul3A_881, %mul3A_882 : vector<16xf32>
      %mul3A_884 = arith.mulf %sub3A_880, %sub3A_880 : vector<16xf32>
      %add3A_885 = arith.addf %add3A_883, %mul3A_884 : vector<16xf32>
      %bitcast_convert_type3A_886 = tpu.bitcast %add3A_885 : vector<16xf32> -> vector<16xi32>
      %shift_right_logical3A_887 = arith.constant 1 : i32
      %shift_right_logical3A_888 = vector.broadcast %shift_right_logical3A_887 : i32 to vector<16xi32>
      %shift_right_logical3A_889 = arith.shrui %bitcast_convert_type3A_886, %shift_right_logical3A_888 : vector<16xi32>
      %sub3A_890 = arith.constant 1597463007 : i32
      %sub3A_891 = vector.broadcast %sub3A_890 : i32 to vector<16xi32>
      %sub3A_892 = arith.subi %sub3A_891, %shift_right_logical3A_889 : vector<16xi32>
      %bitcast_convert_type3A_893 = tpu.bitcast %sub3A_892 : vector<16xi32> -> vector<16xf32>
      %mul3A_894 = arith.constant 5.000000e-01 : f32
      %mul3A_895 = vector.broadcast %mul3A_894 : f32 to vector<16xf32>
      %mul3A_896 = arith.mulf %add3A_885, %mul3A_895 : vector<16xf32>
      %mul3A_897 = arith.mulf %mul3A_896, %bitcast_convert_type3A_893 : vector<16xf32>
      %mul3A_898 = arith.mulf %mul3A_897, %bitcast_convert_type3A_893 : vector<16xf32>
      %sub3A_899 = arith.constant 1.500000e+00 : f32
      %sub3A_900 = vector.broadcast %sub3A_899 : f32 to vector<16xf32>
      %sub3A_901 = arith.subf %sub3A_900, %mul3A_898 : vector<16xf32>
      %mul3A_902 = arith.mulf %bitcast_convert_type3A_893, %sub3A_901 : vector<16xf32>
      %mul3A_903 = arith.mulf %mul3A_896, %mul3A_902 : vector<16xf32>
      %mul3A_904 = arith.mulf %mul3A_903, %mul3A_902 : vector<16xf32>
      %sub3A_905 = arith.constant 1.500000e+00 : f32
      %sub3A_906 = vector.broadcast %sub3A_905 : f32 to vector<16xf32>
      %sub3A_907 = arith.subf %sub3A_906, %mul3A_904 : vector<16xf32>
      %mul3A_908 = arith.mulf %mul3A_902, %sub3A_907 : vector<16xf32>
      %mul3A_909 = arith.mulf %mul3A_896, %mul3A_908 : vector<16xf32>
      %mul3A_910 = arith.mulf %mul3A_909, %mul3A_908 : vector<16xf32>
      %sub3A_911 = arith.constant 1.500000e+00 : f32
      %sub3A_912 = vector.broadcast %sub3A_911 : f32 to vector<16xf32>
      %sub3A_913 = arith.subf %sub3A_912, %mul3A_910 : vector<16xf32>
      %mul3A_914 = arith.mulf %mul3A_908, %sub3A_913 : vector<16xf32>
      %mul3A_915 = arith.mulf %add3A_885, %mul3A_914 : vector<16xf32>
      %add3A_916 = arith.constant 9.99999993E-9 : f32
      %add3A_917 = vector.broadcast %add3A_916 : f32 to vector<16xf32>
      %add3A_918 = arith.addf %mul3A_915, %add3A_917 : vector<16xf32>
      %div3A_919 = arith.constant 1.000000e+00 : f32
      %div3A_920 = vector.broadcast %div3A_919 : f32 to vector<16xf32>
      %div3A_921 = arith.divf %div3A_920, %add3A_918 : vector<16xf32>
      %mul3A_922 = arith.mulf %sub3A_878, %div3A_921 : vector<16xf32>
      %mul3A_923 = arith.mulf %sub3A_879, %div3A_921 : vector<16xf32>
      %mul3A_924 = arith.mulf %sub3A_880, %div3A_921 : vector<16xf32>
      %get3A_925 = arith.constant 112 : index
      %get3A_926 = tpu.vector_load %arg12[%get3A_925] {strides = array<i32>} : memref<512xf32, #tpu.memory_space<vmem>>, vector<16xf32>,
      %get3A_927 = arith.constant 112 : index
      %get3A_928 = tpu.vector_load %arg13[%get3A_927] {strides = array<i32>} : memref<512xf32, #tpu.memory_space<vmem>>, vector<16xf32>,
      %iota3A_929 = tpu.iota {dimensions = array<i32: 0>} : vector<16xi32>
      %mul3A_930 = arith.constant 5 : i32
      %mul3A_931 = vector.broadcast %mul3A_930 : i32 to vector<16xi32>
      %mul3A_932 = arith.muli %iota3A_929, %mul3A_931 : vector<16xi32>
      %add3A_933 = arith.constant 560 : i32
      %add3A_934 = vector.broadcast %add3A_933 : i32 to vector<16xi32>
      %add3A_935 = arith.addi %mul3A_932, %add3A_934 : vector<16xi32>
      tpu.vector_store_idx %arg14[%add3A_935], %get3A_926 : memref<2560xf32, #tpu.memory_space<vmem>>[vector<16xi32>], vector<16xf32>,
      %add3A_936 = arith.constant 1 : i32
      %add3A_937 = vector.broadcast %add3A_936 : i32 to vector<16xi32>
      %add3A_938 = arith.addi %add3A_935, %add3A_937 : vector<16xi32>
      tpu.vector_store_idx %arg14[%add3A_938], %mul3A_922 : memref<2560xf32, #tpu.memory_space<vmem>>[vector<16xi32>], vector<16xf32>,
      %add3A_939 = arith.constant 2 : i32
      %add3A_940 = vector.broadcast %add3A_939 : i32 to vector<16xi32>
      %add3A_941 = arith.addi %add3A_935, %add3A_940 : vector<16xi32>
      tpu.vector_store_idx %arg14[%add3A_941], %mul3A_923 : memref<2560xf32, #tpu.memory_space<vmem>>[vector<16xi32>], vector<16xf32>,
      %add3A_942 = arith.constant 3 : i32
      %add3A_943 = vector.broadcast %add3A_942 : i32 to vector<16xi32>
      %add3A_944 = arith.addi %add3A_935, %add3A_943 : vector<16xi32>
      tpu.vector_store_idx %arg14[%add3A_944], %mul3A_924 : memref<2560xf32, #tpu.memory_space<vmem>>[vector<16xi32>], vector<16xf32>,
      %add3A_945 = arith.constant 4 : i32
      %add3A_946 = vector.broadcast %add3A_945 : i32 to vector<16xi32>
      %add3A_947 = arith.addi %add3A_935, %add3A_946 : vector<16xi32>
      tpu.vector_store_idx %arg14[%add3A_947], %mul3A_915 : memref<2560xf32, #tpu.memory_space<vmem>>[vector<16xi32>], vector<16xf32>,
      tpu.vector_store_idx %arg15[%add3A_935], %get3A_928 : memref<2560xf32, #tpu.memory_space<vmem>>[vector<16xi32>], vector<16xf32>,
      %add3A_948 = arith.constant 1 : i32
      %add3A_949 = vector.broadcast %add3A_948 : i32 to vector<16xi32>
      %add3A_950 = arith.addi %add3A_935, %add3A_949 : vector<16xi32>
      tpu.vector_store_idx %arg15[%add3A_950], %mul3A_922 : memref<2560xf32, #tpu.memory_space<vmem>>[vector<16xi32>], vector<16xf32>,
      %add3A_951 = arith.constant 2 : i32
      %add3A_952 = vector.broadcast %add3A_951 : i32 to vector<16xi32>
      %add3A_953 = arith.addi %add3A_935, %add3A_952 : vector<16xi32>
      tpu.vector_store_idx %arg15[%add3A_953], %mul3A_923 : memref<2560xf32, #tpu.memory_space<vmem>>[vector<16xi32>], vector<16xf32>,
      %add3A_954 = arith.constant 3 : i32
      %add3A_955 = vector.broadcast %add3A_954 : i32 to vector<16xi32>
      %add3A_956 = arith.addi %add3A_935, %add3A_955 : vector<16xi32>
      tpu.vector_store_idx %arg15[%add3A_956], %mul3A_924 : memref<2560xf32, #tpu.memory_space<vmem>>[vector<16xi32>], vector<16xf32>,
      %add3A_957 = arith.constant 4 : i32
      %add3A_958 = vector.broadcast %add3A_957 : i32 to vector<16xi32>
      %add3A_959 = arith.addi %add3A_935, %add3A_958 : vector<16xi32>
      tpu.vector_store_idx %arg15[%add3A_959], %mul3A_915 : memref<2560xf32, #tpu.memory_space<vmem>>[vector<16xi32>], vector<16xf32>,
      %add3A_960 = arith.addi %get3A_849, %add3A_5 : vector<16xi32>
      %swap3A_961 = arith.constant 112 : index
      %swap3A_962 = tpu.vector_load %arg16[%swap3A_961] {strides = array<i32>} : memref<512xi32, #tpu.memory_space<vmem>>, vector<16xi32>,
      tpu.vector_store %arg16[%swap3A_961], %add3A_960 {strides = array<i32>} : memref<512xi32, #tpu.memory_space<vmem>>, vector<16xi32>,
      %add3A_963 = arith.addi %get3A_849, %add3A_8 : vector<16xi32>
      %swap3A_964 = arith.constant 112 : index
      %swap3A_965 = tpu.vector_load %arg17[%swap3A_964] {strides = array<i32>} : memref<512xi32, #tpu.memory_space<vmem>>, vector<16xi32>,
      tpu.vector_store %arg17[%swap3A_964], %add3A_963 {strides = array<i32>} : memref<512xi32, #tpu.memory_space<vmem>>, vector<16xi32>,
      %get3A_966 = arith.constant 128 : index
      %get3A_967 = tpu.vector_load %arg10[%get3A_966] {strides = array<i32>} : memref<512xi32, #tpu.memory_space<vmem>>, vector<16xi32>,
      %mul3A_968 = arith.constant 3 : i32
      %mul3A_969 = vector.broadcast %mul3A_968 : i32 to vector<16xi32>
      %mul3A_970 = arith.muli %get3A_967, %mul3A_969 : vector<16xi32>
      %gather3A_971 = tpu.vector_load_idx %arg9[%mul3A_970] : memref<98304xf32, #tpu.memory_space<vmem>>[vector<16xi32>], vector<16xf32>,
      %add3A_972 = arith.constant 1 : i32
      %add3A_973 = vector.broadcast %add3A_972 : i32 to vector<16xi32>
      %add3A_974 = arith.addi %mul3A_970, %add3A_973 : vector<16xi32>
      %gather3A_975 = tpu.vector_load_idx %arg9[%add3A_974] : memref<98304xf32, #tpu.memory_space<vmem>>[vector<16xi32>], vector<16xf32>,
      %add3A_976 = arith.constant 2 : i32
      %add3A_977 = vector.broadcast %add3A_976 : i32 to vector<16xi32>
      %add3A_978 = arith.addi %mul3A_970, %add3A_977 : vector<16xi32>
      %gather3A_979 = tpu.vector_load_idx %arg9[%add3A_978] : memref<98304xf32, #tpu.memory_space<vmem>>[vector<16xi32>], vector<16xf32>,
      %iota3A_980 = tpu.iota {dimensions = array<i32: 0>} : vector<16xi32>
      %mul3A_981 = arith.constant 3 : i32
      %mul3A_982 = vector.broadcast %mul3A_981 : i32 to vector<16xi32>
      %mul3A_983 = arith.muli %iota3A_980, %mul3A_982 : vector<16xi32>
      %add3A_984 = arith.constant 384 : i32
      %add3A_985 = vector.broadcast %add3A_984 : i32 to vector<16xi32>
      %add3A_986 = arith.addi %mul3A_983, %add3A_985 : vector<16xi32>
      %gather3A_987 = tpu.vector_load_idx %arg11[%add3A_986] : memref<1536xf32, #tpu.memory_space<vmem>>[vector<16xi32>], vector<16xf32>,
      %add3A_988 = arith.constant 1 : i32
      %add3A_989 = vector.broadcast %add3A_988 : i32 to vector<16xi32>
      %add3A_990 = arith.addi %add3A_986, %add3A_989 : vector<16xi32>
      %gather3A_991 = tpu.vector_load_idx %arg11[%add3A_990] : memref<1536xf32, #tpu.memory_space<vmem>>[vector<16xi32>], vector<16xf32>,
      %add3A_992 = arith.constant 2 : i32
      %add3A_993 = vector.broadcast %add3A_992 : i32 to vector<16xi32>
      %add3A_994 = arith.addi %add3A_986, %add3A_993 : vector<16xi32>
      %gather3A_995 = tpu.vector_load_idx %arg11[%add3A_994] : memref<1536xf32, #tpu.memory_space<vmem>>[vector<16xi32>], vector<16xf32>,
      %sub3A_996 = arith.subf %gather3A_987, %gather3A_971 : vector<16xf32>
      %sub3A_997 = arith.subf %gather3A_991, %gather3A_975 : vector<16xf32>
      %sub3A_998 = arith.subf %gather3A_995, %gather3A_979 : vector<16xf32>
      %mul3A_999 = arith.mulf %sub3A_996, %sub3A_996 : vector<16xf32>
      %mul3A_1000 = arith.mulf %sub3A_997, %sub3A_997 : vector<16xf32>
      %add3A_1001 = arith.addf %mul3A_999, %mul3A_1000 : vector<16xf32>
      %mul3A_1002 = arith.mulf %sub3A_998, %sub3A_998 : vector<16xf32>
      %add3A_1003 = arith.addf %add3A_1001, %mul3A_1002 : vector<16xf32>
      %bitcast_convert_type3A_1004 = tpu.bitcast %add3A_1003 : vector<16xf32> -> vector<16xi32>
      %shift_right_logical3A_1005 = arith.constant 1 : i32
      %shift_right_logical3A_1006 = vector.broadcast %shift_right_logical3A_1005 : i32 to vector<16xi32>
      %shift_right_logical3A_1007 = arith.shrui %bitcast_convert_type3A_1004, %shift_right_logical3A_1006 : vector<16xi32>
      %sub3A_1008 = arith.constant 1597463007 : i32
      %sub3A_1009 = vector.broadcast %sub3A_1008 : i32 to vector<16xi32>
      %sub3A_1010 = arith.subi %sub3A_1009, %shift_right_logical3A_1007 : vector<16xi32>
      %bitcast_convert_type3A_1011 = tpu.bitcast %sub3A_1010 : vector<16xi32> -> vector<16xf32>
      %mul3A_1012 = arith.constant 5.000000e-01 : f32
      %mul3A_1013 = vector.broadcast %mul3A_1012 : f32 to vector<16xf32>
      %mul3A_1014 = arith.mulf %add3A_1003, %mul3A_1013 : vector<16xf32>
      %mul3A_1015 = arith.mulf %mul3A_1014, %bitcast_convert_type3A_1011 : vector<16xf32>
      %mul3A_1016 = arith.mulf %mul3A_1015, %bitcast_convert_type3A_1011 : vector<16xf32>
      %sub3A_1017 = arith.constant 1.500000e+00 : f32
      %sub3A_1018 = vector.broadcast %sub3A_1017 : f32 to vector<16xf32>
      %sub3A_1019 = arith.subf %sub3A_1018, %mul3A_1016 : vector<16xf32>
      %mul3A_1020 = arith.mulf %bitcast_convert_type3A_1011, %sub3A_1019 : vector<16xf32>
      %mul3A_1021 = arith.mulf %mul3A_1014, %mul3A_1020 : vector<16xf32>
      %mul3A_1022 = arith.mulf %mul3A_1021, %mul3A_1020 : vector<16xf32>
      %sub3A_1023 = arith.constant 1.500000e+00 : f32
      %sub3A_1024 = vector.broadcast %sub3A_1023 : f32 to vector<16xf32>
      %sub3A_1025 = arith.subf %sub3A_1024, %mul3A_1022 : vector<16xf32>
      %mul3A_1026 = arith.mulf %mul3A_1020, %sub3A_1025 : vector<16xf32>
      %mul3A_1027 = arith.mulf %mul3A_1014, %mul3A_1026 : vector<16xf32>
      %mul3A_1028 = arith.mulf %mul3A_1027, %mul3A_1026 : vector<16xf32>
      %sub3A_1029 = arith.constant 1.500000e+00 : f32
      %sub3A_1030 = vector.broadcast %sub3A_1029 : f32 to vector<16xf32>
      %sub3A_1031 = arith.subf %sub3A_1030, %mul3A_1028 : vector<16xf32>
      %mul3A_1032 = arith.mulf %mul3A_1026, %sub3A_1031 : vector<16xf32>
      %mul3A_1033 = arith.mulf %add3A_1003, %mul3A_1032 : vector<16xf32>
      %add3A_1034 = arith.constant 9.99999993E-9 : f32
      %add3A_1035 = vector.broadcast %add3A_1034 : f32 to vector<16xf32>
      %add3A_1036 = arith.addf %mul3A_1033, %add3A_1035 : vector<16xf32>
      %div3A_1037 = arith.constant 1.000000e+00 : f32
      %div3A_1038 = vector.broadcast %div3A_1037 : f32 to vector<16xf32>
      %div3A_1039 = arith.divf %div3A_1038, %add3A_1036 : vector<16xf32>
      %mul3A_1040 = arith.mulf %sub3A_996, %div3A_1039 : vector<16xf32>
      %mul3A_1041 = arith.mulf %sub3A_997, %div3A_1039 : vector<16xf32>
      %mul3A_1042 = arith.mulf %sub3A_998, %div3A_1039 : vector<16xf32>
      %get3A_1043 = arith.constant 128 : index
      %get3A_1044 = tpu.vector_load %arg12[%get3A_1043] {strides = array<i32>} : memref<512xf32, #tpu.memory_space<vmem>>, vector<16xf32>,
      %get3A_1045 = arith.constant 128 : index
      %get3A_1046 = tpu.vector_load %arg13[%get3A_1045] {strides = array<i32>} : memref<512xf32, #tpu.memory_space<vmem>>, vector<16xf32>,
      %iota3A_1047 = tpu.iota {dimensions = array<i32: 0>} : vector<16xi32>
      %mul3A_1048 = arith.constant 5 : i32
      %mul3A_1049 = vector.broadcast %mul3A_1048 : i32 to vector<16xi32>
      %mul3A_1050 = arith.muli %iota3A_1047, %mul3A_1049 : vector<16xi32>
      %add3A_1051 = arith.constant 640 : i32
      %add3A_1052 = vector.broadcast %add3A_1051 : i32 to vector<16xi32>
      %add3A_1053 = arith.addi %mul3A_1050, %add3A_1052 : vector<16xi32>
      tpu.vector_store_idx %arg14[%add3A_1053], %get3A_1044 : memref<2560xf32, #tpu.memory_space<vmem>>[vector<16xi32>], vector<16xf32>,
      %add3A_1054 = arith.constant 1 : i32
      %add3A_1055 = vector.broadcast %add3A_1054 : i32 to vector<16xi32>
      %add3A_1056 = arith.addi %add3A_1053, %add3A_1055 : vector<16xi32>
      tpu.vector_store_idx %arg14[%add3A_1056], %mul3A_1040 : memref<2560xf32, #tpu.memory_space<vmem>>[vector<16xi32>], vector<16xf32>,
      %add3A_1057 = arith.constant 2 : i32
      %add3A_1058 = vector.broadcast %add3A_1057 : i32 to vector<16xi32>
      %add3A_1059 = arith.addi %add3A_1053, %add3A_1058 : vector<16xi32>
      tpu.vector_store_idx %arg14[%add3A_1059], %mul3A_1041 : memref<2560xf32, #tpu.memory_space<vmem>>[vector<16xi32>], vector<16xf32>,
      %add3A_1060 = arith.constant 3 : i32
      %add3A_1061 = vector.broadcast %add3A_1060 : i32 to vector<16xi32>
      %add3A_1062 = arith.addi %add3A_1053, %add3A_1061 : vector<16xi32>
      tpu.vector_store_idx %arg14[%add3A_1062], %mul3A_1042 : memref<2560xf32, #tpu.memory_space<vmem>>[vector<16xi32>], vector<16xf32>,
      %add3A_1063 = arith.constant 4 : i32
      %add3A_1064 = vector.broadcast %add3A_1063 : i32 to vector<16xi32>
      %add3A_1065 = arith.addi %add3A_1053, %add3A_1064 : vector<16xi32>
      tpu.vector_store_idx %arg14[%add3A_1065], %mul3A_1033 : memref<2560xf32, #tpu.memory_space<vmem>>[vector<16xi32>], vector<16xf32>,
      tpu.vector_store_idx %arg15[%add3A_1053], %get3A_1046 : memref<2560xf32, #tpu.memory_space<vmem>>[vector<16xi32>], vector<16xf32>,
      %add3A_1066 = arith.constant 1 : i32
      %add3A_1067 = vector.broadcast %add3A_1066 : i32 to vector<16xi32>
      %add3A_1068 = arith.addi %add3A_1053, %add3A_1067 : vector<16xi32>
      tpu.vector_store_idx %arg15[%add3A_1068], %mul3A_1040 : memref<2560xf32, #tpu.memory_space<vmem>>[vector<16xi32>], vector<16xf32>,
      %add3A_1069 = arith.constant 2 : i32
      %add3A_1070 = vector.broadcast %add3A_1069 : i32 to vector<16xi32>
      %add3A_1071 = arith.addi %add3A_1053, %add3A_1070 : vector<16xi32>
      tpu.vector_store_idx %arg15[%add3A_1071], %mul3A_1041 : memref<2560xf32, #tpu.memory_space<vmem>>[vector<16xi32>], vector<16xf32>,
      %add3A_1072 = arith.constant 3 : i32
      %add3A_1073 = vector.broadcast %add3A_1072 : i32 to vector<16xi32>
      %add3A_1074 = arith.addi %add3A_1053, %add3A_1073 : vector<16xi32>
      tpu.vector_store_idx %arg15[%add3A_1074], %mul3A_1042 : memref<2560xf32, #tpu.memory_space<vmem>>[vector<16xi32>], vector<16xf32>,
      %add3A_1075 = arith.constant 4 : i32
      %add3A_1076 = vector.broadcast %add3A_1075 : i32 to vector<16xi32>
      %add3A_1077 = arith.addi %add3A_1053, %add3A_1076 : vector<16xi32>
      tpu.vector_store_idx %arg15[%add3A_1077], %mul3A_1033 : memref<2560xf32, #tpu.memory_space<vmem>>[vector<16xi32>], vector<16xf32>,
      %add3A_1078 = arith.addi %get3A_967, %add3A_5 : vector<16xi32>
      %swap3A_1079 = arith.constant 128 : index
      %swap3A_1080 = tpu.vector_load %arg16[%swap3A_1079] {strides = array<i32>} : memref<512xi32, #tpu.memory_space<vmem>>, vector<16xi32>,
      tpu.vector_store %arg16[%swap3A_1079], %add3A_1078 {strides = array<i32>} : memref<512xi32, #tpu.memory_space<vmem>>, vector<16xi32>,
      %add3A_1081 = arith.addi %get3A_967, %add3A_8 : vector<16xi32>
      %swap3A_1082 = arith.constant 128 : index
      %swap3A_1083 = tpu.vector_load %arg17[%swap3A_1082] {strides = array<i32>} : memref<512xi32, #tpu.memory_space<vmem>>, vector<16xi32>,
      tpu.vector_store %arg17[%swap3A_1082], %add3A_1081 {strides = array<i32>} : memref<512xi32, #tpu.memory_space<vmem>>, vector<16xi32>,
      %get3A_1084 = arith.constant 144 : index
      %get3A_1085 = tpu.vector_load %arg10[%get3A_1084] {strides = array<i32>} : memref<512xi32, #tpu.memory_space<vmem>>, vector<16xi32>,
      %mul3A_1086 = arith.constant 3 : i32
      %mul3A_1087 = vector.broadcast %mul3A_1086 : i32 to vector<16xi32>
      %mul3A_1088 = arith.muli %get3A_1085, %mul3A_1087 : vector<16xi32>
      %gather3A_1089 = tpu.vector_load_idx %arg9[%mul3A_1088] : memref<98304xf32, #tpu.memory_space<vmem>>[vector<16xi32>], vector<16xf32>,
      %add3A_1090 = arith.constant 1 : i32
      %add3A_1091 = vector.broadcast %add3A_1090 : i32 to vector<16xi32>
      %add3A_1092 = arith.addi %mul3A_1088, %add3A_1091 : vector<16xi32>
      %gather3A_1093 = tpu.vector_load_idx %arg9[%add3A_1092] : memref<98304xf32, #tpu.memory_space<vmem>>[vector<16xi32>], vector<16xf32>,
      %add3A_1094 = arith.constant 2 : i32
      %add3A_1095 = vector.broadcast %add3A_1094 : i32 to vector<16xi32>
      %add3A_1096 = arith.addi %mul3A_1088, %add3A_1095 : vector<16xi32>
      %gather3A_1097 = tpu.vector_load_idx %arg9[%add3A_1096] : memref<98304xf32, #tpu.memory_space<vmem>>[vector<16xi32>], vector<16xf32>,
      %iota3A_1098 = tpu.iota {dimensions = array<i32: 0>} : vector<16xi32>
      %mul3A_1099 = arith.constant 3 : i32
      %mul3A_1100 = vector.broadcast %mul3A_1099 : i32 to vector<16xi32>
      %mul3A_1101 = arith.muli %iota3A_1098, %mul3A_1100 : vector<16xi32>
      %add3A_1102 = arith.constant 432 : i32
      %add3A_1103 = vector.broadcast %add3A_1102 : i32 to vector<16xi32>
      %add3A_1104 = arith.addi %mul3A_1101, %add3A_1103 : vector<16xi32>
      %gather3A_1105 = tpu.vector_load_idx %arg11[%add3A_1104] : memref<1536xf32, #tpu.memory_space<vmem>>[vector<16xi32>], vector<16xf32>,
      %add3A_1106 = arith.constant 1 : i32
      %add3A_1107 = vector.broadcast %add3A_1106 : i32 to vector<16xi32>
      %add3A_1108 = arith.addi %add3A_1104, %add3A_1107 : vector<16xi32>
      %gather3A_1109 = tpu.vector_load_idx %arg11[%add3A_1108] : memref<1536xf32, #tpu.memory_space<vmem>>[vector<16xi32>], vector<16xf32>,
      %add3A_1110 = arith.constant 2 : i32
      %add3A_1111 = vector.broadcast %add3A_1110 : i32 to vector<16xi32>
      %add3A_1112 = arith.addi %add3A_1104, %add3A_1111 : vector<16xi32>
      %gather3A_1113 = tpu.vector_load_idx %arg11[%add3A_1112] : memref<1536xf32, #tpu.memory_space<vmem>>[vector<16xi32>], vector<16xf32>,
      %sub3A_1114 = arith.subf %gather3A_1105, %gather3A_1089 : vector<16xf32>
      %sub3A_1115 = arith.subf %gather3A_1109, %gather3A_1093 : vector<16xf32>
      %sub3A_1116 = arith.subf %gather3A_1113, %gather3A_1097 : vector<16xf32>
      %mul3A_1117 = arith.mulf %sub3A_1114, %sub3A_1114 : vector<16xf32>
      %mul3A_1118 = arith.mulf %sub3A_1115, %sub3A_1115 : vector<16xf32>
      %add3A_1119 = arith.addf %mul3A_1117, %mul3A_1118 : vector<16xf32>
      %mul3A_1120 = arith.mulf %sub3A_1116, %sub3A_1116 : vector<16xf32>
      %add3A_1121 = arith.addf %add3A_1119, %mul3A_1120 : vector<16xf32>
      %bitcast_convert_type3A_1122 = tpu.bitcast %add3A_1121 : vector<16xf32> -> vector<16xi32>
      %shift_right_logical3A_1123 = arith.constant 1 : i32
      %shift_right_logical3A_1124 = vector.broadcast %shift_right_logical3A_1123 : i32 to vector<16xi32>
      %shift_right_logical3A_1125 = arith.shrui %bitcast_convert_type3A_1122, %shift_right_logical3A_1124 : vector<16xi32>
      %sub3A_1126 = arith.constant 1597463007 : i32
      %sub3A_1127 = vector.broadcast %sub3A_1126 : i32 to vector<16xi32>
      %sub3A_1128 = arith.subi %sub3A_1127, %shift_right_logical3A_1125 : vector<16xi32>
      %bitcast_convert_type3A_1129 = tpu.bitcast %sub3A_1128 : vector<16xi32> -> vector<16xf32>
      %mul3A_1130 = arith.constant 5.000000e-01 : f32
      %mul3A_1131 = vector.broadcast %mul3A_1130 : f32 to vector<16xf32>
      %mul3A_1132 = arith.mulf %add3A_1121, %mul3A_1131 : vector<16xf32>
      %mul3A_1133 = arith.mulf %mul3A_1132, %bitcast_convert_type3A_1129 : vector<16xf32>
      %mul3A_1134 = arith.mulf %mul3A_1133, %bitcast_convert_type3A_1129 : vector<16xf32>
      %sub3A_1135 = arith.constant 1.500000e+00 : f32
      %sub3A_1136 = vector.broadcast %sub3A_1135 : f32 to vector<16xf32>
      %sub3A_1137 = arith.subf %sub3A_1136, %mul3A_1134 : vector<16xf32>
      %mul3A_1138 = arith.mulf %bitcast_convert_type3A_1129, %sub3A_1137 : vector<16xf32>
      %mul3A_1139 = arith.mulf %mul3A_1132, %mul3A_1138 : vector<16xf32>
      %mul3A_1140 = arith.mulf %mul3A_1139, %mul3A_1138 : vector<16xf32>
      %sub3A_1141 = arith.constant 1.500000e+00 : f32
      %sub3A_1142 = vector.broadcast %sub3A_1141 : f32 to vector<16xf32>
      %sub3A_1143 = arith.subf %sub3A_1142, %mul3A_1140 : vector<16xf32>
      %mul3A_1144 = arith.mulf %mul3A_1138, %sub3A_1143 : vector<16xf32>
      %mul3A_1145 = arith.mulf %mul3A_1132, %mul3A_1144 : vector<16xf32>
      %mul3A_1146 = arith.mulf %mul3A_1145, %mul3A_1144 : vector<16xf32>
      %sub3A_1147 = arith.constant 1.500000e+00 : f32
      %sub3A_1148 = vector.broadcast %sub3A_1147 : f32 to vector<16xf32>
      %sub3A_1149 = arith.subf %sub3A_1148, %mul3A_1146 : vector<16xf32>
      %mul3A_1150 = arith.mulf %mul3A_1144, %sub3A_1149 : vector<16xf32>
      %mul3A_1151 = arith.mulf %add3A_1121, %mul3A_1150 : vector<16xf32>
      %add3A_1152 = arith.constant 9.99999993E-9 : f32
      %add3A_1153 = vector.broadcast %add3A_1152 : f32 to vector<16xf32>
      %add3A_1154 = arith.addf %mul3A_1151, %add3A_1153 : vector<16xf32>
      %div3A_1155 = arith.constant 1.000000e+00 : f32
      %div3A_1156 = vector.broadcast %div3A_1155 : f32 to vector<16xf32>
      %div3A_1157 = arith.divf %div3A_1156, %add3A_1154 : vector<16xf32>
      %mul3A_1158 = arith.mulf %sub3A_1114, %div3A_1157 : vector<16xf32>
      %mul3A_1159 = arith.mulf %sub3A_1115, %div3A_1157 : vector<16xf32>
      %mul3A_1160 = arith.mulf %sub3A_1116, %div3A_1157 : vector<16xf32>
      %get3A_1161 = arith.constant 144 : index
      %get3A_1162 = tpu.vector_load %arg12[%get3A_1161] {strides = array<i32>} : memref<512xf32, #tpu.memory_space<vmem>>, vector<16xf32>,
      %get3A_1163 = arith.constant 144 : index
      %get3A_1164 = tpu.vector_load %arg13[%get3A_1163] {strides = array<i32>} : memref<512xf32, #tpu.memory_space<vmem>>, vector<16xf32>,
      %iota3A_1165 = tpu.iota {dimensions = array<i32: 0>} : vector<16xi32>
      %mul3A_1166 = arith.constant 5 : i32
      %mul3A_1167 = vector.broadcast %mul3A_1166 : i32 to vector<16xi32>
      %mul3A_1168 = arith.muli %iota3A_1165, %mul3A_1167 : vector<16xi32>
      %add3A_1169 = arith.constant 720 : i32
      %add3A_1170 = vector.broadcast %add3A_1169 : i32 to vector<16xi32>
      %add3A_1171 = arith.addi %mul3A_1168, %add3A_1170 : vector<16xi32>
      tpu.vector_store_idx %arg14[%add3A_1171], %get3A_1162 : memref<2560xf32, #tpu.memory_space<vmem>>[vector<16xi32>], vector<16xf32>,
      %add3A_1172 = arith.constant 1 : i32
      %add3A_1173 = vector.broadcast %add3A_1172 : i32 to vector<16xi32>
      %add3A_1174 = arith.addi %add3A_1171, %add3A_1173 : vector<16xi32>
      tpu.vector_store_idx %arg14[%add3A_1174], %mul3A_1158 : memref<2560xf32, #tpu.memory_space<vmem>>[vector<16xi32>], vector<16xf32>,
      %add3A_1175 = arith.constant 2 : i32
      %add3A_1176 = vector.broadcast %add3A_1175 : i32 to vector<16xi32>
      %add3A_1177 = arith.addi %add3A_1171, %add3A_1176 : vector<16xi32>
      tpu.vector_store_idx %arg14[%add3A_1177], %mul3A_1159 : memref<2560xf32, #tpu.memory_space<vmem>>[vector<16xi32>], vector<16xf32>,
      %add3A_1178 = arith.constant 3 : i32
      %add3A_1179 = vector.broadcast %add3A_1178 : i32 to vector<16xi32>
      %add3A_1180 = arith.addi %add3A_1171, %add3A_1179 : vector<16xi32>
      tpu.vector_store_idx %arg14[%add3A_1180], %mul3A_1160 : memref<2560xf32, #tpu.memory_space<vmem>>[vector<16xi32>], vector<16xf32>,
      %add3A_1181 = arith.constant 4 : i32
      %add3A_1182 = vector.broadcast %add3A_1181 : i32 to vector<16xi32>
      %add3A_1183 = arith.addi %add3A_1171, %add3A_1182 : vector<16xi32>
      tpu.vector_store_idx %arg14[%add3A_1183], %mul3A_1151 : memref<2560xf32, #tpu.memory_space<vmem>>[vector<16xi32>], vector<16xf32>,
      tpu.vector_store_idx %arg15[%add3A_1171], %get3A_1164 : memref<2560xf32, #tpu.memory_space<vmem>>[vector<16xi32>], vector<16xf32>,
      %add3A_1184 = arith.constant 1 : i32
      %add3A_1185 = vector.broadcast %add3A_1184 : i32 to vector<16xi32>
      %add3A_1186 = arith.addi %add3A_1171, %add3A_1185 : vector<16xi32>
      tpu.vector_store_idx %arg15[%add3A_1186], %mul3A_1158 : memref<2560xf32, #tpu.memory_space<vmem>>[vector<16xi32>], vector<16xf32>,
      %add3A_1187 = arith.constant 2 : i32
      %add3A_1188 = vector.broadcast %add3A_1187 : i32 to vector<16xi32>
      %add3A_1189 = arith.addi %add3A_1171, %add3A_1188 : vector<16xi32>
      tpu.vector_store_idx %arg15[%add3A_1189], %mul3A_1159 : memref<2560xf32, #tpu.memory_space<vmem>>[vector<16xi32>], vector<16xf32>,
      %add3A_1190 = arith.constant 3 : i32
      %add3A_1191 = vector.broadcast %add3A_1190 : i32 to vector<16xi32>
      %add3A_1192 = arith.addi %add3A_1171, %add3A_1191 : vector<16xi32>
      tpu.vector_store_idx %arg15[%add3A_1192], %mul3A_1160 : memref<2560xf32, #tpu.memory_space<vmem>>[vector<16xi32>], vector<16xf32>,
      %add3A_1193 = arith.constant 4 : i32
      %add3A_1194 = vector.broadcast %add3A_1193 : i32 to vector<16xi32>
      %add3A_1195 = arith.addi %add3A_1171, %add3A_1194 : vector<16xi32>
      tpu.vector_store_idx %arg15[%add3A_1195], %mul3A_1151 : memref<2560xf32, #tpu.memory_space<vmem>>[vector<16xi32>], vector<16xf32>,
      %add3A_1196 = arith.addi %get3A_1085, %add3A_5 : vector<16xi32>
      %swap3A_1197 = arith.constant 144 : index
      %swap3A_1198 = tpu.vector_load %arg16[%swap3A_1197] {strides = array<i32>} : memref<512xi32, #tpu.memory_space<vmem>>, vector<16xi32>,
      tpu.vector_store %arg16[%swap3A_1197], %add3A_1196 {strides = array<i32>} : memref<512xi32, #tpu.memory_space<vmem>>, vector<16xi32>,
      %add3A_1199 = arith.addi %get3A_1085, %add3A_8 : vector<16xi32>
      %swap3A_1200 = arith.constant 144 : index
      %swap3A_1201 = tpu.vector_load %arg17[%swap3A_1200] {strides = array<i32>} : memref<512xi32, #tpu.memory_space<vmem>>, vector<16xi32>,
      tpu.vector_store %arg17[%swap3A_1200], %add3A_1199 {strides = array<i32>} : memref<512xi32, #tpu.memory_space<vmem>>, vector<16xi32>,
      %get3A_1202 = arith.constant 160 : index
      %get3A_1203 = tpu.vector_load %arg10[%get3A_1202] {strides = array<i32>} : memref<512xi32, #tpu.memory_space<vmem>>, vector<16xi32>,
      %mul3A_1204 = arith.constant 3 : i32
      %mul3A_1205 = vector.broadcast %mul3A_1204 : i32 to vector<16xi32>
      %mul3A_1206 = arith.muli %get3A_1203, %mul3A_1205 : vector<16xi32>
      %gather3A_1207 = tpu.vector_load_idx %arg9[%mul3A_1206] : memref<98304xf32, #tpu.memory_space<vmem>>[vector<16xi32>], vector<16xf32>,
      %add3A_1208 = arith.constant 1 : i32
      %add3A_1209 = vector.broadcast %add3A_1208 : i32 to vector<16xi32>
      %add3A_1210 = arith.addi %mul3A_1206, %add3A_1209 : vector<16xi32>
      %gather3A_1211 = tpu.vector_load_idx %arg9[%add3A_1210] : memref<98304xf32, #tpu.memory_space<vmem>>[vector<16xi32>], vector<16xf32>,
      %add3A_1212 = arith.constant 2 : i32
      %add3A_1213 = vector.broadcast %add3A_1212 : i32 to vector<16xi32>
      %add3A_1214 = arith.addi %mul3A_1206, %add3A_1213 : vector<16xi32>
      %gather3A_1215 = tpu.vector_load_idx %arg9[%add3A_1214] : memref<98304xf32, #tpu.memory_space<vmem>>[vector<16xi32>], vector<16xf32>,
      %iota3A_1216 = tpu.iota {dimensions = array<i32: 0>} : vector<16xi32>
      %mul3A_1217 = arith.constant 3 : i32
      %mul3A_1218 = vector.broadcast %mul3A_1217 : i32 to vector<16xi32>
      %mul3A_1219 = arith.muli %iota3A_1216, %mul3A_1218 : vector<16xi32>
      %add3A_1220 = arith.constant 480 : i32
      %add3A_1221 = vector.broadcast %add3A_1220 : i32 to vector<16xi32>
      %add3A_1222 = arith.addi %mul3A_1219, %add3A_1221 : vector<16xi32>
      %gather3A_1223 = tpu.vector_load_idx %arg11[%add3A_1222] : memref<1536xf32, #tpu.memory_space<vmem>>[vector<16xi32>], vector<16xf32>,
      %add3A_1224 = arith.constant 1 : i32
      %add3A_1225 = vector.broadcast %add3A_1224 : i32 to vector<16xi32>
      %add3A_1226 = arith.addi %add3A_1222, %add3A_1225 : vector<16xi32>
      %gather3A_1227 = tpu.vector_load_idx %arg11[%add3A_1226] : memref<1536xf32, #tpu.memory_space<vmem>>[vector<16xi32>], vector<16xf32>,
      %add3A_1228 = arith.constant 2 : i32
      %add3A_1229 = vector.broadcast %add3A_1228 : i32 to vector<16xi32>
      %add3A_1230 = arith.addi %add3A_1222, %add3A_1229 : vector<16xi32>
      %gather3A_1231 = tpu.vector_load_idx %arg11[%add3A_1230] : memref<1536xf32, #tpu.memory_space<vmem>>[vector<16xi32>], vector<16xf32>,
      %sub3A_1232 = arith.subf %gather3A_1223, %gather3A_1207 : vector<16xf32>
      %sub3A_1233 = arith.subf %gather3A_1227, %gather3A_1211 : vector<16xf32>
      %sub3A_1234 = arith.subf %gather3A_1231, %gather3A_1215 : vector<16xf32>
      %mul3A_1235 = arith.mulf %sub3A_1232, %sub3A_1232 : vector<16xf32>
      %mul3A_1236 = arith.mulf %sub3A_1233, %sub3A_1233 : vector<16xf32>
      %add3A_1237 = arith.addf %mul3A_1235, %mul3A_1236 : vector<16xf32>
      %mul3A_1238 = arith.mulf %sub3A_1234, %sub3A_1234 : vector<16xf32>
      %add3A_1239 = arith.addf %add3A_1237, %mul3A_1238 : vector<16xf32>
      %bitcast_convert_type3A_1240 = tpu.bitcast %add3A_1239 : vector<16xf32> -> vector<16xi32>
      %shift_right_logical3A_1241 = arith.constant 1 : i32
      %shift_right_logical3A_1242 = vector.broadcast %shift_right_logical3A_1241 : i32 to vector<16xi32>
      %shift_right_logical3A_1243 = arith.shrui %bitcast_convert_type3A_1240, %shift_right_logical3A_1242 : vector<16xi32>
      %sub3A_1244 = arith.constant 1597463007 : i32
      %sub3A_1245 = vector.broadcast %sub3A_1244 : i32 to vector<16xi32>
      %sub3A_1246 = arith.subi %sub3A_1245, %shift_right_logical3A_1243 : vector<16xi32>
      %bitcast_convert_type3A_1247 = tpu.bitcast %sub3A_1246 : vector<16xi32> -> vector<16xf32>
      %mul3A_1248 = arith.constant 5.000000e-01 : f32
      %mul3A_1249 = vector.broadcast %mul3A_1248 : f32 to vector<16xf32>
      %mul3A_1250 = arith.mulf %add3A_1239, %mul3A_1249 : vector<16xf32>
      %mul3A_1251 = arith.mulf %mul3A_1250, %bitcast_convert_type3A_1247 : vector<16xf32>
      %mul3A_1252 = arith.mulf %mul3A_1251, %bitcast_convert_type3A_1247 : vector<16xf32>
      %sub3A_1253 = arith.constant 1.500000e+00 : f32
      %sub3A_1254 = vector.broadcast %sub3A_1253 : f32 to vector<16xf32>
      %sub3A_1255 = arith.subf %sub3A_1254, %mul3A_1252 : vector<16xf32>
      %mul3A_1256 = arith.mulf %bitcast_convert_type3A_1247, %sub3A_1255 : vector<16xf32>
      %mul3A_1257 = arith.mulf %mul3A_1250, %mul3A_1256 : vector<16xf32>
      %mul3A_1258 = arith.mulf %mul3A_1257, %mul3A_1256 : vector<16xf32>
      %sub3A_1259 = arith.constant 1.500000e+00 : f32
      %sub3A_1260 = vector.broadcast %sub3A_1259 : f32 to vector<16xf32>
      %sub3A_1261 = arith.subf %sub3A_1260, %mul3A_1258 : vector<16xf32>
      %mul3A_1262 = arith.mulf %mul3A_1256, %sub3A_1261 : vector<16xf32>
      %mul3A_1263 = arith.mulf %mul3A_1250, %mul3A_1262 : vector<16xf32>
      %mul3A_1264 = arith.mulf %mul3A_1263, %mul3A_1262 : vector<16xf32>
      %sub3A_1265 = arith.constant 1.500000e+00 : f32
      %sub3A_1266 = vector.broadcast %sub3A_1265 : f32 to vector<16xf32>
      %sub3A_1267 = arith.subf %sub3A_1266, %mul3A_1264 : vector<16xf32>
      %mul3A_1268 = arith.mulf %mul3A_1262, %sub3A_1267 : vector<16xf32>
      %mul3A_1269 = arith.mulf %add3A_1239, %mul3A_1268 : vector<16xf32>
      %add3A_1270 = arith.constant 9.99999993E-9 : f32
      %add3A_1271 = vector.broadcast %add3A_1270 : f32 to vector<16xf32>
      %add3A_1272 = arith.addf %mul3A_1269, %add3A_1271 : vector<16xf32>
      %div3A_1273 = arith.constant 1.000000e+00 : f32
      %div3A_1274 = vector.broadcast %div3A_1273 : f32 to vector<16xf32>
      %div3A_1275 = arith.divf %div3A_1274, %add3A_1272 : vector<16xf32>
      %mul3A_1276 = arith.mulf %sub3A_1232, %div3A_1275 : vector<16xf32>
      %mul3A_1277 = arith.mulf %sub3A_1233, %div3A_1275 : vector<16xf32>
      %mul3A_1278 = arith.mulf %sub3A_1234, %div3A_1275 : vector<16xf32>
      %get3A_1279 = arith.constant 160 : index
      %get3A_1280 = tpu.vector_load %arg12[%get3A_1279] {strides = array<i32>} : memref<512xf32, #tpu.memory_space<vmem>>, vector<16xf32>,
      %get3A_1281 = arith.constant 160 : index
      %get3A_1282 = tpu.vector_load %arg13[%get3A_1281] {strides = array<i32>} : memref<512xf32, #tpu.memory_space<vmem>>, vector<16xf32>,
      %iota3A_1283 = tpu.iota {dimensions = array<i32: 0>} : vector<16xi32>
      %mul3A_1284 = arith.constant 5 : i32
      %mul3A_1285 = vector.broadcast %mul3A_1284 : i32 to vector<16xi32>
      %mul3A_1286 = arith.muli %iota3A_1283, %mul3A_1285 : vector<16xi32>
      %add3A_1287 = arith.constant 800 : i32
      %add3A_1288 = vector.broadcast %add3A_1287 : i32 to vector<16xi32>
      %add3A_1289 = arith.addi %mul3A_1286, %add3A_1288 : vector<16xi32>
      tpu.vector_store_idx %arg14[%add3A_1289], %get3A_1280 : memref<2560xf32, #tpu.memory_space<vmem>>[vector<16xi32>], vector<16xf32>,
      %add3A_1290 = arith.constant 1 : i32
      %add3A_1291 = vector.broadcast %add3A_1290 : i32 to vector<16xi32>
      %add3A_1292 = arith.addi %add3A_1289, %add3A_1291 : vector<16xi32>
      tpu.vector_store_idx %arg14[%add3A_1292], %mul3A_1276 : memref<2560xf32, #tpu.memory_space<vmem>>[vector<16xi32>], vector<16xf32>,
      %add3A_1293 = arith.constant 2 : i32
      %add3A_1294 = vector.broadcast %add3A_1293 : i32 to vector<16xi32>
      %add3A_1295 = arith.addi %add3A_1289, %add3A_1294 : vector<16xi32>
      tpu.vector_store_idx %arg14[%add3A_1295], %mul3A_1277 : memref<2560xf32, #tpu.memory_space<vmem>>[vector<16xi32>], vector<16xf32>,
      %add3A_1296 = arith.constant 3 : i32
      %add3A_1297 = vector.broadcast %add3A_1296 : i32 to vector<16xi32>
      %add3A_1298 = arith.addi %add3A_1289, %add3A_1297 : vector<16xi32>
      tpu.vector_store_idx %arg14[%add3A_1298], %mul3A_1278 : memref<2560xf32, #tpu.memory_space<vmem>>[vector<16xi32>], vector<16xf32>,
      %add3A_1299 = arith.constant 4 : i32
      %add3A_1300 = vector.broadcast %add3A_1299 : i32 to vector<16xi32>
      %add3A_1301 = arith.addi %add3A_1289, %add3A_1300 : vector<16xi32>
      tpu.vector_store_idx %arg14[%add3A_1301], %mul3A_1269 : memref<2560xf32, #tpu.memory_space<vmem>>[vector<16xi32>], vector<16xf32>,
      tpu.vector_store_idx %arg15[%add3A_1289], %get3A_1282 : memref<2560xf32, #tpu.memory_space<vmem>>[vector<16xi32>], vector<16xf32>,
      %add3A_1302 = arith.constant 1 : i32
      %add3A_1303 = vector.broadcast %add3A_1302 : i32 to vector<16xi32>
      %add3A_1304 = arith.addi %add3A_1289, %add3A_1303 : vector<16xi32>
      tpu.vector_store_idx %arg15[%add3A_1304], %mul3A_1276 : memref<2560xf32, #tpu.memory_space<vmem>>[vector<16xi32>], vector<16xf32>,
      %add3A_1305 = arith.constant 2 : i32
      %add3A_1306 = vector.broadcast %add3A_1305 : i32 to vector<16xi32>
      %add3A_1307 = arith.addi %add3A_1289, %add3A_1306 : vector<16xi32>
      tpu.vector_store_idx %arg15[%add3A_1307], %mul3A_1277 : memref<2560xf32, #tpu.memory_space<vmem>>[vector<16xi32>], vector<16xf32>,
      %add3A_1308 = arith.constant 3 : i32
      %add3A_1309 = vector.broadcast %add3A_1308 : i32 to vector<16xi32>
      %add3A_1310 = arith.addi %add3A_1289, %add3A_1309 : vector<16xi32>
      tpu.vector_store_idx %arg15[%add3A_1310], %mul3A_1278 : memref<2560xf32, #tpu.memory_space<vmem>>[vector<16xi32>], vector<16xf32>,
      %add3A_1311 = arith.constant 4 : i32
      %add3A_1312 = vector.broadcast %add3A_1311 : i32 to vector<16xi32>
      %add3A_1313 = arith.addi %add3A_1289, %add3A_1312 : vector<16xi32>
      tpu.vector_store_idx %arg15[%add3A_1313], %mul3A_1269 : memref<2560xf32, #tpu.memory_space<vmem>>[vector<16xi32>], vector<16xf32>,
      %add3A_1314 = arith.addi %get3A_1203, %add3A_5 : vector<16xi32>
      %swap3A_1315 = arith.constant 160 : index
      %swap3A_1316 = tpu.vector_load %arg16[%swap3A_1315] {strides = array<i32>} : memref<512xi32, #tpu.memory_space<vmem>>, vector<16xi32>,
      tpu.vector_store %arg16[%swap3A_1315], %add3A_1314 {strides = array<i32>} : memref<512xi32, #tpu.memory_space<vmem>>, vector<16xi32>,
      %add3A_1317 = arith.addi %get3A_1203, %add3A_8 : vector<16xi32>
      %swap3A_1318 = arith.constant 160 : index
      %swap3A_1319 = tpu.vector_load %arg17[%swap3A_1318] {strides = array<i32>} : memref<512xi32, #tpu.memory_space<vmem>>, vector<16xi32>,
      tpu.vector_store %arg17[%swap3A_1318], %add3A_1317 {strides = array<i32>} : memref<512xi32, #tpu.memory_space<vmem>>, vector<16xi32>,
      %get3A_1320 = arith.constant 176 : index
      %get3A_1321 = tpu.vector_load %arg10[%get3A_1320] {strides = array<i32>} : memref<512xi32, #tpu.memory_space<vmem>>, vector<16xi32>,
      %mul3A_1322 = arith.constant 3 : i32
      %mul3A_1323 = vector.broadcast %mul3A_1322 : i32 to vector<16xi32>
      %mul3A_1324 = arith.muli %get3A_1321, %mul3A_1323 : vector<16xi32>
      %gather3A_1325 = tpu.vector_load_idx %arg9[%mul3A_1324] : memref<98304xf32, #tpu.memory_space<vmem>>[vector<16xi32>], vector<16xf32>,
      %add3A_1326 = arith.constant 1 : i32
      %add3A_1327 = vector.broadcast %add3A_1326 : i32 to vector<16xi32>
      %add3A_1328 = arith.addi %mul3A_1324, %add3A_1327 : vector<16xi32>
      %gather3A_1329 = tpu.vector_load_idx %arg9[%add3A_1328] : memref<98304xf32, #tpu.memory_space<vmem>>[vector<16xi32>], vector<16xf32>,
      %add3A_1330 = arith.constant 2 : i32
      %add3A_1331 = vector.broadcast %add3A_1330 : i32 to vector<16xi32>
      %add3A_1332 = arith.addi %mul3A_1324, %add3A_1331 : vector<16xi32>
      %gather3A_1333 = tpu.vector_load_idx %arg9[%add3A_1332] : memref<98304xf32, #tpu.memory_space<vmem>>[vector<16xi32>], vector<16xf32>,
      %iota3A_1334 = tpu.iota {dimensions = array<i32: 0>} : vector<16xi32>
      %mul3A_1335 = arith.constant 3 : i32
      %mul3A_1336 = vector.broadcast %mul3A_1335 : i32 to vector<16xi32>
      %mul3A_1337 = arith.muli %iota3A_1334, %mul3A_1336 : vector<16xi32>
      %add3A_1338 = arith.constant 528 : i32
      %add3A_1339 = vector.broadcast %add3A_1338 : i32 to vector<16xi32>
      %add3A_1340 = arith.addi %mul3A_1337, %add3A_1339 : vector<16xi32>
      %gather3A_1341 = tpu.vector_load_idx %arg11[%add3A_1340] : memref<1536xf32, #tpu.memory_space<vmem>>[vector<16xi32>], vector<16xf32>,
      %add3A_1342 = arith.constant 1 : i32
      %add3A_1343 = vector.broadcast %add3A_1342 : i32 to vector<16xi32>
      %add3A_1344 = arith.addi %add3A_1340, %add3A_1343 : vector<16xi32>
      %gather3A_1345 = tpu.vector_load_idx %arg11[%add3A_1344] : memref<1536xf32, #tpu.memory_space<vmem>>[vector<16xi32>], vector<16xf32>,
      %add3A_1346 = arith.constant 2 : i32
      %add3A_1347 = vector.broadcast %add3A_1346 : i32 to vector<16xi32>
      %add3A_1348 = arith.addi %add3A_1340, %add3A_1347 : vector<16xi32>
      %gather3A_1349 = tpu.vector_load_idx %arg11[%add3A_1348] : memref<1536xf32, #tpu.memory_space<vmem>>[vector<16xi32>], vector<16xf32>,
      %sub3A_1350 = arith.subf %gather3A_1341, %gather3A_1325 : vector<16xf32>
      %sub3A_1351 = arith.subf %gather3A_1345, %gather3A_1329 : vector<16xf32>
      %sub3A_1352 = arith.subf %gather3A_1349, %gather3A_1333 : vector<16xf32>
      %mul3A_1353 = arith.mulf %sub3A_1350, %sub3A_1350 : vector<16xf32>
      %mul3A_1354 = arith.mulf %sub3A_1351, %sub3A_1351 : vector<16xf32>
      %add3A_1355 = arith.addf %mul3A_1353, %mul3A_1354 : vector<16xf32>
      %mul3A_1356 = arith.mulf %sub3A_1352, %sub3A_1352 : vector<16xf32>
      %add3A_1357 = arith.addf %add3A_1355, %mul3A_1356 : vector<16xf32>
      %bitcast_convert_type3A_1358 = tpu.bitcast %add3A_1357 : vector<16xf32> -> vector<16xi32>
      %shift_right_logical3A_1359 = arith.constant 1 : i32
      %shift_right_logical3A_1360 = vector.broadcast %shift_right_logical3A_1359 : i32 to vector<16xi32>
      %shift_right_logical3A_1361 = arith.shrui %bitcast_convert_type3A_1358, %shift_right_logical3A_1360 : vector<16xi32>
      %sub3A_1362 = arith.constant 1597463007 : i32
      %sub3A_1363 = vector.broadcast %sub3A_1362 : i32 to vector<16xi32>
      %sub3A_1364 = arith.subi %sub3A_1363, %shift_right_logical3A_1361 : vector<16xi32>
      %bitcast_convert_type3A_1365 = tpu.bitcast %sub3A_1364 : vector<16xi32> -> vector<16xf32>
      %mul3A_1366 = arith.constant 5.000000e-01 : f32
      %mul3A_1367 = vector.broadcast %mul3A_1366 : f32 to vector<16xf32>
      %mul3A_1368 = arith.mulf %add3A_1357, %mul3A_1367 : vector<16xf32>
      %mul3A_1369 = arith.mulf %mul3A_1368, %bitcast_convert_type3A_1365 : vector<16xf32>
      %mul3A_1370 = arith.mulf %mul3A_1369, %bitcast_convert_type3A_1365 : vector<16xf32>
      %sub3A_1371 = arith.constant 1.500000e+00 : f32
      %sub3A_1372 = vector.broadcast %sub3A_1371 : f32 to vector<16xf32>
      %sub3A_1373 = arith.subf %sub3A_1372, %mul3A_1370 : vector<16xf32>
      %mul3A_1374 = arith.mulf %bitcast_convert_type3A_1365, %sub3A_1373 : vector<16xf32>
      %mul3A_1375 = arith.mulf %mul3A_1368, %mul3A_1374 : vector<16xf32>
      %mul3A_1376 = arith.mulf %mul3A_1375, %mul3A_1374 : vector<16xf32>
      %sub3A_1377 = arith.constant 1.500000e+00 : f32
      %sub3A_1378 = vector.broadcast %sub3A_1377 : f32 to vector<16xf32>
      %sub3A_1379 = arith.subf %sub3A_1378, %mul3A_1376 : vector<16xf32>
      %mul3A_1380 = arith.mulf %mul3A_1374, %sub3A_1379 : vector<16xf32>
      %mul3A_1381 = arith.mulf %mul3A_1368, %mul3A_1380 : vector<16xf32>
      %mul3A_1382 = arith.mulf %mul3A_1381, %mul3A_1380 : vector<16xf32>
      %sub3A_1383 = arith.constant 1.500000e+00 : f32
      %sub3A_1384 = vector.broadcast %sub3A_1383 : f32 to vector<16xf32>
      %sub3A_1385 = arith.subf %sub3A_1384, %mul3A_1382 : vector<16xf32>
      %mul3A_1386 = arith.mulf %mul3A_1380, %sub3A_1385 : vector<16xf32>
      %mul3A_1387 = arith.mulf %add3A_1357, %mul3A_1386 : vector<16xf32>
      %add3A_1388 = arith.constant 9.99999993E-9 : f32
      %add3A_1389 = vector.broadcast %add3A_1388 : f32 to vector<16xf32>
      %add3A_1390 = arith.addf %mul3A_1387, %add3A_1389 : vector<16xf32>
      %div3A_1391 = arith.constant 1.000000e+00 : f32
      %div3A_1392 = vector.broadcast %div3A_1391 : f32 to vector<16xf32>
      %div3A_1393 = arith.divf %div3A_1392, %add3A_1390 : vector<16xf32>
      %mul3A_1394 = arith.mulf %sub3A_1350, %div3A_1393 : vector<16xf32>
      %mul3A_1395 = arith.mulf %sub3A_1351, %div3A_1393 : vector<16xf32>
      %mul3A_1396 = arith.mulf %sub3A_1352, %div3A_1393 : vector<16xf32>
      %get3A_1397 = arith.constant 176 : index
      %get3A_1398 = tpu.vector_load %arg12[%get3A_1397] {strides = array<i32>} : memref<512xf32, #tpu.memory_space<vmem>>, vector<16xf32>,
      %get3A_1399 = arith.constant 176 : index
      %get3A_1400 = tpu.vector_load %arg13[%get3A_1399] {strides = array<i32>} : memref<512xf32, #tpu.memory_space<vmem>>, vector<16xf32>,
      %iota3A_1401 = tpu.iota {dimensions = array<i32: 0>} : vector<16xi32>
      %mul3A_1402 = arith.constant 5 : i32
      %mul3A_1403 = vector.broadcast %mul3A_1402 : i32 to vector<16xi32>
      %mul3A_1404 = arith.muli %iota3A_1401, %mul3A_1403 : vector<16xi32>
      %add3A_1405 = arith.constant 880 : i32
      %add3A_1406 = vector.broadcast %add3A_1405 : i32 to vector<16xi32>
      %add3A_1407 = arith.addi %mul3A_1404, %add3A_1406 : vector<16xi32>
      tpu.vector_store_idx %arg14[%add3A_1407], %get3A_1398 : memref<2560xf32, #tpu.memory_space<vmem>>[vector<16xi32>], vector<16xf32>,
      %add3A_1408 = arith.constant 1 : i32
      %add3A_1409 = vector.broadcast %add3A_1408 : i32 to vector<16xi32>
      %add3A_1410 = arith.addi %add3A_1407, %add3A_1409 : vector<16xi32>
      tpu.vector_store_idx %arg14[%add3A_1410], %mul3A_1394 : memref<2560xf32, #tpu.memory_space<vmem>>[vector<16xi32>], vector<16xf32>,
      %add3A_1411 = arith.constant 2 : i32
      %add3A_1412 = vector.broadcast %add3A_1411 : i32 to vector<16xi32>
      %add3A_1413 = arith.addi %add3A_1407, %add3A_1412 : vector<16xi32>
      tpu.vector_store_idx %arg14[%add3A_1413], %mul3A_1395 : memref<2560xf32, #tpu.memory_space<vmem>>[vector<16xi32>], vector<16xf32>,
      %add3A_1414 = arith.constant 3 : i32
      %add3A_1415 = vector.broadcast %add3A_1414 : i32 to vector<16xi32>
      %add3A_1416 = arith.addi %add3A_1407, %add3A_1415 : vector<16xi32>
      tpu.vector_store_idx %arg14[%add3A_1416], %mul3A_1396 : memref<2560xf32, #tpu.memory_space<vmem>>[vector<16xi32>], vector<16xf32>,
      %add3A_1417 = arith.constant 4 : i32
      %add3A_1418 = vector.broadcast %add3A_1417 : i32 to vector<16xi32>
      %add3A_1419 = arith.addi %add3A_1407, %add3A_1418 : vector<16xi32>
      tpu.vector_store_idx %arg14[%add3A_1419], %mul3A_1387 : memref<2560xf32, #tpu.memory_space<vmem>>[vector<16xi32>], vector<16xf32>,
      tpu.vector_store_idx %arg15[%add3A_1407], %get3A_1400 : memref<2560xf32, #tpu.memory_space<vmem>>[vector<16xi32>], vector<16xf32>,
      %add3A_1420 = arith.constant 1 : i32
      %add3A_1421 = vector.broadcast %add3A_1420 : i32 to vector<16xi32>
      %add3A_1422 = arith.addi %add3A_1407, %add3A_1421 : vector<16xi32>
      tpu.vector_store_idx %arg15[%add3A_1422], %mul3A_1394 : memref<2560xf32, #tpu.memory_space<vmem>>[vector<16xi32>], vector<16xf32>,
      %add3A_1423 = arith.constant 2 : i32
      %add3A_1424 = vector.broadcast %add3A_1423 : i32 to vector<16xi32>
      %add3A_1425 = arith.addi %add3A_1407, %add3A_1424 : vector<16xi32>
      tpu.vector_store_idx %arg15[%add3A_1425], %mul3A_1395 : memref<2560xf32, #tpu.memory_space<vmem>>[vector<16xi32>], vector<16xf32>,
      %add3A_1426 = arith.constant 3 : i32
      %add3A_1427 = vector.broadcast %add3A_1426 : i32 to vector<16xi32>
      %add3A_1428 = arith.addi %add3A_1407, %add3A_1427 : vector<16xi32>
      tpu.vector_store_idx %arg15[%add3A_1428], %mul3A_1396 : memref<2560xf32, #tpu.memory_space<vmem>>[vector<16xi32>], vector<16xf32>,
      %add3A_1429 = arith.constant 4 : i32
      %add3A_1430 = vector.broadcast %add3A_1429 : i32 to vector<16xi32>
      %add3A_1431 = arith.addi %add3A_1407, %add3A_1430 : vector<16xi32>
      tpu.vector_store_idx %arg15[%add3A_1431], %mul3A_1387 : memref<2560xf32, #tpu.memory_space<vmem>>[vector<16xi32>], vector<16xf32>,
      %add3A_1432 = arith.addi %get3A_1321, %add3A_5 : vector<16xi32>
      %swap3A_1433 = arith.constant 176 : index
      %swap3A_1434 = tpu.vector_load %arg16[%swap3A_1433] {strides = array<i32>} : memref<512xi32, #tpu.memory_space<vmem>>, vector<16xi32>,
      tpu.vector_store %arg16[%swap3A_1433], %add3A_1432 {strides = array<i32>} : memref<512xi32, #tpu.memory_space<vmem>>, vector<16xi32>,
      %add3A_1435 = arith.addi %get3A_1321, %add3A_8 : vector<16xi32>
      %swap3A_1436 = arith.constant 176 : index
      %swap3A_1437 = tpu.vector_load %arg17[%swap3A_1436] {strides = array<i32>} : memref<512xi32, #tpu.memory_space<vmem>>, vector<16xi32>,
      tpu.vector_store %arg17[%swap3A_1436], %add3A_1435 {strides = array<i32>} : memref<512xi32, #tpu.memory_space<vmem>>, vector<16xi32>,
      %get3A_1438 = arith.constant 192 : index
      %get3A_1439 = tpu.vector_load %arg10[%get3A_1438] {strides = array<i32>} : memref<512xi32, #tpu.memory_space<vmem>>, vector<16xi32>,
      %mul3A_1440 = arith.constant 3 : i32
      %mul3A_1441 = vector.broadcast %mul3A_1440 : i32 to vector<16xi32>
      %mul3A_1442 = arith.muli %get3A_1439, %mul3A_1441 : vector<16xi32>
      %gather3A_1443 = tpu.vector_load_idx %arg9[%mul3A_1442] : memref<98304xf32, #tpu.memory_space<vmem>>[vector<16xi32>], vector<16xf32>,
      %add3A_1444 = arith.constant 1 : i32
      %add3A_1445 = vector.broadcast %add3A_1444 : i32 to vector<16xi32>
      %add3A_1446 = arith.addi %mul3A_1442, %add3A_1445 : vector<16xi32>
      %gather3A_1447 = tpu.vector_load_idx %arg9[%add3A_1446] : memref<98304xf32, #tpu.memory_space<vmem>>[vector<16xi32>], vector<16xf32>,
      %add3A_1448 = arith.constant 2 : i32
      %add3A_1449 = vector.broadcast %add3A_1448 : i32 to vector<16xi32>
      %add3A_1450 = arith.addi %mul3A_1442, %add3A_1449 : vector<16xi32>
      %gather3A_1451 = tpu.vector_load_idx %arg9[%add3A_1450] : memref<98304xf32, #tpu.memory_space<vmem>>[vector<16xi32>], vector<16xf32>,
      %iota3A_1452 = tpu.iota {dimensions = array<i32: 0>} : vector<16xi32>
      %mul3A_1453 = arith.constant 3 : i32
      %mul3A_1454 = vector.broadcast %mul3A_1453 : i32 to vector<16xi32>
      %mul3A_1455 = arith.muli %iota3A_1452, %mul3A_1454 : vector<16xi32>
      %add3A_1456 = arith.constant 576 : i32
      %add3A_1457 = vector.broadcast %add3A_1456 : i32 to vector<16xi32>
      %add3A_1458 = arith.addi %mul3A_1455, %add3A_1457 : vector<16xi32>
      %gather3A_1459 = tpu.vector_load_idx %arg11[%add3A_1458] : memref<1536xf32, #tpu.memory_space<vmem>>[vector<16xi32>], vector<16xf32>,
      %add3A_1460 = arith.constant 1 : i32
      %add3A_1461 = vector.broadcast %add3A_1460 : i32 to vector<16xi32>
      %add3A_1462 = arith.addi %add3A_1458, %add3A_1461 : vector<16xi32>
      %gather3A_1463 = tpu.vector_load_idx %arg11[%add3A_1462] : memref<1536xf32, #tpu.memory_space<vmem>>[vector<16xi32>], vector<16xf32>,
      %add3A_1464 = arith.constant 2 : i32
      %add3A_1465 = vector.broadcast %add3A_1464 : i32 to vector<16xi32>
      %add3A_1466 = arith.addi %add3A_1458, %add3A_1465 : vector<16xi32>
      %gather3A_1467 = tpu.vector_load_idx %arg11[%add3A_1466] : memref<1536xf32, #tpu.memory_space<vmem>>[vector<16xi32>], vector<16xf32>,
      %sub3A_1468 = arith.subf %gather3A_1459, %gather3A_1443 : vector<16xf32>
      %sub3A_1469 = arith.subf %gather3A_1463, %gather3A_1447 : vector<16xf32>
      %sub3A_1470 = arith.subf %gather3A_1467, %gather3A_1451 : vector<16xf32>
      %mul3A_1471 = arith.mulf %sub3A_1468, %sub3A_1468 : vector<16xf32>
      %mul3A_1472 = arith.mulf %sub3A_1469, %sub3A_1469 : vector<16xf32>
      %add3A_1473 = arith.addf %mul3A_1471, %mul3A_1472 : vector<16xf32>
      %mul3A_1474 = arith.mulf %sub3A_1470, %sub3A_1470 : vector<16xf32>
      %add3A_1475 = arith.addf %add3A_1473, %mul3A_1474 : vector<16xf32>
      %bitcast_convert_type3A_1476 = tpu.bitcast %add3A_1475 : vector<16xf32> -> vector<16xi32>
      %shift_right_logical3A_1477 = arith.constant 1 : i32
      %shift_right_logical3A_1478 = vector.broadcast %shift_right_logical3A_1477 : i32 to vector<16xi32>
      %shift_right_logical3A_1479 = arith.shrui %bitcast_convert_type3A_1476, %shift_right_logical3A_1478 : vector<16xi32>
      %sub3A_1480 = arith.constant 1597463007 : i32
      %sub3A_1481 = vector.broadcast %sub3A_1480 : i32 to vector<16xi32>
      %sub3A_1482 = arith.subi %sub3A_1481, %shift_right_logical3A_1479 : vector<16xi32>
      %bitcast_convert_type3A_1483 = tpu.bitcast %sub3A_1482 : vector<16xi32> -> vector<16xf32>
      %mul3A_1484 = arith.constant 5.000000e-01 : f32
      %mul3A_1485 = vector.broadcast %mul3A_1484 : f32 to vector<16xf32>
      %mul3A_1486 = arith.mulf %add3A_1475, %mul3A_1485 : vector<16xf32>
      %mul3A_1487 = arith.mulf %mul3A_1486, %bitcast_convert_type3A_1483 : vector<16xf32>
      %mul3A_1488 = arith.mulf %mul3A_1487, %bitcast_convert_type3A_1483 : vector<16xf32>
      %sub3A_1489 = arith.constant 1.500000e+00 : f32
      %sub3A_1490 = vector.broadcast %sub3A_1489 : f32 to vector<16xf32>
      %sub3A_1491 = arith.subf %sub3A_1490, %mul3A_1488 : vector<16xf32>
      %mul3A_1492 = arith.mulf %bitcast_convert_type3A_1483, %sub3A_1491 : vector<16xf32>
      %mul3A_1493 = arith.mulf %mul3A_1486, %mul3A_1492 : vector<16xf32>
      %mul3A_1494 = arith.mulf %mul3A_1493, %mul3A_1492 : vector<16xf32>
      %sub3A_1495 = arith.constant 1.500000e+00 : f32
      %sub3A_1496 = vector.broadcast %sub3A_1495 : f32 to vector<16xf32>
      %sub3A_1497 = arith.subf %sub3A_1496, %mul3A_1494 : vector<16xf32>
      %mul3A_1498 = arith.mulf %mul3A_1492, %sub3A_1497 : vector<16xf32>
      %mul3A_1499 = arith.mulf %mul3A_1486, %mul3A_1498 : vector<16xf32>
      %mul3A_1500 = arith.mulf %mul3A_1499, %mul3A_1498 : vector<16xf32>
      %sub3A_1501 = arith.constant 1.500000e+00 : f32
      %sub3A_1502 = vector.broadcast %sub3A_1501 : f32 to vector<16xf32>
      %sub3A_1503 = arith.subf %sub3A_1502, %mul3A_1500 : vector<16xf32>
      %mul3A_1504 = arith.mulf %mul3A_1498, %sub3A_1503 : vector<16xf32>
      %mul3A_1505 = arith.mulf %add3A_1475, %mul3A_1504 : vector<16xf32>
      %add3A_1506 = arith.constant 9.99999993E-9 : f32
      %add3A_1507 = vector.broadcast %add3A_1506 : f32 to vector<16xf32>
      %add3A_1508 = arith.addf %mul3A_1505, %add3A_1507 : vector<16xf32>
      %div3A_1509 = arith.constant 1.000000e+00 : f32
      %div3A_1510 = vector.broadcast %div3A_1509 : f32 to vector<16xf32>
      %div3A_1511 = arith.divf %div3A_1510, %add3A_1508 : vector<16xf32>
      %mul3A_1512 = arith.mulf %sub3A_1468, %div3A_1511 : vector<16xf32>
      %mul3A_1513 = arith.mulf %sub3A_1469, %div3A_1511 : vector<16xf32>
      %mul3A_1514 = arith.mulf %sub3A_1470, %div3A_1511 : vector<16xf32>
      %get3A_1515 = arith.constant 192 : index
      %get3A_1516 = tpu.vector_load %arg12[%get3A_1515] {strides = array<i32>} : memref<512xf32, #tpu.memory_space<vmem>>, vector<16xf32>,
      %get3A_1517 = arith.constant 192 : index
      %get3A_1518 = tpu.vector_load %arg13[%get3A_1517] {strides = array<i32>} : memref<512xf32, #tpu.memory_space<vmem>>, vector<16xf32>,
      %iota3A_1519 = tpu.iota {dimensions = array<i32: 0>} : vector<16xi32>
      %mul3A_1520 = arith.constant 5 : i32
      %mul3A_1521 = vector.broadcast %mul3A_1520 : i32 to vector<16xi32>
      %mul3A_1522 = arith.muli %iota3A_1519, %mul3A_1521 : vector<16xi32>
      %add3A_1523 = arith.constant 960 : i32
      %add3A_1524 = vector.broadcast %add3A_1523 : i32 to vector<16xi32>
      %add3A_1525 = arith.addi %mul3A_1522, %add3A_1524 : vector<16xi32>
      tpu.vector_store_idx %arg14[%add3A_1525], %get3A_1516 : memref<2560xf32, #tpu.memory_space<vmem>>[vector<16xi32>], vector<16xf32>,
      %add3A_1526 = arith.constant 1 : i32
      %add3A_1527 = vector.broadcast %add3A_1526 : i32 to vector<16xi32>
      %add3A_1528 = arith.addi %add3A_1525, %add3A_1527 : vector<16xi32>
      tpu.vector_store_idx %arg14[%add3A_1528], %mul3A_1512 : memref<2560xf32, #tpu.memory_space<vmem>>[vector<16xi32>], vector<16xf32>,
      %add3A_1529 = arith.constant 2 : i32
      %add3A_1530 = vector.broadcast %add3A_1529 : i32 to vector<16xi32>
      %add3A_1531 = arith.addi %add3A_1525, %add3A_1530 : vector<16xi32>
      tpu.vector_store_idx %arg14[%add3A_1531], %mul3A_1513 : memref<2560xf32, #tpu.memory_space<vmem>>[vector<16xi32>], vector<16xf32>,
      %add3A_1532 = arith.constant 3 : i32
      %add3A_1533 = vector.broadcast %add3A_1532 : i32 to vector<16xi32>
      %add3A_1534 = arith.addi %add3A_1525, %add3A_1533 : vector<16xi32>
      tpu.vector_store_idx %arg14[%add3A_1534], %mul3A_1514 : memref<2560xf32, #tpu.memory_space<vmem>>[vector<16xi32>], vector<16xf32>,
      %add3A_1535 = arith.constant 4 : i32
      %add3A_1536 = vector.broadcast %add3A_1535 : i32 to vector<16xi32>
      %add3A_1537 = arith.addi %add3A_1525, %add3A_1536 : vector<16xi32>
      tpu.vector_store_idx %arg14[%add3A_1537], %mul3A_1505 : memref<2560xf32, #tpu.memory_space<vmem>>[vector<16xi32>], vector<16xf32>,
      tpu.vector_store_idx %arg15[%add3A_1525], %get3A_1518 : memref<2560xf32, #tpu.memory_space<vmem>>[vector<16xi32>], vector<16xf32>,
      %add3A_1538 = arith.constant 1 : i32
      %add3A_1539 = vector.broadcast %add3A_1538 : i32 to vector<16xi32>
      %add3A_1540 = arith.addi %add3A_1525, %add3A_1539 : vector<16xi32>
      tpu.vector_store_idx %arg15[%add3A_1540], %mul3A_1512 : memref<2560xf32, #tpu.memory_space<vmem>>[vector<16xi32>], vector<16xf32>,
      %add3A_1541 = arith.constant 2 : i32
      %add3A_1542 = vector.broadcast %add3A_1541 : i32 to vector<16xi32>
      %add3A_1543 = arith.addi %add3A_1525, %add3A_1542 : vector<16xi32>
      tpu.vector_store_idx %arg15[%add3A_1543], %mul3A_1513 : memref<2560xf32, #tpu.memory_space<vmem>>[vector<16xi32>], vector<16xf32>,
      %add3A_1544 = arith.constant 3 : i32
      %add3A_1545 = vector.broadcast %add3A_1544 : i32 to vector<16xi32>
      %add3A_1546 = arith.addi %add3A_1525, %add3A_1545 : vector<16xi32>
      tpu.vector_store_idx %arg15[%add3A_1546], %mul3A_1514 : memref<2560xf32, #tpu.memory_space<vmem>>[vector<16xi32>], vector<16xf32>,
      %add3A_1547 = arith.constant 4 : i32
      %add3A_1548 = vector.broadcast %add3A_1547 : i32 to vector<16xi32>
      %add3A_1549 = arith.addi %add3A_1525, %add3A_1548 : vector<16xi32>
      tpu.vector_store_idx %arg15[%add3A_1549], %mul3A_1505 : memref<2560xf32, #tpu.memory_space<vmem>>[vector<16xi32>], vector<16xf32>,
      %add3A_1550 = arith.addi %get3A_1439, %add3A_5 : vector<16xi32>
      %swap3A_1551 = arith.constant 192 : index
      %swap3A_1552 = tpu.vector_load %arg16[%swap3A_1551] {strides = array<i32>} : memref<512xi32, #tpu.memory_space<vmem>>, vector<16xi32>,
      tpu.vector_store %arg16[%swap3A_1551], %add3A_1550 {strides = array<i32>} : memref<512xi32, #tpu.memory_space<vmem>>, vector<16xi32>,
      %add3A_1553 = arith.addi %get3A_1439, %add3A_8 : vector<16xi32>
      %swap3A_1554 = arith.constant 192 : index
      %swap3A_1555 = tpu.vector_load %arg17[%swap3A_1554] {strides = array<i32>} : memref<512xi32, #tpu.memory_space<vmem>>, vector<16xi32>,
      tpu.vector_store %arg17[%swap3A_1554], %add3A_1553 {strides = array<i32>} : memref<512xi32, #tpu.memory_space<vmem>>, vector<16xi32>,
      %get3A_1556 = arith.constant 208 : index
      %get3A_1557 = tpu.vector_load %arg10[%get3A_1556] {strides = array<i32>} : memref<512xi32, #tpu.memory_space<vmem>>, vector<16xi32>,
      %mul3A_1558 = arith.constant 3 : i32
      %mul3A_1559 = vector.broadcast %mul3A_1558 : i32 to vector<16xi32>
      %mul3A_1560 = arith.muli %get3A_1557, %mul3A_1559 : vector<16xi32>
      %gather3A_1561 = tpu.vector_load_idx %arg9[%mul3A_1560] : memref<98304xf32, #tpu.memory_space<vmem>>[vector<16xi32>], vector<16xf32>,
      %add3A_1562 = arith.constant 1 : i32
      %add3A_1563 = vector.broadcast %add3A_1562 : i32 to vector<16xi32>
      %add3A_1564 = arith.addi %mul3A_1560, %add3A_1563 : vector<16xi32>
      %gather3A_1565 = tpu.vector_load_idx %arg9[%add3A_1564] : memref<98304xf32, #tpu.memory_space<vmem>>[vector<16xi32>], vector<16xf32>,
      %add3A_1566 = arith.constant 2 : i32
      %add3A_1567 = vector.broadcast %add3A_1566 : i32 to vector<16xi32>
      %add3A_1568 = arith.addi %mul3A_1560, %add3A_1567 : vector<16xi32>
      %gather3A_1569 = tpu.vector_load_idx %arg9[%add3A_1568] : memref<98304xf32, #tpu.memory_space<vmem>>[vector<16xi32>], vector<16xf32>,
      %iota3A_1570 = tpu.iota {dimensions = array<i32: 0>} : vector<16xi32>
      %mul3A_1571 = arith.constant 3 : i32
      %mul3A_1572 = vector.broadcast %mul3A_1571 : i32 to vector<16xi32>
      %mul3A_1573 = arith.muli %iota3A_1570, %mul3A_1572 : vector<16xi32>
      %add3A_1574 = arith.constant 624 : i32
      %add3A_1575 = vector.broadcast %add3A_1574 : i32 to vector<16xi32>
      %add3A_1576 = arith.addi %mul3A_1573, %add3A_1575 : vector<16xi32>
      %gather3A_1577 = tpu.vector_load_idx %arg11[%add3A_1576] : memref<1536xf32, #tpu.memory_space<vmem>>[vector<16xi32>], vector<16xf32>,
      %add3A_1578 = arith.constant 1 : i32
      %add3A_1579 = vector.broadcast %add3A_1578 : i32 to vector<16xi32>
      %add3A_1580 = arith.addi %add3A_1576, %add3A_1579 : vector<16xi32>
      %gather3A_1581 = tpu.vector_load_idx %arg11[%add3A_1580] : memref<1536xf32, #tpu.memory_space<vmem>>[vector<16xi32>], vector<16xf32>,
      %add3A_1582 = arith.constant 2 : i32
      %add3A_1583 = vector.broadcast %add3A_1582 : i32 to vector<16xi32>
      %add3A_1584 = arith.addi %add3A_1576, %add3A_1583 : vector<16xi32>
      %gather3A_1585 = tpu.vector_load_idx %arg11[%add3A_1584] : memref<1536xf32, #tpu.memory_space<vmem>>[vector<16xi32>], vector<16xf32>,
      %sub3A_1586 = arith.subf %gather3A_1577, %gather3A_1561 : vector<16xf32>
      %sub3A_1587 = arith.subf %gather3A_1581, %gather3A_1565 : vector<16xf32>
      %sub3A_1588 = arith.subf %gather3A_1585, %gather3A_1569 : vector<16xf32>
      %mul3A_1589 = arith.mulf %sub3A_1586, %sub3A_1586 : vector<16xf32>
      %mul3A_1590 = arith.mulf %sub3A_1587, %sub3A_1587 : vector<16xf32>
      %add3A_1591 = arith.addf %mul3A_1589, %mul3A_1590 : vector<16xf32>
      %mul3A_1592 = arith.mulf %sub3A_1588, %sub3A_1588 : vector<16xf32>
      %add3A_1593 = arith.addf %add3A_1591, %mul3A_1592 : vector<16xf32>
      %bitcast_convert_type3A_1594 = tpu.bitcast %add3A_1593 : vector<16xf32> -> vector<16xi32>
      %shift_right_logical3A_1595 = arith.constant 1 : i32
      %shift_right_logical3A_1596 = vector.broadcast %shift_right_logical3A_1595 : i32 to vector<16xi32>
      %shift_right_logical3A_1597 = arith.shrui %bitcast_convert_type3A_1594, %shift_right_logical3A_1596 : vector<16xi32>
      %sub3A_1598 = arith.constant 1597463007 : i32
      %sub3A_1599 = vector.broadcast %sub3A_1598 : i32 to vector<16xi32>
      %sub3A_1600 = arith.subi %sub3A_1599, %shift_right_logical3A_1597 : vector<16xi32>
      %bitcast_convert_type3A_1601 = tpu.bitcast %sub3A_1600 : vector<16xi32> -> vector<16xf32>
      %mul3A_1602 = arith.constant 5.000000e-01 : f32
      %mul3A_1603 = vector.broadcast %mul3A_1602 : f32 to vector<16xf32>
      %mul3A_1604 = arith.mulf %add3A_1593, %mul3A_1603 : vector<16xf32>
      %mul3A_1605 = arith.mulf %mul3A_1604, %bitcast_convert_type3A_1601 : vector<16xf32>
      %mul3A_1606 = arith.mulf %mul3A_1605, %bitcast_convert_type3A_1601 : vector<16xf32>
      %sub3A_1607 = arith.constant 1.500000e+00 : f32
      %sub3A_1608 = vector.broadcast %sub3A_1607 : f32 to vector<16xf32>
      %sub3A_1609 = arith.subf %sub3A_1608, %mul3A_1606 : vector<16xf32>
      %mul3A_1610 = arith.mulf %bitcast_convert_type3A_1601, %sub3A_1609 : vector<16xf32>
      %mul3A_1611 = arith.mulf %mul3A_1604, %mul3A_1610 : vector<16xf32>
      %mul3A_1612 = arith.mulf %mul3A_1611, %mul3A_1610 : vector<16xf32>
      %sub3A_1613 = arith.constant 1.500000e+00 : f32
      %sub3A_1614 = vector.broadcast %sub3A_1613 : f32 to vector<16xf32>
      %sub3A_1615 = arith.subf %sub3A_1614, %mul3A_1612 : vector<16xf32>
      %mul3A_1616 = arith.mulf %mul3A_1610, %sub3A_1615 : vector<16xf32>
      %mul3A_1617 = arith.mulf %mul3A_1604, %mul3A_1616 : vector<16xf32>
      %mul3A_1618 = arith.mulf %mul3A_1617, %mul3A_1616 : vector<16xf32>
      %sub3A_1619 = arith.constant 1.500000e+00 : f32
      %sub3A_1620 = vector.broadcast %sub3A_1619 : f32 to vector<16xf32>
      %sub3A_1621 = arith.subf %sub3A_1620, %mul3A_1618 : vector<16xf32>
      %mul3A_1622 = arith.mulf %mul3A_1616, %sub3A_1621 : vector<16xf32>
      %mul3A_1623 = arith.mulf %add3A_1593, %mul3A_1622 : vector<16xf32>
      %add3A_1624 = arith.constant 9.99999993E-9 : f32
      %add3A_1625 = vector.broadcast %add3A_1624 : f32 to vector<16xf32>
      %add3A_1626 = arith.addf %mul3A_1623, %add3A_1625 : vector<16xf32>
      %div3A_1627 = arith.constant 1.000000e+00 : f32
      %div3A_1628 = vector.broadcast %div3A_1627 : f32 to vector<16xf32>
      %div3A_1629 = arith.divf %div3A_1628, %add3A_1626 : vector<16xf32>
      %mul3A_1630 = arith.mulf %sub3A_1586, %div3A_1629 : vector<16xf32>
      %mul3A_1631 = arith.mulf %sub3A_1587, %div3A_1629 : vector<16xf32>
      %mul3A_1632 = arith.mulf %sub3A_1588, %div3A_1629 : vector<16xf32>
      %get3A_1633 = arith.constant 208 : index
      %get3A_1634 = tpu.vector_load %arg12[%get3A_1633] {strides = array<i32>} : memref<512xf32, #tpu.memory_space<vmem>>, vector<16xf32>,
      %get3A_1635 = arith.constant 208 : index
      %get3A_1636 = tpu.vector_load %arg13[%get3A_1635] {strides = array<i32>} : memref<512xf32, #tpu.memory_space<vmem>>, vector<16xf32>,
      %iota3A_1637 = tpu.iota {dimensions = array<i32: 0>} : vector<16xi32>
      %mul3A_1638 = arith.constant 5 : i32
      %mul3A_1639 = vector.broadcast %mul3A_1638 : i32 to vector<16xi32>
      %mul3A_1640 = arith.muli %iota3A_1637, %mul3A_1639 : vector<16xi32>
      %add3A_1641 = arith.constant 1040 : i32
      %add3A_1642 = vector.broadcast %add3A_1641 : i32 to vector<16xi32>
      %add3A_1643 = arith.addi %mul3A_1640, %add3A_1642 : vector<16xi32>
      tpu.vector_store_idx %arg14[%add3A_1643], %get3A_1634 : memref<2560xf32, #tpu.memory_space<vmem>>[vector<16xi32>], vector<16xf32>,
      %add3A_1644 = arith.constant 1 : i32
      %add3A_1645 = vector.broadcast %add3A_1644 : i32 to vector<16xi32>
      %add3A_1646 = arith.addi %add3A_1643, %add3A_1645 : vector<16xi32>
      tpu.vector_store_idx %arg14[%add3A_1646], %mul3A_1630 : memref<2560xf32, #tpu.memory_space<vmem>>[vector<16xi32>], vector<16xf32>,
      %add3A_1647 = arith.constant 2 : i32
      %add3A_1648 = vector.broadcast %add3A_1647 : i32 to vector<16xi32>
      %add3A_1649 = arith.addi %add3A_1643, %add3A_1648 : vector<16xi32>
      tpu.vector_store_idx %arg14[%add3A_1649], %mul3A_1631 : memref<2560xf32, #tpu.memory_space<vmem>>[vector<16xi32>], vector<16xf32>,
      %add3A_1650 = arith.constant 3 : i32
      %add3A_1651 = vector.broadcast %add3A_1650 : i32 to vector<16xi32>
      %add3A_1652 = arith.addi %add3A_1643, %add3A_1651 : vector<16xi32>
      tpu.vector_store_idx %arg14[%add3A_1652], %mul3A_1632 : memref<2560xf32, #tpu.memory_space<vmem>>[vector<16xi32>], vector<16xf32>,
      %add3A_1653 = arith.constant 4 : i32
      %add3A_1654 = vector.broadcast %add3A_1653 : i32 to vector<16xi32>
      %add3A_1655 = arith.addi %add3A_1643, %add3A_1654 : vector<16xi32>
      tpu.vector_store_idx %arg14[%add3A_1655], %mul3A_1623 : memref<2560xf32, #tpu.memory_space<vmem>>[vector<16xi32>], vector<16xf32>,
      tpu.vector_store_idx %arg15[%add3A_1643], %get3A_1636 : memref<2560xf32, #tpu.memory_space<vmem>>[vector<16xi32>], vector<16xf32>,
      %add3A_1656 = arith.constant 1 : i32
      %add3A_1657 = vector.broadcast %add3A_1656 : i32 to vector<16xi32>
      %add3A_1658 = arith.addi %add3A_1643, %add3A_1657 : vector<16xi32>
      tpu.vector_store_idx %arg15[%add3A_1658], %mul3A_1630 : memref<2560xf32, #tpu.memory_space<vmem>>[vector<16xi32>], vector<16xf32>,
      %add3A_1659 = arith.constant 2 : i32
      %add3A_1660 = vector.broadcast %add3A_1659 : i32 to vector<16xi32>
      %add3A_1661 = arith.addi %add3A_1643, %add3A_1660 : vector<16xi32>
      tpu.vector_store_idx %arg15[%add3A_1661], %mul3A_1631 : memref<2560xf32, #tpu.memory_space<vmem>>[vector<16xi32>], vector<16xf32>,
      %add3A_1662 = arith.constant 3 : i32
      %add3A_1663 = vector.broadcast %add3A_1662 : i32 to vector<16xi32>
      %add3A_1664 = arith.addi %add3A_1643, %add3A_1663 : vector<16xi32>
      tpu.vector_store_idx %arg15[%add3A_1664], %mul3A_1632 : memref<2560xf32, #tpu.memory_space<vmem>>[vector<16xi32>], vector<16xf32>,
      %add3A_1665 = arith.constant 4 : i32
      %add3A_1666 = vector.broadcast %add3A_1665 : i32 to vector<16xi32>
      %add3A_1667 = arith.addi %add3A_1643, %add3A_1666 : vector<16xi32>
      tpu.vector_store_idx %arg15[%add3A_1667], %mul3A_1623 : memref<2560xf32, #tpu.memory_space<vmem>>[vector<16xi32>], vector<16xf32>,
      %add3A_1668 = arith.addi %get3A_1557, %add3A_5 : vector<16xi32>
      %swap3A_1669 = arith.constant 208 : index
      %swap3A_1670 = tpu.vector_load %arg16[%swap3A_1669] {strides = array<i32>} : memref<512xi32, #tpu.memory_space<vmem>>, vector<16xi32>,
      tpu.vector_store %arg16[%swap3A_1669], %add3A_1668 {strides = array<i32>} : memref<512xi32, #tpu.memory_space<vmem>>, vector<16xi32>,
      %add3A_1671 = arith.addi %get3A_1557, %add3A_8 : vector<16xi32>
      %swap3A_1672 = arith.constant 208 : index
      %swap3A_1673 = tpu.vector_load %arg17[%swap3A_1672] {strides = array<i32>} : memref<512xi32, #tpu.memory_space<vmem>>, vector<16xi32>,
      tpu.vector_store %arg17[%swap3A_1672], %add3A_1671 {strides = array<i32>} : memref<512xi32, #tpu.memory_space<vmem>>, vector<16xi32>,
      %get3A_1674 = arith.constant 224 : index
      %get3A_1675 = tpu.vector_load %arg10[%get3A_1674] {strides = array<i32>} : memref<512xi32, #tpu.memory_space<vmem>>, vector<16xi32>,
      %mul3A_1676 = arith.constant 3 : i32
      %mul3A_1677 = vector.broadcast %mul3A_1676 : i32 to vector<16xi32>
      %mul3A_1678 = arith.muli %get3A_1675, %mul3A_1677 : vector<16xi32>
      %gather3A_1679 = tpu.vector_load_idx %arg9[%mul3A_1678] : memref<98304xf32, #tpu.memory_space<vmem>>[vector<16xi32>], vector<16xf32>,
      %add3A_1680 = arith.constant 1 : i32
      %add3A_1681 = vector.broadcast %add3A_1680 : i32 to vector<16xi32>
      %add3A_1682 = arith.addi %mul3A_1678, %add3A_1681 : vector<16xi32>
      %gather3A_1683 = tpu.vector_load_idx %arg9[%add3A_1682] : memref<98304xf32, #tpu.memory_space<vmem>>[vector<16xi32>], vector<16xf32>,
      %add3A_1684 = arith.constant 2 : i32
      %add3A_1685 = vector.broadcast %add3A_1684 : i32 to vector<16xi32>
      %add3A_1686 = arith.addi %mul3A_1678, %add3A_1685 : vector<16xi32>
      %gather3A_1687 = tpu.vector_load_idx %arg9[%add3A_1686] : memref<98304xf32, #tpu.memory_space<vmem>>[vector<16xi32>], vector<16xf32>,
      %iota3A_1688 = tpu.iota {dimensions = array<i32: 0>} : vector<16xi32>
      %mul3A_1689 = arith.constant 3 : i32
      %mul3A_1690 = vector.broadcast %mul3A_1689 : i32 to vector<16xi32>
      %mul3A_1691 = arith.muli %iota3A_1688, %mul3A_1690 : vector<16xi32>
      %add3A_1692 = arith.constant 672 : i32
      %add3A_1693 = vector.broadcast %add3A_1692 : i32 to vector<16xi32>
      %add3A_1694 = arith.addi %mul3A_1691, %add3A_1693 : vector<16xi32>
      %gather3A_1695 = tpu.vector_load_idx %arg11[%add3A_1694] : memref<1536xf32, #tpu.memory_space<vmem>>[vector<16xi32>], vector<16xf32>,
      %add3A_1696 = arith.constant 1 : i32
      %add3A_1697 = vector.broadcast %add3A_1696 : i32 to vector<16xi32>
      %add3A_1698 = arith.addi %add3A_1694, %add3A_1697 : vector<16xi32>
      %gather3A_1699 = tpu.vector_load_idx %arg11[%add3A_1698] : memref<1536xf32, #tpu.memory_space<vmem>>[vector<16xi32>], vector<16xf32>,
      %add3A_1700 = arith.constant 2 : i32
      %add3A_1701 = vector.broadcast %add3A_1700 : i32 to vector<16xi32>
      %add3A_1702 = arith.addi %add3A_1694, %add3A_1701 : vector<16xi32>
      %gather3A_1703 = tpu.vector_load_idx %arg11[%add3A_1702] : memref<1536xf32, #tpu.memory_space<vmem>>[vector<16xi32>], vector<16xf32>,
      %sub3A_1704 = arith.subf %gather3A_1695, %gather3A_1679 : vector<16xf32>
      %sub3A_1705 = arith.subf %gather3A_1699, %gather3A_1683 : vector<16xf32>
      %sub3A_1706 = arith.subf %gather3A_1703, %gather3A_1687 : vector<16xf32>
      %mul3A_1707 = arith.mulf %sub3A_1704, %sub3A_1704 : vector<16xf32>
      %mul3A_1708 = arith.mulf %sub3A_1705, %sub3A_1705 : vector<16xf32>
      %add3A_1709 = arith.addf %mul3A_1707, %mul3A_1708 : vector<16xf32>
      %mul3A_1710 = arith.mulf %sub3A_1706, %sub3A_1706 : vector<16xf32>
      %add3A_1711 = arith.addf %add3A_1709, %mul3A_1710 : vector<16xf32>
      %bitcast_convert_type3A_1712 = tpu.bitcast %add3A_1711 : vector<16xf32> -> vector<16xi32>
      %shift_right_logical3A_1713 = arith.constant 1 : i32
      %shift_right_logical3A_1714 = vector.broadcast %shift_right_logical3A_1713 : i32 to vector<16xi32>
      %shift_right_logical3A_1715 = arith.shrui %bitcast_convert_type3A_1712, %shift_right_logical3A_1714 : vector<16xi32>
      %sub3A_1716 = arith.constant 1597463007 : i32
      %sub3A_1717 = vector.broadcast %sub3A_1716 : i32 to vector<16xi32>
      %sub3A_1718 = arith.subi %sub3A_1717, %shift_right_logical3A_1715 : vector<16xi32>
      %bitcast_convert_type3A_1719 = tpu.bitcast %sub3A_1718 : vector<16xi32> -> vector<16xf32>
      %mul3A_1720 = arith.constant 5.000000e-01 : f32
      %mul3A_1721 = vector.broadcast %mul3A_1720 : f32 to vector<16xf32>
      %mul3A_1722 = arith.mulf %add3A_1711, %mul3A_1721 : vector<16xf32>
      %mul3A_1723 = arith.mulf %mul3A_1722, %bitcast_convert_type3A_1719 : vector<16xf32>
      %mul3A_1724 = arith.mulf %mul3A_1723, %bitcast_convert_type3A_1719 : vector<16xf32>
      %sub3A_1725 = arith.constant 1.500000e+00 : f32
      %sub3A_1726 = vector.broadcast %sub3A_1725 : f32 to vector<16xf32>
      %sub3A_1727 = arith.subf %sub3A_1726, %mul3A_1724 : vector<16xf32>
      %mul3A_1728 = arith.mulf %bitcast_convert_type3A_1719, %sub3A_1727 : vector<16xf32>
      %mul3A_1729 = arith.mulf %mul3A_1722, %mul3A_1728 : vector<16xf32>
      %mul3A_1730 = arith.mulf %mul3A_1729, %mul3A_1728 : vector<16xf32>
      %sub3A_1731 = arith.constant 1.500000e+00 : f32
      %sub3A_1732 = vector.broadcast %sub3A_1731 : f32 to vector<16xf32>
      %sub3A_1733 = arith.subf %sub3A_1732, %mul3A_1730 : vector<16xf32>
      %mul3A_1734 = arith.mulf %mul3A_1728, %sub3A_1733 : vector<16xf32>
      %mul3A_1735 = arith.mulf %mul3A_1722, %mul3A_1734 : vector<16xf32>
      %mul3A_1736 = arith.mulf %mul3A_1735, %mul3A_1734 : vector<16xf32>
      %sub3A_1737 = arith.constant 1.500000e+00 : f32
      %sub3A_1738 = vector.broadcast %sub3A_1737 : f32 to vector<16xf32>
      %sub3A_1739 = arith.subf %sub3A_1738, %mul3A_1736 : vector<16xf32>
      %mul3A_1740 = arith.mulf %mul3A_1734, %sub3A_1739 : vector<16xf32>
      %mul3A_1741 = arith.mulf %add3A_1711, %mul3A_1740 : vector<16xf32>
      %add3A_1742 = arith.constant 9.99999993E-9 : f32
      %add3A_1743 = vector.broadcast %add3A_1742 : f32 to vector<16xf32>
      %add3A_1744 = arith.addf %mul3A_1741, %add3A_1743 : vector<16xf32>
      %div3A_1745 = arith.constant 1.000000e+00 : f32
      %div3A_1746 = vector.broadcast %div3A_1745 : f32 to vector<16xf32>
      %div3A_1747 = arith.divf %div3A_1746, %add3A_1744 : vector<16xf32>
      %mul3A_1748 = arith.mulf %sub3A_1704, %div3A_1747 : vector<16xf32>
      %mul3A_1749 = arith.mulf %sub3A_1705, %div3A_1747 : vector<16xf32>
      %mul3A_1750 = arith.mulf %sub3A_1706, %div3A_1747 : vector<16xf32>
      %get3A_1751 = arith.constant 224 : index
      %get3A_1752 = tpu.vector_load %arg12[%get3A_1751] {strides = array<i32>} : memref<512xf32, #tpu.memory_space<vmem>>, vector<16xf32>,
      %get3A_1753 = arith.constant 224 : index
      %get3A_1754 = tpu.vector_load %arg13[%get3A_1753] {strides = array<i32>} : memref<512xf32, #tpu.memory_space<vmem>>, vector<16xf32>,
      %iota3A_1755 = tpu.iota {dimensions = array<i32: 0>} : vector<16xi32>
      %mul3A_1756 = arith.constant 5 : i32
      %mul3A_1757 = vector.broadcast %mul3A_1756 : i32 to vector<16xi32>
      %mul3A_1758 = arith.muli %iota3A_1755, %mul3A_1757 : vector<16xi32>
      %add3A_1759 = arith.constant 1120 : i32
      %add3A_1760 = vector.broadcast %add3A_1759 : i32 to vector<16xi32>
      %add3A_1761 = arith.addi %mul3A_1758, %add3A_1760 : vector<16xi32>
      tpu.vector_store_idx %arg14[%add3A_1761], %get3A_1752 : memref<2560xf32, #tpu.memory_space<vmem>>[vector<16xi32>], vector<16xf32>,
      %add3A_1762 = arith.constant 1 : i32
      %add3A_1763 = vector.broadcast %add3A_1762 : i32 to vector<16xi32>
      %add3A_1764 = arith.addi %add3A_1761, %add3A_1763 : vector<16xi32>
      tpu.vector_store_idx %arg14[%add3A_1764], %mul3A_1748 : memref<2560xf32, #tpu.memory_space<vmem>>[vector<16xi32>], vector<16xf32>,
      %add3A_1765 = arith.constant 2 : i32
      %add3A_1766 = vector.broadcast %add3A_1765 : i32 to vector<16xi32>
      %add3A_1767 = arith.addi %add3A_1761, %add3A_1766 : vector<16xi32>
      tpu.vector_store_idx %arg14[%add3A_1767], %mul3A_1749 : memref<2560xf32, #tpu.memory_space<vmem>>[vector<16xi32>], vector<16xf32>,
      %add3A_1768 = arith.constant 3 : i32
      %add3A_1769 = vector.broadcast %add3A_1768 : i32 to vector<16xi32>
      %add3A_1770 = arith.addi %add3A_1761, %add3A_1769 : vector<16xi32>
      tpu.vector_store_idx %arg14[%add3A_1770], %mul3A_1750 : memref<2560xf32, #tpu.memory_space<vmem>>[vector<16xi32>], vector<16xf32>,
      %add3A_1771 = arith.constant 4 : i32
      %add3A_1772 = vector.broadcast %add3A_1771 : i32 to vector<16xi32>
      %add3A_1773 = arith.addi %add3A_1761, %add3A_1772 : vector<16xi32>
      tpu.vector_store_idx %arg14[%add3A_1773], %mul3A_1741 : memref<2560xf32, #tpu.memory_space<vmem>>[vector<16xi32>], vector<16xf32>,
      tpu.vector_store_idx %arg15[%add3A_1761], %get3A_1754 : memref<2560xf32, #tpu.memory_space<vmem>>[vector<16xi32>], vector<16xf32>,
      %add3A_1774 = arith.constant 1 : i32
      %add3A_1775 = vector.broadcast %add3A_1774 : i32 to vector<16xi32>
      %add3A_1776 = arith.addi %add3A_1761, %add3A_1775 : vector<16xi32>
      tpu.vector_store_idx %arg15[%add3A_1776], %mul3A_1748 : memref<2560xf32, #tpu.memory_space<vmem>>[vector<16xi32>], vector<16xf32>,
      %add3A_1777 = arith.constant 2 : i32
      %add3A_1778 = vector.broadcast %add3A_1777 : i32 to vector<16xi32>
      %add3A_1779 = arith.addi %add3A_1761, %add3A_1778 : vector<16xi32>
      tpu.vector_store_idx %arg15[%add3A_1779], %mul3A_1749 : memref<2560xf32, #tpu.memory_space<vmem>>[vector<16xi32>], vector<16xf32>,
      %add3A_1780 = arith.constant 3 : i32
      %add3A_1781 = vector.broadcast %add3A_1780 : i32 to vector<16xi32>
      %add3A_1782 = arith.addi %add3A_1761, %add3A_1781 : vector<16xi32>
      tpu.vector_store_idx %arg15[%add3A_1782], %mul3A_1750 : memref<2560xf32, #tpu.memory_space<vmem>>[vector<16xi32>], vector<16xf32>,
      %add3A_1783 = arith.constant 4 : i32
      %add3A_1784 = vector.broadcast %add3A_1783 : i32 to vector<16xi32>
      %add3A_1785 = arith.addi %add3A_1761, %add3A_1784 : vector<16xi32>
      tpu.vector_store_idx %arg15[%add3A_1785], %mul3A_1741 : memref<2560xf32, #tpu.memory_space<vmem>>[vector<16xi32>], vector<16xf32>,
      %add3A_1786 = arith.addi %get3A_1675, %add3A_5 : vector<16xi32>
      %swap3A_1787 = arith.constant 224 : index
      %swap3A_1788 = tpu.vector_load %arg16[%swap3A_1787] {strides = array<i32>} : memref<512xi32, #tpu.memory_space<vmem>>, vector<16xi32>,
      tpu.vector_store %arg16[%swap3A_1787], %add3A_1786 {strides = array<i32>} : memref<512xi32, #tpu.memory_space<vmem>>, vector<16xi32>,
      %add3A_1789 = arith.addi %get3A_1675, %add3A_8 : vector<16xi32>
      %swap3A_1790 = arith.constant 224 : index
      %swap3A_1791 = tpu.vector_load %arg17[%swap3A_1790] {strides = array<i32>} : memref<512xi32, #tpu.memory_space<vmem>>, vector<16xi32>,
      tpu.vector_store %arg17[%swap3A_1790], %add3A_1789 {strides = array<i32>} : memref<512xi32, #tpu.memory_space<vmem>>, vector<16xi32>,
      %get3A_1792 = arith.constant 240 : index
      %get3A_1793 = tpu.vector_load %arg10[%get3A_1792] {strides = array<i32>} : memref<512xi32, #tpu.memory_space<vmem>>, vector<16xi32>,
      %mul3A_1794 = arith.constant 3 : i32
      %mul3A_1795 = vector.broadcast %mul3A_1794 : i32 to vector<16xi32>
      %mul3A_1796 = arith.muli %get3A_1793, %mul3A_1795 : vector<16xi32>
      %gather3A_1797 = tpu.vector_load_idx %arg9[%mul3A_1796] : memref<98304xf32, #tpu.memory_space<vmem>>[vector<16xi32>], vector<16xf32>,
      %add3A_1798 = arith.constant 1 : i32
      %add3A_1799 = vector.broadcast %add3A_1798 : i32 to vector<16xi32>
      %add3A_1800 = arith.addi %mul3A_1796, %add3A_1799 : vector<16xi32>
      %gather3A_1801 = tpu.vector_load_idx %arg9[%add3A_1800] : memref<98304xf32, #tpu.memory_space<vmem>>[vector<16xi32>], vector<16xf32>,
      %add3A_1802 = arith.constant 2 : i32
      %add3A_1803 = vector.broadcast %add3A_1802 : i32 to vector<16xi32>
      %add3A_1804 = arith.addi %mul3A_1796, %add3A_1803 : vector<16xi32>
      %gather3A_1805 = tpu.vector_load_idx %arg9[%add3A_1804] : memref<98304xf32, #tpu.memory_space<vmem>>[vector<16xi32>], vector<16xf32>,
      %iota3A_1806 = tpu.iota {dimensions = array<i32: 0>} : vector<16xi32>
      %mul3A_1807 = arith.constant 3 : i32
      %mul3A_1808 = vector.broadcast %mul3A_1807 : i32 to vector<16xi32>
      %mul3A_1809 = arith.muli %iota3A_1806, %mul3A_1808 : vector<16xi32>
      %add3A_1810 = arith.constant 720 : i32
      %add3A_1811 = vector.broadcast %add3A_1810 : i32 to vector<16xi32>
      %add3A_1812 = arith.addi %mul3A_1809, %add3A_1811 : vector<16xi32>
      %gather3A_1813 = tpu.vector_load_idx %arg11[%add3A_1812] : memref<1536xf32, #tpu.memory_space<vmem>>[vector<16xi32>], vector<16xf32>,
      %add3A_1814 = arith.constant 1 : i32
      %add3A_1815 = vector.broadcast %add3A_1814 : i32 to vector<16xi32>
      %add3A_1816 = arith.addi %add3A_1812, %add3A_1815 : vector<16xi32>
      %gather3A_1817 = tpu.vector_load_idx %arg11[%add3A_1816] : memref<1536xf32, #tpu.memory_space<vmem>>[vector<16xi32>], vector<16xf32>,
      %add3A_1818 = arith.constant 2 : i32
      %add3A_1819 = vector.broadcast %add3A_1818 : i32 to vector<16xi32>
      %add3A_1820 = arith.addi %add3A_1812, %add3A_1819 : vector<16xi32>
      %gather3A_1821 = tpu.vector_load_idx %arg11[%add3A_1820] : memref<1536xf32, #tpu.memory_space<vmem>>[vector<16xi32>], vector<16xf32>,
      %sub3A_1822 = arith.subf %gather3A_1813, %gather3A_1797 : vector<16xf32>
      %sub3A_1823 = arith.subf %gather3A_1817, %gather3A_1801 : vector<16xf32>
      %sub3A_1824 = arith.subf %gather3A_1821, %gather3A_1805 : vector<16xf32>
      %mul3A_1825 = arith.mulf %sub3A_1822, %sub3A_1822 : vector<16xf32>
      %mul3A_1826 = arith.mulf %sub3A_1823, %sub3A_1823 : vector<16xf32>
      %add3A_1827 = arith.addf %mul3A_1825, %mul3A_1826 : vector<16xf32>
      %mul3A_1828 = arith.mulf %sub3A_1824, %sub3A_1824 : vector<16xf32>
      %add3A_1829 = arith.addf %add3A_1827, %mul3A_1828 : vector<16xf32>
      %bitcast_convert_type3A_1830 = tpu.bitcast %add3A_1829 : vector<16xf32> -> vector<16xi32>
      %shift_right_logical3A_1831 = arith.constant 1 : i32
      %shift_right_logical3A_1832 = vector.broadcast %shift_right_logical3A_1831 : i32 to vector<16xi32>
      %shift_right_logical3A_1833 = arith.shrui %bitcast_convert_type3A_1830, %shift_right_logical3A_1832 : vector<16xi32>
      %sub3A_1834 = arith.constant 1597463007 : i32
      %sub3A_1835 = vector.broadcast %sub3A_1834 : i32 to vector<16xi32>
      %sub3A_1836 = arith.subi %sub3A_1835, %shift_right_logical3A_1833 : vector<16xi32>
      %bitcast_convert_type3A_1837 = tpu.bitcast %sub3A_1836 : vector<16xi32> -> vector<16xf32>
      %mul3A_1838 = arith.constant 5.000000e-01 : f32
      %mul3A_1839 = vector.broadcast %mul3A_1838 : f32 to vector<16xf32>
      %mul3A_1840 = arith.mulf %add3A_1829, %mul3A_1839 : vector<16xf32>
      %mul3A_1841 = arith.mulf %mul3A_1840, %bitcast_convert_type3A_1837 : vector<16xf32>
      %mul3A_1842 = arith.mulf %mul3A_1841, %bitcast_convert_type3A_1837 : vector<16xf32>
      %sub3A_1843 = arith.constant 1.500000e+00 : f32
      %sub3A_1844 = vector.broadcast %sub3A_1843 : f32 to vector<16xf32>
      %sub3A_1845 = arith.subf %sub3A_1844, %mul3A_1842 : vector<16xf32>
      %mul3A_1846 = arith.mulf %bitcast_convert_type3A_1837, %sub3A_1845 : vector<16xf32>
      %mul3A_1847 = arith.mulf %mul3A_1840, %mul3A_1846 : vector<16xf32>
      %mul3A_1848 = arith.mulf %mul3A_1847, %mul3A_1846 : vector<16xf32>
      %sub3A_1849 = arith.constant 1.500000e+00 : f32
      %sub3A_1850 = vector.broadcast %sub3A_1849 : f32 to vector<16xf32>
      %sub3A_1851 = arith.subf %sub3A_1850, %mul3A_1848 : vector<16xf32>
      %mul3A_1852 = arith.mulf %mul3A_1846, %sub3A_1851 : vector<16xf32>
      %mul3A_1853 = arith.mulf %mul3A_1840, %mul3A_1852 : vector<16xf32>
      %mul3A_1854 = arith.mulf %mul3A_1853, %mul3A_1852 : vector<16xf32>
      %sub3A_1855 = arith.constant 1.500000e+00 : f32
      %sub3A_1856 = vector.broadcast %sub3A_1855 : f32 to vector<16xf32>
      %sub3A_1857 = arith.subf %sub3A_1856, %mul3A_1854 : vector<16xf32>
      %mul3A_1858 = arith.mulf %mul3A_1852, %sub3A_1857 : vector<16xf32>
      %mul3A_1859 = arith.mulf %add3A_1829, %mul3A_1858 : vector<16xf32>
      %add3A_1860 = arith.constant 9.99999993E-9 : f32
      %add3A_1861 = vector.broadcast %add3A_1860 : f32 to vector<16xf32>
      %add3A_1862 = arith.addf %mul3A_1859, %add3A_1861 : vector<16xf32>
      %div3A_1863 = arith.constant 1.000000e+00 : f32
      %div3A_1864 = vector.broadcast %div3A_1863 : f32 to vector<16xf32>
      %div3A_1865 = arith.divf %div3A_1864, %add3A_1862 : vector<16xf32>
      %mul3A_1866 = arith.mulf %sub3A_1822, %div3A_1865 : vector<16xf32>
      %mul3A_1867 = arith.mulf %sub3A_1823, %div3A_1865 : vector<16xf32>
      %mul3A_1868 = arith.mulf %sub3A_1824, %div3A_1865 : vector<16xf32>
      %get3A_1869 = arith.constant 240 : index
      %get3A_1870 = tpu.vector_load %arg12[%get3A_1869] {strides = array<i32>} : memref<512xf32, #tpu.memory_space<vmem>>, vector<16xf32>,
      %get3A_1871 = arith.constant 240 : index
      %get3A_1872 = tpu.vector_load %arg13[%get3A_1871] {strides = array<i32>} : memref<512xf32, #tpu.memory_space<vmem>>, vector<16xf32>,
      %iota3A_1873 = tpu.iota {dimensions = array<i32: 0>} : vector<16xi32>
      %mul3A_1874 = arith.constant 5 : i32
      %mul3A_1875 = vector.broadcast %mul3A_1874 : i32 to vector<16xi32>
      %mul3A_1876 = arith.muli %iota3A_1873, %mul3A_1875 : vector<16xi32>
      %add3A_1877 = arith.constant 1200 : i32
      %add3A_1878 = vector.broadcast %add3A_1877 : i32 to vector<16xi32>
      %add3A_1879 = arith.addi %mul3A_1876, %add3A_1878 : vector<16xi32>
      tpu.vector_store_idx %arg14[%add3A_1879], %get3A_1870 : memref<2560xf32, #tpu.memory_space<vmem>>[vector<16xi32>], vector<16xf32>,
      %add3A_1880 = arith.constant 1 : i32
      %add3A_1881 = vector.broadcast %add3A_1880 : i32 to vector<16xi32>
      %add3A_1882 = arith.addi %add3A_1879, %add3A_1881 : vector<16xi32>
      tpu.vector_store_idx %arg14[%add3A_1882], %mul3A_1866 : memref<2560xf32, #tpu.memory_space<vmem>>[vector<16xi32>], vector<16xf32>,
      %add3A_1883 = arith.constant 2 : i32
      %add3A_1884 = vector.broadcast %add3A_1883 : i32 to vector<16xi32>
      %add3A_1885 = arith.addi %add3A_1879, %add3A_1884 : vector<16xi32>
      tpu.vector_store_idx %arg14[%add3A_1885], %mul3A_1867 : memref<2560xf32, #tpu.memory_space<vmem>>[vector<16xi32>], vector<16xf32>,
      %add3A_1886 = arith.constant 3 : i32
      %add3A_1887 = vector.broadcast %add3A_1886 : i32 to vector<16xi32>
      %add3A_1888 = arith.addi %add3A_1879, %add3A_1887 : vector<16xi32>
      tpu.vector_store_idx %arg14[%add3A_1888], %mul3A_1868 : memref<2560xf32, #tpu.memory_space<vmem>>[vector<16xi32>], vector<16xf32>,
      %add3A_1889 = arith.constant 4 : i32
      %add3A_1890 = vector.broadcast %add3A_1889 : i32 to vector<16xi32>
      %add3A_1891 = arith.addi %add3A_1879, %add3A_1890 : vector<16xi32>
      tpu.vector_store_idx %arg14[%add3A_1891], %mul3A_1859 : memref<2560xf32, #tpu.memory_space<vmem>>[vector<16xi32>], vector<16xf32>,
      tpu.vector_store_idx %arg15[%add3A_1879], %get3A_1872 : memref<2560xf32, #tpu.memory_space<vmem>>[vector<16xi32>], vector<16xf32>,
      %add3A_1892 = arith.constant 1 : i32
      %add3A_1893 = vector.broadcast %add3A_1892 : i32 to vector<16xi32>
      %add3A_1894 = arith.addi %add3A_1879, %add3A_1893 : vector<16xi32>
      tpu.vector_store_idx %arg15[%add3A_1894], %mul3A_1866 : memref<2560xf32, #tpu.memory_space<vmem>>[vector<16xi32>], vector<16xf32>,
      %add3A_1895 = arith.constant 2 : i32
      %add3A_1896 = vector.broadcast %add3A_1895 : i32 to vector<16xi32>
      %add3A_1897 = arith.addi %add3A_1879, %add3A_1896 : vector<16xi32>
      tpu.vector_store_idx %arg15[%add3A_1897], %mul3A_1867 : memref<2560xf32, #tpu.memory_space<vmem>>[vector<16xi32>], vector<16xf32>,
      %add3A_1898 = arith.constant 3 : i32
      %add3A_1899 = vector.broadcast %add3A_1898 : i32 to vector<16xi32>
      %add3A_1900 = arith.addi %add3A_1879, %add3A_1899 : vector<16xi32>
      tpu.vector_store_idx %arg15[%add3A_1900], %mul3A_1868 : memref<2560xf32, #tpu.memory_space<vmem>>[vector<16xi32>], vector<16xf32>,
      %add3A_1901 = arith.constant 4 : i32
      %add3A_1902 = vector.broadcast %add3A_1901 : i32 to vector<16xi32>
      %add3A_1903 = arith.addi %add3A_1879, %add3A_1902 : vector<16xi32>
      tpu.vector_store_idx %arg15[%add3A_1903], %mul3A_1859 : memref<2560xf32, #tpu.memory_space<vmem>>[vector<16xi32>], vector<16xf32>,
      %add3A_1904 = arith.addi %get3A_1793, %add3A_5 : vector<16xi32>
      %swap3A_1905 = arith.constant 240 : index
      %swap3A_1906 = tpu.vector_load %arg16[%swap3A_1905] {strides = array<i32>} : memref<512xi32, #tpu.memory_space<vmem>>, vector<16xi32>,
      tpu.vector_store %arg16[%swap3A_1905], %add3A_1904 {strides = array<i32>} : memref<512xi32, #tpu.memory_space<vmem>>, vector<16xi32>,
      %add3A_1907 = arith.addi %get3A_1793, %add3A_8 : vector<16xi32>
      %swap3A_1908 = arith.constant 240 : index
      %swap3A_1909 = tpu.vector_load %arg17[%swap3A_1908] {strides = array<i32>} : memref<512xi32, #tpu.memory_space<vmem>>, vector<16xi32>,
      tpu.vector_store %arg17[%swap3A_1908], %add3A_1907 {strides = array<i32>} : memref<512xi32, #tpu.memory_space<vmem>>, vector<16xi32>,
      %get3A_1910 = arith.constant 256 : index
      %get3A_1911 = tpu.vector_load %arg10[%get3A_1910] {strides = array<i32>} : memref<512xi32, #tpu.memory_space<vmem>>, vector<16xi32>,
      %mul3A_1912 = arith.constant 3 : i32
      %mul3A_1913 = vector.broadcast %mul3A_1912 : i32 to vector<16xi32>
      %mul3A_1914 = arith.muli %get3A_1911, %mul3A_1913 : vector<16xi32>
      %gather3A_1915 = tpu.vector_load_idx %arg9[%mul3A_1914] : memref<98304xf32, #tpu.memory_space<vmem>>[vector<16xi32>], vector<16xf32>,
      %add3A_1916 = arith.constant 1 : i32
      %add3A_1917 = vector.broadcast %add3A_1916 : i32 to vector<16xi32>
      %add3A_1918 = arith.addi %mul3A_1914, %add3A_1917 : vector<16xi32>
      %gather3A_1919 = tpu.vector_load_idx %arg9[%add3A_1918] : memref<98304xf32, #tpu.memory_space<vmem>>[vector<16xi32>], vector<16xf32>,
      %add3A_1920 = arith.constant 2 : i32
      %add3A_1921 = vector.broadcast %add3A_1920 : i32 to vector<16xi32>
      %add3A_1922 = arith.addi %mul3A_1914, %add3A_1921 : vector<16xi32>
      %gather3A_1923 = tpu.vector_load_idx %arg9[%add3A_1922] : memref<98304xf32, #tpu.memory_space<vmem>>[vector<16xi32>], vector<16xf32>,
      %iota3A_1924 = tpu.iota {dimensions = array<i32: 0>} : vector<16xi32>
      %mul3A_1925 = arith.constant 3 : i32
      %mul3A_1926 = vector.broadcast %mul3A_1925 : i32 to vector<16xi32>
      %mul3A_1927 = arith.muli %iota3A_1924, %mul3A_1926 : vector<16xi32>
      %add3A_1928 = arith.constant 768 : i32
      %add3A_1929 = vector.broadcast %add3A_1928 : i32 to vector<16xi32>
      %add3A_1930 = arith.addi %mul3A_1927, %add3A_1929 : vector<16xi32>
      %gather3A_1931 = tpu.vector_load_idx %arg11[%add3A_1930] : memref<1536xf32, #tpu.memory_space<vmem>>[vector<16xi32>], vector<16xf32>,
      %add3A_1932 = arith.constant 1 : i32
      %add3A_1933 = vector.broadcast %add3A_1932 : i32 to vector<16xi32>
      %add3A_1934 = arith.addi %add3A_1930, %add3A_1933 : vector<16xi32>
      %gather3A_1935 = tpu.vector_load_idx %arg11[%add3A_1934] : memref<1536xf32, #tpu.memory_space<vmem>>[vector<16xi32>], vector<16xf32>,
      %add3A_1936 = arith.constant 2 : i32
      %add3A_1937 = vector.broadcast %add3A_1936 : i32 to vector<16xi32>
      %add3A_1938 = arith.addi %add3A_1930, %add3A_1937 : vector<16xi32>
      %gather3A_1939 = tpu.vector_load_idx %arg11[%add3A_1938] : memref<1536xf32, #tpu.memory_space<vmem>>[vector<16xi32>], vector<16xf32>,
      %sub3A_1940 = arith.subf %gather3A_1931, %gather3A_1915 : vector<16xf32>
      %sub3A_1941 = arith.subf %gather3A_1935, %gather3A_1919 : vector<16xf32>
      %sub3A_1942 = arith.subf %gather3A_1939, %gather3A_1923 : vector<16xf32>
      %mul3A_1943 = arith.mulf %sub3A_1940, %sub3A_1940 : vector<16xf32>
      %mul3A_1944 = arith.mulf %sub3A_1941, %sub3A_1941 : vector<16xf32>
      %add3A_1945 = arith.addf %mul3A_1943, %mul3A_1944 : vector<16xf32>
      %mul3A_1946 = arith.mulf %sub3A_1942, %sub3A_1942 : vector<16xf32>
      %add3A_1947 = arith.addf %add3A_1945, %mul3A_1946 : vector<16xf32>
      %bitcast_convert_type3A_1948 = tpu.bitcast %add3A_1947 : vector<16xf32> -> vector<16xi32>
      %shift_right_logical3A_1949 = arith.constant 1 : i32
      %shift_right_logical3A_1950 = vector.broadcast %shift_right_logical3A_1949 : i32 to vector<16xi32>
      %shift_right_logical3A_1951 = arith.shrui %bitcast_convert_type3A_1948, %shift_right_logical3A_1950 : vector<16xi32>
      %sub3A_1952 = arith.constant 1597463007 : i32
      %sub3A_1953 = vector.broadcast %sub3A_1952 : i32 to vector<16xi32>
      %sub3A_1954 = arith.subi %sub3A_1953, %shift_right_logical3A_1951 : vector<16xi32>
      %bitcast_convert_type3A_1955 = tpu.bitcast %sub3A_1954 : vector<16xi32> -> vector<16xf32>
      %mul3A_1956 = arith.constant 5.000000e-01 : f32
      %mul3A_1957 = vector.broadcast %mul3A_1956 : f32 to vector<16xf32>
      %mul3A_1958 = arith.mulf %add3A_1947, %mul3A_1957 : vector<16xf32>
      %mul3A_1959 = arith.mulf %mul3A_1958, %bitcast_convert_type3A_1955 : vector<16xf32>
      %mul3A_1960 = arith.mulf %mul3A_1959, %bitcast_convert_type3A_1955 : vector<16xf32>
      %sub3A_1961 = arith.constant 1.500000e+00 : f32
      %sub3A_1962 = vector.broadcast %sub3A_1961 : f32 to vector<16xf32>
      %sub3A_1963 = arith.subf %sub3A_1962, %mul3A_1960 : vector<16xf32>
      %mul3A_1964 = arith.mulf %bitcast_convert_type3A_1955, %sub3A_1963 : vector<16xf32>
      %mul3A_1965 = arith.mulf %mul3A_1958, %mul3A_1964 : vector<16xf32>
      %mul3A_1966 = arith.mulf %mul3A_1965, %mul3A_1964 : vector<16xf32>
      %sub3A_1967 = arith.constant 1.500000e+00 : f32
      %sub3A_1968 = vector.broadcast %sub3A_1967 : f32 to vector<16xf32>
      %sub3A_1969 = arith.subf %sub3A_1968, %mul3A_1966 : vector<16xf32>
      %mul3A_1970 = arith.mulf %mul3A_1964, %sub3A_1969 : vector<16xf32>
      %mul3A_1971 = arith.mulf %mul3A_1958, %mul3A_1970 : vector<16xf32>
      %mul3A_1972 = arith.mulf %mul3A_1971, %mul3A_1970 : vector<16xf32>
      %sub3A_1973 = arith.constant 1.500000e+00 : f32
      %sub3A_1974 = vector.broadcast %sub3A_1973 : f32 to vector<16xf32>
      %sub3A_1975 = arith.subf %sub3A_1974, %mul3A_1972 : vector<16xf32>
      %mul3A_1976 = arith.mulf %mul3A_1970, %sub3A_1975 : vector<16xf32>
      %mul3A_1977 = arith.mulf %add3A_1947, %mul3A_1976 : vector<16xf32>
      %add3A_1978 = arith.constant 9.99999993E-9 : f32
      %add3A_1979 = vector.broadcast %add3A_1978 : f32 to vector<16xf32>
      %add3A_1980 = arith.addf %mul3A_1977, %add3A_1979 : vector<16xf32>
      %div3A_1981 = arith.constant 1.000000e+00 : f32
      %div3A_1982 = vector.broadcast %div3A_1981 : f32 to vector<16xf32>
      %div3A_1983 = arith.divf %div3A_1982, %add3A_1980 : vector<16xf32>
      %mul3A_1984 = arith.mulf %sub3A_1940, %div3A_1983 : vector<16xf32>
      %mul3A_1985 = arith.mulf %sub3A_1941, %div3A_1983 : vector<16xf32>
      %mul3A_1986 = arith.mulf %sub3A_1942, %div3A_1983 : vector<16xf32>
      %get3A_1987 = arith.constant 256 : index
      %get3A_1988 = tpu.vector_load %arg12[%get3A_1987] {strides = array<i32>} : memref<512xf32, #tpu.memory_space<vmem>>, vector<16xf32>,
      %get3A_1989 = arith.constant 256 : index
      %get3A_1990 = tpu.vector_load %arg13[%get3A_1989] {strides = array<i32>} : memref<512xf32, #tpu.memory_space<vmem>>, vector<16xf32>,
      %iota3A_1991 = tpu.iota {dimensions = array<i32: 0>} : vector<16xi32>
      %mul3A_1992 = arith.constant 5 : i32
      %mul3A_1993 = vector.broadcast %mul3A_1992 : i32 to vector<16xi32>
      %mul3A_1994 = arith.muli %iota3A_1991, %mul3A_1993 : vector<16xi32>
      %add3A_1995 = arith.constant 1280 : i32
      %add3A_1996 = vector.broadcast %add3A_1995 : i32 to vector<16xi32>
      %add3A_1997 = arith.addi %mul3A_1994, %add3A_1996 : vector<16xi32>
      tpu.vector_store_idx %arg14[%add3A_1997], %get3A_1988 : memref<2560xf32, #tpu.memory_space<vmem>>[vector<16xi32>], vector<16xf32>,
      %add3A_1998 = arith.constant 1 : i32
      %add3A_1999 = vector.broadcast %add3A_1998 : i32 to vector<16xi32>
      %add3A_2000 = arith.addi %add3A_1997, %add3A_1999 : vector<16xi32>
      tpu.vector_store_idx %arg14[%add3A_2000], %mul3A_1984 : memref<2560xf32, #tpu.memory_space<vmem>>[vector<16xi32>], vector<16xf32>,
      %add3A_2001 = arith.constant 2 : i32
      %add3A_2002 = vector.broadcast %add3A_2001 : i32 to vector<16xi32>
      %add3A_2003 = arith.addi %add3A_1997, %add3A_2002 : vector<16xi32>
      tpu.vector_store_idx %arg14[%add3A_2003], %mul3A_1985 : memref<2560xf32, #tpu.memory_space<vmem>>[vector<16xi32>], vector<16xf32>,
      %add3A_2004 = arith.constant 3 : i32
      %add3A_2005 = vector.broadcast %add3A_2004 : i32 to vector<16xi32>
      %add3A_2006 = arith.addi %add3A_1997, %add3A_2005 : vector<16xi32>
      tpu.vector_store_idx %arg14[%add3A_2006], %mul3A_1986 : memref<2560xf32, #tpu.memory_space<vmem>>[vector<16xi32>], vector<16xf32>,
      %add3A_2007 = arith.constant 4 : i32
      %add3A_2008 = vector.broadcast %add3A_2007 : i32 to vector<16xi32>
      %add3A_2009 = arith.addi %add3A_1997, %add3A_2008 : vector<16xi32>
      tpu.vector_store_idx %arg14[%add3A_2009], %mul3A_1977 : memref<2560xf32, #tpu.memory_space<vmem>>[vector<16xi32>], vector<16xf32>,
      tpu.vector_store_idx %arg15[%add3A_1997], %get3A_1990 : memref<2560xf32, #tpu.memory_space<vmem>>[vector<16xi32>], vector<16xf32>,
      %add3A_2010 = arith.constant 1 : i32
      %add3A_2011 = vector.broadcast %add3A_2010 : i32 to vector<16xi32>
      %add3A_2012 = arith.addi %add3A_1997, %add3A_2011 : vector<16xi32>
      tpu.vector_store_idx %arg15[%add3A_2012], %mul3A_1984 : memref<2560xf32, #tpu.memory_space<vmem>>[vector<16xi32>], vector<16xf32>,
      %add3A_2013 = arith.constant 2 : i32
      %add3A_2014 = vector.broadcast %add3A_2013 : i32 to vector<16xi32>
      %add3A_2015 = arith.addi %add3A_1997, %add3A_2014 : vector<16xi32>
      tpu.vector_store_idx %arg15[%add3A_2015], %mul3A_1985 : memref<2560xf32, #tpu.memory_space<vmem>>[vector<16xi32>], vector<16xf32>,
      %add3A_2016 = arith.constant 3 : i32
      %add3A_2017 = vector.broadcast %add3A_2016 : i32 to vector<16xi32>
      %add3A_2018 = arith.addi %add3A_1997, %add3A_2017 : vector<16xi32>
      tpu.vector_store_idx %arg15[%add3A_2018], %mul3A_1986 : memref<2560xf32, #tpu.memory_space<vmem>>[vector<16xi32>], vector<16xf32>,
      %add3A_2019 = arith.constant 4 : i32
      %add3A_2020 = vector.broadcast %add3A_2019 : i32 to vector<16xi32>
      %add3A_2021 = arith.addi %add3A_1997, %add3A_2020 : vector<16xi32>
      tpu.vector_store_idx %arg15[%add3A_2021], %mul3A_1977 : memref<2560xf32, #tpu.memory_space<vmem>>[vector<16xi32>], vector<16xf32>,
      %add3A_2022 = arith.addi %get3A_1911, %add3A_5 : vector<16xi32>
      %swap3A_2023 = arith.constant 256 : index
      %swap3A_2024 = tpu.vector_load %arg16[%swap3A_2023] {strides = array<i32>} : memref<512xi32, #tpu.memory_space<vmem>>, vector<16xi32>,
      tpu.vector_store %arg16[%swap3A_2023], %add3A_2022 {strides = array<i32>} : memref<512xi32, #tpu.memory_space<vmem>>, vector<16xi32>,
      %add3A_2025 = arith.addi %get3A_1911, %add3A_8 : vector<16xi32>
      %swap3A_2026 = arith.constant 256 : index
      %swap3A_2027 = tpu.vector_load %arg17[%swap3A_2026] {strides = array<i32>} : memref<512xi32, #tpu.memory_space<vmem>>, vector<16xi32>,
      tpu.vector_store %arg17[%swap3A_2026], %add3A_2025 {strides = array<i32>} : memref<512xi32, #tpu.memory_space<vmem>>, vector<16xi32>,
      %get3A_2028 = arith.constant 272 : index
      %get3A_2029 = tpu.vector_load %arg10[%get3A_2028] {strides = array<i32>} : memref<512xi32, #tpu.memory_space<vmem>>, vector<16xi32>,
      %mul3A_2030 = arith.constant 3 : i32
      %mul3A_2031 = vector.broadcast %mul3A_2030 : i32 to vector<16xi32>
      %mul3A_2032 = arith.muli %get3A_2029, %mul3A_2031 : vector<16xi32>
      %gather3A_2033 = tpu.vector_load_idx %arg9[%mul3A_2032] : memref<98304xf32, #tpu.memory_space<vmem>>[vector<16xi32>], vector<16xf32>,
      %add3A_2034 = arith.constant 1 : i32
      %add3A_2035 = vector.broadcast %add3A_2034 : i32 to vector<16xi32>
      %add3A_2036 = arith.addi %mul3A_2032, %add3A_2035 : vector<16xi32>
      %gather3A_2037 = tpu.vector_load_idx %arg9[%add3A_2036] : memref<98304xf32, #tpu.memory_space<vmem>>[vector<16xi32>], vector<16xf32>,
      %add3A_2038 = arith.constant 2 : i32
      %add3A_2039 = vector.broadcast %add3A_2038 : i32 to vector<16xi32>
      %add3A_2040 = arith.addi %mul3A_2032, %add3A_2039 : vector<16xi32>
      %gather3A_2041 = tpu.vector_load_idx %arg9[%add3A_2040] : memref<98304xf32, #tpu.memory_space<vmem>>[vector<16xi32>], vector<16xf32>,
      %iota3A_2042 = tpu.iota {dimensions = array<i32: 0>} : vector<16xi32>
      %mul3A_2043 = arith.constant 3 : i32
      %mul3A_2044 = vector.broadcast %mul3A_2043 : i32 to vector<16xi32>
      %mul3A_2045 = arith.muli %iota3A_2042, %mul3A_2044 : vector<16xi32>
      %add3A_2046 = arith.constant 816 : i32
      %add3A_2047 = vector.broadcast %add3A_2046 : i32 to vector<16xi32>
      %add3A_2048 = arith.addi %mul3A_2045, %add3A_2047 : vector<16xi32>
      %gather3A_2049 = tpu.vector_load_idx %arg11[%add3A_2048] : memref<1536xf32, #tpu.memory_space<vmem>>[vector<16xi32>], vector<16xf32>,
      %add3A_2050 = arith.constant 1 : i32
      %add3A_2051 = vector.broadcast %add3A_2050 : i32 to vector<16xi32>
      %add3A_2052 = arith.addi %add3A_2048, %add3A_2051 : vector<16xi32>
      %gather3A_2053 = tpu.vector_load_idx %arg11[%add3A_2052] : memref<1536xf32, #tpu.memory_space<vmem>>[vector<16xi32>], vector<16xf32>,
      %add3A_2054 = arith.constant 2 : i32
      %add3A_2055 = vector.broadcast %add3A_2054 : i32 to vector<16xi32>
      %add3A_2056 = arith.addi %add3A_2048, %add3A_2055 : vector<16xi32>
      %gather3A_2057 = tpu.vector_load_idx %arg11[%add3A_2056] : memref<1536xf32, #tpu.memory_space<vmem>>[vector<16xi32>], vector<16xf32>,
      %sub3A_2058 = arith.subf %gather3A_2049, %gather3A_2033 : vector<16xf32>
      %sub3A_2059 = arith.subf %gather3A_2053, %gather3A_2037 : vector<16xf32>
      %sub3A_2060 = arith.subf %gather3A_2057, %gather3A_2041 : vector<16xf32>
      %mul3A_2061 = arith.mulf %sub3A_2058, %sub3A_2058 : vector<16xf32>
      %mul3A_2062 = arith.mulf %sub3A_2059, %sub3A_2059 : vector<16xf32>
      %add3A_2063 = arith.addf %mul3A_2061, %mul3A_2062 : vector<16xf32>
      %mul3A_2064 = arith.mulf %sub3A_2060, %sub3A_2060 : vector<16xf32>
      %add3A_2065 = arith.addf %add3A_2063, %mul3A_2064 : vector<16xf32>
      %bitcast_convert_type3A_2066 = tpu.bitcast %add3A_2065 : vector<16xf32> -> vector<16xi32>
      %shift_right_logical3A_2067 = arith.constant 1 : i32
      %shift_right_logical3A_2068 = vector.broadcast %shift_right_logical3A_2067 : i32 to vector<16xi32>
      %shift_right_logical3A_2069 = arith.shrui %bitcast_convert_type3A_2066, %shift_right_logical3A_2068 : vector<16xi32>
      %sub3A_2070 = arith.constant 1597463007 : i32
      %sub3A_2071 = vector.broadcast %sub3A_2070 : i32 to vector<16xi32>
      %sub3A_2072 = arith.subi %sub3A_2071, %shift_right_logical3A_2069 : vector<16xi32>
      %bitcast_convert_type3A_2073 = tpu.bitcast %sub3A_2072 : vector<16xi32> -> vector<16xf32>
      %mul3A_2074 = arith.constant 5.000000e-01 : f32
      %mul3A_2075 = vector.broadcast %mul3A_2074 : f32 to vector<16xf32>
      %mul3A_2076 = arith.mulf %add3A_2065, %mul3A_2075 : vector<16xf32>
      %mul3A_2077 = arith.mulf %mul3A_2076, %bitcast_convert_type3A_2073 : vector<16xf32>
      %mul3A_2078 = arith.mulf %mul3A_2077, %bitcast_convert_type3A_2073 : vector<16xf32>
      %sub3A_2079 = arith.constant 1.500000e+00 : f32
      %sub3A_2080 = vector.broadcast %sub3A_2079 : f32 to vector<16xf32>
      %sub3A_2081 = arith.subf %sub3A_2080, %mul3A_2078 : vector<16xf32>
      %mul3A_2082 = arith.mulf %bitcast_convert_type3A_2073, %sub3A_2081 : vector<16xf32>
      %mul3A_2083 = arith.mulf %mul3A_2076, %mul3A_2082 : vector<16xf32>
      %mul3A_2084 = arith.mulf %mul3A_2083, %mul3A_2082 : vector<16xf32>
      %sub3A_2085 = arith.constant 1.500000e+00 : f32
      %sub3A_2086 = vector.broadcast %sub3A_2085 : f32 to vector<16xf32>
      %sub3A_2087 = arith.subf %sub3A_2086, %mul3A_2084 : vector<16xf32>
      %mul3A_2088 = arith.mulf %mul3A_2082, %sub3A_2087 : vector<16xf32>
      %mul3A_2089 = arith.mulf %mul3A_2076, %mul3A_2088 : vector<16xf32>
      %mul3A_2090 = arith.mulf %mul3A_2089, %mul3A_2088 : vector<16xf32>
      %sub3A_2091 = arith.constant 1.500000e+00 : f32
      %sub3A_2092 = vector.broadcast %sub3A_2091 : f32 to vector<16xf32>
      %sub3A_2093 = arith.subf %sub3A_2092, %mul3A_2090 : vector<16xf32>
      %mul3A_2094 = arith.mulf %mul3A_2088, %sub3A_2093 : vector<16xf32>
      %mul3A_2095 = arith.mulf %add3A_2065, %mul3A_2094 : vector<16xf32>
      %add3A_2096 = arith.constant 9.99999993E-9 : f32
      %add3A_2097 = vector.broadcast %add3A_2096 : f32 to vector<16xf32>
      %add3A_2098 = arith.addf %mul3A_2095, %add3A_2097 : vector<16xf32>
      %div3A_2099 = arith.constant 1.000000e+00 : f32
      %div3A_2100 = vector.broadcast %div3A_2099 : f32 to vector<16xf32>
      %div3A_2101 = arith.divf %div3A_2100, %add3A_2098 : vector<16xf32>
      %mul3A_2102 = arith.mulf %sub3A_2058, %div3A_2101 : vector<16xf32>
      %mul3A_2103 = arith.mulf %sub3A_2059, %div3A_2101 : vector<16xf32>
      %mul3A_2104 = arith.mulf %sub3A_2060, %div3A_2101 : vector<16xf32>
      %get3A_2105 = arith.constant 272 : index
      %get3A_2106 = tpu.vector_load %arg12[%get3A_2105] {strides = array<i32>} : memref<512xf32, #tpu.memory_space<vmem>>, vector<16xf32>,
      %get3A_2107 = arith.constant 272 : index
      %get3A_2108 = tpu.vector_load %arg13[%get3A_2107] {strides = array<i32>} : memref<512xf32, #tpu.memory_space<vmem>>, vector<16xf32>,
      %iota3A_2109 = tpu.iota {dimensions = array<i32: 0>} : vector<16xi32>
      %mul3A_2110 = arith.constant 5 : i32
      %mul3A_2111 = vector.broadcast %mul3A_2110 : i32 to vector<16xi32>
      %mul3A_2112 = arith.muli %iota3A_2109, %mul3A_2111 : vector<16xi32>
      %add3A_2113 = arith.constant 1360 : i32
      %add3A_2114 = vector.broadcast %add3A_2113 : i32 to vector<16xi32>
      %add3A_2115 = arith.addi %mul3A_2112, %add3A_2114 : vector<16xi32>
      tpu.vector_store_idx %arg14[%add3A_2115], %get3A_2106 : memref<2560xf32, #tpu.memory_space<vmem>>[vector<16xi32>], vector<16xf32>,
      %add3A_2116 = arith.constant 1 : i32
      %add3A_2117 = vector.broadcast %add3A_2116 : i32 to vector<16xi32>
      %add3A_2118 = arith.addi %add3A_2115, %add3A_2117 : vector<16xi32>
      tpu.vector_store_idx %arg14[%add3A_2118], %mul3A_2102 : memref<2560xf32, #tpu.memory_space<vmem>>[vector<16xi32>], vector<16xf32>,
      %add3A_2119 = arith.constant 2 : i32
      %add3A_2120 = vector.broadcast %add3A_2119 : i32 to vector<16xi32>
      %add3A_2121 = arith.addi %add3A_2115, %add3A_2120 : vector<16xi32>
      tpu.vector_store_idx %arg14[%add3A_2121], %mul3A_2103 : memref<2560xf32, #tpu.memory_space<vmem>>[vector<16xi32>], vector<16xf32>,
      %add3A_2122 = arith.constant 3 : i32
      %add3A_2123 = vector.broadcast %add3A_2122 : i32 to vector<16xi32>
      %add3A_2124 = arith.addi %add3A_2115, %add3A_2123 : vector<16xi32>
      tpu.vector_store_idx %arg14[%add3A_2124], %mul3A_2104 : memref<2560xf32, #tpu.memory_space<vmem>>[vector<16xi32>], vector<16xf32>,
      %add3A_2125 = arith.constant 4 : i32
      %add3A_2126 = vector.broadcast %add3A_2125 : i32 to vector<16xi32>
      %add3A_2127 = arith.addi %add3A_2115, %add3A_2126 : vector<16xi32>
      tpu.vector_store_idx %arg14[%add3A_2127], %mul3A_2095 : memref<2560xf32, #tpu.memory_space<vmem>>[vector<16xi32>], vector<16xf32>,
      tpu.vector_store_idx %arg15[%add3A_2115], %get3A_2108 : memref<2560xf32, #tpu.memory_space<vmem>>[vector<16xi32>], vector<16xf32>,
      %add3A_2128 = arith.constant 1 : i32
      %add3A_2129 = vector.broadcast %add3A_2128 : i32 to vector<16xi32>
      %add3A_2130 = arith.addi %add3A_2115, %add3A_2129 : vector<16xi32>
      tpu.vector_store_idx %arg15[%add3A_2130], %mul3A_2102 : memref<2560xf32, #tpu.memory_space<vmem>>[vector<16xi32>], vector<16xf32>,
      %add3A_2131 = arith.constant 2 : i32
      %add3A_2132 = vector.broadcast %add3A_2131 : i32 to vector<16xi32>
      %add3A_2133 = arith.addi %add3A_2115, %add3A_2132 : vector<16xi32>
      tpu.vector_store_idx %arg15[%add3A_2133], %mul3A_2103 : memref<2560xf32, #tpu.memory_space<vmem>>[vector<16xi32>], vector<16xf32>,
      %add3A_2134 = arith.constant 3 : i32
      %add3A_2135 = vector.broadcast %add3A_2134 : i32 to vector<16xi32>
      %add3A_2136 = arith.addi %add3A_2115, %add3A_2135 : vector<16xi32>
      tpu.vector_store_idx %arg15[%add3A_2136], %mul3A_2104 : memref<2560xf32, #tpu.memory_space<vmem>>[vector<16xi32>], vector<16xf32>,
      %add3A_2137 = arith.constant 4 : i32
      %add3A_2138 = vector.broadcast %add3A_2137 : i32 to vector<16xi32>
      %add3A_2139 = arith.addi %add3A_2115, %add3A_2138 : vector<16xi32>
      tpu.vector_store_idx %arg15[%add3A_2139], %mul3A_2095 : memref<2560xf32, #tpu.memory_space<vmem>>[vector<16xi32>], vector<16xf32>,
      %add3A_2140 = arith.addi %get3A_2029, %add3A_5 : vector<16xi32>
      %swap3A_2141 = arith.constant 272 : index
      %swap3A_2142 = tpu.vector_load %arg16[%swap3A_2141] {strides = array<i32>} : memref<512xi32, #tpu.memory_space<vmem>>, vector<16xi32>,
      tpu.vector_store %arg16[%swap3A_2141], %add3A_2140 {strides = array<i32>} : memref<512xi32, #tpu.memory_space<vmem>>, vector<16xi32>,
      %add3A_2143 = arith.addi %get3A_2029, %add3A_8 : vector<16xi32>
      %swap3A_2144 = arith.constant 272 : index
      %swap3A_2145 = tpu.vector_load %arg17[%swap3A_2144] {strides = array<i32>} : memref<512xi32, #tpu.memory_space<vmem>>, vector<16xi32>,
      tpu.vector_store %arg17[%swap3A_2144], %add3A_2143 {strides = array<i32>} : memref<512xi32, #tpu.memory_space<vmem>>, vector<16xi32>,
      %get3A_2146 = arith.constant 288 : index
      %get3A_2147 = tpu.vector_load %arg10[%get3A_2146] {strides = array<i32>} : memref<512xi32, #tpu.memory_space<vmem>>, vector<16xi32>,
      %mul3A_2148 = arith.constant 3 : i32
      %mul3A_2149 = vector.broadcast %mul3A_2148 : i32 to vector<16xi32>
      %mul3A_2150 = arith.muli %get3A_2147, %mul3A_2149 : vector<16xi32>
      %gather3A_2151 = tpu.vector_load_idx %arg9[%mul3A_2150] : memref<98304xf32, #tpu.memory_space<vmem>>[vector<16xi32>], vector<16xf32>,
      %add3A_2152 = arith.constant 1 : i32
      %add3A_2153 = vector.broadcast %add3A_2152 : i32 to vector<16xi32>
      %add3A_2154 = arith.addi %mul3A_2150, %add3A_2153 : vector<16xi32>
      %gather3A_2155 = tpu.vector_load_idx %arg9[%add3A_2154] : memref<98304xf32, #tpu.memory_space<vmem>>[vector<16xi32>], vector<16xf32>,
      %add3A_2156 = arith.constant 2 : i32
      %add3A_2157 = vector.broadcast %add3A_2156 : i32 to vector<16xi32>
      %add3A_2158 = arith.addi %mul3A_2150, %add3A_2157 : vector<16xi32>
      %gather3A_2159 = tpu.vector_load_idx %arg9[%add3A_2158] : memref<98304xf32, #tpu.memory_space<vmem>>[vector<16xi32>], vector<16xf32>,
      %iota3A_2160 = tpu.iota {dimensions = array<i32: 0>} : vector<16xi32>
      %mul3A_2161 = arith.constant 3 : i32
      %mul3A_2162 = vector.broadcast %mul3A_2161 : i32 to vector<16xi32>
      %mul3A_2163 = arith.muli %iota3A_2160, %mul3A_2162 : vector<16xi32>
      %add3A_2164 = arith.constant 864 : i32
      %add3A_2165 = vector.broadcast %add3A_2164 : i32 to vector<16xi32>
      %add3A_2166 = arith.addi %mul3A_2163, %add3A_2165 : vector<16xi32>
      %gather3A_2167 = tpu.vector_load_idx %arg11[%add3A_2166] : memref<1536xf32, #tpu.memory_space<vmem>>[vector<16xi32>], vector<16xf32>,
      %add3A_2168 = arith.constant 1 : i32
      %add3A_2169 = vector.broadcast %add3A_2168 : i32 to vector<16xi32>
      %add3A_2170 = arith.addi %add3A_2166, %add3A_2169 : vector<16xi32>
      %gather3A_2171 = tpu.vector_load_idx %arg11[%add3A_2170] : memref<1536xf32, #tpu.memory_space<vmem>>[vector<16xi32>], vector<16xf32>,
      %add3A_2172 = arith.constant 2 : i32
      %add3A_2173 = vector.broadcast %add3A_2172 : i32 to vector<16xi32>
      %add3A_2174 = arith.addi %add3A_2166, %add3A_2173 : vector<16xi32>
      %gather3A_2175 = tpu.vector_load_idx %arg11[%add3A_2174] : memref<1536xf32, #tpu.memory_space<vmem>>[vector<16xi32>], vector<16xf32>,
      %sub3A_2176 = arith.subf %gather3A_2167, %gather3A_2151 : vector<16xf32>
      %sub3A_2177 = arith.subf %gather3A_2171, %gather3A_2155 : vector<16xf32>
      %sub3A_2178 = arith.subf %gather3A_2175, %gather3A_2159 : vector<16xf32>
      %mul3A_2179 = arith.mulf %sub3A_2176, %sub3A_2176 : vector<16xf32>
      %mul3A_2180 = arith.mulf %sub3A_2177, %sub3A_2177 : vector<16xf32>
      %add3A_2181 = arith.addf %mul3A_2179, %mul3A_2180 : vector<16xf32>
      %mul3A_2182 = arith.mulf %sub3A_2178, %sub3A_2178 : vector<16xf32>
      %add3A_2183 = arith.addf %add3A_2181, %mul3A_2182 : vector<16xf32>
      %bitcast_convert_type3A_2184 = tpu.bitcast %add3A_2183 : vector<16xf32> -> vector<16xi32>
      %shift_right_logical3A_2185 = arith.constant 1 : i32
      %shift_right_logical3A_2186 = vector.broadcast %shift_right_logical3A_2185 : i32 to vector<16xi32>
      %shift_right_logical3A_2187 = arith.shrui %bitcast_convert_type3A_2184, %shift_right_logical3A_2186 : vector<16xi32>
      %sub3A_2188 = arith.constant 1597463007 : i32
      %sub3A_2189 = vector.broadcast %sub3A_2188 : i32 to vector<16xi32>
      %sub3A_2190 = arith.subi %sub3A_2189, %shift_right_logical3A_2187 : vector<16xi32>
      %bitcast_convert_type3A_2191 = tpu.bitcast %sub3A_2190 : vector<16xi32> -> vector<16xf32>
      %mul3A_2192 = arith.constant 5.000000e-01 : f32
      %mul3A_2193 = vector.broadcast %mul3A_2192 : f32 to vector<16xf32>
      %mul3A_2194 = arith.mulf %add3A_2183, %mul3A_2193 : vector<16xf32>
      %mul3A_2195 = arith.mulf %mul3A_2194, %bitcast_convert_type3A_2191 : vector<16xf32>
      %mul3A_2196 = arith.mulf %mul3A_2195, %bitcast_convert_type3A_2191 : vector<16xf32>
      %sub3A_2197 = arith.constant 1.500000e+00 : f32
      %sub3A_2198 = vector.broadcast %sub3A_2197 : f32 to vector<16xf32>
      %sub3A_2199 = arith.subf %sub3A_2198, %mul3A_2196 : vector<16xf32>
      %mul3A_2200 = arith.mulf %bitcast_convert_type3A_2191, %sub3A_2199 : vector<16xf32>
      %mul3A_2201 = arith.mulf %mul3A_2194, %mul3A_2200 : vector<16xf32>
      %mul3A_2202 = arith.mulf %mul3A_2201, %mul3A_2200 : vector<16xf32>
      %sub3A_2203 = arith.constant 1.500000e+00 : f32
      %sub3A_2204 = vector.broadcast %sub3A_2203 : f32 to vector<16xf32>
      %sub3A_2205 = arith.subf %sub3A_2204, %mul3A_2202 : vector<16xf32>
      %mul3A_2206 = arith.mulf %mul3A_2200, %sub3A_2205 : vector<16xf32>
      %mul3A_2207 = arith.mulf %mul3A_2194, %mul3A_2206 : vector<16xf32>
      %mul3A_2208 = arith.mulf %mul3A_2207, %mul3A_2206 : vector<16xf32>
      %sub3A_2209 = arith.constant 1.500000e+00 : f32
      %sub3A_2210 = vector.broadcast %sub3A_2209 : f32 to vector<16xf32>
      %sub3A_2211 = arith.subf %sub3A_2210, %mul3A_2208 : vector<16xf32>
      %mul3A_2212 = arith.mulf %mul3A_2206, %sub3A_2211 : vector<16xf32>
      %mul3A_2213 = arith.mulf %add3A_2183, %mul3A_2212 : vector<16xf32>
      %add3A_2214 = arith.constant 9.99999993E-9 : f32
      %add3A_2215 = vector.broadcast %add3A_2214 : f32 to vector<16xf32>
      %add3A_2216 = arith.addf %mul3A_2213, %add3A_2215 : vector<16xf32>
      %div3A_2217 = arith.constant 1.000000e+00 : f32
      %div3A_2218 = vector.broadcast %div3A_2217 : f32 to vector<16xf32>
      %div3A_2219 = arith.divf %div3A_2218, %add3A_2216 : vector<16xf32>
      %mul3A_2220 = arith.mulf %sub3A_2176, %div3A_2219 : vector<16xf32>
      %mul3A_2221 = arith.mulf %sub3A_2177, %div3A_2219 : vector<16xf32>
      %mul3A_2222 = arith.mulf %sub3A_2178, %div3A_2219 : vector<16xf32>
      %get3A_2223 = arith.constant 288 : index
      %get3A_2224 = tpu.vector_load %arg12[%get3A_2223] {strides = array<i32>} : memref<512xf32, #tpu.memory_space<vmem>>, vector<16xf32>,
      %get3A_2225 = arith.constant 288 : index
      %get3A_2226 = tpu.vector_load %arg13[%get3A_2225] {strides = array<i32>} : memref<512xf32, #tpu.memory_space<vmem>>, vector<16xf32>,
      %iota3A_2227 = tpu.iota {dimensions = array<i32: 0>} : vector<16xi32>
      %mul3A_2228 = arith.constant 5 : i32
      %mul3A_2229 = vector.broadcast %mul3A_2228 : i32 to vector<16xi32>
      %mul3A_2230 = arith.muli %iota3A_2227, %mul3A_2229 : vector<16xi32>
      %add3A_2231 = arith.constant 1440 : i32
      %add3A_2232 = vector.broadcast %add3A_2231 : i32 to vector<16xi32>
      %add3A_2233 = arith.addi %mul3A_2230, %add3A_2232 : vector<16xi32>
      tpu.vector_store_idx %arg14[%add3A_2233], %get3A_2224 : memref<2560xf32, #tpu.memory_space<vmem>>[vector<16xi32>], vector<16xf32>,
      %add3A_2234 = arith.constant 1 : i32
      %add3A_2235 = vector.broadcast %add3A_2234 : i32 to vector<16xi32>
      %add3A_2236 = arith.addi %add3A_2233, %add3A_2235 : vector<16xi32>
      tpu.vector_store_idx %arg14[%add3A_2236], %mul3A_2220 : memref<2560xf32, #tpu.memory_space<vmem>>[vector<16xi32>], vector<16xf32>,
      %add3A_2237 = arith.constant 2 : i32
      %add3A_2238 = vector.broadcast %add3A_2237 : i32 to vector<16xi32>
      %add3A_2239 = arith.addi %add3A_2233, %add3A_2238 : vector<16xi32>
      tpu.vector_store_idx %arg14[%add3A_2239], %mul3A_2221 : memref<2560xf32, #tpu.memory_space<vmem>>[vector<16xi32>], vector<16xf32>,
      %add3A_2240 = arith.constant 3 : i32
      %add3A_2241 = vector.broadcast %add3A_2240 : i32 to vector<16xi32>
      %add3A_2242 = arith.addi %add3A_2233, %add3A_2241 : vector<16xi32>
      tpu.vector_store_idx %arg14[%add3A_2242], %mul3A_2222 : memref<2560xf32, #tpu.memory_space<vmem>>[vector<16xi32>], vector<16xf32>,
      %add3A_2243 = arith.constant 4 : i32
      %add3A_2244 = vector.broadcast %add3A_2243 : i32 to vector<16xi32>
      %add3A_2245 = arith.addi %add3A_2233, %add3A_2244 : vector<16xi32>
      tpu.vector_store_idx %arg14[%add3A_2245], %mul3A_2213 : memref<2560xf32, #tpu.memory_space<vmem>>[vector<16xi32>], vector<16xf32>,
      tpu.vector_store_idx %arg15[%add3A_2233], %get3A_2226 : memref<2560xf32, #tpu.memory_space<vmem>>[vector<16xi32>], vector<16xf32>,
      %add3A_2246 = arith.constant 1 : i32
      %add3A_2247 = vector.broadcast %add3A_2246 : i32 to vector<16xi32>
      %add3A_2248 = arith.addi %add3A_2233, %add3A_2247 : vector<16xi32>
      tpu.vector_store_idx %arg15[%add3A_2248], %mul3A_2220 : memref<2560xf32, #tpu.memory_space<vmem>>[vector<16xi32>], vector<16xf32>,
      %add3A_2249 = arith.constant 2 : i32
      %add3A_2250 = vector.broadcast %add3A_2249 : i32 to vector<16xi32>
      %add3A_2251 = arith.addi %add3A_2233, %add3A_2250 : vector<16xi32>
      tpu.vector_store_idx %arg15[%add3A_2251], %mul3A_2221 : memref<2560xf32, #tpu.memory_space<vmem>>[vector<16xi32>], vector<16xf32>,
      %add3A_2252 = arith.constant 3 : i32
      %add3A_2253 = vector.broadcast %add3A_2252 : i32 to vector<16xi32>
      %add3A_2254 = arith.addi %add3A_2233, %add3A_2253 : vector<16xi32>
      tpu.vector_store_idx %arg15[%add3A_2254], %mul3A_2222 : memref<2560xf32, #tpu.memory_space<vmem>>[vector<16xi32>], vector<16xf32>,
      %add3A_2255 = arith.constant 4 : i32
      %add3A_2256 = vector.broadcast %add3A_2255 : i32 to vector<16xi32>
      %add3A_2257 = arith.addi %add3A_2233, %add3A_2256 : vector<16xi32>
      tpu.vector_store_idx %arg15[%add3A_2257], %mul3A_2213 : memref<2560xf32, #tpu.memory_space<vmem>>[vector<16xi32>], vector<16xf32>,
      %add3A_2258 = arith.addi %get3A_2147, %add3A_5 : vector<16xi32>
      %swap3A_2259 = arith.constant 288 : index
      %swap3A_2260 = tpu.vector_load %arg16[%swap3A_2259] {strides = array<i32>} : memref<512xi32, #tpu.memory_space<vmem>>, vector<16xi32>,
      tpu.vector_store %arg16[%swap3A_2259], %add3A_2258 {strides = array<i32>} : memref<512xi32, #tpu.memory_space<vmem>>, vector<16xi32>,
      %add3A_2261 = arith.addi %get3A_2147, %add3A_8 : vector<16xi32>
      %swap3A_2262 = arith.constant 288 : index
      %swap3A_2263 = tpu.vector_load %arg17[%swap3A_2262] {strides = array<i32>} : memref<512xi32, #tpu.memory_space<vmem>>, vector<16xi32>,
      tpu.vector_store %arg17[%swap3A_2262], %add3A_2261 {strides = array<i32>} : memref<512xi32, #tpu.memory_space<vmem>>, vector<16xi32>,
      %get3A_2264 = arith.constant 304 : index
      %get3A_2265 = tpu.vector_load %arg10[%get3A_2264] {strides = array<i32>} : memref<512xi32, #tpu.memory_space<vmem>>, vector<16xi32>,
      %mul3A_2266 = arith.constant 3 : i32
      %mul3A_2267 = vector.broadcast %mul3A_2266 : i32 to vector<16xi32>
      %mul3A_2268 = arith.muli %get3A_2265, %mul3A_2267 : vector<16xi32>
      %gather3A_2269 = tpu.vector_load_idx %arg9[%mul3A_2268] : memref<98304xf32, #tpu.memory_space<vmem>>[vector<16xi32>], vector<16xf32>,
      %add3A_2270 = arith.constant 1 : i32
      %add3A_2271 = vector.broadcast %add3A_2270 : i32 to vector<16xi32>
      %add3A_2272 = arith.addi %mul3A_2268, %add3A_2271 : vector<16xi32>
      %gather3A_2273 = tpu.vector_load_idx %arg9[%add3A_2272] : memref<98304xf32, #tpu.memory_space<vmem>>[vector<16xi32>], vector<16xf32>,
      %add3A_2274 = arith.constant 2 : i32
      %add3A_2275 = vector.broadcast %add3A_2274 : i32 to vector<16xi32>
      %add3A_2276 = arith.addi %mul3A_2268, %add3A_2275 : vector<16xi32>
      %gather3A_2277 = tpu.vector_load_idx %arg9[%add3A_2276] : memref<98304xf32, #tpu.memory_space<vmem>>[vector<16xi32>], vector<16xf32>,
      %iota3A_2278 = tpu.iota {dimensions = array<i32: 0>} : vector<16xi32>
      %mul3A_2279 = arith.constant 3 : i32
      %mul3A_2280 = vector.broadcast %mul3A_2279 : i32 to vector<16xi32>
      %mul3A_2281 = arith.muli %iota3A_2278, %mul3A_2280 : vector<16xi32>
      %add3A_2282 = arith.constant 912 : i32
      %add3A_2283 = vector.broadcast %add3A_2282 : i32 to vector<16xi32>
      %add3A_2284 = arith.addi %mul3A_2281, %add3A_2283 : vector<16xi32>
      %gather3A_2285 = tpu.vector_load_idx %arg11[%add3A_2284] : memref<1536xf32, #tpu.memory_space<vmem>>[vector<16xi32>], vector<16xf32>,
      %add3A_2286 = arith.constant 1 : i32
      %add3A_2287 = vector.broadcast %add3A_2286 : i32 to vector<16xi32>
      %add3A_2288 = arith.addi %add3A_2284, %add3A_2287 : vector<16xi32>
      %gather3A_2289 = tpu.vector_load_idx %arg11[%add3A_2288] : memref<1536xf32, #tpu.memory_space<vmem>>[vector<16xi32>], vector<16xf32>,
      %add3A_2290 = arith.constant 2 : i32
      %add3A_2291 = vector.broadcast %add3A_2290 : i32 to vector<16xi32>
      %add3A_2292 = arith.addi %add3A_2284, %add3A_2291 : vector<16xi32>
      %gather3A_2293 = tpu.vector_load_idx %arg11[%add3A_2292] : memref<1536xf32, #tpu.memory_space<vmem>>[vector<16xi32>], vector<16xf32>,
      %sub3A_2294 = arith.subf %gather3A_2285, %gather3A_2269 : vector<16xf32>
      %sub3A_2295 = arith.subf %gather3A_2289, %gather3A_2273 : vector<16xf32>
      %sub3A_2296 = arith.subf %gather3A_2293, %gather3A_2277 : vector<16xf32>
      %mul3A_2297 = arith.mulf %sub3A_2294, %sub3A_2294 : vector<16xf32>
      %mul3A_2298 = arith.mulf %sub3A_2295, %sub3A_2295 : vector<16xf32>
      %add3A_2299 = arith.addf %mul3A_2297, %mul3A_2298 : vector<16xf32>
      %mul3A_2300 = arith.mulf %sub3A_2296, %sub3A_2296 : vector<16xf32>
      %add3A_2301 = arith.addf %add3A_2299, %mul3A_2300 : vector<16xf32>
      %bitcast_convert_type3A_2302 = tpu.bitcast %add3A_2301 : vector<16xf32> -> vector<16xi32>
      %shift_right_logical3A_2303 = arith.constant 1 : i32
      %shift_right_logical3A_2304 = vector.broadcast %shift_right_logical3A_2303 : i32 to vector<16xi32>
      %shift_right_logical3A_2305 = arith.shrui %bitcast_convert_type3A_2302, %shift_right_logical3A_2304 : vector<16xi32>
      %sub3A_2306 = arith.constant 1597463007 : i32
      %sub3A_2307 = vector.broadcast %sub3A_2306 : i32 to vector<16xi32>
      %sub3A_2308 = arith.subi %sub3A_2307, %shift_right_logical3A_2305 : vector<16xi32>
      %bitcast_convert_type3A_2309 = tpu.bitcast %sub3A_2308 : vector<16xi32> -> vector<16xf32>
      %mul3A_2310 = arith.constant 5.000000e-01 : f32
      %mul3A_2311 = vector.broadcast %mul3A_2310 : f32 to vector<16xf32>
      %mul3A_2312 = arith.mulf %add3A_2301, %mul3A_2311 : vector<16xf32>
      %mul3A_2313 = arith.mulf %mul3A_2312, %bitcast_convert_type3A_2309 : vector<16xf32>
      %mul3A_2314 = arith.mulf %mul3A_2313, %bitcast_convert_type3A_2309 : vector<16xf32>
      %sub3A_2315 = arith.constant 1.500000e+00 : f32
      %sub3A_2316 = vector.broadcast %sub3A_2315 : f32 to vector<16xf32>
      %sub3A_2317 = arith.subf %sub3A_2316, %mul3A_2314 : vector<16xf32>
      %mul3A_2318 = arith.mulf %bitcast_convert_type3A_2309, %sub3A_2317 : vector<16xf32>
      %mul3A_2319 = arith.mulf %mul3A_2312, %mul3A_2318 : vector<16xf32>
      %mul3A_2320 = arith.mulf %mul3A_2319, %mul3A_2318 : vector<16xf32>
      %sub3A_2321 = arith.constant 1.500000e+00 : f32
      %sub3A_2322 = vector.broadcast %sub3A_2321 : f32 to vector<16xf32>
      %sub3A_2323 = arith.subf %sub3A_2322, %mul3A_2320 : vector<16xf32>
      %mul3A_2324 = arith.mulf %mul3A_2318, %sub3A_2323 : vector<16xf32>
      %mul3A_2325 = arith.mulf %mul3A_2312, %mul3A_2324 : vector<16xf32>
      %mul3A_2326 = arith.mulf %mul3A_2325, %mul3A_2324 : vector<16xf32>
      %sub3A_2327 = arith.constant 1.500000e+00 : f32
      %sub3A_2328 = vector.broadcast %sub3A_2327 : f32 to vector<16xf32>
      %sub3A_2329 = arith.subf %sub3A_2328, %mul3A_2326 : vector<16xf32>
      %mul3A_2330 = arith.mulf %mul3A_2324, %sub3A_2329 : vector<16xf32>
      %mul3A_2331 = arith.mulf %add3A_2301, %mul3A_2330 : vector<16xf32>
      %add3A_2332 = arith.constant 9.99999993E-9 : f32
      %add3A_2333 = vector.broadcast %add3A_2332 : f32 to vector<16xf32>
      %add3A_2334 = arith.addf %mul3A_2331, %add3A_2333 : vector<16xf32>
      %div3A_2335 = arith.constant 1.000000e+00 : f32
      %div3A_2336 = vector.broadcast %div3A_2335 : f32 to vector<16xf32>
      %div3A_2337 = arith.divf %div3A_2336, %add3A_2334 : vector<16xf32>
      %mul3A_2338 = arith.mulf %sub3A_2294, %div3A_2337 : vector<16xf32>
      %mul3A_2339 = arith.mulf %sub3A_2295, %div3A_2337 : vector<16xf32>
      %mul3A_2340 = arith.mulf %sub3A_2296, %div3A_2337 : vector<16xf32>
      %get3A_2341 = arith.constant 304 : index
      %get3A_2342 = tpu.vector_load %arg12[%get3A_2341] {strides = array<i32>} : memref<512xf32, #tpu.memory_space<vmem>>, vector<16xf32>,
      %get3A_2343 = arith.constant 304 : index
      %get3A_2344 = tpu.vector_load %arg13[%get3A_2343] {strides = array<i32>} : memref<512xf32, #tpu.memory_space<vmem>>, vector<16xf32>,
      %iota3A_2345 = tpu.iota {dimensions = array<i32: 0>} : vector<16xi32>
      %mul3A_2346 = arith.constant 5 : i32
      %mul3A_2347 = vector.broadcast %mul3A_2346 : i32 to vector<16xi32>
      %mul3A_2348 = arith.muli %iota3A_2345, %mul3A_2347 : vector<16xi32>
      %add3A_2349 = arith.constant 1520 : i32
      %add3A_2350 = vector.broadcast %add3A_2349 : i32 to vector<16xi32>
      %add3A_2351 = arith.addi %mul3A_2348, %add3A_2350 : vector<16xi32>
      tpu.vector_store_idx %arg14[%add3A_2351], %get3A_2342 : memref<2560xf32, #tpu.memory_space<vmem>>[vector<16xi32>], vector<16xf32>,
      %add3A_2352 = arith.constant 1 : i32
      %add3A_2353 = vector.broadcast %add3A_2352 : i32 to vector<16xi32>
      %add3A_2354 = arith.addi %add3A_2351, %add3A_2353 : vector<16xi32>
      tpu.vector_store_idx %arg14[%add3A_2354], %mul3A_2338 : memref<2560xf32, #tpu.memory_space<vmem>>[vector<16xi32>], vector<16xf32>,
      %add3A_2355 = arith.constant 2 : i32
      %add3A_2356 = vector.broadcast %add3A_2355 : i32 to vector<16xi32>
      %add3A_2357 = arith.addi %add3A_2351, %add3A_2356 : vector<16xi32>
      tpu.vector_store_idx %arg14[%add3A_2357], %mul3A_2339 : memref<2560xf32, #tpu.memory_space<vmem>>[vector<16xi32>], vector<16xf32>,
      %add3A_2358 = arith.constant 3 : i32
      %add3A_2359 = vector.broadcast %add3A_2358 : i32 to vector<16xi32>
      %add3A_2360 = arith.addi %add3A_2351, %add3A_2359 : vector<16xi32>
      tpu.vector_store_idx %arg14[%add3A_2360], %mul3A_2340 : memref<2560xf32, #tpu.memory_space<vmem>>[vector<16xi32>], vector<16xf32>,
      %add3A_2361 = arith.constant 4 : i32
      %add3A_2362 = vector.broadcast %add3A_2361 : i32 to vector<16xi32>
      %add3A_2363 = arith.addi %add3A_2351, %add3A_2362 : vector<16xi32>
      tpu.vector_store_idx %arg14[%add3A_2363], %mul3A_2331 : memref<2560xf32, #tpu.memory_space<vmem>>[vector<16xi32>], vector<16xf32>,
      tpu.vector_store_idx %arg15[%add3A_2351], %get3A_2344 : memref<2560xf32, #tpu.memory_space<vmem>>[vector<16xi32>], vector<16xf32>,
      %add3A_2364 = arith.constant 1 : i32
      %add3A_2365 = vector.broadcast %add3A_2364 : i32 to vector<16xi32>
      %add3A_2366 = arith.addi %add3A_2351, %add3A_2365 : vector<16xi32>
      tpu.vector_store_idx %arg15[%add3A_2366], %mul3A_2338 : memref<2560xf32, #tpu.memory_space<vmem>>[vector<16xi32>], vector<16xf32>,
      %add3A_2367 = arith.constant 2 : i32
      %add3A_2368 = vector.broadcast %add3A_2367 : i32 to vector<16xi32>
      %add3A_2369 = arith.addi %add3A_2351, %add3A_2368 : vector<16xi32>
      tpu.vector_store_idx %arg15[%add3A_2369], %mul3A_2339 : memref<2560xf32, #tpu.memory_space<vmem>>[vector<16xi32>], vector<16xf32>,
      %add3A_2370 = arith.constant 3 : i32
      %add3A_2371 = vector.broadcast %add3A_2370 : i32 to vector<16xi32>
      %add3A_2372 = arith.addi %add3A_2351, %add3A_2371 : vector<16xi32>
      tpu.vector_store_idx %arg15[%add3A_2372], %mul3A_2340 : memref<2560xf32, #tpu.memory_space<vmem>>[vector<16xi32>], vector<16xf32>,
      %add3A_2373 = arith.constant 4 : i32
      %add3A_2374 = vector.broadcast %add3A_2373 : i32 to vector<16xi32>
      %add3A_2375 = arith.addi %add3A_2351, %add3A_2374 : vector<16xi32>
      tpu.vector_store_idx %arg15[%add3A_2375], %mul3A_2331 : memref<2560xf32, #tpu.memory_space<vmem>>[vector<16xi32>], vector<16xf32>,
      %add3A_2376 = arith.addi %get3A_2265, %add3A_5 : vector<16xi32>
      %swap3A_2377 = arith.constant 304 : index
      %swap3A_2378 = tpu.vector_load %arg16[%swap3A_2377] {strides = array<i32>} : memref<512xi32, #tpu.memory_space<vmem>>, vector<16xi32>,
      tpu.vector_store %arg16[%swap3A_2377], %add3A_2376 {strides = array<i32>} : memref<512xi32, #tpu.memory_space<vmem>>, vector<16xi32>,
      %add3A_2379 = arith.addi %get3A_2265, %add3A_8 : vector<16xi32>
      %swap3A_2380 = arith.constant 304 : index
      %swap3A_2381 = tpu.vector_load %arg17[%swap3A_2380] {strides = array<i32>} : memref<512xi32, #tpu.memory_space<vmem>>, vector<16xi32>,
      tpu.vector_store %arg17[%swap3A_2380], %add3A_2379 {strides = array<i32>} : memref<512xi32, #tpu.memory_space<vmem>>, vector<16xi32>,
      %get3A_2382 = arith.constant 320 : index
      %get3A_2383 = tpu.vector_load %arg10[%get3A_2382] {strides = array<i32>} : memref<512xi32, #tpu.memory_space<vmem>>, vector<16xi32>,
      %mul3A_2384 = arith.constant 3 : i32
      %mul3A_2385 = vector.broadcast %mul3A_2384 : i32 to vector<16xi32>
      %mul3A_2386 = arith.muli %get3A_2383, %mul3A_2385 : vector<16xi32>
      %gather3A_2387 = tpu.vector_load_idx %arg9[%mul3A_2386] : memref<98304xf32, #tpu.memory_space<vmem>>[vector<16xi32>], vector<16xf32>,
      %add3A_2388 = arith.constant 1 : i32
      %add3A_2389 = vector.broadcast %add3A_2388 : i32 to vector<16xi32>
      %add3A_2390 = arith.addi %mul3A_2386, %add3A_2389 : vector<16xi32>
      %gather3A_2391 = tpu.vector_load_idx %arg9[%add3A_2390] : memref<98304xf32, #tpu.memory_space<vmem>>[vector<16xi32>], vector<16xf32>,
      %add3A_2392 = arith.constant 2 : i32
      %add3A_2393 = vector.broadcast %add3A_2392 : i32 to vector<16xi32>
      %add3A_2394 = arith.addi %mul3A_2386, %add3A_2393 : vector<16xi32>
      %gather3A_2395 = tpu.vector_load_idx %arg9[%add3A_2394] : memref<98304xf32, #tpu.memory_space<vmem>>[vector<16xi32>], vector<16xf32>,
      %iota3A_2396 = tpu.iota {dimensions = array<i32: 0>} : vector<16xi32>
      %mul3A_2397 = arith.constant 3 : i32
      %mul3A_2398 = vector.broadcast %mul3A_2397 : i32 to vector<16xi32>
      %mul3A_2399 = arith.muli %iota3A_2396, %mul3A_2398 : vector<16xi32>
      %add3A_2400 = arith.constant 960 : i32
      %add3A_2401 = vector.broadcast %add3A_2400 : i32 to vector<16xi32>
      %add3A_2402 = arith.addi %mul3A_2399, %add3A_2401 : vector<16xi32>
      %gather3A_2403 = tpu.vector_load_idx %arg11[%add3A_2402] : memref<1536xf32, #tpu.memory_space<vmem>>[vector<16xi32>], vector<16xf32>,
      %add3A_2404 = arith.constant 1 : i32
      %add3A_2405 = vector.broadcast %add3A_2404 : i32 to vector<16xi32>
      %add3A_2406 = arith.addi %add3A_2402, %add3A_2405 : vector<16xi32>
      %gather3A_2407 = tpu.vector_load_idx %arg11[%add3A_2406] : memref<1536xf32, #tpu.memory_space<vmem>>[vector<16xi32>], vector<16xf32>,
      %add3A_2408 = arith.constant 2 : i32
      %add3A_2409 = vector.broadcast %add3A_2408 : i32 to vector<16xi32>
      %add3A_2410 = arith.addi %add3A_2402, %add3A_2409 : vector<16xi32>
      %gather3A_2411 = tpu.vector_load_idx %arg11[%add3A_2410] : memref<1536xf32, #tpu.memory_space<vmem>>[vector<16xi32>], vector<16xf32>,
      %sub3A_2412 = arith.subf %gather3A_2403, %gather3A_2387 : vector<16xf32>
      %sub3A_2413 = arith.subf %gather3A_2407, %gather3A_2391 : vector<16xf32>
      %sub3A_2414 = arith.subf %gather3A_2411, %gather3A_2395 : vector<16xf32>
      %mul3A_2415 = arith.mulf %sub3A_2412, %sub3A_2412 : vector<16xf32>
      %mul3A_2416 = arith.mulf %sub3A_2413, %sub3A_2413 : vector<16xf32>
      %add3A_2417 = arith.addf %mul3A_2415, %mul3A_2416 : vector<16xf32>
      %mul3A_2418 = arith.mulf %sub3A_2414, %sub3A_2414 : vector<16xf32>
      %add3A_2419 = arith.addf %add3A_2417, %mul3A_2418 : vector<16xf32>
      %bitcast_convert_type3A_2420 = tpu.bitcast %add3A_2419 : vector<16xf32> -> vector<16xi32>
      %shift_right_logical3A_2421 = arith.constant 1 : i32
      %shift_right_logical3A_2422 = vector.broadcast %shift_right_logical3A_2421 : i32 to vector<16xi32>
      %shift_right_logical3A_2423 = arith.shrui %bitcast_convert_type3A_2420, %shift_right_logical3A_2422 : vector<16xi32>
      %sub3A_2424 = arith.constant 1597463007 : i32
      %sub3A_2425 = vector.broadcast %sub3A_2424 : i32 to vector<16xi32>
      %sub3A_2426 = arith.subi %sub3A_2425, %shift_right_logical3A_2423 : vector<16xi32>
      %bitcast_convert_type3A_2427 = tpu.bitcast %sub3A_2426 : vector<16xi32> -> vector<16xf32>
      %mul3A_2428 = arith.constant 5.000000e-01 : f32
      %mul3A_2429 = vector.broadcast %mul3A_2428 : f32 to vector<16xf32>
      %mul3A_2430 = arith.mulf %add3A_2419, %mul3A_2429 : vector<16xf32>
      %mul3A_2431 = arith.mulf %mul3A_2430, %bitcast_convert_type3A_2427 : vector<16xf32>
      %mul3A_2432 = arith.mulf %mul3A_2431, %bitcast_convert_type3A_2427 : vector<16xf32>
      %sub3A_2433 = arith.constant 1.500000e+00 : f32
      %sub3A_2434 = vector.broadcast %sub3A_2433 : f32 to vector<16xf32>
      %sub3A_2435 = arith.subf %sub3A_2434, %mul3A_2432 : vector<16xf32>
      %mul3A_2436 = arith.mulf %bitcast_convert_type3A_2427, %sub3A_2435 : vector<16xf32>
      %mul3A_2437 = arith.mulf %mul3A_2430, %mul3A_2436 : vector<16xf32>
      %mul3A_2438 = arith.mulf %mul3A_2437, %mul3A_2436 : vector<16xf32>
      %sub3A_2439 = arith.constant 1.500000e+00 : f32
      %sub3A_2440 = vector.broadcast %sub3A_2439 : f32 to vector<16xf32>
      %sub3A_2441 = arith.subf %sub3A_2440, %mul3A_2438 : vector<16xf32>
      %mul3A_2442 = arith.mulf %mul3A_2436, %sub3A_2441 : vector<16xf32>
      %mul3A_2443 = arith.mulf %mul3A_2430, %mul3A_2442 : vector<16xf32>
      %mul3A_2444 = arith.mulf %mul3A_2443, %mul3A_2442 : vector<16xf32>
      %sub3A_2445 = arith.constant 1.500000e+00 : f32
      %sub3A_2446 = vector.broadcast %sub3A_2445 : f32 to vector<16xf32>
      %sub3A_2447 = arith.subf %sub3A_2446, %mul3A_2444 : vector<16xf32>
      %mul3A_2448 = arith.mulf %mul3A_2442, %sub3A_2447 : vector<16xf32>
      %mul3A_2449 = arith.mulf %add3A_2419, %mul3A_2448 : vector<16xf32>
      %add3A_2450 = arith.constant 9.99999993E-9 : f32
      %add3A_2451 = vector.broadcast %add3A_2450 : f32 to vector<16xf32>
      %add3A_2452 = arith.addf %mul3A_2449, %add3A_2451 : vector<16xf32>
      %div3A_2453 = arith.constant 1.000000e+00 : f32
      %div3A_2454 = vector.broadcast %div3A_2453 : f32 to vector<16xf32>
      %div3A_2455 = arith.divf %div3A_2454, %add3A_2452 : vector<16xf32>
      %mul3A_2456 = arith.mulf %sub3A_2412, %div3A_2455 : vector<16xf32>
      %mul3A_2457 = arith.mulf %sub3A_2413, %div3A_2455 : vector<16xf32>
      %mul3A_2458 = arith.mulf %sub3A_2414, %div3A_2455 : vector<16xf32>
      %get3A_2459 = arith.constant 320 : index
      %get3A_2460 = tpu.vector_load %arg12[%get3A_2459] {strides = array<i32>} : memref<512xf32, #tpu.memory_space<vmem>>, vector<16xf32>,
      %get3A_2461 = arith.constant 320 : index
      %get3A_2462 = tpu.vector_load %arg13[%get3A_2461] {strides = array<i32>} : memref<512xf32, #tpu.memory_space<vmem>>, vector<16xf32>,
      %iota3A_2463 = tpu.iota {dimensions = array<i32: 0>} : vector<16xi32>
      %mul3A_2464 = arith.constant 5 : i32
      %mul3A_2465 = vector.broadcast %mul3A_2464 : i32 to vector<16xi32>
      %mul3A_2466 = arith.muli %iota3A_2463, %mul3A_2465 : vector<16xi32>
      %add3A_2467 = arith.constant 1600 : i32
      %add3A_2468 = vector.broadcast %add3A_2467 : i32 to vector<16xi32>
      %add3A_2469 = arith.addi %mul3A_2466, %add3A_2468 : vector<16xi32>
      tpu.vector_store_idx %arg14[%add3A_2469], %get3A_2460 : memref<2560xf32, #tpu.memory_space<vmem>>[vector<16xi32>], vector<16xf32>,
      %add3A_2470 = arith.constant 1 : i32
      %add3A_2471 = vector.broadcast %add3A_2470 : i32 to vector<16xi32>
      %add3A_2472 = arith.addi %add3A_2469, %add3A_2471 : vector<16xi32>
      tpu.vector_store_idx %arg14[%add3A_2472], %mul3A_2456 : memref<2560xf32, #tpu.memory_space<vmem>>[vector<16xi32>], vector<16xf32>,
      %add3A_2473 = arith.constant 2 : i32
      %add3A_2474 = vector.broadcast %add3A_2473 : i32 to vector<16xi32>
      %add3A_2475 = arith.addi %add3A_2469, %add3A_2474 : vector<16xi32>
      tpu.vector_store_idx %arg14[%add3A_2475], %mul3A_2457 : memref<2560xf32, #tpu.memory_space<vmem>>[vector<16xi32>], vector<16xf32>,
      %add3A_2476 = arith.constant 3 : i32
      %add3A_2477 = vector.broadcast %add3A_2476 : i32 to vector<16xi32>
      %add3A_2478 = arith.addi %add3A_2469, %add3A_2477 : vector<16xi32>
      tpu.vector_store_idx %arg14[%add3A_2478], %mul3A_2458 : memref<2560xf32, #tpu.memory_space<vmem>>[vector<16xi32>], vector<16xf32>,
      %add3A_2479 = arith.constant 4 : i32
      %add3A_2480 = vector.broadcast %add3A_2479 : i32 to vector<16xi32>
      %add3A_2481 = arith.addi %add3A_2469, %add3A_2480 : vector<16xi32>
      tpu.vector_store_idx %arg14[%add3A_2481], %mul3A_2449 : memref<2560xf32, #tpu.memory_space<vmem>>[vector<16xi32>], vector<16xf32>,
      tpu.vector_store_idx %arg15[%add3A_2469], %get3A_2462 : memref<2560xf32, #tpu.memory_space<vmem>>[vector<16xi32>], vector<16xf32>,
      %add3A_2482 = arith.constant 1 : i32
      %add3A_2483 = vector.broadcast %add3A_2482 : i32 to vector<16xi32>
      %add3A_2484 = arith.addi %add3A_2469, %add3A_2483 : vector<16xi32>
      tpu.vector_store_idx %arg15[%add3A_2484], %mul3A_2456 : memref<2560xf32, #tpu.memory_space<vmem>>[vector<16xi32>], vector<16xf32>,
      %add3A_2485 = arith.constant 2 : i32
      %add3A_2486 = vector.broadcast %add3A_2485 : i32 to vector<16xi32>
      %add3A_2487 = arith.addi %add3A_2469, %add3A_2486 : vector<16xi32>
      tpu.vector_store_idx %arg15[%add3A_2487], %mul3A_2457 : memref<2560xf32, #tpu.memory_space<vmem>>[vector<16xi32>], vector<16xf32>,
      %add3A_2488 = arith.constant 3 : i32
      %add3A_2489 = vector.broadcast %add3A_2488 : i32 to vector<16xi32>
      %add3A_2490 = arith.addi %add3A_2469, %add3A_2489 : vector<16xi32>
      tpu.vector_store_idx %arg15[%add3A_2490], %mul3A_2458 : memref<2560xf32, #tpu.memory_space<vmem>>[vector<16xi32>], vector<16xf32>,
      %add3A_2491 = arith.constant 4 : i32
      %add3A_2492 = vector.broadcast %add3A_2491 : i32 to vector<16xi32>
      %add3A_2493 = arith.addi %add3A_2469, %add3A_2492 : vector<16xi32>
      tpu.vector_store_idx %arg15[%add3A_2493], %mul3A_2449 : memref<2560xf32, #tpu.memory_space<vmem>>[vector<16xi32>], vector<16xf32>,
      %add3A_2494 = arith.addi %get3A_2383, %add3A_5 : vector<16xi32>
      %swap3A_2495 = arith.constant 320 : index
      %swap3A_2496 = tpu.vector_load %arg16[%swap3A_2495] {strides = array<i32>} : memref<512xi32, #tpu.memory_space<vmem>>, vector<16xi32>,
      tpu.vector_store %arg16[%swap3A_2495], %add3A_2494 {strides = array<i32>} : memref<512xi32, #tpu.memory_space<vmem>>, vector<16xi32>,
      %add3A_2497 = arith.addi %get3A_2383, %add3A_8 : vector<16xi32>
      %swap3A_2498 = arith.constant 320 : index
      %swap3A_2499 = tpu.vector_load %arg17[%swap3A_2498] {strides = array<i32>} : memref<512xi32, #tpu.memory_space<vmem>>, vector<16xi32>,
      tpu.vector_store %arg17[%swap3A_2498], %add3A_2497 {strides = array<i32>} : memref<512xi32, #tpu.memory_space<vmem>>, vector<16xi32>,
      %get3A_2500 = arith.constant 336 : index
      %get3A_2501 = tpu.vector_load %arg10[%get3A_2500] {strides = array<i32>} : memref<512xi32, #tpu.memory_space<vmem>>, vector<16xi32>,
      %mul3A_2502 = arith.constant 3 : i32
      %mul3A_2503 = vector.broadcast %mul3A_2502 : i32 to vector<16xi32>
      %mul3A_2504 = arith.muli %get3A_2501, %mul3A_2503 : vector<16xi32>
      %gather3A_2505 = tpu.vector_load_idx %arg9[%mul3A_2504] : memref<98304xf32, #tpu.memory_space<vmem>>[vector<16xi32>], vector<16xf32>,
      %add3A_2506 = arith.constant 1 : i32
      %add3A_2507 = vector.broadcast %add3A_2506 : i32 to vector<16xi32>
      %add3A_2508 = arith.addi %mul3A_2504, %add3A_2507 : vector<16xi32>
      %gather3A_2509 = tpu.vector_load_idx %arg9[%add3A_2508] : memref<98304xf32, #tpu.memory_space<vmem>>[vector<16xi32>], vector<16xf32>,
      %add3A_2510 = arith.constant 2 : i32
      %add3A_2511 = vector.broadcast %add3A_2510 : i32 to vector<16xi32>
      %add3A_2512 = arith.addi %mul3A_2504, %add3A_2511 : vector<16xi32>
      %gather3A_2513 = tpu.vector_load_idx %arg9[%add3A_2512] : memref<98304xf32, #tpu.memory_space<vmem>>[vector<16xi32>], vector<16xf32>,
      %iota3A_2514 = tpu.iota {dimensions = array<i32: 0>} : vector<16xi32>
      %mul3A_2515 = arith.constant 3 : i32
      %mul3A_2516 = vector.broadcast %mul3A_2515 : i32 to vector<16xi32>
      %mul3A_2517 = arith.muli %iota3A_2514, %mul3A_2516 : vector<16xi32>
      %add3A_2518 = arith.constant 1008 : i32
      %add3A_2519 = vector.broadcast %add3A_2518 : i32 to vector<16xi32>
      %add3A_2520 = arith.addi %mul3A_2517, %add3A_2519 : vector<16xi32>
      %gather3A_2521 = tpu.vector_load_idx %arg11[%add3A_2520] : memref<1536xf32, #tpu.memory_space<vmem>>[vector<16xi32>], vector<16xf32>,
      %add3A_2522 = arith.constant 1 : i32
      %add3A_2523 = vector.broadcast %add3A_2522 : i32 to vector<16xi32>
      %add3A_2524 = arith.addi %add3A_2520, %add3A_2523 : vector<16xi32>
      %gather3A_2525 = tpu.vector_load_idx %arg11[%add3A_2524] : memref<1536xf32, #tpu.memory_space<vmem>>[vector<16xi32>], vector<16xf32>,
      %add3A_2526 = arith.constant 2 : i32
      %add3A_2527 = vector.broadcast %add3A_2526 : i32 to vector<16xi32>
      %add3A_2528 = arith.addi %add3A_2520, %add3A_2527 : vector<16xi32>
      %gather3A_2529 = tpu.vector_load_idx %arg11[%add3A_2528] : memref<1536xf32, #tpu.memory_space<vmem>>[vector<16xi32>], vector<16xf32>,
      %sub3A_2530 = arith.subf %gather3A_2521, %gather3A_2505 : vector<16xf32>
      %sub3A_2531 = arith.subf %gather3A_2525, %gather3A_2509 : vector<16xf32>
      %sub3A_2532 = arith.subf %gather3A_2529, %gather3A_2513 : vector<16xf32>
      %mul3A_2533 = arith.mulf %sub3A_2530, %sub3A_2530 : vector<16xf32>
      %mul3A_2534 = arith.mulf %sub3A_2531, %sub3A_2531 : vector<16xf32>
      %add3A_2535 = arith.addf %mul3A_2533, %mul3A_2534 : vector<16xf32>
      %mul3A_2536 = arith.mulf %sub3A_2532, %sub3A_2532 : vector<16xf32>
      %add3A_2537 = arith.addf %add3A_2535, %mul3A_2536 : vector<16xf32>
      %bitcast_convert_type3A_2538 = tpu.bitcast %add3A_2537 : vector<16xf32> -> vector<16xi32>
      %shift_right_logical3A_2539 = arith.constant 1 : i32
      %shift_right_logical3A_2540 = vector.broadcast %shift_right_logical3A_2539 : i32 to vector<16xi32>
      %shift_right_logical3A_2541 = arith.shrui %bitcast_convert_type3A_2538, %shift_right_logical3A_2540 : vector<16xi32>
      %sub3A_2542 = arith.constant 1597463007 : i32
      %sub3A_2543 = vector.broadcast %sub3A_2542 : i32 to vector<16xi32>
      %sub3A_2544 = arith.subi %sub3A_2543, %shift_right_logical3A_2541 : vector<16xi32>
      %bitcast_convert_type3A_2545 = tpu.bitcast %sub3A_2544 : vector<16xi32> -> vector<16xf32>
      %mul3A_2546 = arith.constant 5.000000e-01 : f32
      %mul3A_2547 = vector.broadcast %mul3A_2546 : f32 to vector<16xf32>
      %mul3A_2548 = arith.mulf %add3A_2537, %mul3A_2547 : vector<16xf32>
      %mul3A_2549 = arith.mulf %mul3A_2548, %bitcast_convert_type3A_2545 : vector<16xf32>
      %mul3A_2550 = arith.mulf %mul3A_2549, %bitcast_convert_type3A_2545 : vector<16xf32>
      %sub3A_2551 = arith.constant 1.500000e+00 : f32
      %sub3A_2552 = vector.broadcast %sub3A_2551 : f32 to vector<16xf32>
      %sub3A_2553 = arith.subf %sub3A_2552, %mul3A_2550 : vector<16xf32>
      %mul3A_2554 = arith.mulf %bitcast_convert_type3A_2545, %sub3A_2553 : vector<16xf32>
      %mul3A_2555 = arith.mulf %mul3A_2548, %mul3A_2554 : vector<16xf32>
      %mul3A_2556 = arith.mulf %mul3A_2555, %mul3A_2554 : vector<16xf32>
      %sub3A_2557 = arith.constant 1.500000e+00 : f32
      %sub3A_2558 = vector.broadcast %sub3A_2557 : f32 to vector<16xf32>
      %sub3A_2559 = arith.subf %sub3A_2558, %mul3A_2556 : vector<16xf32>
      %mul3A_2560 = arith.mulf %mul3A_2554, %sub3A_2559 : vector<16xf32>
      %mul3A_2561 = arith.mulf %mul3A_2548, %mul3A_2560 : vector<16xf32>
      %mul3A_2562 = arith.mulf %mul3A_2561, %mul3A_2560 : vector<16xf32>
      %sub3A_2563 = arith.constant 1.500000e+00 : f32
      %sub3A_2564 = vector.broadcast %sub3A_2563 : f32 to vector<16xf32>
      %sub3A_2565 = arith.subf %sub3A_2564, %mul3A_2562 : vector<16xf32>
      %mul3A_2566 = arith.mulf %mul3A_2560, %sub3A_2565 : vector<16xf32>
      %mul3A_2567 = arith.mulf %add3A_2537, %mul3A_2566 : vector<16xf32>
      %add3A_2568 = arith.constant 9.99999993E-9 : f32
      %add3A_2569 = vector.broadcast %add3A_2568 : f32 to vector<16xf32>
      %add3A_2570 = arith.addf %mul3A_2567, %add3A_2569 : vector<16xf32>
      %div3A_2571 = arith.constant 1.000000e+00 : f32
      %div3A_2572 = vector.broadcast %div3A_2571 : f32 to vector<16xf32>
      %div3A_2573 = arith.divf %div3A_2572, %add3A_2570 : vector<16xf32>
      %mul3A_2574 = arith.mulf %sub3A_2530, %div3A_2573 : vector<16xf32>
      %mul3A_2575 = arith.mulf %sub3A_2531, %div3A_2573 : vector<16xf32>
      %mul3A_2576 = arith.mulf %sub3A_2532, %div3A_2573 : vector<16xf32>
      %get3A_2577 = arith.constant 336 : index
      %get3A_2578 = tpu.vector_load %arg12[%get3A_2577] {strides = array<i32>} : memref<512xf32, #tpu.memory_space<vmem>>, vector<16xf32>,
      %get3A_2579 = arith.constant 336 : index
      %get3A_2580 = tpu.vector_load %arg13[%get3A_2579] {strides = array<i32>} : memref<512xf32, #tpu.memory_space<vmem>>, vector<16xf32>,
      %iota3A_2581 = tpu.iota {dimensions = array<i32: 0>} : vector<16xi32>
      %mul3A_2582 = arith.constant 5 : i32
      %mul3A_2583 = vector.broadcast %mul3A_2582 : i32 to vector<16xi32>
      %mul3A_2584 = arith.muli %iota3A_2581, %mul3A_2583 : vector<16xi32>
      %add3A_2585 = arith.constant 1680 : i32
      %add3A_2586 = vector.broadcast %add3A_2585 : i32 to vector<16xi32>
      %add3A_2587 = arith.addi %mul3A_2584, %add3A_2586 : vector<16xi32>
      tpu.vector_store_idx %arg14[%add3A_2587], %get3A_2578 : memref<2560xf32, #tpu.memory_space<vmem>>[vector<16xi32>], vector<16xf32>,
      %add3A_2588 = arith.constant 1 : i32
      %add3A_2589 = vector.broadcast %add3A_2588 : i32 to vector<16xi32>
      %add3A_2590 = arith.addi %add3A_2587, %add3A_2589 : vector<16xi32>
      tpu.vector_store_idx %arg14[%add3A_2590], %mul3A_2574 : memref<2560xf32, #tpu.memory_space<vmem>>[vector<16xi32>], vector<16xf32>,
      %add3A_2591 = arith.constant 2 : i32
      %add3A_2592 = vector.broadcast %add3A_2591 : i32 to vector<16xi32>
      %add3A_2593 = arith.addi %add3A_2587, %add3A_2592 : vector<16xi32>
      tpu.vector_store_idx %arg14[%add3A_2593], %mul3A_2575 : memref<2560xf32, #tpu.memory_space<vmem>>[vector<16xi32>], vector<16xf32>,
      %add3A_2594 = arith.constant 3 : i32
      %add3A_2595 = vector.broadcast %add3A_2594 : i32 to vector<16xi32>
      %add3A_2596 = arith.addi %add3A_2587, %add3A_2595 : vector<16xi32>
      tpu.vector_store_idx %arg14[%add3A_2596], %mul3A_2576 : memref<2560xf32, #tpu.memory_space<vmem>>[vector<16xi32>], vector<16xf32>,
      %add3A_2597 = arith.constant 4 : i32
      %add3A_2598 = vector.broadcast %add3A_2597 : i32 to vector<16xi32>
      %add3A_2599 = arith.addi %add3A_2587, %add3A_2598 : vector<16xi32>
      tpu.vector_store_idx %arg14[%add3A_2599], %mul3A_2567 : memref<2560xf32, #tpu.memory_space<vmem>>[vector<16xi32>], vector<16xf32>,
      tpu.vector_store_idx %arg15[%add3A_2587], %get3A_2580 : memref<2560xf32, #tpu.memory_space<vmem>>[vector<16xi32>], vector<16xf32>,
      %add3A_2600 = arith.constant 1 : i32
      %add3A_2601 = vector.broadcast %add3A_2600 : i32 to vector<16xi32>
      %add3A_2602 = arith.addi %add3A_2587, %add3A_2601 : vector<16xi32>
      tpu.vector_store_idx %arg15[%add3A_2602], %mul3A_2574 : memref<2560xf32, #tpu.memory_space<vmem>>[vector<16xi32>], vector<16xf32>,
      %add3A_2603 = arith.constant 2 : i32
      %add3A_2604 = vector.broadcast %add3A_2603 : i32 to vector<16xi32>
      %add3A_2605 = arith.addi %add3A_2587, %add3A_2604 : vector<16xi32>
      tpu.vector_store_idx %arg15[%add3A_2605], %mul3A_2575 : memref<2560xf32, #tpu.memory_space<vmem>>[vector<16xi32>], vector<16xf32>,
      %add3A_2606 = arith.constant 3 : i32
      %add3A_2607 = vector.broadcast %add3A_2606 : i32 to vector<16xi32>
      %add3A_2608 = arith.addi %add3A_2587, %add3A_2607 : vector<16xi32>
      tpu.vector_store_idx %arg15[%add3A_2608], %mul3A_2576 : memref<2560xf32, #tpu.memory_space<vmem>>[vector<16xi32>], vector<16xf32>,
      %add3A_2609 = arith.constant 4 : i32
      %add3A_2610 = vector.broadcast %add3A_2609 : i32 to vector<16xi32>
      %add3A_2611 = arith.addi %add3A_2587, %add3A_2610 : vector<16xi32>
      tpu.vector_store_idx %arg15[%add3A_2611], %mul3A_2567 : memref<2560xf32, #tpu.memory_space<vmem>>[vector<16xi32>], vector<16xf32>,
      %add3A_2612 = arith.addi %get3A_2501, %add3A_5 : vector<16xi32>
      %swap3A_2613 = arith.constant 336 : index
      %swap3A_2614 = tpu.vector_load %arg16[%swap3A_2613] {strides = array<i32>} : memref<512xi32, #tpu.memory_space<vmem>>, vector<16xi32>,
      tpu.vector_store %arg16[%swap3A_2613], %add3A_2612 {strides = array<i32>} : memref<512xi32, #tpu.memory_space<vmem>>, vector<16xi32>,
      %add3A_2615 = arith.addi %get3A_2501, %add3A_8 : vector<16xi32>
      %swap3A_2616 = arith.constant 336 : index
      %swap3A_2617 = tpu.vector_load %arg17[%swap3A_2616] {strides = array<i32>} : memref<512xi32, #tpu.memory_space<vmem>>, vector<16xi32>,
      tpu.vector_store %arg17[%swap3A_2616], %add3A_2615 {strides = array<i32>} : memref<512xi32, #tpu.memory_space<vmem>>, vector<16xi32>,
      %get3A_2618 = arith.constant 352 : index
      %get3A_2619 = tpu.vector_load %arg10[%get3A_2618] {strides = array<i32>} : memref<512xi32, #tpu.memory_space<vmem>>, vector<16xi32>,
      %mul3A_2620 = arith.constant 3 : i32
      %mul3A_2621 = vector.broadcast %mul3A_2620 : i32 to vector<16xi32>
      %mul3A_2622 = arith.muli %get3A_2619, %mul3A_2621 : vector<16xi32>
      %gather3A_2623 = tpu.vector_load_idx %arg9[%mul3A_2622] : memref<98304xf32, #tpu.memory_space<vmem>>[vector<16xi32>], vector<16xf32>,
      %add3A_2624 = arith.constant 1 : i32
      %add3A_2625 = vector.broadcast %add3A_2624 : i32 to vector<16xi32>
      %add3A_2626 = arith.addi %mul3A_2622, %add3A_2625 : vector<16xi32>
      %gather3A_2627 = tpu.vector_load_idx %arg9[%add3A_2626] : memref<98304xf32, #tpu.memory_space<vmem>>[vector<16xi32>], vector<16xf32>,
      %add3A_2628 = arith.constant 2 : i32
      %add3A_2629 = vector.broadcast %add3A_2628 : i32 to vector<16xi32>
      %add3A_2630 = arith.addi %mul3A_2622, %add3A_2629 : vector<16xi32>
      %gather3A_2631 = tpu.vector_load_idx %arg9[%add3A_2630] : memref<98304xf32, #tpu.memory_space<vmem>>[vector<16xi32>], vector<16xf32>,
      %iota3A_2632 = tpu.iota {dimensions = array<i32: 0>} : vector<16xi32>
      %mul3A_2633 = arith.constant 3 : i32
      %mul3A_2634 = vector.broadcast %mul3A_2633 : i32 to vector<16xi32>
      %mul3A_2635 = arith.muli %iota3A_2632, %mul3A_2634 : vector<16xi32>
      %add3A_2636 = arith.constant 1056 : i32
      %add3A_2637 = vector.broadcast %add3A_2636 : i32 to vector<16xi32>
      %add3A_2638 = arith.addi %mul3A_2635, %add3A_2637 : vector<16xi32>
      %gather3A_2639 = tpu.vector_load_idx %arg11[%add3A_2638] : memref<1536xf32, #tpu.memory_space<vmem>>[vector<16xi32>], vector<16xf32>,
      %add3A_2640 = arith.constant 1 : i32
      %add3A_2641 = vector.broadcast %add3A_2640 : i32 to vector<16xi32>
      %add3A_2642 = arith.addi %add3A_2638, %add3A_2641 : vector<16xi32>
      %gather3A_2643 = tpu.vector_load_idx %arg11[%add3A_2642] : memref<1536xf32, #tpu.memory_space<vmem>>[vector<16xi32>], vector<16xf32>,
      %add3A_2644 = arith.constant 2 : i32
      %add3A_2645 = vector.broadcast %add3A_2644 : i32 to vector<16xi32>
      %add3A_2646 = arith.addi %add3A_2638, %add3A_2645 : vector<16xi32>
      %gather3A_2647 = tpu.vector_load_idx %arg11[%add3A_2646] : memref<1536xf32, #tpu.memory_space<vmem>>[vector<16xi32>], vector<16xf32>,
      %sub3A_2648 = arith.subf %gather3A_2639, %gather3A_2623 : vector<16xf32>
      %sub3A_2649 = arith.subf %gather3A_2643, %gather3A_2627 : vector<16xf32>
      %sub3A_2650 = arith.subf %gather3A_2647, %gather3A_2631 : vector<16xf32>
      %mul3A_2651 = arith.mulf %sub3A_2648, %sub3A_2648 : vector<16xf32>
      %mul3A_2652 = arith.mulf %sub3A_2649, %sub3A_2649 : vector<16xf32>
      %add3A_2653 = arith.addf %mul3A_2651, %mul3A_2652 : vector<16xf32>
      %mul3A_2654 = arith.mulf %sub3A_2650, %sub3A_2650 : vector<16xf32>
      %add3A_2655 = arith.addf %add3A_2653, %mul3A_2654 : vector<16xf32>
      %bitcast_convert_type3A_2656 = tpu.bitcast %add3A_2655 : vector<16xf32> -> vector<16xi32>
      %shift_right_logical3A_2657 = arith.constant 1 : i32
      %shift_right_logical3A_2658 = vector.broadcast %shift_right_logical3A_2657 : i32 to vector<16xi32>
      %shift_right_logical3A_2659 = arith.shrui %bitcast_convert_type3A_2656, %shift_right_logical3A_2658 : vector<16xi32>
      %sub3A_2660 = arith.constant 1597463007 : i32
      %sub3A_2661 = vector.broadcast %sub3A_2660 : i32 to vector<16xi32>
      %sub3A_2662 = arith.subi %sub3A_2661, %shift_right_logical3A_2659 : vector<16xi32>
      %bitcast_convert_type3A_2663 = tpu.bitcast %sub3A_2662 : vector<16xi32> -> vector<16xf32>
      %mul3A_2664 = arith.constant 5.000000e-01 : f32
      %mul3A_2665 = vector.broadcast %mul3A_2664 : f32 to vector<16xf32>
      %mul3A_2666 = arith.mulf %add3A_2655, %mul3A_2665 : vector<16xf32>
      %mul3A_2667 = arith.mulf %mul3A_2666, %bitcast_convert_type3A_2663 : vector<16xf32>
      %mul3A_2668 = arith.mulf %mul3A_2667, %bitcast_convert_type3A_2663 : vector<16xf32>
      %sub3A_2669 = arith.constant 1.500000e+00 : f32
      %sub3A_2670 = vector.broadcast %sub3A_2669 : f32 to vector<16xf32>
      %sub3A_2671 = arith.subf %sub3A_2670, %mul3A_2668 : vector<16xf32>
      %mul3A_2672 = arith.mulf %bitcast_convert_type3A_2663, %sub3A_2671 : vector<16xf32>
      %mul3A_2673 = arith.mulf %mul3A_2666, %mul3A_2672 : vector<16xf32>
      %mul3A_2674 = arith.mulf %mul3A_2673, %mul3A_2672 : vector<16xf32>
      %sub3A_2675 = arith.constant 1.500000e+00 : f32
      %sub3A_2676 = vector.broadcast %sub3A_2675 : f32 to vector<16xf32>
      %sub3A_2677 = arith.subf %sub3A_2676, %mul3A_2674 : vector<16xf32>
      %mul3A_2678 = arith.mulf %mul3A_2672, %sub3A_2677 : vector<16xf32>
      %mul3A_2679 = arith.mulf %mul3A_2666, %mul3A_2678 : vector<16xf32>
      %mul3A_2680 = arith.mulf %mul3A_2679, %mul3A_2678 : vector<16xf32>
      %sub3A_2681 = arith.constant 1.500000e+00 : f32
      %sub3A_2682 = vector.broadcast %sub3A_2681 : f32 to vector<16xf32>
      %sub3A_2683 = arith.subf %sub3A_2682, %mul3A_2680 : vector<16xf32>
      %mul3A_2684 = arith.mulf %mul3A_2678, %sub3A_2683 : vector<16xf32>
      %mul3A_2685 = arith.mulf %add3A_2655, %mul3A_2684 : vector<16xf32>
      %add3A_2686 = arith.constant 9.99999993E-9 : f32
      %add3A_2687 = vector.broadcast %add3A_2686 : f32 to vector<16xf32>
      %add3A_2688 = arith.addf %mul3A_2685, %add3A_2687 : vector<16xf32>
      %div3A_2689 = arith.constant 1.000000e+00 : f32
      %div3A_2690 = vector.broadcast %div3A_2689 : f32 to vector<16xf32>
      %div3A_2691 = arith.divf %div3A_2690, %add3A_2688 : vector<16xf32>
      %mul3A_2692 = arith.mulf %sub3A_2648, %div3A_2691 : vector<16xf32>
      %mul3A_2693 = arith.mulf %sub3A_2649, %div3A_2691 : vector<16xf32>
      %mul3A_2694 = arith.mulf %sub3A_2650, %div3A_2691 : vector<16xf32>
      %get3A_2695 = arith.constant 352 : index
      %get3A_2696 = tpu.vector_load %arg12[%get3A_2695] {strides = array<i32>} : memref<512xf32, #tpu.memory_space<vmem>>, vector<16xf32>,
      %get3A_2697 = arith.constant 352 : index
      %get3A_2698 = tpu.vector_load %arg13[%get3A_2697] {strides = array<i32>} : memref<512xf32, #tpu.memory_space<vmem>>, vector<16xf32>,
      %iota3A_2699 = tpu.iota {dimensions = array<i32: 0>} : vector<16xi32>
      %mul3A_2700 = arith.constant 5 : i32
      %mul3A_2701 = vector.broadcast %mul3A_2700 : i32 to vector<16xi32>
      %mul3A_2702 = arith.muli %iota3A_2699, %mul3A_2701 : vector<16xi32>
      %add3A_2703 = arith.constant 1760 : i32
      %add3A_2704 = vector.broadcast %add3A_2703 : i32 to vector<16xi32>
      %add3A_2705 = arith.addi %mul3A_2702, %add3A_2704 : vector<16xi32>
      tpu.vector_store_idx %arg14[%add3A_2705], %get3A_2696 : memref<2560xf32, #tpu.memory_space<vmem>>[vector<16xi32>], vector<16xf32>,
      %add3A_2706 = arith.constant 1 : i32
      %add3A_2707 = vector.broadcast %add3A_2706 : i32 to vector<16xi32>
      %add3A_2708 = arith.addi %add3A_2705, %add3A_2707 : vector<16xi32>
      tpu.vector_store_idx %arg14[%add3A_2708], %mul3A_2692 : memref<2560xf32, #tpu.memory_space<vmem>>[vector<16xi32>], vector<16xf32>,
      %add3A_2709 = arith.constant 2 : i32
      %add3A_2710 = vector.broadcast %add3A_2709 : i32 to vector<16xi32>
      %add3A_2711 = arith.addi %add3A_2705, %add3A_2710 : vector<16xi32>
      tpu.vector_store_idx %arg14[%add3A_2711], %mul3A_2693 : memref<2560xf32, #tpu.memory_space<vmem>>[vector<16xi32>], vector<16xf32>,
      %add3A_2712 = arith.constant 3 : i32
      %add3A_2713 = vector.broadcast %add3A_2712 : i32 to vector<16xi32>
      %add3A_2714 = arith.addi %add3A_2705, %add3A_2713 : vector<16xi32>
      tpu.vector_store_idx %arg14[%add3A_2714], %mul3A_2694 : memref<2560xf32, #tpu.memory_space<vmem>>[vector<16xi32>], vector<16xf32>,
      %add3A_2715 = arith.constant 4 : i32
      %add3A_2716 = vector.broadcast %add3A_2715 : i32 to vector<16xi32>
      %add3A_2717 = arith.addi %add3A_2705, %add3A_2716 : vector<16xi32>
      tpu.vector_store_idx %arg14[%add3A_2717], %mul3A_2685 : memref<2560xf32, #tpu.memory_space<vmem>>[vector<16xi32>], vector<16xf32>,
      tpu.vector_store_idx %arg15[%add3A_2705], %get3A_2698 : memref<2560xf32, #tpu.memory_space<vmem>>[vector<16xi32>], vector<16xf32>,
      %add3A_2718 = arith.constant 1 : i32
      %add3A_2719 = vector.broadcast %add3A_2718 : i32 to vector<16xi32>
      %add3A_2720 = arith.addi %add3A_2705, %add3A_2719 : vector<16xi32>
      tpu.vector_store_idx %arg15[%add3A_2720], %mul3A_2692 : memref<2560xf32, #tpu.memory_space<vmem>>[vector<16xi32>], vector<16xf32>,
      %add3A_2721 = arith.constant 2 : i32
      %add3A_2722 = vector.broadcast %add3A_2721 : i32 to vector<16xi32>
      %add3A_2723 = arith.addi %add3A_2705, %add3A_2722 : vector<16xi32>
      tpu.vector_store_idx %arg15[%add3A_2723], %mul3A_2693 : memref<2560xf32, #tpu.memory_space<vmem>>[vector<16xi32>], vector<16xf32>,
      %add3A_2724 = arith.constant 3 : i32
      %add3A_2725 = vector.broadcast %add3A_2724 : i32 to vector<16xi32>
      %add3A_2726 = arith.addi %add3A_2705, %add3A_2725 : vector<16xi32>
      tpu.vector_store_idx %arg15[%add3A_2726], %mul3A_2694 : memref<2560xf32, #tpu.memory_space<vmem>>[vector<16xi32>], vector<16xf32>,
      %add3A_2727 = arith.constant 4 : i32
      %add3A_2728 = vector.broadcast %add3A_2727 : i32 to vector<16xi32>
      %add3A_2729 = arith.addi %add3A_2705, %add3A_2728 : vector<16xi32>
      tpu.vector_store_idx %arg15[%add3A_2729], %mul3A_2685 : memref<2560xf32, #tpu.memory_space<vmem>>[vector<16xi32>], vector<16xf32>,
      %add3A_2730 = arith.addi %get3A_2619, %add3A_5 : vector<16xi32>
      %swap3A_2731 = arith.constant 352 : index
      %swap3A_2732 = tpu.vector_load %arg16[%swap3A_2731] {strides = array<i32>} : memref<512xi32, #tpu.memory_space<vmem>>, vector<16xi32>,
      tpu.vector_store %arg16[%swap3A_2731], %add3A_2730 {strides = array<i32>} : memref<512xi32, #tpu.memory_space<vmem>>, vector<16xi32>,
      %add3A_2733 = arith.addi %get3A_2619, %add3A_8 : vector<16xi32>
      %swap3A_2734 = arith.constant 352 : index
      %swap3A_2735 = tpu.vector_load %arg17[%swap3A_2734] {strides = array<i32>} : memref<512xi32, #tpu.memory_space<vmem>>, vector<16xi32>,
      tpu.vector_store %arg17[%swap3A_2734], %add3A_2733 {strides = array<i32>} : memref<512xi32, #tpu.memory_space<vmem>>, vector<16xi32>,
      %get3A_2736 = arith.constant 368 : index
      %get3A_2737 = tpu.vector_load %arg10[%get3A_2736] {strides = array<i32>} : memref<512xi32, #tpu.memory_space<vmem>>, vector<16xi32>,
      %mul3A_2738 = arith.constant 3 : i32
      %mul3A_2739 = vector.broadcast %mul3A_2738 : i32 to vector<16xi32>
      %mul3A_2740 = arith.muli %get3A_2737, %mul3A_2739 : vector<16xi32>
      %gather3A_2741 = tpu.vector_load_idx %arg9[%mul3A_2740] : memref<98304xf32, #tpu.memory_space<vmem>>[vector<16xi32>], vector<16xf32>,
      %add3A_2742 = arith.constant 1 : i32
      %add3A_2743 = vector.broadcast %add3A_2742 : i32 to vector<16xi32>
      %add3A_2744 = arith.addi %mul3A_2740, %add3A_2743 : vector<16xi32>
      %gather3A_2745 = tpu.vector_load_idx %arg9[%add3A_2744] : memref<98304xf32, #tpu.memory_space<vmem>>[vector<16xi32>], vector<16xf32>,
      %add3A_2746 = arith.constant 2 : i32
      %add3A_2747 = vector.broadcast %add3A_2746 : i32 to vector<16xi32>
      %add3A_2748 = arith.addi %mul3A_2740, %add3A_2747 : vector<16xi32>
      %gather3A_2749 = tpu.vector_load_idx %arg9[%add3A_2748] : memref<98304xf32, #tpu.memory_space<vmem>>[vector<16xi32>], vector<16xf32>,
      %iota3A_2750 = tpu.iota {dimensions = array<i32: 0>} : vector<16xi32>
      %mul3A_2751 = arith.constant 3 : i32
      %mul3A_2752 = vector.broadcast %mul3A_2751 : i32 to vector<16xi32>
      %mul3A_2753 = arith.muli %iota3A_2750, %mul3A_2752 : vector<16xi32>
      %add3A_2754 = arith.constant 1104 : i32
      %add3A_2755 = vector.broadcast %add3A_2754 : i32 to vector<16xi32>
      %add3A_2756 = arith.addi %mul3A_2753, %add3A_2755 : vector<16xi32>
      %gather3A_2757 = tpu.vector_load_idx %arg11[%add3A_2756] : memref<1536xf32, #tpu.memory_space<vmem>>[vector<16xi32>], vector<16xf32>,
      %add3A_2758 = arith.constant 1 : i32
      %add3A_2759 = vector.broadcast %add3A_2758 : i32 to vector<16xi32>
      %add3A_2760 = arith.addi %add3A_2756, %add3A_2759 : vector<16xi32>
      %gather3A_2761 = tpu.vector_load_idx %arg11[%add3A_2760] : memref<1536xf32, #tpu.memory_space<vmem>>[vector<16xi32>], vector<16xf32>,
      %add3A_2762 = arith.constant 2 : i32
      %add3A_2763 = vector.broadcast %add3A_2762 : i32 to vector<16xi32>
      %add3A_2764 = arith.addi %add3A_2756, %add3A_2763 : vector<16xi32>
      %gather3A_2765 = tpu.vector_load_idx %arg11[%add3A_2764] : memref<1536xf32, #tpu.memory_space<vmem>>[vector<16xi32>], vector<16xf32>,
      %sub3A_2766 = arith.subf %gather3A_2757, %gather3A_2741 : vector<16xf32>
      %sub3A_2767 = arith.subf %gather3A_2761, %gather3A_2745 : vector<16xf32>
      %sub3A_2768 = arith.subf %gather3A_2765, %gather3A_2749 : vector<16xf32>
      %mul3A_2769 = arith.mulf %sub3A_2766, %sub3A_2766 : vector<16xf32>
      %mul3A_2770 = arith.mulf %sub3A_2767, %sub3A_2767 : vector<16xf32>
      %add3A_2771 = arith.addf %mul3A_2769, %mul3A_2770 : vector<16xf32>
      %mul3A_2772 = arith.mulf %sub3A_2768, %sub3A_2768 : vector<16xf32>
      %add3A_2773 = arith.addf %add3A_2771, %mul3A_2772 : vector<16xf32>
      %bitcast_convert_type3A_2774 = tpu.bitcast %add3A_2773 : vector<16xf32> -> vector<16xi32>
      %shift_right_logical3A_2775 = arith.constant 1 : i32
      %shift_right_logical3A_2776 = vector.broadcast %shift_right_logical3A_2775 : i32 to vector<16xi32>
      %shift_right_logical3A_2777 = arith.shrui %bitcast_convert_type3A_2774, %shift_right_logical3A_2776 : vector<16xi32>
      %sub3A_2778 = arith.constant 1597463007 : i32
      %sub3A_2779 = vector.broadcast %sub3A_2778 : i32 to vector<16xi32>
      %sub3A_2780 = arith.subi %sub3A_2779, %shift_right_logical3A_2777 : vector<16xi32>
      %bitcast_convert_type3A_2781 = tpu.bitcast %sub3A_2780 : vector<16xi32> -> vector<16xf32>
      %mul3A_2782 = arith.constant 5.000000e-01 : f32
      %mul3A_2783 = vector.broadcast %mul3A_2782 : f32 to vector<16xf32>
      %mul3A_2784 = arith.mulf %add3A_2773, %mul3A_2783 : vector<16xf32>
      %mul3A_2785 = arith.mulf %mul3A_2784, %bitcast_convert_type3A_2781 : vector<16xf32>
      %mul3A_2786 = arith.mulf %mul3A_2785, %bitcast_convert_type3A_2781 : vector<16xf32>
      %sub3A_2787 = arith.constant 1.500000e+00 : f32
      %sub3A_2788 = vector.broadcast %sub3A_2787 : f32 to vector<16xf32>
      %sub3A_2789 = arith.subf %sub3A_2788, %mul3A_2786 : vector<16xf32>
      %mul3A_2790 = arith.mulf %bitcast_convert_type3A_2781, %sub3A_2789 : vector<16xf32>
      %mul3A_2791 = arith.mulf %mul3A_2784, %mul3A_2790 : vector<16xf32>
      %mul3A_2792 = arith.mulf %mul3A_2791, %mul3A_2790 : vector<16xf32>
      %sub3A_2793 = arith.constant 1.500000e+00 : f32
      %sub3A_2794 = vector.broadcast %sub3A_2793 : f32 to vector<16xf32>
      %sub3A_2795 = arith.subf %sub3A_2794, %mul3A_2792 : vector<16xf32>
      %mul3A_2796 = arith.mulf %mul3A_2790, %sub3A_2795 : vector<16xf32>
      %mul3A_2797 = arith.mulf %mul3A_2784, %mul3A_2796 : vector<16xf32>
      %mul3A_2798 = arith.mulf %mul3A_2797, %mul3A_2796 : vector<16xf32>
      %sub3A_2799 = arith.constant 1.500000e+00 : f32
      %sub3A_2800 = vector.broadcast %sub3A_2799 : f32 to vector<16xf32>
      %sub3A_2801 = arith.subf %sub3A_2800, %mul3A_2798 : vector<16xf32>
      %mul3A_2802 = arith.mulf %mul3A_2796, %sub3A_2801 : vector<16xf32>
      %mul3A_2803 = arith.mulf %add3A_2773, %mul3A_2802 : vector<16xf32>
      %add3A_2804 = arith.constant 9.99999993E-9 : f32
      %add3A_2805 = vector.broadcast %add3A_2804 : f32 to vector<16xf32>
      %add3A_2806 = arith.addf %mul3A_2803, %add3A_2805 : vector<16xf32>
      %div3A_2807 = arith.constant 1.000000e+00 : f32
      %div3A_2808 = vector.broadcast %div3A_2807 : f32 to vector<16xf32>
      %div3A_2809 = arith.divf %div3A_2808, %add3A_2806 : vector<16xf32>
      %mul3A_2810 = arith.mulf %sub3A_2766, %div3A_2809 : vector<16xf32>
      %mul3A_2811 = arith.mulf %sub3A_2767, %div3A_2809 : vector<16xf32>
      %mul3A_2812 = arith.mulf %sub3A_2768, %div3A_2809 : vector<16xf32>
      %get3A_2813 = arith.constant 368 : index
      %get3A_2814 = tpu.vector_load %arg12[%get3A_2813] {strides = array<i32>} : memref<512xf32, #tpu.memory_space<vmem>>, vector<16xf32>,
      %get3A_2815 = arith.constant 368 : index
      %get3A_2816 = tpu.vector_load %arg13[%get3A_2815] {strides = array<i32>} : memref<512xf32, #tpu.memory_space<vmem>>, vector<16xf32>,
      %iota3A_2817 = tpu.iota {dimensions = array<i32: 0>} : vector<16xi32>
      %mul3A_2818 = arith.constant 5 : i32
      %mul3A_2819 = vector.broadcast %mul3A_2818 : i32 to vector<16xi32>
      %mul3A_2820 = arith.muli %iota3A_2817, %mul3A_2819 : vector<16xi32>
      %add3A_2821 = arith.constant 1840 : i32
      %add3A_2822 = vector.broadcast %add3A_2821 : i32 to vector<16xi32>
      %add3A_2823 = arith.addi %mul3A_2820, %add3A_2822 : vector<16xi32>
      tpu.vector_store_idx %arg14[%add3A_2823], %get3A_2814 : memref<2560xf32, #tpu.memory_space<vmem>>[vector<16xi32>], vector<16xf32>,
      %add3A_2824 = arith.constant 1 : i32
      %add3A_2825 = vector.broadcast %add3A_2824 : i32 to vector<16xi32>
      %add3A_2826 = arith.addi %add3A_2823, %add3A_2825 : vector<16xi32>
      tpu.vector_store_idx %arg14[%add3A_2826], %mul3A_2810 : memref<2560xf32, #tpu.memory_space<vmem>>[vector<16xi32>], vector<16xf32>,
      %add3A_2827 = arith.constant 2 : i32
      %add3A_2828 = vector.broadcast %add3A_2827 : i32 to vector<16xi32>
      %add3A_2829 = arith.addi %add3A_2823, %add3A_2828 : vector<16xi32>
      tpu.vector_store_idx %arg14[%add3A_2829], %mul3A_2811 : memref<2560xf32, #tpu.memory_space<vmem>>[vector<16xi32>], vector<16xf32>,
      %add3A_2830 = arith.constant 3 : i32
      %add3A_2831 = vector.broadcast %add3A_2830 : i32 to vector<16xi32>
      %add3A_2832 = arith.addi %add3A_2823, %add3A_2831 : vector<16xi32>
      tpu.vector_store_idx %arg14[%add3A_2832], %mul3A_2812 : memref<2560xf32, #tpu.memory_space<vmem>>[vector<16xi32>], vector<16xf32>,
      %add3A_2833 = arith.constant 4 : i32
      %add3A_2834 = vector.broadcast %add3A_2833 : i32 to vector<16xi32>
      %add3A_2835 = arith.addi %add3A_2823, %add3A_2834 : vector<16xi32>
      tpu.vector_store_idx %arg14[%add3A_2835], %mul3A_2803 : memref<2560xf32, #tpu.memory_space<vmem>>[vector<16xi32>], vector<16xf32>,
      tpu.vector_store_idx %arg15[%add3A_2823], %get3A_2816 : memref<2560xf32, #tpu.memory_space<vmem>>[vector<16xi32>], vector<16xf32>,
      %add3A_2836 = arith.constant 1 : i32
      %add3A_2837 = vector.broadcast %add3A_2836 : i32 to vector<16xi32>
      %add3A_2838 = arith.addi %add3A_2823, %add3A_2837 : vector<16xi32>
      tpu.vector_store_idx %arg15[%add3A_2838], %mul3A_2810 : memref<2560xf32, #tpu.memory_space<vmem>>[vector<16xi32>], vector<16xf32>,
      %add3A_2839 = arith.constant 2 : i32
      %add3A_2840 = vector.broadcast %add3A_2839 : i32 to vector<16xi32>
      %add3A_2841 = arith.addi %add3A_2823, %add3A_2840 : vector<16xi32>
      tpu.vector_store_idx %arg15[%add3A_2841], %mul3A_2811 : memref<2560xf32, #tpu.memory_space<vmem>>[vector<16xi32>], vector<16xf32>,
      %add3A_2842 = arith.constant 3 : i32
      %add3A_2843 = vector.broadcast %add3A_2842 : i32 to vector<16xi32>
      %add3A_2844 = arith.addi %add3A_2823, %add3A_2843 : vector<16xi32>
      tpu.vector_store_idx %arg15[%add3A_2844], %mul3A_2812 : memref<2560xf32, #tpu.memory_space<vmem>>[vector<16xi32>], vector<16xf32>,
      %add3A_2845 = arith.constant 4 : i32
      %add3A_2846 = vector.broadcast %add3A_2845 : i32 to vector<16xi32>
      %add3A_2847 = arith.addi %add3A_2823, %add3A_2846 : vector<16xi32>
      tpu.vector_store_idx %arg15[%add3A_2847], %mul3A_2803 : memref<2560xf32, #tpu.memory_space<vmem>>[vector<16xi32>], vector<16xf32>,
      %add3A_2848 = arith.addi %get3A_2737, %add3A_5 : vector<16xi32>
      %swap3A_2849 = arith.constant 368 : index
      %swap3A_2850 = tpu.vector_load %arg16[%swap3A_2849] {strides = array<i32>} : memref<512xi32, #tpu.memory_space<vmem>>, vector<16xi32>,
      tpu.vector_store %arg16[%swap3A_2849], %add3A_2848 {strides = array<i32>} : memref<512xi32, #tpu.memory_space<vmem>>, vector<16xi32>,
      %add3A_2851 = arith.addi %get3A_2737, %add3A_8 : vector<16xi32>
      %swap3A_2852 = arith.constant 368 : index
      %swap3A_2853 = tpu.vector_load %arg17[%swap3A_2852] {strides = array<i32>} : memref<512xi32, #tpu.memory_space<vmem>>, vector<16xi32>,
      tpu.vector_store %arg17[%swap3A_2852], %add3A_2851 {strides = array<i32>} : memref<512xi32, #tpu.memory_space<vmem>>, vector<16xi32>,
      %get3A_2854 = arith.constant 384 : index
      %get3A_2855 = tpu.vector_load %arg10[%get3A_2854] {strides = array<i32>} : memref<512xi32, #tpu.memory_space<vmem>>, vector<16xi32>,
      %mul3A_2856 = arith.constant 3 : i32
      %mul3A_2857 = vector.broadcast %mul3A_2856 : i32 to vector<16xi32>
      %mul3A_2858 = arith.muli %get3A_2855, %mul3A_2857 : vector<16xi32>
      %gather3A_2859 = tpu.vector_load_idx %arg9[%mul3A_2858] : memref<98304xf32, #tpu.memory_space<vmem>>[vector<16xi32>], vector<16xf32>,
      %add3A_2860 = arith.constant 1 : i32
      %add3A_2861 = vector.broadcast %add3A_2860 : i32 to vector<16xi32>
      %add3A_2862 = arith.addi %mul3A_2858, %add3A_2861 : vector<16xi32>
      %gather3A_2863 = tpu.vector_load_idx %arg9[%add3A_2862] : memref<98304xf32, #tpu.memory_space<vmem>>[vector<16xi32>], vector<16xf32>,
      %add3A_2864 = arith.constant 2 : i32
      %add3A_2865 = vector.broadcast %add3A_2864 : i32 to vector<16xi32>
      %add3A_2866 = arith.addi %mul3A_2858, %add3A_2865 : vector<16xi32>
      %gather3A_2867 = tpu.vector_load_idx %arg9[%add3A_2866] : memref<98304xf32, #tpu.memory_space<vmem>>[vector<16xi32>], vector<16xf32>,
      %iota3A_2868 = tpu.iota {dimensions = array<i32: 0>} : vector<16xi32>
      %mul3A_2869 = arith.constant 3 : i32
      %mul3A_2870 = vector.broadcast %mul3A_2869 : i32 to vector<16xi32>
      %mul3A_2871 = arith.muli %iota3A_2868, %mul3A_2870 : vector<16xi32>
      %add3A_2872 = arith.constant 1152 : i32
      %add3A_2873 = vector.broadcast %add3A_2872 : i32 to vector<16xi32>
      %add3A_2874 = arith.addi %mul3A_2871, %add3A_2873 : vector<16xi32>
      %gather3A_2875 = tpu.vector_load_idx %arg11[%add3A_2874] : memref<1536xf32, #tpu.memory_space<vmem>>[vector<16xi32>], vector<16xf32>,
      %add3A_2876 = arith.constant 1 : i32
      %add3A_2877 = vector.broadcast %add3A_2876 : i32 to vector<16xi32>
      %add3A_2878 = arith.addi %add3A_2874, %add3A_2877 : vector<16xi32>
      %gather3A_2879 = tpu.vector_load_idx %arg11[%add3A_2878] : memref<1536xf32, #tpu.memory_space<vmem>>[vector<16xi32>], vector<16xf32>,
      %add3A_2880 = arith.constant 2 : i32
      %add3A_2881 = vector.broadcast %add3A_2880 : i32 to vector<16xi32>
      %add3A_2882 = arith.addi %add3A_2874, %add3A_2881 : vector<16xi32>
      %gather3A_2883 = tpu.vector_load_idx %arg11[%add3A_2882] : memref<1536xf32, #tpu.memory_space<vmem>>[vector<16xi32>], vector<16xf32>,
      %sub3A_2884 = arith.subf %gather3A_2875, %gather3A_2859 : vector<16xf32>
      %sub3A_2885 = arith.subf %gather3A_2879, %gather3A_2863 : vector<16xf32>
      %sub3A_2886 = arith.subf %gather3A_2883, %gather3A_2867 : vector<16xf32>
      %mul3A_2887 = arith.mulf %sub3A_2884, %sub3A_2884 : vector<16xf32>
      %mul3A_2888 = arith.mulf %sub3A_2885, %sub3A_2885 : vector<16xf32>
      %add3A_2889 = arith.addf %mul3A_2887, %mul3A_2888 : vector<16xf32>
      %mul3A_2890 = arith.mulf %sub3A_2886, %sub3A_2886 : vector<16xf32>
      %add3A_2891 = arith.addf %add3A_2889, %mul3A_2890 : vector<16xf32>
      %bitcast_convert_type3A_2892 = tpu.bitcast %add3A_2891 : vector<16xf32> -> vector<16xi32>
      %shift_right_logical3A_2893 = arith.constant 1 : i32
      %shift_right_logical3A_2894 = vector.broadcast %shift_right_logical3A_2893 : i32 to vector<16xi32>
      %shift_right_logical3A_2895 = arith.shrui %bitcast_convert_type3A_2892, %shift_right_logical3A_2894 : vector<16xi32>
      %sub3A_2896 = arith.constant 1597463007 : i32
      %sub3A_2897 = vector.broadcast %sub3A_2896 : i32 to vector<16xi32>
      %sub3A_2898 = arith.subi %sub3A_2897, %shift_right_logical3A_2895 : vector<16xi32>
      %bitcast_convert_type3A_2899 = tpu.bitcast %sub3A_2898 : vector<16xi32> -> vector<16xf32>
      %mul3A_2900 = arith.constant 5.000000e-01 : f32
      %mul3A_2901 = vector.broadcast %mul3A_2900 : f32 to vector<16xf32>
      %mul3A_2902 = arith.mulf %add3A_2891, %mul3A_2901 : vector<16xf32>
      %mul3A_2903 = arith.mulf %mul3A_2902, %bitcast_convert_type3A_2899 : vector<16xf32>
      %mul3A_2904 = arith.mulf %mul3A_2903, %bitcast_convert_type3A_2899 : vector<16xf32>
      %sub3A_2905 = arith.constant 1.500000e+00 : f32
      %sub3A_2906 = vector.broadcast %sub3A_2905 : f32 to vector<16xf32>
      %sub3A_2907 = arith.subf %sub3A_2906, %mul3A_2904 : vector<16xf32>
      %mul3A_2908 = arith.mulf %bitcast_convert_type3A_2899, %sub3A_2907 : vector<16xf32>
      %mul3A_2909 = arith.mulf %mul3A_2902, %mul3A_2908 : vector<16xf32>
      %mul3A_2910 = arith.mulf %mul3A_2909, %mul3A_2908 : vector<16xf32>
      %sub3A_2911 = arith.constant 1.500000e+00 : f32
      %sub3A_2912 = vector.broadcast %sub3A_2911 : f32 to vector<16xf32>
      %sub3A_2913 = arith.subf %sub3A_2912, %mul3A_2910 : vector<16xf32>
      %mul3A_2914 = arith.mulf %mul3A_2908, %sub3A_2913 : vector<16xf32>
      %mul3A_2915 = arith.mulf %mul3A_2902, %mul3A_2914 : vector<16xf32>
      %mul3A_2916 = arith.mulf %mul3A_2915, %mul3A_2914 : vector<16xf32>
      %sub3A_2917 = arith.constant 1.500000e+00 : f32
      %sub3A_2918 = vector.broadcast %sub3A_2917 : f32 to vector<16xf32>
      %sub3A_2919 = arith.subf %sub3A_2918, %mul3A_2916 : vector<16xf32>
      %mul3A_2920 = arith.mulf %mul3A_2914, %sub3A_2919 : vector<16xf32>
      %mul3A_2921 = arith.mulf %add3A_2891, %mul3A_2920 : vector<16xf32>
      %add3A_2922 = arith.constant 9.99999993E-9 : f32
      %add3A_2923 = vector.broadcast %add3A_2922 : f32 to vector<16xf32>
      %add3A_2924 = arith.addf %mul3A_2921, %add3A_2923 : vector<16xf32>
      %div3A_2925 = arith.constant 1.000000e+00 : f32
      %div3A_2926 = vector.broadcast %div3A_2925 : f32 to vector<16xf32>
      %div3A_2927 = arith.divf %div3A_2926, %add3A_2924 : vector<16xf32>
      %mul3A_2928 = arith.mulf %sub3A_2884, %div3A_2927 : vector<16xf32>
      %mul3A_2929 = arith.mulf %sub3A_2885, %div3A_2927 : vector<16xf32>
      %mul3A_2930 = arith.mulf %sub3A_2886, %div3A_2927 : vector<16xf32>
      %get3A_2931 = arith.constant 384 : index
      %get3A_2932 = tpu.vector_load %arg12[%get3A_2931] {strides = array<i32>} : memref<512xf32, #tpu.memory_space<vmem>>, vector<16xf32>,
      %get3A_2933 = arith.constant 384 : index
      %get3A_2934 = tpu.vector_load %arg13[%get3A_2933] {strides = array<i32>} : memref<512xf32, #tpu.memory_space<vmem>>, vector<16xf32>,
      %iota3A_2935 = tpu.iota {dimensions = array<i32: 0>} : vector<16xi32>
      %mul3A_2936 = arith.constant 5 : i32
      %mul3A_2937 = vector.broadcast %mul3A_2936 : i32 to vector<16xi32>
      %mul3A_2938 = arith.muli %iota3A_2935, %mul3A_2937 : vector<16xi32>
      %add3A_2939 = arith.constant 1920 : i32
      %add3A_2940 = vector.broadcast %add3A_2939 : i32 to vector<16xi32>
      %add3A_2941 = arith.addi %mul3A_2938, %add3A_2940 : vector<16xi32>
      tpu.vector_store_idx %arg14[%add3A_2941], %get3A_2932 : memref<2560xf32, #tpu.memory_space<vmem>>[vector<16xi32>], vector<16xf32>,
      %add3A_2942 = arith.constant 1 : i32
      %add3A_2943 = vector.broadcast %add3A_2942 : i32 to vector<16xi32>
      %add3A_2944 = arith.addi %add3A_2941, %add3A_2943 : vector<16xi32>
      tpu.vector_store_idx %arg14[%add3A_2944], %mul3A_2928 : memref<2560xf32, #tpu.memory_space<vmem>>[vector<16xi32>], vector<16xf32>,
      %add3A_2945 = arith.constant 2 : i32
      %add3A_2946 = vector.broadcast %add3A_2945 : i32 to vector<16xi32>
      %add3A_2947 = arith.addi %add3A_2941, %add3A_2946 : vector<16xi32>
      tpu.vector_store_idx %arg14[%add3A_2947], %mul3A_2929 : memref<2560xf32, #tpu.memory_space<vmem>>[vector<16xi32>], vector<16xf32>,
      %add3A_2948 = arith.constant 3 : i32
      %add3A_2949 = vector.broadcast %add3A_2948 : i32 to vector<16xi32>
      %add3A_2950 = arith.addi %add3A_2941, %add3A_2949 : vector<16xi32>
      tpu.vector_store_idx %arg14[%add3A_2950], %mul3A_2930 : memref<2560xf32, #tpu.memory_space<vmem>>[vector<16xi32>], vector<16xf32>,
      %add3A_2951 = arith.constant 4 : i32
      %add3A_2952 = vector.broadcast %add3A_2951 : i32 to vector<16xi32>
      %add3A_2953 = arith.addi %add3A_2941, %add3A_2952 : vector<16xi32>
      tpu.vector_store_idx %arg14[%add3A_2953], %mul3A_2921 : memref<2560xf32, #tpu.memory_space<vmem>>[vector<16xi32>], vector<16xf32>,
      tpu.vector_store_idx %arg15[%add3A_2941], %get3A_2934 : memref<2560xf32, #tpu.memory_space<vmem>>[vector<16xi32>], vector<16xf32>,
      %add3A_2954 = arith.constant 1 : i32
      %add3A_2955 = vector.broadcast %add3A_2954 : i32 to vector<16xi32>
      %add3A_2956 = arith.addi %add3A_2941, %add3A_2955 : vector<16xi32>
      tpu.vector_store_idx %arg15[%add3A_2956], %mul3A_2928 : memref<2560xf32, #tpu.memory_space<vmem>>[vector<16xi32>], vector<16xf32>,
      %add3A_2957 = arith.constant 2 : i32
      %add3A_2958 = vector.broadcast %add3A_2957 : i32 to vector<16xi32>
      %add3A_2959 = arith.addi %add3A_2941, %add3A_2958 : vector<16xi32>
      tpu.vector_store_idx %arg15[%add3A_2959], %mul3A_2929 : memref<2560xf32, #tpu.memory_space<vmem>>[vector<16xi32>], vector<16xf32>,
      %add3A_2960 = arith.constant 3 : i32
      %add3A_2961 = vector.broadcast %add3A_2960 : i32 to vector<16xi32>
      %add3A_2962 = arith.addi %add3A_2941, %add3A_2961 : vector<16xi32>
      tpu.vector_store_idx %arg15[%add3A_2962], %mul3A_2930 : memref<2560xf32, #tpu.memory_space<vmem>>[vector<16xi32>], vector<16xf32>,
      %add3A_2963 = arith.constant 4 : i32
      %add3A_2964 = vector.broadcast %add3A_2963 : i32 to vector<16xi32>
      %add3A_2965 = arith.addi %add3A_2941, %add3A_2964 : vector<16xi32>
      tpu.vector_store_idx %arg15[%add3A_2965], %mul3A_2921 : memref<2560xf32, #tpu.memory_space<vmem>>[vector<16xi32>], vector<16xf32>,
      %add3A_2966 = arith.addi %get3A_2855, %add3A_5 : vector<16xi32>
      %swap3A_2967 = arith.constant 384 : index
      %swap3A_2968 = tpu.vector_load %arg16[%swap3A_2967] {strides = array<i32>} : memref<512xi32, #tpu.memory_space<vmem>>, vector<16xi32>,
      tpu.vector_store %arg16[%swap3A_2967], %add3A_2966 {strides = array<i32>} : memref<512xi32, #tpu.memory_space<vmem>>, vector<16xi32>,
      %add3A_2969 = arith.addi %get3A_2855, %add3A_8 : vector<16xi32>
      %swap3A_2970 = arith.constant 384 : index
      %swap3A_2971 = tpu.vector_load %arg17[%swap3A_2970] {strides = array<i32>} : memref<512xi32, #tpu.memory_space<vmem>>, vector<16xi32>,
      tpu.vector_store %arg17[%swap3A_2970], %add3A_2969 {strides = array<i32>} : memref<512xi32, #tpu.memory_space<vmem>>, vector<16xi32>,
      %get3A_2972 = arith.constant 400 : index
      %get3A_2973 = tpu.vector_load %arg10[%get3A_2972] {strides = array<i32>} : memref<512xi32, #tpu.memory_space<vmem>>, vector<16xi32>,
      %mul3A_2974 = arith.constant 3 : i32
      %mul3A_2975 = vector.broadcast %mul3A_2974 : i32 to vector<16xi32>
      %mul3A_2976 = arith.muli %get3A_2973, %mul3A_2975 : vector<16xi32>
      %gather3A_2977 = tpu.vector_load_idx %arg9[%mul3A_2976] : memref<98304xf32, #tpu.memory_space<vmem>>[vector<16xi32>], vector<16xf32>,
      %add3A_2978 = arith.constant 1 : i32
      %add3A_2979 = vector.broadcast %add3A_2978 : i32 to vector<16xi32>
      %add3A_2980 = arith.addi %mul3A_2976, %add3A_2979 : vector<16xi32>
      %gather3A_2981 = tpu.vector_load_idx %arg9[%add3A_2980] : memref<98304xf32, #tpu.memory_space<vmem>>[vector<16xi32>], vector<16xf32>,
      %add3A_2982 = arith.constant 2 : i32
      %add3A_2983 = vector.broadcast %add3A_2982 : i32 to vector<16xi32>
      %add3A_2984 = arith.addi %mul3A_2976, %add3A_2983 : vector<16xi32>
      %gather3A_2985 = tpu.vector_load_idx %arg9[%add3A_2984] : memref<98304xf32, #tpu.memory_space<vmem>>[vector<16xi32>], vector<16xf32>,
      %iota3A_2986 = tpu.iota {dimensions = array<i32: 0>} : vector<16xi32>
      %mul3A_2987 = arith.constant 3 : i32
      %mul3A_2988 = vector.broadcast %mul3A_2987 : i32 to vector<16xi32>
      %mul3A_2989 = arith.muli %iota3A_2986, %mul3A_2988 : vector<16xi32>
      %add3A_2990 = arith.constant 1200 : i32
      %add3A_2991 = vector.broadcast %add3A_2990 : i32 to vector<16xi32>
      %add3A_2992 = arith.addi %mul3A_2989, %add3A_2991 : vector<16xi32>
      %gather3A_2993 = tpu.vector_load_idx %arg11[%add3A_2992] : memref<1536xf32, #tpu.memory_space<vmem>>[vector<16xi32>], vector<16xf32>,
      %add3A_2994 = arith.constant 1 : i32
      %add3A_2995 = vector.broadcast %add3A_2994 : i32 to vector<16xi32>
      %add3A_2996 = arith.addi %add3A_2992, %add3A_2995 : vector<16xi32>
      %gather3A_2997 = tpu.vector_load_idx %arg11[%add3A_2996] : memref<1536xf32, #tpu.memory_space<vmem>>[vector<16xi32>], vector<16xf32>,
      %add3A_2998 = arith.constant 2 : i32
      %add3A_2999 = vector.broadcast %add3A_2998 : i32 to vector<16xi32>
      %add3A_3000 = arith.addi %add3A_2992, %add3A_2999 : vector<16xi32>
      %gather3A_3001 = tpu.vector_load_idx %arg11[%add3A_3000] : memref<1536xf32, #tpu.memory_space<vmem>>[vector<16xi32>], vector<16xf32>,
      %sub3A_3002 = arith.subf %gather3A_2993, %gather3A_2977 : vector<16xf32>
      %sub3A_3003 = arith.subf %gather3A_2997, %gather3A_2981 : vector<16xf32>
      %sub3A_3004 = arith.subf %gather3A_3001, %gather3A_2985 : vector<16xf32>
      %mul3A_3005 = arith.mulf %sub3A_3002, %sub3A_3002 : vector<16xf32>
      %mul3A_3006 = arith.mulf %sub3A_3003, %sub3A_3003 : vector<16xf32>
      %add3A_3007 = arith.addf %mul3A_3005, %mul3A_3006 : vector<16xf32>
      %mul3A_3008 = arith.mulf %sub3A_3004, %sub3A_3004 : vector<16xf32>
      %add3A_3009 = arith.addf %add3A_3007, %mul3A_3008 : vector<16xf32>
      %bitcast_convert_type3A_3010 = tpu.bitcast %add3A_3009 : vector<16xf32> -> vector<16xi32>
      %shift_right_logical3A_3011 = arith.constant 1 : i32
      %shift_right_logical3A_3012 = vector.broadcast %shift_right_logical3A_3011 : i32 to vector<16xi32>
      %shift_right_logical3A_3013 = arith.shrui %bitcast_convert_type3A_3010, %shift_right_logical3A_3012 : vector<16xi32>
      %sub3A_3014 = arith.constant 1597463007 : i32
      %sub3A_3015 = vector.broadcast %sub3A_3014 : i32 to vector<16xi32>
      %sub3A_3016 = arith.subi %sub3A_3015, %shift_right_logical3A_3013 : vector<16xi32>
      %bitcast_convert_type3A_3017 = tpu.bitcast %sub3A_3016 : vector<16xi32> -> vector<16xf32>
      %mul3A_3018 = arith.constant 5.000000e-01 : f32
      %mul3A_3019 = vector.broadcast %mul3A_3018 : f32 to vector<16xf32>
      %mul3A_3020 = arith.mulf %add3A_3009, %mul3A_3019 : vector<16xf32>
      %mul3A_3021 = arith.mulf %mul3A_3020, %bitcast_convert_type3A_3017 : vector<16xf32>
      %mul3A_3022 = arith.mulf %mul3A_3021, %bitcast_convert_type3A_3017 : vector<16xf32>
      %sub3A_3023 = arith.constant 1.500000e+00 : f32
      %sub3A_3024 = vector.broadcast %sub3A_3023 : f32 to vector<16xf32>
      %sub3A_3025 = arith.subf %sub3A_3024, %mul3A_3022 : vector<16xf32>
      %mul3A_3026 = arith.mulf %bitcast_convert_type3A_3017, %sub3A_3025 : vector<16xf32>
      %mul3A_3027 = arith.mulf %mul3A_3020, %mul3A_3026 : vector<16xf32>
      %mul3A_3028 = arith.mulf %mul3A_3027, %mul3A_3026 : vector<16xf32>
      %sub3A_3029 = arith.constant 1.500000e+00 : f32
      %sub3A_3030 = vector.broadcast %sub3A_3029 : f32 to vector<16xf32>
      %sub3A_3031 = arith.subf %sub3A_3030, %mul3A_3028 : vector<16xf32>
      %mul3A_3032 = arith.mulf %mul3A_3026, %sub3A_3031 : vector<16xf32>
      %mul3A_3033 = arith.mulf %mul3A_3020, %mul3A_3032 : vector<16xf32>
      %mul3A_3034 = arith.mulf %mul3A_3033, %mul3A_3032 : vector<16xf32>
      %sub3A_3035 = arith.constant 1.500000e+00 : f32
      %sub3A_3036 = vector.broadcast %sub3A_3035 : f32 to vector<16xf32>
      %sub3A_3037 = arith.subf %sub3A_3036, %mul3A_3034 : vector<16xf32>
      %mul3A_3038 = arith.mulf %mul3A_3032, %sub3A_3037 : vector<16xf32>
      %mul3A_3039 = arith.mulf %add3A_3009, %mul3A_3038 : vector<16xf32>
      %add3A_3040 = arith.constant 9.99999993E-9 : f32
      %add3A_3041 = vector.broadcast %add3A_3040 : f32 to vector<16xf32>
      %add3A_3042 = arith.addf %mul3A_3039, %add3A_3041 : vector<16xf32>
      %div3A_3043 = arith.constant 1.000000e+00 : f32
      %div3A_3044 = vector.broadcast %div3A_3043 : f32 to vector<16xf32>
      %div3A_3045 = arith.divf %div3A_3044, %add3A_3042 : vector<16xf32>
      %mul3A_3046 = arith.mulf %sub3A_3002, %div3A_3045 : vector<16xf32>
      %mul3A_3047 = arith.mulf %sub3A_3003, %div3A_3045 : vector<16xf32>
      %mul3A_3048 = arith.mulf %sub3A_3004, %div3A_3045 : vector<16xf32>
      %get3A_3049 = arith.constant 400 : index
      %get3A_3050 = tpu.vector_load %arg12[%get3A_3049] {strides = array<i32>} : memref<512xf32, #tpu.memory_space<vmem>>, vector<16xf32>,
      %get3A_3051 = arith.constant 400 : index
      %get3A_3052 = tpu.vector_load %arg13[%get3A_3051] {strides = array<i32>} : memref<512xf32, #tpu.memory_space<vmem>>, vector<16xf32>,
      %iota3A_3053 = tpu.iota {dimensions = array<i32: 0>} : vector<16xi32>
      %mul3A_3054 = arith.constant 5 : i32
      %mul3A_3055 = vector.broadcast %mul3A_3054 : i32 to vector<16xi32>
      %mul3A_3056 = arith.muli %iota3A_3053, %mul3A_3055 : vector<16xi32>
      %add3A_3057 = arith.constant 2000 : i32
      %add3A_3058 = vector.broadcast %add3A_3057 : i32 to vector<16xi32>
      %add3A_3059 = arith.addi %mul3A_3056, %add3A_3058 : vector<16xi32>
      tpu.vector_store_idx %arg14[%add3A_3059], %get3A_3050 : memref<2560xf32, #tpu.memory_space<vmem>>[vector<16xi32>], vector<16xf32>,
      %add3A_3060 = arith.constant 1 : i32
      %add3A_3061 = vector.broadcast %add3A_3060 : i32 to vector<16xi32>
      %add3A_3062 = arith.addi %add3A_3059, %add3A_3061 : vector<16xi32>
      tpu.vector_store_idx %arg14[%add3A_3062], %mul3A_3046 : memref<2560xf32, #tpu.memory_space<vmem>>[vector<16xi32>], vector<16xf32>,
      %add3A_3063 = arith.constant 2 : i32
      %add3A_3064 = vector.broadcast %add3A_3063 : i32 to vector<16xi32>
      %add3A_3065 = arith.addi %add3A_3059, %add3A_3064 : vector<16xi32>
      tpu.vector_store_idx %arg14[%add3A_3065], %mul3A_3047 : memref<2560xf32, #tpu.memory_space<vmem>>[vector<16xi32>], vector<16xf32>,
      %add3A_3066 = arith.constant 3 : i32
      %add3A_3067 = vector.broadcast %add3A_3066 : i32 to vector<16xi32>
      %add3A_3068 = arith.addi %add3A_3059, %add3A_3067 : vector<16xi32>
      tpu.vector_store_idx %arg14[%add3A_3068], %mul3A_3048 : memref<2560xf32, #tpu.memory_space<vmem>>[vector<16xi32>], vector<16xf32>,
      %add3A_3069 = arith.constant 4 : i32
      %add3A_3070 = vector.broadcast %add3A_3069 : i32 to vector<16xi32>
      %add3A_3071 = arith.addi %add3A_3059, %add3A_3070 : vector<16xi32>
      tpu.vector_store_idx %arg14[%add3A_3071], %mul3A_3039 : memref<2560xf32, #tpu.memory_space<vmem>>[vector<16xi32>], vector<16xf32>,
      tpu.vector_store_idx %arg15[%add3A_3059], %get3A_3052 : memref<2560xf32, #tpu.memory_space<vmem>>[vector<16xi32>], vector<16xf32>,
      %add3A_3072 = arith.constant 1 : i32
      %add3A_3073 = vector.broadcast %add3A_3072 : i32 to vector<16xi32>
      %add3A_3074 = arith.addi %add3A_3059, %add3A_3073 : vector<16xi32>
      tpu.vector_store_idx %arg15[%add3A_3074], %mul3A_3046 : memref<2560xf32, #tpu.memory_space<vmem>>[vector<16xi32>], vector<16xf32>,
      %add3A_3075 = arith.constant 2 : i32
      %add3A_3076 = vector.broadcast %add3A_3075 : i32 to vector<16xi32>
      %add3A_3077 = arith.addi %add3A_3059, %add3A_3076 : vector<16xi32>
      tpu.vector_store_idx %arg15[%add3A_3077], %mul3A_3047 : memref<2560xf32, #tpu.memory_space<vmem>>[vector<16xi32>], vector<16xf32>,
      %add3A_3078 = arith.constant 3 : i32
      %add3A_3079 = vector.broadcast %add3A_3078 : i32 to vector<16xi32>
      %add3A_3080 = arith.addi %add3A_3059, %add3A_3079 : vector<16xi32>
      tpu.vector_store_idx %arg15[%add3A_3080], %mul3A_3048 : memref<2560xf32, #tpu.memory_space<vmem>>[vector<16xi32>], vector<16xf32>,
      %add3A_3081 = arith.constant 4 : i32
      %add3A_3082 = vector.broadcast %add3A_3081 : i32 to vector<16xi32>
      %add3A_3083 = arith.addi %add3A_3059, %add3A_3082 : vector<16xi32>
      tpu.vector_store_idx %arg15[%add3A_3083], %mul3A_3039 : memref<2560xf32, #tpu.memory_space<vmem>>[vector<16xi32>], vector<16xf32>,
      %add3A_3084 = arith.addi %get3A_2973, %add3A_5 : vector<16xi32>
      %swap3A_3085 = arith.constant 400 : index
      %swap3A_3086 = tpu.vector_load %arg16[%swap3A_3085] {strides = array<i32>} : memref<512xi32, #tpu.memory_space<vmem>>, vector<16xi32>,
      tpu.vector_store %arg16[%swap3A_3085], %add3A_3084 {strides = array<i32>} : memref<512xi32, #tpu.memory_space<vmem>>, vector<16xi32>,
      %add3A_3087 = arith.addi %get3A_2973, %add3A_8 : vector<16xi32>
      %swap3A_3088 = arith.constant 400 : index
      %swap3A_3089 = tpu.vector_load %arg17[%swap3A_3088] {strides = array<i32>} : memref<512xi32, #tpu.memory_space<vmem>>, vector<16xi32>,
      tpu.vector_store %arg17[%swap3A_3088], %add3A_3087 {strides = array<i32>} : memref<512xi32, #tpu.memory_space<vmem>>, vector<16xi32>,
      %get3A_3090 = arith.constant 416 : index
      %get3A_3091 = tpu.vector_load %arg10[%get3A_3090] {strides = array<i32>} : memref<512xi32, #tpu.memory_space<vmem>>, vector<16xi32>,
      %mul3A_3092 = arith.constant 3 : i32
      %mul3A_3093 = vector.broadcast %mul3A_3092 : i32 to vector<16xi32>
      %mul3A_3094 = arith.muli %get3A_3091, %mul3A_3093 : vector<16xi32>
      %gather3A_3095 = tpu.vector_load_idx %arg9[%mul3A_3094] : memref<98304xf32, #tpu.memory_space<vmem>>[vector<16xi32>], vector<16xf32>,
      %add3A_3096 = arith.constant 1 : i32
      %add3A_3097 = vector.broadcast %add3A_3096 : i32 to vector<16xi32>
      %add3A_3098 = arith.addi %mul3A_3094, %add3A_3097 : vector<16xi32>
      %gather3A_3099 = tpu.vector_load_idx %arg9[%add3A_3098] : memref<98304xf32, #tpu.memory_space<vmem>>[vector<16xi32>], vector<16xf32>,
      %add3A_3100 = arith.constant 2 : i32
      %add3A_3101 = vector.broadcast %add3A_3100 : i32 to vector<16xi32>
      %add3A_3102 = arith.addi %mul3A_3094, %add3A_3101 : vector<16xi32>
      %gather3A_3103 = tpu.vector_load_idx %arg9[%add3A_3102] : memref<98304xf32, #tpu.memory_space<vmem>>[vector<16xi32>], vector<16xf32>,
      %iota3A_3104 = tpu.iota {dimensions = array<i32: 0>} : vector<16xi32>
      %mul3A_3105 = arith.constant 3 : i32
      %mul3A_3106 = vector.broadcast %mul3A_3105 : i32 to vector<16xi32>
      %mul3A_3107 = arith.muli %iota3A_3104, %mul3A_3106 : vector<16xi32>
      %add3A_3108 = arith.constant 1248 : i32
      %add3A_3109 = vector.broadcast %add3A_3108 : i32 to vector<16xi32>
      %add3A_3110 = arith.addi %mul3A_3107, %add3A_3109 : vector<16xi32>
      %gather3A_3111 = tpu.vector_load_idx %arg11[%add3A_3110] : memref<1536xf32, #tpu.memory_space<vmem>>[vector<16xi32>], vector<16xf32>,
      %add3A_3112 = arith.constant 1 : i32
      %add3A_3113 = vector.broadcast %add3A_3112 : i32 to vector<16xi32>
      %add3A_3114 = arith.addi %add3A_3110, %add3A_3113 : vector<16xi32>
      %gather3A_3115 = tpu.vector_load_idx %arg11[%add3A_3114] : memref<1536xf32, #tpu.memory_space<vmem>>[vector<16xi32>], vector<16xf32>,
      %add3A_3116 = arith.constant 2 : i32
      %add3A_3117 = vector.broadcast %add3A_3116 : i32 to vector<16xi32>
      %add3A_3118 = arith.addi %add3A_3110, %add3A_3117 : vector<16xi32>
      %gather3A_3119 = tpu.vector_load_idx %arg11[%add3A_3118] : memref<1536xf32, #tpu.memory_space<vmem>>[vector<16xi32>], vector<16xf32>,
      %sub3A_3120 = arith.subf %gather3A_3111, %gather3A_3095 : vector<16xf32>
      %sub3A_3121 = arith.subf %gather3A_3115, %gather3A_3099 : vector<16xf32>
      %sub3A_3122 = arith.subf %gather3A_3119, %gather3A_3103 : vector<16xf32>
      %mul3A_3123 = arith.mulf %sub3A_3120, %sub3A_3120 : vector<16xf32>
      %mul3A_3124 = arith.mulf %sub3A_3121, %sub3A_3121 : vector<16xf32>
      %add3A_3125 = arith.addf %mul3A_3123, %mul3A_3124 : vector<16xf32>
      %mul3A_3126 = arith.mulf %sub3A_3122, %sub3A_3122 : vector<16xf32>
      %add3A_3127 = arith.addf %add3A_3125, %mul3A_3126 : vector<16xf32>
      %bitcast_convert_type3A_3128 = tpu.bitcast %add3A_3127 : vector<16xf32> -> vector<16xi32>
      %shift_right_logical3A_3129 = arith.constant 1 : i32
      %shift_right_logical3A_3130 = vector.broadcast %shift_right_logical3A_3129 : i32 to vector<16xi32>
      %shift_right_logical3A_3131 = arith.shrui %bitcast_convert_type3A_3128, %shift_right_logical3A_3130 : vector<16xi32>
      %sub3A_3132 = arith.constant 1597463007 : i32
      %sub3A_3133 = vector.broadcast %sub3A_3132 : i32 to vector<16xi32>
      %sub3A_3134 = arith.subi %sub3A_3133, %shift_right_logical3A_3131 : vector<16xi32>
      %bitcast_convert_type3A_3135 = tpu.bitcast %sub3A_3134 : vector<16xi32> -> vector<16xf32>
      %mul3A_3136 = arith.constant 5.000000e-01 : f32
      %mul3A_3137 = vector.broadcast %mul3A_3136 : f32 to vector<16xf32>
      %mul3A_3138 = arith.mulf %add3A_3127, %mul3A_3137 : vector<16xf32>
      %mul3A_3139 = arith.mulf %mul3A_3138, %bitcast_convert_type3A_3135 : vector<16xf32>
      %mul3A_3140 = arith.mulf %mul3A_3139, %bitcast_convert_type3A_3135 : vector<16xf32>
      %sub3A_3141 = arith.constant 1.500000e+00 : f32
      %sub3A_3142 = vector.broadcast %sub3A_3141 : f32 to vector<16xf32>
      %sub3A_3143 = arith.subf %sub3A_3142, %mul3A_3140 : vector<16xf32>
      %mul3A_3144 = arith.mulf %bitcast_convert_type3A_3135, %sub3A_3143 : vector<16xf32>
      %mul3A_3145 = arith.mulf %mul3A_3138, %mul3A_3144 : vector<16xf32>
      %mul3A_3146 = arith.mulf %mul3A_3145, %mul3A_3144 : vector<16xf32>
      %sub3A_3147 = arith.constant 1.500000e+00 : f32
      %sub3A_3148 = vector.broadcast %sub3A_3147 : f32 to vector<16xf32>
      %sub3A_3149 = arith.subf %sub3A_3148, %mul3A_3146 : vector<16xf32>
      %mul3A_3150 = arith.mulf %mul3A_3144, %sub3A_3149 : vector<16xf32>
      %mul3A_3151 = arith.mulf %mul3A_3138, %mul3A_3150 : vector<16xf32>
      %mul3A_3152 = arith.mulf %mul3A_3151, %mul3A_3150 : vector<16xf32>
      %sub3A_3153 = arith.constant 1.500000e+00 : f32
      %sub3A_3154 = vector.broadcast %sub3A_3153 : f32 to vector<16xf32>
      %sub3A_3155 = arith.subf %sub3A_3154, %mul3A_3152 : vector<16xf32>
      %mul3A_3156 = arith.mulf %mul3A_3150, %sub3A_3155 : vector<16xf32>
      %mul3A_3157 = arith.mulf %add3A_3127, %mul3A_3156 : vector<16xf32>
      %add3A_3158 = arith.constant 9.99999993E-9 : f32
      %add3A_3159 = vector.broadcast %add3A_3158 : f32 to vector<16xf32>
      %add3A_3160 = arith.addf %mul3A_3157, %add3A_3159 : vector<16xf32>
      %div3A_3161 = arith.constant 1.000000e+00 : f32
      %div3A_3162 = vector.broadcast %div3A_3161 : f32 to vector<16xf32>
      %div3A_3163 = arith.divf %div3A_3162, %add3A_3160 : vector<16xf32>
      %mul3A_3164 = arith.mulf %sub3A_3120, %div3A_3163 : vector<16xf32>
      %mul3A_3165 = arith.mulf %sub3A_3121, %div3A_3163 : vector<16xf32>
      %mul3A_3166 = arith.mulf %sub3A_3122, %div3A_3163 : vector<16xf32>
      %get3A_3167 = arith.constant 416 : index
      %get3A_3168 = tpu.vector_load %arg12[%get3A_3167] {strides = array<i32>} : memref<512xf32, #tpu.memory_space<vmem>>, vector<16xf32>,
      %get3A_3169 = arith.constant 416 : index
      %get3A_3170 = tpu.vector_load %arg13[%get3A_3169] {strides = array<i32>} : memref<512xf32, #tpu.memory_space<vmem>>, vector<16xf32>,
      %iota3A_3171 = tpu.iota {dimensions = array<i32: 0>} : vector<16xi32>
      %mul3A_3172 = arith.constant 5 : i32
      %mul3A_3173 = vector.broadcast %mul3A_3172 : i32 to vector<16xi32>
      %mul3A_3174 = arith.muli %iota3A_3171, %mul3A_3173 : vector<16xi32>
      %add3A_3175 = arith.constant 2080 : i32
      %add3A_3176 = vector.broadcast %add3A_3175 : i32 to vector<16xi32>
      %add3A_3177 = arith.addi %mul3A_3174, %add3A_3176 : vector<16xi32>
      tpu.vector_store_idx %arg14[%add3A_3177], %get3A_3168 : memref<2560xf32, #tpu.memory_space<vmem>>[vector<16xi32>], vector<16xf32>,
      %add3A_3178 = arith.constant 1 : i32
      %add3A_3179 = vector.broadcast %add3A_3178 : i32 to vector<16xi32>
      %add3A_3180 = arith.addi %add3A_3177, %add3A_3179 : vector<16xi32>
      tpu.vector_store_idx %arg14[%add3A_3180], %mul3A_3164 : memref<2560xf32, #tpu.memory_space<vmem>>[vector<16xi32>], vector<16xf32>,
      %add3A_3181 = arith.constant 2 : i32
      %add3A_3182 = vector.broadcast %add3A_3181 : i32 to vector<16xi32>
      %add3A_3183 = arith.addi %add3A_3177, %add3A_3182 : vector<16xi32>
      tpu.vector_store_idx %arg14[%add3A_3183], %mul3A_3165 : memref<2560xf32, #tpu.memory_space<vmem>>[vector<16xi32>], vector<16xf32>,
      %add3A_3184 = arith.constant 3 : i32
      %add3A_3185 = vector.broadcast %add3A_3184 : i32 to vector<16xi32>
      %add3A_3186 = arith.addi %add3A_3177, %add3A_3185 : vector<16xi32>
      tpu.vector_store_idx %arg14[%add3A_3186], %mul3A_3166 : memref<2560xf32, #tpu.memory_space<vmem>>[vector<16xi32>], vector<16xf32>,
      %add3A_3187 = arith.constant 4 : i32
      %add3A_3188 = vector.broadcast %add3A_3187 : i32 to vector<16xi32>
      %add3A_3189 = arith.addi %add3A_3177, %add3A_3188 : vector<16xi32>
      tpu.vector_store_idx %arg14[%add3A_3189], %mul3A_3157 : memref<2560xf32, #tpu.memory_space<vmem>>[vector<16xi32>], vector<16xf32>,
      tpu.vector_store_idx %arg15[%add3A_3177], %get3A_3170 : memref<2560xf32, #tpu.memory_space<vmem>>[vector<16xi32>], vector<16xf32>,
      %add3A_3190 = arith.constant 1 : i32
      %add3A_3191 = vector.broadcast %add3A_3190 : i32 to vector<16xi32>
      %add3A_3192 = arith.addi %add3A_3177, %add3A_3191 : vector<16xi32>
      tpu.vector_store_idx %arg15[%add3A_3192], %mul3A_3164 : memref<2560xf32, #tpu.memory_space<vmem>>[vector<16xi32>], vector<16xf32>,
      %add3A_3193 = arith.constant 2 : i32
      %add3A_3194 = vector.broadcast %add3A_3193 : i32 to vector<16xi32>
      %add3A_3195 = arith.addi %add3A_3177, %add3A_3194 : vector<16xi32>
      tpu.vector_store_idx %arg15[%add3A_3195], %mul3A_3165 : memref<2560xf32, #tpu.memory_space<vmem>>[vector<16xi32>], vector<16xf32>,
      %add3A_3196 = arith.constant 3 : i32
      %add3A_3197 = vector.broadcast %add3A_3196 : i32 to vector<16xi32>
      %add3A_3198 = arith.addi %add3A_3177, %add3A_3197 : vector<16xi32>
      tpu.vector_store_idx %arg15[%add3A_3198], %mul3A_3166 : memref<2560xf32, #tpu.memory_space<vmem>>[vector<16xi32>], vector<16xf32>,
      %add3A_3199 = arith.constant 4 : i32
      %add3A_3200 = vector.broadcast %add3A_3199 : i32 to vector<16xi32>
      %add3A_3201 = arith.addi %add3A_3177, %add3A_3200 : vector<16xi32>
      tpu.vector_store_idx %arg15[%add3A_3201], %mul3A_3157 : memref<2560xf32, #tpu.memory_space<vmem>>[vector<16xi32>], vector<16xf32>,
      %add3A_3202 = arith.addi %get3A_3091, %add3A_5 : vector<16xi32>
      %swap3A_3203 = arith.constant 416 : index
      %swap3A_3204 = tpu.vector_load %arg16[%swap3A_3203] {strides = array<i32>} : memref<512xi32, #tpu.memory_space<vmem>>, vector<16xi32>,
      tpu.vector_store %arg16[%swap3A_3203], %add3A_3202 {strides = array<i32>} : memref<512xi32, #tpu.memory_space<vmem>>, vector<16xi32>,
      %add3A_3205 = arith.addi %get3A_3091, %add3A_8 : vector<16xi32>
      %swap3A_3206 = arith.constant 416 : index
      %swap3A_3207 = tpu.vector_load %arg17[%swap3A_3206] {strides = array<i32>} : memref<512xi32, #tpu.memory_space<vmem>>, vector<16xi32>,
      tpu.vector_store %arg17[%swap3A_3206], %add3A_3205 {strides = array<i32>} : memref<512xi32, #tpu.memory_space<vmem>>, vector<16xi32>,
      %get3A_3208 = arith.constant 432 : index
      %get3A_3209 = tpu.vector_load %arg10[%get3A_3208] {strides = array<i32>} : memref<512xi32, #tpu.memory_space<vmem>>, vector<16xi32>,
      %mul3A_3210 = arith.constant 3 : i32
      %mul3A_3211 = vector.broadcast %mul3A_3210 : i32 to vector<16xi32>
      %mul3A_3212 = arith.muli %get3A_3209, %mul3A_3211 : vector<16xi32>
      %gather3A_3213 = tpu.vector_load_idx %arg9[%mul3A_3212] : memref<98304xf32, #tpu.memory_space<vmem>>[vector<16xi32>], vector<16xf32>,
      %add3A_3214 = arith.constant 1 : i32
      %add3A_3215 = vector.broadcast %add3A_3214 : i32 to vector<16xi32>
      %add3A_3216 = arith.addi %mul3A_3212, %add3A_3215 : vector<16xi32>
      %gather3A_3217 = tpu.vector_load_idx %arg9[%add3A_3216] : memref<98304xf32, #tpu.memory_space<vmem>>[vector<16xi32>], vector<16xf32>,
      %add3A_3218 = arith.constant 2 : i32
      %add3A_3219 = vector.broadcast %add3A_3218 : i32 to vector<16xi32>
      %add3A_3220 = arith.addi %mul3A_3212, %add3A_3219 : vector<16xi32>
      %gather3A_3221 = tpu.vector_load_idx %arg9[%add3A_3220] : memref<98304xf32, #tpu.memory_space<vmem>>[vector<16xi32>], vector<16xf32>,
      %iota3A_3222 = tpu.iota {dimensions = array<i32: 0>} : vector<16xi32>
      %mul3A_3223 = arith.constant 3 : i32
      %mul3A_3224 = vector.broadcast %mul3A_3223 : i32 to vector<16xi32>
      %mul3A_3225 = arith.muli %iota3A_3222, %mul3A_3224 : vector<16xi32>
      %add3A_3226 = arith.constant 1296 : i32
      %add3A_3227 = vector.broadcast %add3A_3226 : i32 to vector<16xi32>
      %add3A_3228 = arith.addi %mul3A_3225, %add3A_3227 : vector<16xi32>
      %gather3A_3229 = tpu.vector_load_idx %arg11[%add3A_3228] : memref<1536xf32, #tpu.memory_space<vmem>>[vector<16xi32>], vector<16xf32>,
      %add3A_3230 = arith.constant 1 : i32
      %add3A_3231 = vector.broadcast %add3A_3230 : i32 to vector<16xi32>
      %add3A_3232 = arith.addi %add3A_3228, %add3A_3231 : vector<16xi32>
      %gather3A_3233 = tpu.vector_load_idx %arg11[%add3A_3232] : memref<1536xf32, #tpu.memory_space<vmem>>[vector<16xi32>], vector<16xf32>,
      %add3A_3234 = arith.constant 2 : i32
      %add3A_3235 = vector.broadcast %add3A_3234 : i32 to vector<16xi32>
      %add3A_3236 = arith.addi %add3A_3228, %add3A_3235 : vector<16xi32>
      %gather3A_3237 = tpu.vector_load_idx %arg11[%add3A_3236] : memref<1536xf32, #tpu.memory_space<vmem>>[vector<16xi32>], vector<16xf32>,
      %sub3A_3238 = arith.subf %gather3A_3229, %gather3A_3213 : vector<16xf32>
      %sub3A_3239 = arith.subf %gather3A_3233, %gather3A_3217 : vector<16xf32>
      %sub3A_3240 = arith.subf %gather3A_3237, %gather3A_3221 : vector<16xf32>
      %mul3A_3241 = arith.mulf %sub3A_3238, %sub3A_3238 : vector<16xf32>
      %mul3A_3242 = arith.mulf %sub3A_3239, %sub3A_3239 : vector<16xf32>
      %add3A_3243 = arith.addf %mul3A_3241, %mul3A_3242 : vector<16xf32>
      %mul3A_3244 = arith.mulf %sub3A_3240, %sub3A_3240 : vector<16xf32>
      %add3A_3245 = arith.addf %add3A_3243, %mul3A_3244 : vector<16xf32>
      %bitcast_convert_type3A_3246 = tpu.bitcast %add3A_3245 : vector<16xf32> -> vector<16xi32>
      %shift_right_logical3A_3247 = arith.constant 1 : i32
      %shift_right_logical3A_3248 = vector.broadcast %shift_right_logical3A_3247 : i32 to vector<16xi32>
      %shift_right_logical3A_3249 = arith.shrui %bitcast_convert_type3A_3246, %shift_right_logical3A_3248 : vector<16xi32>
      %sub3A_3250 = arith.constant 1597463007 : i32
      %sub3A_3251 = vector.broadcast %sub3A_3250 : i32 to vector<16xi32>
      %sub3A_3252 = arith.subi %sub3A_3251, %shift_right_logical3A_3249 : vector<16xi32>
      %bitcast_convert_type3A_3253 = tpu.bitcast %sub3A_3252 : vector<16xi32> -> vector<16xf32>
      %mul3A_3254 = arith.constant 5.000000e-01 : f32
      %mul3A_3255 = vector.broadcast %mul3A_3254 : f32 to vector<16xf32>
      %mul3A_3256 = arith.mulf %add3A_3245, %mul3A_3255 : vector<16xf32>
      %mul3A_3257 = arith.mulf %mul3A_3256, %bitcast_convert_type3A_3253 : vector<16xf32>
      %mul3A_3258 = arith.mulf %mul3A_3257, %bitcast_convert_type3A_3253 : vector<16xf32>
      %sub3A_3259 = arith.constant 1.500000e+00 : f32
      %sub3A_3260 = vector.broadcast %sub3A_3259 : f32 to vector<16xf32>
      %sub3A_3261 = arith.subf %sub3A_3260, %mul3A_3258 : vector<16xf32>
      %mul3A_3262 = arith.mulf %bitcast_convert_type3A_3253, %sub3A_3261 : vector<16xf32>
      %mul3A_3263 = arith.mulf %mul3A_3256, %mul3A_3262 : vector<16xf32>
      %mul3A_3264 = arith.mulf %mul3A_3263, %mul3A_3262 : vector<16xf32>
      %sub3A_3265 = arith.constant 1.500000e+00 : f32
      %sub3A_3266 = vector.broadcast %sub3A_3265 : f32 to vector<16xf32>
      %sub3A_3267 = arith.subf %sub3A_3266, %mul3A_3264 : vector<16xf32>
      %mul3A_3268 = arith.mulf %mul3A_3262, %sub3A_3267 : vector<16xf32>
      %mul3A_3269 = arith.mulf %mul3A_3256, %mul3A_3268 : vector<16xf32>
      %mul3A_3270 = arith.mulf %mul3A_3269, %mul3A_3268 : vector<16xf32>
      %sub3A_3271 = arith.constant 1.500000e+00 : f32
      %sub3A_3272 = vector.broadcast %sub3A_3271 : f32 to vector<16xf32>
      %sub3A_3273 = arith.subf %sub3A_3272, %mul3A_3270 : vector<16xf32>
      %mul3A_3274 = arith.mulf %mul3A_3268, %sub3A_3273 : vector<16xf32>
      %mul3A_3275 = arith.mulf %add3A_3245, %mul3A_3274 : vector<16xf32>
      %add3A_3276 = arith.constant 9.99999993E-9 : f32
      %add3A_3277 = vector.broadcast %add3A_3276 : f32 to vector<16xf32>
      %add3A_3278 = arith.addf %mul3A_3275, %add3A_3277 : vector<16xf32>
      %div3A_3279 = arith.constant 1.000000e+00 : f32
      %div3A_3280 = vector.broadcast %div3A_3279 : f32 to vector<16xf32>
      %div3A_3281 = arith.divf %div3A_3280, %add3A_3278 : vector<16xf32>
      %mul3A_3282 = arith.mulf %sub3A_3238, %div3A_3281 : vector<16xf32>
      %mul3A_3283 = arith.mulf %sub3A_3239, %div3A_3281 : vector<16xf32>
      %mul3A_3284 = arith.mulf %sub3A_3240, %div3A_3281 : vector<16xf32>
      %get3A_3285 = arith.constant 432 : index
      %get3A_3286 = tpu.vector_load %arg12[%get3A_3285] {strides = array<i32>} : memref<512xf32, #tpu.memory_space<vmem>>, vector<16xf32>,
      %get3A_3287 = arith.constant 432 : index
      %get3A_3288 = tpu.vector_load %arg13[%get3A_3287] {strides = array<i32>} : memref<512xf32, #tpu.memory_space<vmem>>, vector<16xf32>,
      %iota3A_3289 = tpu.iota {dimensions = array<i32: 0>} : vector<16xi32>
      %mul3A_3290 = arith.constant 5 : i32
      %mul3A_3291 = vector.broadcast %mul3A_3290 : i32 to vector<16xi32>
      %mul3A_3292 = arith.muli %iota3A_3289, %mul3A_3291 : vector<16xi32>
      %add3A_3293 = arith.constant 2160 : i32
      %add3A_3294 = vector.broadcast %add3A_3293 : i32 to vector<16xi32>
      %add3A_3295 = arith.addi %mul3A_3292, %add3A_3294 : vector<16xi32>
      tpu.vector_store_idx %arg14[%add3A_3295], %get3A_3286 : memref<2560xf32, #tpu.memory_space<vmem>>[vector<16xi32>], vector<16xf32>,
      %add3A_3296 = arith.constant 1 : i32
      %add3A_3297 = vector.broadcast %add3A_3296 : i32 to vector<16xi32>
      %add3A_3298 = arith.addi %add3A_3295, %add3A_3297 : vector<16xi32>
      tpu.vector_store_idx %arg14[%add3A_3298], %mul3A_3282 : memref<2560xf32, #tpu.memory_space<vmem>>[vector<16xi32>], vector<16xf32>,
      %add3A_3299 = arith.constant 2 : i32
      %add3A_3300 = vector.broadcast %add3A_3299 : i32 to vector<16xi32>
      %add3A_3301 = arith.addi %add3A_3295, %add3A_3300 : vector<16xi32>
      tpu.vector_store_idx %arg14[%add3A_3301], %mul3A_3283 : memref<2560xf32, #tpu.memory_space<vmem>>[vector<16xi32>], vector<16xf32>,
      %add3A_3302 = arith.constant 3 : i32
      %add3A_3303 = vector.broadcast %add3A_3302 : i32 to vector<16xi32>
      %add3A_3304 = arith.addi %add3A_3295, %add3A_3303 : vector<16xi32>
      tpu.vector_store_idx %arg14[%add3A_3304], %mul3A_3284 : memref<2560xf32, #tpu.memory_space<vmem>>[vector<16xi32>], vector<16xf32>,
      %add3A_3305 = arith.constant 4 : i32
      %add3A_3306 = vector.broadcast %add3A_3305 : i32 to vector<16xi32>
      %add3A_3307 = arith.addi %add3A_3295, %add3A_3306 : vector<16xi32>
      tpu.vector_store_idx %arg14[%add3A_3307], %mul3A_3275 : memref<2560xf32, #tpu.memory_space<vmem>>[vector<16xi32>], vector<16xf32>,
      tpu.vector_store_idx %arg15[%add3A_3295], %get3A_3288 : memref<2560xf32, #tpu.memory_space<vmem>>[vector<16xi32>], vector<16xf32>,
      %add3A_3308 = arith.constant 1 : i32
      %add3A_3309 = vector.broadcast %add3A_3308 : i32 to vector<16xi32>
      %add3A_3310 = arith.addi %add3A_3295, %add3A_3309 : vector<16xi32>
      tpu.vector_store_idx %arg15[%add3A_3310], %mul3A_3282 : memref<2560xf32, #tpu.memory_space<vmem>>[vector<16xi32>], vector<16xf32>,
      %add3A_3311 = arith.constant 2 : i32
      %add3A_3312 = vector.broadcast %add3A_3311 : i32 to vector<16xi32>
      %add3A_3313 = arith.addi %add3A_3295, %add3A_3312 : vector<16xi32>
      tpu.vector_store_idx %arg15[%add3A_3313], %mul3A_3283 : memref<2560xf32, #tpu.memory_space<vmem>>[vector<16xi32>], vector<16xf32>,
      %add3A_3314 = arith.constant 3 : i32
      %add3A_3315 = vector.broadcast %add3A_3314 : i32 to vector<16xi32>
      %add3A_3316 = arith.addi %add3A_3295, %add3A_3315 : vector<16xi32>
      tpu.vector_store_idx %arg15[%add3A_3316], %mul3A_3284 : memref<2560xf32, #tpu.memory_space<vmem>>[vector<16xi32>], vector<16xf32>,
      %add3A_3317 = arith.constant 4 : i32
      %add3A_3318 = vector.broadcast %add3A_3317 : i32 to vector<16xi32>
      %add3A_3319 = arith.addi %add3A_3295, %add3A_3318 : vector<16xi32>
      tpu.vector_store_idx %arg15[%add3A_3319], %mul3A_3275 : memref<2560xf32, #tpu.memory_space<vmem>>[vector<16xi32>], vector<16xf32>,
      %add3A_3320 = arith.addi %get3A_3209, %add3A_5 : vector<16xi32>
      %swap3A_3321 = arith.constant 432 : index
      %swap3A_3322 = tpu.vector_load %arg16[%swap3A_3321] {strides = array<i32>} : memref<512xi32, #tpu.memory_space<vmem>>, vector<16xi32>,
      tpu.vector_store %arg16[%swap3A_3321], %add3A_3320 {strides = array<i32>} : memref<512xi32, #tpu.memory_space<vmem>>, vector<16xi32>,
      %add3A_3323 = arith.addi %get3A_3209, %add3A_8 : vector<16xi32>
      %swap3A_3324 = arith.constant 432 : index
      %swap3A_3325 = tpu.vector_load %arg17[%swap3A_3324] {strides = array<i32>} : memref<512xi32, #tpu.memory_space<vmem>>, vector<16xi32>,
      tpu.vector_store %arg17[%swap3A_3324], %add3A_3323 {strides = array<i32>} : memref<512xi32, #tpu.memory_space<vmem>>, vector<16xi32>,
      %get3A_3326 = arith.constant 448 : index
      %get3A_3327 = tpu.vector_load %arg10[%get3A_3326] {strides = array<i32>} : memref<512xi32, #tpu.memory_space<vmem>>, vector<16xi32>,
      %mul3A_3328 = arith.constant 3 : i32
      %mul3A_3329 = vector.broadcast %mul3A_3328 : i32 to vector<16xi32>
      %mul3A_3330 = arith.muli %get3A_3327, %mul3A_3329 : vector<16xi32>
      %gather3A_3331 = tpu.vector_load_idx %arg9[%mul3A_3330] : memref<98304xf32, #tpu.memory_space<vmem>>[vector<16xi32>], vector<16xf32>,
      %add3A_3332 = arith.constant 1 : i32
      %add3A_3333 = vector.broadcast %add3A_3332 : i32 to vector<16xi32>
      %add3A_3334 = arith.addi %mul3A_3330, %add3A_3333 : vector<16xi32>
      %gather3A_3335 = tpu.vector_load_idx %arg9[%add3A_3334] : memref<98304xf32, #tpu.memory_space<vmem>>[vector<16xi32>], vector<16xf32>,
      %add3A_3336 = arith.constant 2 : i32
      %add3A_3337 = vector.broadcast %add3A_3336 : i32 to vector<16xi32>
      %add3A_3338 = arith.addi %mul3A_3330, %add3A_3337 : vector<16xi32>
      %gather3A_3339 = tpu.vector_load_idx %arg9[%add3A_3338] : memref<98304xf32, #tpu.memory_space<vmem>>[vector<16xi32>], vector<16xf32>,
      %iota3A_3340 = tpu.iota {dimensions = array<i32: 0>} : vector<16xi32>
      %mul3A_3341 = arith.constant 3 : i32
      %mul3A_3342 = vector.broadcast %mul3A_3341 : i32 to vector<16xi32>
      %mul3A_3343 = arith.muli %iota3A_3340, %mul3A_3342 : vector<16xi32>
      %add3A_3344 = arith.constant 1344 : i32
      %add3A_3345 = vector.broadcast %add3A_3344 : i32 to vector<16xi32>
      %add3A_3346 = arith.addi %mul3A_3343, %add3A_3345 : vector<16xi32>
      %gather3A_3347 = tpu.vector_load_idx %arg11[%add3A_3346] : memref<1536xf32, #tpu.memory_space<vmem>>[vector<16xi32>], vector<16xf32>,
      %add3A_3348 = arith.constant 1 : i32
      %add3A_3349 = vector.broadcast %add3A_3348 : i32 to vector<16xi32>
      %add3A_3350 = arith.addi %add3A_3346, %add3A_3349 : vector<16xi32>
      %gather3A_3351 = tpu.vector_load_idx %arg11[%add3A_3350] : memref<1536xf32, #tpu.memory_space<vmem>>[vector<16xi32>], vector<16xf32>,
      %add3A_3352 = arith.constant 2 : i32
      %add3A_3353 = vector.broadcast %add3A_3352 : i32 to vector<16xi32>
      %add3A_3354 = arith.addi %add3A_3346, %add3A_3353 : vector<16xi32>
      %gather3A_3355 = tpu.vector_load_idx %arg11[%add3A_3354] : memref<1536xf32, #tpu.memory_space<vmem>>[vector<16xi32>], vector<16xf32>,
      %sub3A_3356 = arith.subf %gather3A_3347, %gather3A_3331 : vector<16xf32>
      %sub3A_3357 = arith.subf %gather3A_3351, %gather3A_3335 : vector<16xf32>
      %sub3A_3358 = arith.subf %gather3A_3355, %gather3A_3339 : vector<16xf32>
      %mul3A_3359 = arith.mulf %sub3A_3356, %sub3A_3356 : vector<16xf32>
      %mul3A_3360 = arith.mulf %sub3A_3357, %sub3A_3357 : vector<16xf32>
      %add3A_3361 = arith.addf %mul3A_3359, %mul3A_3360 : vector<16xf32>
      %mul3A_3362 = arith.mulf %sub3A_3358, %sub3A_3358 : vector<16xf32>
      %add3A_3363 = arith.addf %add3A_3361, %mul3A_3362 : vector<16xf32>
      %bitcast_convert_type3A_3364 = tpu.bitcast %add3A_3363 : vector<16xf32> -> vector<16xi32>
      %shift_right_logical3A_3365 = arith.constant 1 : i32
      %shift_right_logical3A_3366 = vector.broadcast %shift_right_logical3A_3365 : i32 to vector<16xi32>
      %shift_right_logical3A_3367 = arith.shrui %bitcast_convert_type3A_3364, %shift_right_logical3A_3366 : vector<16xi32>
      %sub3A_3368 = arith.constant 1597463007 : i32
      %sub3A_3369 = vector.broadcast %sub3A_3368 : i32 to vector<16xi32>
      %sub3A_3370 = arith.subi %sub3A_3369, %shift_right_logical3A_3367 : vector<16xi32>
      %bitcast_convert_type3A_3371 = tpu.bitcast %sub3A_3370 : vector<16xi32> -> vector<16xf32>
      %mul3A_3372 = arith.constant 5.000000e-01 : f32
      %mul3A_3373 = vector.broadcast %mul3A_3372 : f32 to vector<16xf32>
      %mul3A_3374 = arith.mulf %add3A_3363, %mul3A_3373 : vector<16xf32>
      %mul3A_3375 = arith.mulf %mul3A_3374, %bitcast_convert_type3A_3371 : vector<16xf32>
      %mul3A_3376 = arith.mulf %mul3A_3375, %bitcast_convert_type3A_3371 : vector<16xf32>
      %sub3A_3377 = arith.constant 1.500000e+00 : f32
      %sub3A_3378 = vector.broadcast %sub3A_3377 : f32 to vector<16xf32>
      %sub3A_3379 = arith.subf %sub3A_3378, %mul3A_3376 : vector<16xf32>
      %mul3A_3380 = arith.mulf %bitcast_convert_type3A_3371, %sub3A_3379 : vector<16xf32>
      %mul3A_3381 = arith.mulf %mul3A_3374, %mul3A_3380 : vector<16xf32>
      %mul3A_3382 = arith.mulf %mul3A_3381, %mul3A_3380 : vector<16xf32>
      %sub3A_3383 = arith.constant 1.500000e+00 : f32
      %sub3A_3384 = vector.broadcast %sub3A_3383 : f32 to vector<16xf32>
      %sub3A_3385 = arith.subf %sub3A_3384, %mul3A_3382 : vector<16xf32>
      %mul3A_3386 = arith.mulf %mul3A_3380, %sub3A_3385 : vector<16xf32>
      %mul3A_3387 = arith.mulf %mul3A_3374, %mul3A_3386 : vector<16xf32>
      %mul3A_3388 = arith.mulf %mul3A_3387, %mul3A_3386 : vector<16xf32>
      %sub3A_3389 = arith.constant 1.500000e+00 : f32
      %sub3A_3390 = vector.broadcast %sub3A_3389 : f32 to vector<16xf32>
      %sub3A_3391 = arith.subf %sub3A_3390, %mul3A_3388 : vector<16xf32>
      %mul3A_3392 = arith.mulf %mul3A_3386, %sub3A_3391 : vector<16xf32>
      %mul3A_3393 = arith.mulf %add3A_3363, %mul3A_3392 : vector<16xf32>
      %add3A_3394 = arith.constant 9.99999993E-9 : f32
      %add3A_3395 = vector.broadcast %add3A_3394 : f32 to vector<16xf32>
      %add3A_3396 = arith.addf %mul3A_3393, %add3A_3395 : vector<16xf32>
      %div3A_3397 = arith.constant 1.000000e+00 : f32
      %div3A_3398 = vector.broadcast %div3A_3397 : f32 to vector<16xf32>
      %div3A_3399 = arith.divf %div3A_3398, %add3A_3396 : vector<16xf32>
      %mul3A_3400 = arith.mulf %sub3A_3356, %div3A_3399 : vector<16xf32>
      %mul3A_3401 = arith.mulf %sub3A_3357, %div3A_3399 : vector<16xf32>
      %mul3A_3402 = arith.mulf %sub3A_3358, %div3A_3399 : vector<16xf32>
      %get3A_3403 = arith.constant 448 : index
      %get3A_3404 = tpu.vector_load %arg12[%get3A_3403] {strides = array<i32>} : memref<512xf32, #tpu.memory_space<vmem>>, vector<16xf32>,
      %get3A_3405 = arith.constant 448 : index
      %get3A_3406 = tpu.vector_load %arg13[%get3A_3405] {strides = array<i32>} : memref<512xf32, #tpu.memory_space<vmem>>, vector<16xf32>,
      %iota3A_3407 = tpu.iota {dimensions = array<i32: 0>} : vector<16xi32>
      %mul3A_3408 = arith.constant 5 : i32
      %mul3A_3409 = vector.broadcast %mul3A_3408 : i32 to vector<16xi32>
      %mul3A_3410 = arith.muli %iota3A_3407, %mul3A_3409 : vector<16xi32>
      %add3A_3411 = arith.constant 2240 : i32
      %add3A_3412 = vector.broadcast %add3A_3411 : i32 to vector<16xi32>
      %add3A_3413 = arith.addi %mul3A_3410, %add3A_3412 : vector<16xi32>
      tpu.vector_store_idx %arg14[%add3A_3413], %get3A_3404 : memref<2560xf32, #tpu.memory_space<vmem>>[vector<16xi32>], vector<16xf32>,
      %add3A_3414 = arith.constant 1 : i32
      %add3A_3415 = vector.broadcast %add3A_3414 : i32 to vector<16xi32>
      %add3A_3416 = arith.addi %add3A_3413, %add3A_3415 : vector<16xi32>
      tpu.vector_store_idx %arg14[%add3A_3416], %mul3A_3400 : memref<2560xf32, #tpu.memory_space<vmem>>[vector<16xi32>], vector<16xf32>,
      %add3A_3417 = arith.constant 2 : i32
      %add3A_3418 = vector.broadcast %add3A_3417 : i32 to vector<16xi32>
      %add3A_3419 = arith.addi %add3A_3413, %add3A_3418 : vector<16xi32>
      tpu.vector_store_idx %arg14[%add3A_3419], %mul3A_3401 : memref<2560xf32, #tpu.memory_space<vmem>>[vector<16xi32>], vector<16xf32>,
      %add3A_3420 = arith.constant 3 : i32
      %add3A_3421 = vector.broadcast %add3A_3420 : i32 to vector<16xi32>
      %add3A_3422 = arith.addi %add3A_3413, %add3A_3421 : vector<16xi32>
      tpu.vector_store_idx %arg14[%add3A_3422], %mul3A_3402 : memref<2560xf32, #tpu.memory_space<vmem>>[vector<16xi32>], vector<16xf32>,
      %add3A_3423 = arith.constant 4 : i32
      %add3A_3424 = vector.broadcast %add3A_3423 : i32 to vector<16xi32>
      %add3A_3425 = arith.addi %add3A_3413, %add3A_3424 : vector<16xi32>
      tpu.vector_store_idx %arg14[%add3A_3425], %mul3A_3393 : memref<2560xf32, #tpu.memory_space<vmem>>[vector<16xi32>], vector<16xf32>,
      tpu.vector_store_idx %arg15[%add3A_3413], %get3A_3406 : memref<2560xf32, #tpu.memory_space<vmem>>[vector<16xi32>], vector<16xf32>,
      %add3A_3426 = arith.constant 1 : i32
      %add3A_3427 = vector.broadcast %add3A_3426 : i32 to vector<16xi32>
      %add3A_3428 = arith.addi %add3A_3413, %add3A_3427 : vector<16xi32>
      tpu.vector_store_idx %arg15[%add3A_3428], %mul3A_3400 : memref<2560xf32, #tpu.memory_space<vmem>>[vector<16xi32>], vector<16xf32>,
      %add3A_3429 = arith.constant 2 : i32
      %add3A_3430 = vector.broadcast %add3A_3429 : i32 to vector<16xi32>
      %add3A_3431 = arith.addi %add3A_3413, %add3A_3430 : vector<16xi32>
      tpu.vector_store_idx %arg15[%add3A_3431], %mul3A_3401 : memref<2560xf32, #tpu.memory_space<vmem>>[vector<16xi32>], vector<16xf32>,
      %add3A_3432 = arith.constant 3 : i32
      %add3A_3433 = vector.broadcast %add3A_3432 : i32 to vector<16xi32>
      %add3A_3434 = arith.addi %add3A_3413, %add3A_3433 : vector<16xi32>
      tpu.vector_store_idx %arg15[%add3A_3434], %mul3A_3402 : memref<2560xf32, #tpu.memory_space<vmem>>[vector<16xi32>], vector<16xf32>,
      %add3A_3435 = arith.constant 4 : i32
      %add3A_3436 = vector.broadcast %add3A_3435 : i32 to vector<16xi32>
      %add3A_3437 = arith.addi %add3A_3413, %add3A_3436 : vector<16xi32>
      tpu.vector_store_idx %arg15[%add3A_3437], %mul3A_3393 : memref<2560xf32, #tpu.memory_space<vmem>>[vector<16xi32>], vector<16xf32>,
      %add3A_3438 = arith.addi %get3A_3327, %add3A_5 : vector<16xi32>
      %swap3A_3439 = arith.constant 448 : index
      %swap3A_3440 = tpu.vector_load %arg16[%swap3A_3439] {strides = array<i32>} : memref<512xi32, #tpu.memory_space<vmem>>, vector<16xi32>,
      tpu.vector_store %arg16[%swap3A_3439], %add3A_3438 {strides = array<i32>} : memref<512xi32, #tpu.memory_space<vmem>>, vector<16xi32>,
      %add3A_3441 = arith.addi %get3A_3327, %add3A_8 : vector<16xi32>
      %swap3A_3442 = arith.constant 448 : index
      %swap3A_3443 = tpu.vector_load %arg17[%swap3A_3442] {strides = array<i32>} : memref<512xi32, #tpu.memory_space<vmem>>, vector<16xi32>,
      tpu.vector_store %arg17[%swap3A_3442], %add3A_3441 {strides = array<i32>} : memref<512xi32, #tpu.memory_space<vmem>>, vector<16xi32>,
      %get3A_3444 = arith.constant 464 : index
      %get3A_3445 = tpu.vector_load %arg10[%get3A_3444] {strides = array<i32>} : memref<512xi32, #tpu.memory_space<vmem>>, vector<16xi32>,
      %mul3A_3446 = arith.constant 3 : i32
      %mul3A_3447 = vector.broadcast %mul3A_3446 : i32 to vector<16xi32>
      %mul3A_3448 = arith.muli %get3A_3445, %mul3A_3447 : vector<16xi32>
      %gather3A_3449 = tpu.vector_load_idx %arg9[%mul3A_3448] : memref<98304xf32, #tpu.memory_space<vmem>>[vector<16xi32>], vector<16xf32>,
      %add3A_3450 = arith.constant 1 : i32
      %add3A_3451 = vector.broadcast %add3A_3450 : i32 to vector<16xi32>
      %add3A_3452 = arith.addi %mul3A_3448, %add3A_3451 : vector<16xi32>
      %gather3A_3453 = tpu.vector_load_idx %arg9[%add3A_3452] : memref<98304xf32, #tpu.memory_space<vmem>>[vector<16xi32>], vector<16xf32>,
      %add3A_3454 = arith.constant 2 : i32
      %add3A_3455 = vector.broadcast %add3A_3454 : i32 to vector<16xi32>
      %add3A_3456 = arith.addi %mul3A_3448, %add3A_3455 : vector<16xi32>
      %gather3A_3457 = tpu.vector_load_idx %arg9[%add3A_3456] : memref<98304xf32, #tpu.memory_space<vmem>>[vector<16xi32>], vector<16xf32>,
      %iota3A_3458 = tpu.iota {dimensions = array<i32: 0>} : vector<16xi32>
      %mul3A_3459 = arith.constant 3 : i32
      %mul3A_3460 = vector.broadcast %mul3A_3459 : i32 to vector<16xi32>
      %mul3A_3461 = arith.muli %iota3A_3458, %mul3A_3460 : vector<16xi32>
      %add3A_3462 = arith.constant 1392 : i32
      %add3A_3463 = vector.broadcast %add3A_3462 : i32 to vector<16xi32>
      %add3A_3464 = arith.addi %mul3A_3461, %add3A_3463 : vector<16xi32>
      %gather3A_3465 = tpu.vector_load_idx %arg11[%add3A_3464] : memref<1536xf32, #tpu.memory_space<vmem>>[vector<16xi32>], vector<16xf32>,
      %add3A_3466 = arith.constant 1 : i32
      %add3A_3467 = vector.broadcast %add3A_3466 : i32 to vector<16xi32>
      %add3A_3468 = arith.addi %add3A_3464, %add3A_3467 : vector<16xi32>
      %gather3A_3469 = tpu.vector_load_idx %arg11[%add3A_3468] : memref<1536xf32, #tpu.memory_space<vmem>>[vector<16xi32>], vector<16xf32>,
      %add3A_3470 = arith.constant 2 : i32
      %add3A_3471 = vector.broadcast %add3A_3470 : i32 to vector<16xi32>
      %add3A_3472 = arith.addi %add3A_3464, %add3A_3471 : vector<16xi32>
      %gather3A_3473 = tpu.vector_load_idx %arg11[%add3A_3472] : memref<1536xf32, #tpu.memory_space<vmem>>[vector<16xi32>], vector<16xf32>,
      %sub3A_3474 = arith.subf %gather3A_3465, %gather3A_3449 : vector<16xf32>
      %sub3A_3475 = arith.subf %gather3A_3469, %gather3A_3453 : vector<16xf32>
      %sub3A_3476 = arith.subf %gather3A_3473, %gather3A_3457 : vector<16xf32>
      %mul3A_3477 = arith.mulf %sub3A_3474, %sub3A_3474 : vector<16xf32>
      %mul3A_3478 = arith.mulf %sub3A_3475, %sub3A_3475 : vector<16xf32>
      %add3A_3479 = arith.addf %mul3A_3477, %mul3A_3478 : vector<16xf32>
      %mul3A_3480 = arith.mulf %sub3A_3476, %sub3A_3476 : vector<16xf32>
      %add3A_3481 = arith.addf %add3A_3479, %mul3A_3480 : vector<16xf32>
      %bitcast_convert_type3A_3482 = tpu.bitcast %add3A_3481 : vector<16xf32> -> vector<16xi32>
      %shift_right_logical3A_3483 = arith.constant 1 : i32
      %shift_right_logical3A_3484 = vector.broadcast %shift_right_logical3A_3483 : i32 to vector<16xi32>
      %shift_right_logical3A_3485 = arith.shrui %bitcast_convert_type3A_3482, %shift_right_logical3A_3484 : vector<16xi32>
      %sub3A_3486 = arith.constant 1597463007 : i32
      %sub3A_3487 = vector.broadcast %sub3A_3486 : i32 to vector<16xi32>
      %sub3A_3488 = arith.subi %sub3A_3487, %shift_right_logical3A_3485 : vector<16xi32>
      %bitcast_convert_type3A_3489 = tpu.bitcast %sub3A_3488 : vector<16xi32> -> vector<16xf32>
      %mul3A_3490 = arith.constant 5.000000e-01 : f32
      %mul3A_3491 = vector.broadcast %mul3A_3490 : f32 to vector<16xf32>
      %mul3A_3492 = arith.mulf %add3A_3481, %mul3A_3491 : vector<16xf32>
      %mul3A_3493 = arith.mulf %mul3A_3492, %bitcast_convert_type3A_3489 : vector<16xf32>
      %mul3A_3494 = arith.mulf %mul3A_3493, %bitcast_convert_type3A_3489 : vector<16xf32>
      %sub3A_3495 = arith.constant 1.500000e+00 : f32
      %sub3A_3496 = vector.broadcast %sub3A_3495 : f32 to vector<16xf32>
      %sub3A_3497 = arith.subf %sub3A_3496, %mul3A_3494 : vector<16xf32>
      %mul3A_3498 = arith.mulf %bitcast_convert_type3A_3489, %sub3A_3497 : vector<16xf32>
      %mul3A_3499 = arith.mulf %mul3A_3492, %mul3A_3498 : vector<16xf32>
      %mul3A_3500 = arith.mulf %mul3A_3499, %mul3A_3498 : vector<16xf32>
      %sub3A_3501 = arith.constant 1.500000e+00 : f32
      %sub3A_3502 = vector.broadcast %sub3A_3501 : f32 to vector<16xf32>
      %sub3A_3503 = arith.subf %sub3A_3502, %mul3A_3500 : vector<16xf32>
      %mul3A_3504 = arith.mulf %mul3A_3498, %sub3A_3503 : vector<16xf32>
      %mul3A_3505 = arith.mulf %mul3A_3492, %mul3A_3504 : vector<16xf32>
      %mul3A_3506 = arith.mulf %mul3A_3505, %mul3A_3504 : vector<16xf32>
      %sub3A_3507 = arith.constant 1.500000e+00 : f32
      %sub3A_3508 = vector.broadcast %sub3A_3507 : f32 to vector<16xf32>
      %sub3A_3509 = arith.subf %sub3A_3508, %mul3A_3506 : vector<16xf32>
      %mul3A_3510 = arith.mulf %mul3A_3504, %sub3A_3509 : vector<16xf32>
      %mul3A_3511 = arith.mulf %add3A_3481, %mul3A_3510 : vector<16xf32>
      %add3A_3512 = arith.constant 9.99999993E-9 : f32
      %add3A_3513 = vector.broadcast %add3A_3512 : f32 to vector<16xf32>
      %add3A_3514 = arith.addf %mul3A_3511, %add3A_3513 : vector<16xf32>
      %div3A_3515 = arith.constant 1.000000e+00 : f32
      %div3A_3516 = vector.broadcast %div3A_3515 : f32 to vector<16xf32>
      %div3A_3517 = arith.divf %div3A_3516, %add3A_3514 : vector<16xf32>
      %mul3A_3518 = arith.mulf %sub3A_3474, %div3A_3517 : vector<16xf32>
      %mul3A_3519 = arith.mulf %sub3A_3475, %div3A_3517 : vector<16xf32>
      %mul3A_3520 = arith.mulf %sub3A_3476, %div3A_3517 : vector<16xf32>
      %get3A_3521 = arith.constant 464 : index
      %get3A_3522 = tpu.vector_load %arg12[%get3A_3521] {strides = array<i32>} : memref<512xf32, #tpu.memory_space<vmem>>, vector<16xf32>,
      %get3A_3523 = arith.constant 464 : index
      %get3A_3524 = tpu.vector_load %arg13[%get3A_3523] {strides = array<i32>} : memref<512xf32, #tpu.memory_space<vmem>>, vector<16xf32>,
      %iota3A_3525 = tpu.iota {dimensions = array<i32: 0>} : vector<16xi32>
      %mul3A_3526 = arith.constant 5 : i32
      %mul3A_3527 = vector.broadcast %mul3A_3526 : i32 to vector<16xi32>
      %mul3A_3528 = arith.muli %iota3A_3525, %mul3A_3527 : vector<16xi32>
      %add3A_3529 = arith.constant 2320 : i32
      %add3A_3530 = vector.broadcast %add3A_3529 : i32 to vector<16xi32>
      %add3A_3531 = arith.addi %mul3A_3528, %add3A_3530 : vector<16xi32>
      tpu.vector_store_idx %arg14[%add3A_3531], %get3A_3522 : memref<2560xf32, #tpu.memory_space<vmem>>[vector<16xi32>], vector<16xf32>,
      %add3A_3532 = arith.constant 1 : i32
      %add3A_3533 = vector.broadcast %add3A_3532 : i32 to vector<16xi32>
      %add3A_3534 = arith.addi %add3A_3531, %add3A_3533 : vector<16xi32>
      tpu.vector_store_idx %arg14[%add3A_3534], %mul3A_3518 : memref<2560xf32, #tpu.memory_space<vmem>>[vector<16xi32>], vector<16xf32>,
      %add3A_3535 = arith.constant 2 : i32
      %add3A_3536 = vector.broadcast %add3A_3535 : i32 to vector<16xi32>
      %add3A_3537 = arith.addi %add3A_3531, %add3A_3536 : vector<16xi32>
      tpu.vector_store_idx %arg14[%add3A_3537], %mul3A_3519 : memref<2560xf32, #tpu.memory_space<vmem>>[vector<16xi32>], vector<16xf32>,
      %add3A_3538 = arith.constant 3 : i32
      %add3A_3539 = vector.broadcast %add3A_3538 : i32 to vector<16xi32>
      %add3A_3540 = arith.addi %add3A_3531, %add3A_3539 : vector<16xi32>
      tpu.vector_store_idx %arg14[%add3A_3540], %mul3A_3520 : memref<2560xf32, #tpu.memory_space<vmem>>[vector<16xi32>], vector<16xf32>,
      %add3A_3541 = arith.constant 4 : i32
      %add3A_3542 = vector.broadcast %add3A_3541 : i32 to vector<16xi32>
      %add3A_3543 = arith.addi %add3A_3531, %add3A_3542 : vector<16xi32>
      tpu.vector_store_idx %arg14[%add3A_3543], %mul3A_3511 : memref<2560xf32, #tpu.memory_space<vmem>>[vector<16xi32>], vector<16xf32>,
      tpu.vector_store_idx %arg15[%add3A_3531], %get3A_3524 : memref<2560xf32, #tpu.memory_space<vmem>>[vector<16xi32>], vector<16xf32>,
      %add3A_3544 = arith.constant 1 : i32
      %add3A_3545 = vector.broadcast %add3A_3544 : i32 to vector<16xi32>
      %add3A_3546 = arith.addi %add3A_3531, %add3A_3545 : vector<16xi32>
      tpu.vector_store_idx %arg15[%add3A_3546], %mul3A_3518 : memref<2560xf32, #tpu.memory_space<vmem>>[vector<16xi32>], vector<16xf32>,
      %add3A_3547 = arith.constant 2 : i32
      %add3A_3548 = vector.broadcast %add3A_3547 : i32 to vector<16xi32>
      %add3A_3549 = arith.addi %add3A_3531, %add3A_3548 : vector<16xi32>
      tpu.vector_store_idx %arg15[%add3A_3549], %mul3A_3519 : memref<2560xf32, #tpu.memory_space<vmem>>[vector<16xi32>], vector<16xf32>,
      %add3A_3550 = arith.constant 3 : i32
      %add3A_3551 = vector.broadcast %add3A_3550 : i32 to vector<16xi32>
      %add3A_3552 = arith.addi %add3A_3531, %add3A_3551 : vector<16xi32>
      tpu.vector_store_idx %arg15[%add3A_3552], %mul3A_3520 : memref<2560xf32, #tpu.memory_space<vmem>>[vector<16xi32>], vector<16xf32>,
      %add3A_3553 = arith.constant 4 : i32
      %add3A_3554 = vector.broadcast %add3A_3553 : i32 to vector<16xi32>
      %add3A_3555 = arith.addi %add3A_3531, %add3A_3554 : vector<16xi32>
      tpu.vector_store_idx %arg15[%add3A_3555], %mul3A_3511 : memref<2560xf32, #tpu.memory_space<vmem>>[vector<16xi32>], vector<16xf32>,
      %add3A_3556 = arith.addi %get3A_3445, %add3A_5 : vector<16xi32>
      %swap3A_3557 = arith.constant 464 : index
      %swap3A_3558 = tpu.vector_load %arg16[%swap3A_3557] {strides = array<i32>} : memref<512xi32, #tpu.memory_space<vmem>>, vector<16xi32>,
      tpu.vector_store %arg16[%swap3A_3557], %add3A_3556 {strides = array<i32>} : memref<512xi32, #tpu.memory_space<vmem>>, vector<16xi32>,
      %add3A_3559 = arith.addi %get3A_3445, %add3A_8 : vector<16xi32>
      %swap3A_3560 = arith.constant 464 : index
      %swap3A_3561 = tpu.vector_load %arg17[%swap3A_3560] {strides = array<i32>} : memref<512xi32, #tpu.memory_space<vmem>>, vector<16xi32>,
      tpu.vector_store %arg17[%swap3A_3560], %add3A_3559 {strides = array<i32>} : memref<512xi32, #tpu.memory_space<vmem>>, vector<16xi32>,
      %get3A_3562 = arith.constant 480 : index
      %get3A_3563 = tpu.vector_load %arg10[%get3A_3562] {strides = array<i32>} : memref<512xi32, #tpu.memory_space<vmem>>, vector<16xi32>,
      %mul3A_3564 = arith.constant 3 : i32
      %mul3A_3565 = vector.broadcast %mul3A_3564 : i32 to vector<16xi32>
      %mul3A_3566 = arith.muli %get3A_3563, %mul3A_3565 : vector<16xi32>
      %gather3A_3567 = tpu.vector_load_idx %arg9[%mul3A_3566] : memref<98304xf32, #tpu.memory_space<vmem>>[vector<16xi32>], vector<16xf32>,
      %add3A_3568 = arith.constant 1 : i32
      %add3A_3569 = vector.broadcast %add3A_3568 : i32 to vector<16xi32>
      %add3A_3570 = arith.addi %mul3A_3566, %add3A_3569 : vector<16xi32>
      %gather3A_3571 = tpu.vector_load_idx %arg9[%add3A_3570] : memref<98304xf32, #tpu.memory_space<vmem>>[vector<16xi32>], vector<16xf32>,
      %add3A_3572 = arith.constant 2 : i32
      %add3A_3573 = vector.broadcast %add3A_3572 : i32 to vector<16xi32>
      %add3A_3574 = arith.addi %mul3A_3566, %add3A_3573 : vector<16xi32>
      %gather3A_3575 = tpu.vector_load_idx %arg9[%add3A_3574] : memref<98304xf32, #tpu.memory_space<vmem>>[vector<16xi32>], vector<16xf32>,
      %iota3A_3576 = tpu.iota {dimensions = array<i32: 0>} : vector<16xi32>
      %mul3A_3577 = arith.constant 3 : i32
      %mul3A_3578 = vector.broadcast %mul3A_3577 : i32 to vector<16xi32>
      %mul3A_3579 = arith.muli %iota3A_3576, %mul3A_3578 : vector<16xi32>
      %add3A_3580 = arith.constant 1440 : i32
      %add3A_3581 = vector.broadcast %add3A_3580 : i32 to vector<16xi32>
      %add3A_3582 = arith.addi %mul3A_3579, %add3A_3581 : vector<16xi32>
      %gather3A_3583 = tpu.vector_load_idx %arg11[%add3A_3582] : memref<1536xf32, #tpu.memory_space<vmem>>[vector<16xi32>], vector<16xf32>,
      %add3A_3584 = arith.constant 1 : i32
      %add3A_3585 = vector.broadcast %add3A_3584 : i32 to vector<16xi32>
      %add3A_3586 = arith.addi %add3A_3582, %add3A_3585 : vector<16xi32>
      %gather3A_3587 = tpu.vector_load_idx %arg11[%add3A_3586] : memref<1536xf32, #tpu.memory_space<vmem>>[vector<16xi32>], vector<16xf32>,
      %add3A_3588 = arith.constant 2 : i32
      %add3A_3589 = vector.broadcast %add3A_3588 : i32 to vector<16xi32>
      %add3A_3590 = arith.addi %add3A_3582, %add3A_3589 : vector<16xi32>
      %gather3A_3591 = tpu.vector_load_idx %arg11[%add3A_3590] : memref<1536xf32, #tpu.memory_space<vmem>>[vector<16xi32>], vector<16xf32>,
      %sub3A_3592 = arith.subf %gather3A_3583, %gather3A_3567 : vector<16xf32>
      %sub3A_3593 = arith.subf %gather3A_3587, %gather3A_3571 : vector<16xf32>
      %sub3A_3594 = arith.subf %gather3A_3591, %gather3A_3575 : vector<16xf32>
      %mul3A_3595 = arith.mulf %sub3A_3592, %sub3A_3592 : vector<16xf32>
      %mul3A_3596 = arith.mulf %sub3A_3593, %sub3A_3593 : vector<16xf32>
      %add3A_3597 = arith.addf %mul3A_3595, %mul3A_3596 : vector<16xf32>
      %mul3A_3598 = arith.mulf %sub3A_3594, %sub3A_3594 : vector<16xf32>
      %add3A_3599 = arith.addf %add3A_3597, %mul3A_3598 : vector<16xf32>
      %bitcast_convert_type3A_3600 = tpu.bitcast %add3A_3599 : vector<16xf32> -> vector<16xi32>
      %shift_right_logical3A_3601 = arith.constant 1 : i32
      %shift_right_logical3A_3602 = vector.broadcast %shift_right_logical3A_3601 : i32 to vector<16xi32>
      %shift_right_logical3A_3603 = arith.shrui %bitcast_convert_type3A_3600, %shift_right_logical3A_3602 : vector<16xi32>
      %sub3A_3604 = arith.constant 1597463007 : i32
      %sub3A_3605 = vector.broadcast %sub3A_3604 : i32 to vector<16xi32>
      %sub3A_3606 = arith.subi %sub3A_3605, %shift_right_logical3A_3603 : vector<16xi32>
      %bitcast_convert_type3A_3607 = tpu.bitcast %sub3A_3606 : vector<16xi32> -> vector<16xf32>
      %mul3A_3608 = arith.constant 5.000000e-01 : f32
      %mul3A_3609 = vector.broadcast %mul3A_3608 : f32 to vector<16xf32>
      %mul3A_3610 = arith.mulf %add3A_3599, %mul3A_3609 : vector<16xf32>
      %mul3A_3611 = arith.mulf %mul3A_3610, %bitcast_convert_type3A_3607 : vector<16xf32>
      %mul3A_3612 = arith.mulf %mul3A_3611, %bitcast_convert_type3A_3607 : vector<16xf32>
      %sub3A_3613 = arith.constant 1.500000e+00 : f32
      %sub3A_3614 = vector.broadcast %sub3A_3613 : f32 to vector<16xf32>
      %sub3A_3615 = arith.subf %sub3A_3614, %mul3A_3612 : vector<16xf32>
      %mul3A_3616 = arith.mulf %bitcast_convert_type3A_3607, %sub3A_3615 : vector<16xf32>
      %mul3A_3617 = arith.mulf %mul3A_3610, %mul3A_3616 : vector<16xf32>
      %mul3A_3618 = arith.mulf %mul3A_3617, %mul3A_3616 : vector<16xf32>
      %sub3A_3619 = arith.constant 1.500000e+00 : f32
      %sub3A_3620 = vector.broadcast %sub3A_3619 : f32 to vector<16xf32>
      %sub3A_3621 = arith.subf %sub3A_3620, %mul3A_3618 : vector<16xf32>
      %mul3A_3622 = arith.mulf %mul3A_3616, %sub3A_3621 : vector<16xf32>
      %mul3A_3623 = arith.mulf %mul3A_3610, %mul3A_3622 : vector<16xf32>
      %mul3A_3624 = arith.mulf %mul3A_3623, %mul3A_3622 : vector<16xf32>
      %sub3A_3625 = arith.constant 1.500000e+00 : f32
      %sub3A_3626 = vector.broadcast %sub3A_3625 : f32 to vector<16xf32>
      %sub3A_3627 = arith.subf %sub3A_3626, %mul3A_3624 : vector<16xf32>
      %mul3A_3628 = arith.mulf %mul3A_3622, %sub3A_3627 : vector<16xf32>
      %mul3A_3629 = arith.mulf %add3A_3599, %mul3A_3628 : vector<16xf32>
      %add3A_3630 = arith.constant 9.99999993E-9 : f32
      %add3A_3631 = vector.broadcast %add3A_3630 : f32 to vector<16xf32>
      %add3A_3632 = arith.addf %mul3A_3629, %add3A_3631 : vector<16xf32>
      %div3A_3633 = arith.constant 1.000000e+00 : f32
      %div3A_3634 = vector.broadcast %div3A_3633 : f32 to vector<16xf32>
      %div3A_3635 = arith.divf %div3A_3634, %add3A_3632 : vector<16xf32>
      %mul3A_3636 = arith.mulf %sub3A_3592, %div3A_3635 : vector<16xf32>
      %mul3A_3637 = arith.mulf %sub3A_3593, %div3A_3635 : vector<16xf32>
      %mul3A_3638 = arith.mulf %sub3A_3594, %div3A_3635 : vector<16xf32>
      %get3A_3639 = arith.constant 480 : index
      %get3A_3640 = tpu.vector_load %arg12[%get3A_3639] {strides = array<i32>} : memref<512xf32, #tpu.memory_space<vmem>>, vector<16xf32>,
      %get3A_3641 = arith.constant 480 : index
      %get3A_3642 = tpu.vector_load %arg13[%get3A_3641] {strides = array<i32>} : memref<512xf32, #tpu.memory_space<vmem>>, vector<16xf32>,
      %iota3A_3643 = tpu.iota {dimensions = array<i32: 0>} : vector<16xi32>
      %mul3A_3644 = arith.constant 5 : i32
      %mul3A_3645 = vector.broadcast %mul3A_3644 : i32 to vector<16xi32>
      %mul3A_3646 = arith.muli %iota3A_3643, %mul3A_3645 : vector<16xi32>
      %add3A_3647 = arith.constant 2400 : i32
      %add3A_3648 = vector.broadcast %add3A_3647 : i32 to vector<16xi32>
      %add3A_3649 = arith.addi %mul3A_3646, %add3A_3648 : vector<16xi32>
      tpu.vector_store_idx %arg14[%add3A_3649], %get3A_3640 : memref<2560xf32, #tpu.memory_space<vmem>>[vector<16xi32>], vector<16xf32>,
      %add3A_3650 = arith.constant 1 : i32
      %add3A_3651 = vector.broadcast %add3A_3650 : i32 to vector<16xi32>
      %add3A_3652 = arith.addi %add3A_3649, %add3A_3651 : vector<16xi32>
      tpu.vector_store_idx %arg14[%add3A_3652], %mul3A_3636 : memref<2560xf32, #tpu.memory_space<vmem>>[vector<16xi32>], vector<16xf32>,
      %add3A_3653 = arith.constant 2 : i32
      %add3A_3654 = vector.broadcast %add3A_3653 : i32 to vector<16xi32>
      %add3A_3655 = arith.addi %add3A_3649, %add3A_3654 : vector<16xi32>
      tpu.vector_store_idx %arg14[%add3A_3655], %mul3A_3637 : memref<2560xf32, #tpu.memory_space<vmem>>[vector<16xi32>], vector<16xf32>,
      %add3A_3656 = arith.constant 3 : i32
      %add3A_3657 = vector.broadcast %add3A_3656 : i32 to vector<16xi32>
      %add3A_3658 = arith.addi %add3A_3649, %add3A_3657 : vector<16xi32>
      tpu.vector_store_idx %arg14[%add3A_3658], %mul3A_3638 : memref<2560xf32, #tpu.memory_space<vmem>>[vector<16xi32>], vector<16xf32>,
      %add3A_3659 = arith.constant 4 : i32
      %add3A_3660 = vector.broadcast %add3A_3659 : i32 to vector<16xi32>
      %add3A_3661 = arith.addi %add3A_3649, %add3A_3660 : vector<16xi32>
      tpu.vector_store_idx %arg14[%add3A_3661], %mul3A_3629 : memref<2560xf32, #tpu.memory_space<vmem>>[vector<16xi32>], vector<16xf32>,
      tpu.vector_store_idx %arg15[%add3A_3649], %get3A_3642 : memref<2560xf32, #tpu.memory_space<vmem>>[vector<16xi32>], vector<16xf32>,
      %add3A_3662 = arith.constant 1 : i32
      %add3A_3663 = vector.broadcast %add3A_3662 : i32 to vector<16xi32>
      %add3A_3664 = arith.addi %add3A_3649, %add3A_3663 : vector<16xi32>
      tpu.vector_store_idx %arg15[%add3A_3664], %mul3A_3636 : memref<2560xf32, #tpu.memory_space<vmem>>[vector<16xi32>], vector<16xf32>,
      %add3A_3665 = arith.constant 2 : i32
      %add3A_3666 = vector.broadcast %add3A_3665 : i32 to vector<16xi32>
      %add3A_3667 = arith.addi %add3A_3649, %add3A_3666 : vector<16xi32>
      tpu.vector_store_idx %arg15[%add3A_3667], %mul3A_3637 : memref<2560xf32, #tpu.memory_space<vmem>>[vector<16xi32>], vector<16xf32>,
      %add3A_3668 = arith.constant 3 : i32
      %add3A_3669 = vector.broadcast %add3A_3668 : i32 to vector<16xi32>
      %add3A_3670 = arith.addi %add3A_3649, %add3A_3669 : vector<16xi32>
      tpu.vector_store_idx %arg15[%add3A_3670], %mul3A_3638 : memref<2560xf32, #tpu.memory_space<vmem>>[vector<16xi32>], vector<16xf32>,
      %add3A_3671 = arith.constant 4 : i32
      %add3A_3672 = vector.broadcast %add3A_3671 : i32 to vector<16xi32>
      %add3A_3673 = arith.addi %add3A_3649, %add3A_3672 : vector<16xi32>
      tpu.vector_store_idx %arg15[%add3A_3673], %mul3A_3629 : memref<2560xf32, #tpu.memory_space<vmem>>[vector<16xi32>], vector<16xf32>,
      %add3A_3674 = arith.addi %get3A_3563, %add3A_5 : vector<16xi32>
      %swap3A_3675 = arith.constant 480 : index
      %swap3A_3676 = tpu.vector_load %arg16[%swap3A_3675] {strides = array<i32>} : memref<512xi32, #tpu.memory_space<vmem>>, vector<16xi32>,
      tpu.vector_store %arg16[%swap3A_3675], %add3A_3674 {strides = array<i32>} : memref<512xi32, #tpu.memory_space<vmem>>, vector<16xi32>,
      %add3A_3677 = arith.addi %get3A_3563, %add3A_8 : vector<16xi32>
      %swap3A_3678 = arith.constant 480 : index
      %swap3A_3679 = tpu.vector_load %arg17[%swap3A_3678] {strides = array<i32>} : memref<512xi32, #tpu.memory_space<vmem>>, vector<16xi32>,
      tpu.vector_store %arg17[%swap3A_3678], %add3A_3677 {strides = array<i32>} : memref<512xi32, #tpu.memory_space<vmem>>, vector<16xi32>,
      %get3A_3680 = arith.constant 496 : index
      %get3A_3681 = tpu.vector_load %arg10[%get3A_3680] {strides = array<i32>} : memref<512xi32, #tpu.memory_space<vmem>>, vector<16xi32>,
      %mul3A_3682 = arith.constant 3 : i32
      %mul3A_3683 = vector.broadcast %mul3A_3682 : i32 to vector<16xi32>
      %mul3A_3684 = arith.muli %get3A_3681, %mul3A_3683 : vector<16xi32>
      %gather3A_3685 = tpu.vector_load_idx %arg9[%mul3A_3684] : memref<98304xf32, #tpu.memory_space<vmem>>[vector<16xi32>], vector<16xf32>,
      %add3A_3686 = arith.constant 1 : i32
      %add3A_3687 = vector.broadcast %add3A_3686 : i32 to vector<16xi32>
      %add3A_3688 = arith.addi %mul3A_3684, %add3A_3687 : vector<16xi32>
      %gather3A_3689 = tpu.vector_load_idx %arg9[%add3A_3688] : memref<98304xf32, #tpu.memory_space<vmem>>[vector<16xi32>], vector<16xf32>,
      %add3A_3690 = arith.constant 2 : i32
      %add3A_3691 = vector.broadcast %add3A_3690 : i32 to vector<16xi32>
      %add3A_3692 = arith.addi %mul3A_3684, %add3A_3691 : vector<16xi32>
      %gather3A_3693 = tpu.vector_load_idx %arg9[%add3A_3692] : memref<98304xf32, #tpu.memory_space<vmem>>[vector<16xi32>], vector<16xf32>,
      %iota3A_3694 = tpu.iota {dimensions = array<i32: 0>} : vector<16xi32>
      %mul3A_3695 = arith.constant 3 : i32
      %mul3A_3696 = vector.broadcast %mul3A_3695 : i32 to vector<16xi32>
      %mul3A_3697 = arith.muli %iota3A_3694, %mul3A_3696 : vector<16xi32>
      %add3A_3698 = arith.constant 1488 : i32
      %add3A_3699 = vector.broadcast %add3A_3698 : i32 to vector<16xi32>
      %add3A_3700 = arith.addi %mul3A_3697, %add3A_3699 : vector<16xi32>
      %gather3A_3701 = tpu.vector_load_idx %arg11[%add3A_3700] : memref<1536xf32, #tpu.memory_space<vmem>>[vector<16xi32>], vector<16xf32>,
      %add3A_3702 = arith.constant 1 : i32
      %add3A_3703 = vector.broadcast %add3A_3702 : i32 to vector<16xi32>
      %add3A_3704 = arith.addi %add3A_3700, %add3A_3703 : vector<16xi32>
      %gather3A_3705 = tpu.vector_load_idx %arg11[%add3A_3704] : memref<1536xf32, #tpu.memory_space<vmem>>[vector<16xi32>], vector<16xf32>,
      %add3A_3706 = arith.constant 2 : i32
      %add3A_3707 = vector.broadcast %add3A_3706 : i32 to vector<16xi32>
      %add3A_3708 = arith.addi %add3A_3700, %add3A_3707 : vector<16xi32>
      %gather3A_3709 = tpu.vector_load_idx %arg11[%add3A_3708] : memref<1536xf32, #tpu.memory_space<vmem>>[vector<16xi32>], vector<16xf32>,
      %sub3A_3710 = arith.subf %gather3A_3701, %gather3A_3685 : vector<16xf32>
      %sub3A_3711 = arith.subf %gather3A_3705, %gather3A_3689 : vector<16xf32>
      %sub3A_3712 = arith.subf %gather3A_3709, %gather3A_3693 : vector<16xf32>
      %mul3A_3713 = arith.mulf %sub3A_3710, %sub3A_3710 : vector<16xf32>
      %mul3A_3714 = arith.mulf %sub3A_3711, %sub3A_3711 : vector<16xf32>
      %add3A_3715 = arith.addf %mul3A_3713, %mul3A_3714 : vector<16xf32>
      %mul3A_3716 = arith.mulf %sub3A_3712, %sub3A_3712 : vector<16xf32>
      %add3A_3717 = arith.addf %add3A_3715, %mul3A_3716 : vector<16xf32>
      %bitcast_convert_type3A_3718 = tpu.bitcast %add3A_3717 : vector<16xf32> -> vector<16xi32>
      %shift_right_logical3A_3719 = arith.constant 1 : i32
      %shift_right_logical3A_3720 = vector.broadcast %shift_right_logical3A_3719 : i32 to vector<16xi32>
      %shift_right_logical3A_3721 = arith.shrui %bitcast_convert_type3A_3718, %shift_right_logical3A_3720 : vector<16xi32>
      %sub3A_3722 = arith.constant 1597463007 : i32
      %sub3A_3723 = vector.broadcast %sub3A_3722 : i32 to vector<16xi32>
      %sub3A_3724 = arith.subi %sub3A_3723, %shift_right_logical3A_3721 : vector<16xi32>
      %bitcast_convert_type3A_3725 = tpu.bitcast %sub3A_3724 : vector<16xi32> -> vector<16xf32>
      %mul3A_3726 = arith.constant 5.000000e-01 : f32
      %mul3A_3727 = vector.broadcast %mul3A_3726 : f32 to vector<16xf32>
      %mul3A_3728 = arith.mulf %add3A_3717, %mul3A_3727 : vector<16xf32>
      %mul3A_3729 = arith.mulf %mul3A_3728, %bitcast_convert_type3A_3725 : vector<16xf32>
      %mul3A_3730 = arith.mulf %mul3A_3729, %bitcast_convert_type3A_3725 : vector<16xf32>
      %sub3A_3731 = arith.constant 1.500000e+00 : f32
      %sub3A_3732 = vector.broadcast %sub3A_3731 : f32 to vector<16xf32>
      %sub3A_3733 = arith.subf %sub3A_3732, %mul3A_3730 : vector<16xf32>
      %mul3A_3734 = arith.mulf %bitcast_convert_type3A_3725, %sub3A_3733 : vector<16xf32>
      %mul3A_3735 = arith.mulf %mul3A_3728, %mul3A_3734 : vector<16xf32>
      %mul3A_3736 = arith.mulf %mul3A_3735, %mul3A_3734 : vector<16xf32>
      %sub3A_3737 = arith.constant 1.500000e+00 : f32
      %sub3A_3738 = vector.broadcast %sub3A_3737 : f32 to vector<16xf32>
      %sub3A_3739 = arith.subf %sub3A_3738, %mul3A_3736 : vector<16xf32>
      %mul3A_3740 = arith.mulf %mul3A_3734, %sub3A_3739 : vector<16xf32>
      %mul3A_3741 = arith.mulf %mul3A_3728, %mul3A_3740 : vector<16xf32>
      %mul3A_3742 = arith.mulf %mul3A_3741, %mul3A_3740 : vector<16xf32>
      %sub3A_3743 = arith.constant 1.500000e+00 : f32
      %sub3A_3744 = vector.broadcast %sub3A_3743 : f32 to vector<16xf32>
      %sub3A_3745 = arith.subf %sub3A_3744, %mul3A_3742 : vector<16xf32>
      %mul3A_3746 = arith.mulf %mul3A_3740, %sub3A_3745 : vector<16xf32>
      %mul3A_3747 = arith.mulf %add3A_3717, %mul3A_3746 : vector<16xf32>
      %add3A_3748 = arith.constant 9.99999993E-9 : f32
      %add3A_3749 = vector.broadcast %add3A_3748 : f32 to vector<16xf32>
      %add3A_3750 = arith.addf %mul3A_3747, %add3A_3749 : vector<16xf32>
      %div3A_3751 = arith.constant 1.000000e+00 : f32
      %div3A_3752 = vector.broadcast %div3A_3751 : f32 to vector<16xf32>
      %div3A_3753 = arith.divf %div3A_3752, %add3A_3750 : vector<16xf32>
      %mul3A_3754 = arith.mulf %sub3A_3710, %div3A_3753 : vector<16xf32>
      %mul3A_3755 = arith.mulf %sub3A_3711, %div3A_3753 : vector<16xf32>
      %mul3A_3756 = arith.mulf %sub3A_3712, %div3A_3753 : vector<16xf32>
      %get3A_3757 = arith.constant 496 : index
      %get3A_3758 = tpu.vector_load %arg12[%get3A_3757] {strides = array<i32>} : memref<512xf32, #tpu.memory_space<vmem>>, vector<16xf32>,
      %get3A_3759 = arith.constant 496 : index
      %get3A_3760 = tpu.vector_load %arg13[%get3A_3759] {strides = array<i32>} : memref<512xf32, #tpu.memory_space<vmem>>, vector<16xf32>,
      %iota3A_3761 = tpu.iota {dimensions = array<i32: 0>} : vector<16xi32>
      %mul3A_3762 = arith.constant 5 : i32
      %mul3A_3763 = vector.broadcast %mul3A_3762 : i32 to vector<16xi32>
      %mul3A_3764 = arith.muli %iota3A_3761, %mul3A_3763 : vector<16xi32>
      %add3A_3765 = arith.constant 2480 : i32
      %add3A_3766 = vector.broadcast %add3A_3765 : i32 to vector<16xi32>
      %add3A_3767 = arith.addi %mul3A_3764, %add3A_3766 : vector<16xi32>
      tpu.vector_store_idx %arg14[%add3A_3767], %get3A_3758 : memref<2560xf32, #tpu.memory_space<vmem>>[vector<16xi32>], vector<16xf32>,
      %add3A_3768 = arith.constant 1 : i32
      %add3A_3769 = vector.broadcast %add3A_3768 : i32 to vector<16xi32>
      %add3A_3770 = arith.addi %add3A_3767, %add3A_3769 : vector<16xi32>
      tpu.vector_store_idx %arg14[%add3A_3770], %mul3A_3754 : memref<2560xf32, #tpu.memory_space<vmem>>[vector<16xi32>], vector<16xf32>,
      %add3A_3771 = arith.constant 2 : i32
      %add3A_3772 = vector.broadcast %add3A_3771 : i32 to vector<16xi32>
      %add3A_3773 = arith.addi %add3A_3767, %add3A_3772 : vector<16xi32>
      tpu.vector_store_idx %arg14[%add3A_3773], %mul3A_3755 : memref<2560xf32, #tpu.memory_space<vmem>>[vector<16xi32>], vector<16xf32>,
      %add3A_3774 = arith.constant 3 : i32
      %add3A_3775 = vector.broadcast %add3A_3774 : i32 to vector<16xi32>
      %add3A_3776 = arith.addi %add3A_3767, %add3A_3775 : vector<16xi32>
      tpu.vector_store_idx %arg14[%add3A_3776], %mul3A_3756 : memref<2560xf32, #tpu.memory_space<vmem>>[vector<16xi32>], vector<16xf32>,
      %add3A_3777 = arith.constant 4 : i32
      %add3A_3778 = vector.broadcast %add3A_3777 : i32 to vector<16xi32>
      %add3A_3779 = arith.addi %add3A_3767, %add3A_3778 : vector<16xi32>
      tpu.vector_store_idx %arg14[%add3A_3779], %mul3A_3747 : memref<2560xf32, #tpu.memory_space<vmem>>[vector<16xi32>], vector<16xf32>,
      tpu.vector_store_idx %arg15[%add3A_3767], %get3A_3760 : memref<2560xf32, #tpu.memory_space<vmem>>[vector<16xi32>], vector<16xf32>,
      %add3A_3780 = arith.constant 1 : i32
      %add3A_3781 = vector.broadcast %add3A_3780 : i32 to vector<16xi32>
      %add3A_3782 = arith.addi %add3A_3767, %add3A_3781 : vector<16xi32>
      tpu.vector_store_idx %arg15[%add3A_3782], %mul3A_3754 : memref<2560xf32, #tpu.memory_space<vmem>>[vector<16xi32>], vector<16xf32>,
      %add3A_3783 = arith.constant 2 : i32
      %add3A_3784 = vector.broadcast %add3A_3783 : i32 to vector<16xi32>
      %add3A_3785 = arith.addi %add3A_3767, %add3A_3784 : vector<16xi32>
      tpu.vector_store_idx %arg15[%add3A_3785], %mul3A_3755 : memref<2560xf32, #tpu.memory_space<vmem>>[vector<16xi32>], vector<16xf32>,
      %add3A_3786 = arith.constant 3 : i32
      %add3A_3787 = vector.broadcast %add3A_3786 : i32 to vector<16xi32>
      %add3A_3788 = arith.addi %add3A_3767, %add3A_3787 : vector<16xi32>
      tpu.vector_store_idx %arg15[%add3A_3788], %mul3A_3756 : memref<2560xf32, #tpu.memory_space<vmem>>[vector<16xi32>], vector<16xf32>,
      %add3A_3789 = arith.constant 4 : i32
      %add3A_3790 = vector.broadcast %add3A_3789 : i32 to vector<16xi32>
      %add3A_3791 = arith.addi %add3A_3767, %add3A_3790 : vector<16xi32>
      tpu.vector_store_idx %arg15[%add3A_3791], %mul3A_3747 : memref<2560xf32, #tpu.memory_space<vmem>>[vector<16xi32>], vector<16xf32>,
      %add3A_3792 = arith.addi %get3A_3681, %add3A_5 : vector<16xi32>
      %swap3A_3793 = arith.constant 496 : index
      %swap3A_3794 = tpu.vector_load %arg16[%swap3A_3793] {strides = array<i32>} : memref<512xi32, #tpu.memory_space<vmem>>, vector<16xi32>,
      tpu.vector_store %arg16[%swap3A_3793], %add3A_3792 {strides = array<i32>} : memref<512xi32, #tpu.memory_space<vmem>>, vector<16xi32>,
      %add3A_3795 = arith.addi %get3A_3681, %add3A_8 : vector<16xi32>
      %swap3A_3796 = arith.constant 496 : index
      %swap3A_3797 = tpu.vector_load %arg17[%swap3A_3796] {strides = array<i32>} : memref<512xi32, #tpu.memory_space<vmem>>, vector<16xi32>,
      tpu.vector_store %arg17[%swap3A_3796], %add3A_3795 {strides = array<i32>} : memref<512xi32, #tpu.memory_space<vmem>>, vector<16xi32>,
      %mul3A_3798 = arith.constant 5 : i32
      %mul3A_3799 = arith.muli %add3A_26, %mul3A_3798 : i32
      "tpu.region"() ({
        %run_scoped3A = tpu.sem_alloc : memref<!tpu.dma_semaphore, #tpu.memory_space<semaphore_mem>>
        %dma_start3A = tpu.memref_slice %arg7[%mul3A_3799] : memref<5242880xf32, #tpu.memory_space<hbm>> -> memref<2560xf32, #tpu.memory_space<hbm>>
        %dma_start3A_3804 = tpu.memref_slice %arg7[%mul3A_3799] : memref<5242880xf32, #tpu.memory_space<hbm>> -> memref<2560xf32, #tpu.memory_space<hbm>>
        tpu.enqueue_dma source(%arg14 : memref<2560xf32, #tpu.memory_space<vmem>>) target(%dma_start3A_3804 : memref<2560xf32, #tpu.memory_space<hbm>>) target_semaphore(%run_scoped3A : memref<!tpu.dma_semaphore, #tpu.memory_space<semaphore_mem>>)
        %dma_wait3A = tpu.memref_slice %arg7[%mul3A_3799] : memref<5242880xf32, #tpu.memory_space<hbm>> -> memref<2560xf32, #tpu.memory_space<hbm>>
        %dma_wait3A_3805 = tpu.memref_slice %arg7[%mul3A_3799] : memref<5242880xf32, #tpu.memory_space<hbm>> -> memref<2560xf32, #tpu.memory_space<hbm>>
        tpu.wait_dma2 semaphore(%run_scoped3A : memref<!tpu.dma_semaphore, #tpu.memory_space<semaphore_mem>>) src(%arg14 : memref<2560xf32, #tpu.memory_space<vmem>>) dst(%dma_wait3A_3805 : memref<2560xf32, #tpu.memory_space<hbm>>)
        tpu.yield
      }) : () -> ()
      %add3A_3800 = arith.constant 81920 : i32
      %add3A_3801 = arith.addi %mul3A_3799, %add3A_3800 : i32
      "tpu.region"() ({
        %run_scoped3A = tpu.sem_alloc : memref<!tpu.dma_semaphore, #tpu.memory_space<semaphore_mem>>
        %dma_start3A = tpu.memref_slice %arg7[%add3A_3801] : memref<5242880xf32, #tpu.memory_space<hbm>> -> memref<2560xf32, #tpu.memory_space<hbm>>
        %dma_start3A_3804 = tpu.memref_slice %arg7[%add3A_3801] : memref<5242880xf32, #tpu.memory_space<hbm>> -> memref<2560xf32, #tpu.memory_space<hbm>>
        tpu.enqueue_dma source(%arg15 : memref<2560xf32, #tpu.memory_space<vmem>>) target(%dma_start3A_3804 : memref<2560xf32, #tpu.memory_space<hbm>>) target_semaphore(%run_scoped3A : memref<!tpu.dma_semaphore, #tpu.memory_space<semaphore_mem>>)
        %dma_wait3A = tpu.memref_slice %arg7[%add3A_3801] : memref<5242880xf32, #tpu.memory_space<hbm>> -> memref<2560xf32, #tpu.memory_space<hbm>>
        %dma_wait3A_3805 = tpu.memref_slice %arg7[%add3A_3801] : memref<5242880xf32, #tpu.memory_space<hbm>> -> memref<2560xf32, #tpu.memory_space<hbm>>
        tpu.wait_dma2 semaphore(%run_scoped3A : memref<!tpu.dma_semaphore, #tpu.memory_space<semaphore_mem>>) src(%arg15 : memref<2560xf32, #tpu.memory_space<vmem>>) dst(%dma_wait3A_3805 : memref<2560xf32, #tpu.memory_space<hbm>>)
        tpu.yield
      }) : () -> ()
      "tpu.region"() ({
        %run_scoped3A = tpu.sem_alloc : memref<!tpu.dma_semaphore, #tpu.memory_space<semaphore_mem>>
        %dma_start3A = tpu.memref_slice %arg8[%add3A_26] : memref<1048576xi32, #tpu.memory_space<hbm>> -> memref<512xi32, #tpu.memory_space<hbm>>
        %dma_start3A_3804 = tpu.memref_slice %arg8[%add3A_26] : memref<1048576xi32, #tpu.memory_space<hbm>> -> memref<512xi32, #tpu.memory_space<hbm>>
        tpu.enqueue_dma source(%arg16 : memref<512xi32, #tpu.memory_space<vmem>>) target(%dma_start3A_3804 : memref<512xi32, #tpu.memory_space<hbm>>) target_semaphore(%run_scoped3A : memref<!tpu.dma_semaphore, #tpu.memory_space<semaphore_mem>>)
        %dma_wait3A = tpu.memref_slice %arg8[%add3A_26] : memref<1048576xi32, #tpu.memory_space<hbm>> -> memref<512xi32, #tpu.memory_space<hbm>>
        %dma_wait3A_3805 = tpu.memref_slice %arg8[%add3A_26] : memref<1048576xi32, #tpu.memory_space<hbm>> -> memref<512xi32, #tpu.memory_space<hbm>>
        tpu.wait_dma2 semaphore(%run_scoped3A : memref<!tpu.dma_semaphore, #tpu.memory_space<semaphore_mem>>) src(%arg16 : memref<512xi32, #tpu.memory_space<vmem>>) dst(%dma_wait3A_3805 : memref<512xi32, #tpu.memory_space<hbm>>)
        tpu.yield
      }) : () -> ()
      %add3A_3802 = arith.constant 16384 : i32
      %add3A_3803 = arith.addi %add3A_26, %add3A_3802 : i32
      "tpu.region"() ({
        %run_scoped3A = tpu.sem_alloc : memref<!tpu.dma_semaphore, #tpu.memory_space<semaphore_mem>>
        %dma_start3A = tpu.memref_slice %arg8[%add3A_3803] : memref<1048576xi32, #tpu.memory_space<hbm>> -> memref<512xi32, #tpu.memory_space<hbm>>
        %dma_start3A_3804 = tpu.memref_slice %arg8[%add3A_3803] : memref<1048576xi32, #tpu.memory_space<hbm>> -> memref<512xi32, #tpu.memory_space<hbm>>
        tpu.enqueue_dma source(%arg17 : memref<512xi32, #tpu.memory_space<vmem>>) target(%dma_start3A_3804 : memref<512xi32, #tpu.memory_space<hbm>>) target_semaphore(%run_scoped3A : memref<!tpu.dma_semaphore, #tpu.memory_space<semaphore_mem>>)
        %dma_wait3A = tpu.memref_slice %arg8[%add3A_3803] : memref<1048576xi32, #tpu.memory_space<hbm>> -> memref<512xi32, #tpu.memory_space<hbm>>
        %dma_wait3A_3805 = tpu.memref_slice %arg8[%add3A_3803] : memref<1048576xi32, #tpu.memory_space<hbm>> -> memref<512xi32, #tpu.memory_space<hbm>>
        tpu.wait_dma2 semaphore(%run_scoped3A : memref<!tpu.dma_semaphore, #tpu.memory_space<semaphore_mem>>) src(%arg17 : memref<512xi32, #tpu.memory_space<vmem>>) dst(%dma_wait3A_3805 : memref<512xi32, #tpu.memory_space<hbm>>)
        tpu.yield
      }) : () -> ()
    }
    %scan3A_13 = arith.constant 32 : i32
    return
  }
}

</mosaic_0001>

<sc_bundles>
// kernel: kernel.3.cloned.1.call-start
scs
__scs_entry_jumppad:
0x0: {  	(pc) =	sbr.rel $0x88, $3  }
0x1: {  	(tag) =	ssettag $0x0;
	lr =	simm.s32 $0x1  }
0x2: {  	[smem:$0x3F9C] =	sst lr;
	_ =	strace $0xD0000000  }
0x3: {  	_ = 	snop  }
0x4: {  	_ = 	snop  }
0x5: {  	_ = 	snop  }
0x6: {  	_ = 	snop  }
0x7: {  	_ = 	snop  }
__scs_overlays_trampoline_lowered:
0x8: {  	[smem:$0x3FAB] =	sst s0  }
0x9: {  	[smem:$0x3FAC] =	sst s1  }
0xa: {  	[smem:$0x3FAD] =	sst s2  }
0xb: {  	[smem:$0x3FAE] =	sst s3  }
0xc: {  	[smem:$0x3FAF] =	sst s4  }
0xd: {  	[smem:$0x3FB0] =	sst s5  }
0xe: {  	[smem:$0x3FB1] =	sst s6  }
0xf: {  	[smem:$0x3FB2] =	sst s7  }
0x10: {  	[smem:$0x3FB3] =	sst s8  }
0x11: {  	[smem:$0x3FB4] =	sst s9;
	s0 =	simm.s32 @!p0 $0x0  }
0x12: {  	s1 =	sld [smem:$0x3F9A];
	s0 =	simm.s32 @p0 $0x1  }
0x13: {  	[smem:$0x3FB5] =	sst s0;
	s0 =	simm.s32 @!p1 $0x0  }
0x14: {  	s2 =	sld [smem:$0x3F99];
	s0 =	simm.s32 @p1 $0x1  }
0x15: {  	[smem:$0x3FB6] =	sst s0;
	s0 =	simm.s32 @!p2 $0x0  }
0x16: {  	s3 =	sld [smem:$0x3FDB];
	s0 =	simm.s32 @p2 $0x1  }
0x17: {  	s4 =	simm.s32 $0x1BF5;
	[smem:$0x3FB8] =	sst s0  }
0x18: {  	s0 =	sld [smem:$0x3F9B];
	_ =	swait.ge [sflag:s4], $0x0  }
0x19: {  	s7 =	sld [smem:$0x3F9C]  }
0x1a: {  	s8 =	sadd.s32 $0xFFFFE003, lr  }
0x1b: {  	s9 =	sadd.s32 $0xFFFFFEF7, lr;
	s5 =	simm.s32 $0xFFFFFFFF;
	p2 =	slt.u32 s8, $0xFFFFF086  }
0x1c: {  	p1 =	slt.u32 s9, $0xF7A;
	s5 =	simm.s32 @!p2 $0x0  }
0x1d: {  	s5 =	simm.s32 @p1 $0x1;
	p0 =	seq.s32 s7, s2  }
0x1e: {  	s7 =	smul.u32 @!p0 $0xF7A, s2;
	p2 =	seq.s32 @!p0 s5, $0x0  }
0x1f: {  	s9 =	smul.u32 $0xF7A, s1;
	s8 =	simm.s32 @!p0 $0x1BF5;
	p2 =	por !p2, p0  }
0x20: {  	[sflag:s8] =	ssyncset.s32 @!p0 $0xFFFFF086;
	s6 =	sadd.s32 @!p0 s3, s7;
	s7 =	simm.s32 @!p0 $0x108  }
0x21: {  	s3 =	sadd.s32 s3, s9;
	s6 =	sadd.s32 @!p0 $0x88, s6;
	s7 =	simm.s32 @p2 $0x1082  }
0x22: {  	[simem:s7], [sflag:s8] =	dma.local @!p0 [hbm:s6], $0xF7A  }
0x23: {  	s9 =	sor.u32 $0xD0000000, s2;
	s6 =	simm.s32 $0x108;
	_ =	swait.ge @!p0 [sflag:s8], $0x0  }
0x24: {  	s3 =	sadd.s32 $0x88, s3;
	s6 =	simm.s32 @!p1 $0x1082;
	[sflag:s4] =	ssyncset.s32 $0xFFFFF086  }
0x25: {  	[simem:s6], [sflag:s4] =	dma.local [hbm:s3], $0xF7A  }
0x26: {  	[smem:$0x3F9C] =	sst s1;
	(tag) =	ssettag s2;
	_ =	strace s9  }
0x27: {  	s1 =	sld [smem:$0x3FAC]  }
0x28: {  	s2 =	sld [smem:$0x3FAD]  }
0x29: {  	s4 =	sld [smem:$0x3FAF]  }
0x2a: {  	p0 =	seq.s32 s5, $0x0;
	s5 =	sld [smem:$0x3FB0]  }
0x2b: {  	s6 =	sld [smem:$0x3FB1]  }
0x2c: {  	s7 =	sld [smem:$0x3FB2]  }
0x2d: {  	s3 =	simm.s32 $0x108;
	s8 =	sld [smem:$0x3FB3]  }
0x2e: {  	s3 =	simm.s32 @!p0 $0x1082;
	s9 =	sld [smem:$0x3FB4]  }
0x2f: {  	lr =	sadd.s32 s0, s3;
	s0 =	sld [smem:$0x3FAB]  }
0x30: {  	s3 =	sld [smem:$0x3FAE]  }
0x31: {  	[smem:$0x3FB7] =	sst s10  }
0x32: {  	s10 =	sld [smem:$0x3FB5];
	_ =	sdelay $0x3  }
0x33: {  	p0 =	seq.s32 s10, $0x1;
	s10 =	sld [smem:$0x3FB7];
	_ =	sdelay $0x3  }
0x34: {  	[smem:$0x3FB7] =	sst s10  }
0x35: {  	s10 =	sld [smem:$0x3FB6];
	_ =	sdelay $0x3  }
0x36: {  	p1 =	seq.s32 s10, $0x1;
	s10 =	sld [smem:$0x3FB7];
	_ =	sdelay $0x3  }
0x37: {  	[smem:$0x3FB7] =	sst s10  }
0x38: {  	s10 =	sld [smem:$0x3FB8]  }
0x39: {  	_ = 	snop;
	(pc) =	sbr.ind lr, $3  }
0x3a: {  	_ = 	snop  }
0x3b: {  	_ = 	snop  }
0x3c: {  	p2 =	seq.s32 s10, $0x1;
	s10 =	sld [smem:$0x3FB7]  }
0x3d: {  	_ =	shalt  }
0x3e: {  	_ =	shalt  }
0x3f: {  	_ =	shalt  }
0x40: {  	_ =	shalt  }
0x41: {  	_ =	shalt  }
0x42: {  	_ =	shalt  }
0x43: {  	_ =	shalt  }
0x44: {  	_ =	shalt  }
0x45: {  	_ =	shalt  }
0x46: {  	_ =	shalt  }
0x47: {  	_ =	shalt  }
0x48: {  	_ =	shalt  }
0x49: {  	_ =	shalt  }
0x4a: {  	_ =	shalt  }
0x4b: {  	_ =	shalt  }
0x4c: {  	_ =	shalt  }
0x4d: {  	_ =	shalt  }
0x4e: {  	_ =	shalt  }
0x4f: {  	_ =	shalt  }
0x50: {  	_ =	shalt  }
0x51: {  	_ =	shalt  }
0x52: {  	_ =	shalt  }
0x53: {  	_ =	shalt  }
0x54: {  	_ =	shalt  }
0x55: {  	_ =	shalt  }
0x56: {  	_ =	shalt  }
0x57: {  	_ =	shalt  }
0x58: {  	_ =	shalt  }
0x59: {  	_ =	shalt  }
0x5a: {  	_ =	shalt  }
0x5b: {  	_ =	shalt  }
0x5c: {  	_ =	shalt  }
0x5d: {  	_ =	shalt  }
0x5e: {  	_ =	shalt  }
0x5f: {  	_ =	shalt  }
0x60: {  	_ =	shalt  }
0x61: {  	_ =	shalt  }
0x62: {  	_ =	shalt  }
0x63: {  	_ =	shalt  }
0x64: {  	_ =	shalt  }
0x65: {  	_ =	shalt  }
0x66: {  	_ =	shalt  }
0x67: {  	_ =	shalt  }
0x68: {  	_ =	shalt  }
0x69: {  	_ =	shalt  }
0x6a: {  	_ =	shalt  }
0x6b: {  	_ =	shalt  }
0x6c: {  	_ =	shalt  }
0x6d: {  	_ =	shalt  }
0x6e: {  	_ =	shalt  }
0x6f: {  	_ =	shalt  }
0x70: {  	_ =	shalt  }
0x71: {  	_ =	shalt  }
0x72: {  	_ =	shalt  }
0x73: {  	_ =	shalt  }
0x74: {  	_ =	shalt  }
0x75: {  	_ =	shalt  }
0x76: {  	_ =	shalt  }
0x77: {  	_ =	shalt  }
0x78: {  	_ =	shalt  }
0x79: {  	_ =	shalt  }
0x7a: {  	_ =	shalt  }
0x7b: {  	_ =	shalt  }
0x7c: {  	_ =	shalt  }
0x7d: {  	_ =	shalt  }
0x7e: {  	_ =	shalt  }
0x7f: {  	_ =	shalt  }
0x80: {  	_ =	shalt  }
0x81: {  	_ =	shalt  }
0x82: {  	_ =	shalt  }
0x83: {  	_ =	shalt  }
0x84: {  	_ =	shalt  }
0x85: {  	_ =	shalt  }
0x86: {  	_ =	shalt  }
0x87: {  	_ =	shalt  }
.Lfunc_end0:
.L_simem_size_0:
called_computation_lowered:
.L_overlay_start_0:
0x88: {  	s2 =	sld [smem:$0x3FD9]  }
0x89: {  	s3 =	sld [smem:$0x3FFE];
	_ =	sdelay $0x1  }
0x8a: {  	s1 =	srdreg.scid  }
0x8b: {  	s0 =	sand.u32 $0x1, s1  }
0x8c: {  	s14 =	sshll.u32 s0, $0xA;
	s2 =	sadd.s32 s3, s2  }
0x8d: {  	s2 =	sadd.s32 s2, s14  }
0x8e: {  	[smem:$0x3FC3] =	sst s2  }
0x8f: {  	_ = 	snop  }
0x90: {  	s2 =	sld [smem:$0x3FD0];
	_ =	sdelay $0x2  }
0x91: {  	s4 =	simm.s32 $0xA;
	s5 =	simm.s32 $0x10;
	s15 =	sld [smem:$0x3FC6]  }
0x92: {  	[smem:s5], [sflag:s4] =	dma.local [hbm:s2], $0x1  }
0x93: {  	_ =	swait.eq [sflag:s4], $0x1  }
0x94: {  	[sflag:s4] =	ssyncset.done $0x0  }
0x95: {  	s16 =	sld [smem:$0x10];
	[sflag:s4] =	ssyncadd.s32 $0xFFFFFFFF  }
0x96: {  	s17 =	sld [smem:$0x11];
	(tm) =	ssettm $0x1  }
0x97: {  	s18 =	sld [smem:$0x3FFB];
	_ =	sdelay $0x3  }
0x98: {  	_ =	strace s18  }
0x99: {  	s5 =	sld [smem:$0x3FFC];
	_ =	sdelay $0x3  }
0x9a: {  	_ =	strace s5  }
0x9b: {  	s5 =	sld [smem:$0x3FFD];
	_ =	sdelay $0x3  }
0x9c: {  	_ =	strace s5  }
0x9d: {  	_ =	strace $0x8FFFFFFF  }
0x9e: {  	s19 =	sld [smem:$0x3FDB];
	_ =	sdelay $0x1  }
0x9f: {  	s6 =	simm.s32 $_scs_section_size  }
0xa0: {  	s7 =	simm.s32 $_size__tile_overlayer_lowered;
	s8 =	simm.s32 $_tile_overlayer_lowered  }
0xa1: {  	s22 =	simm.s32 $0x1BFF;
	s21 =	sshll.u32 s8, $0x1;
	s5 =	sadd.s32 s6, s19  }
0xa2: {  	s9 =	simm.s32 $0x0;
	s20 =	sshll.u32 s7, $0x1;
	s7 =	sadd.s32 s21, s5  }
0xa3: {  	[timem:s9], [sflag:s22] =	dma.local [hbm:s7], s20  }
0xa4: {  	_ =	swait.ge [sflag:s22], s20  }
0xa5: {  	s6 =	ssub.s32 $0x0, s20;
	[sflag:s22] =	ssyncset.done $0x0  }
0xa6: {  	[sflag:s22] =	ssyncadd.s32 s6;
	_ =	sdelay $0x1  }
0xa7: {  	s23 =	simm.s32 $0x1B8B  }
0xa8: {  	_ =	swait.ge [sflag:s23], $0x1  }
0xa9: {  	[sflag:s23] =	ssyncset.done $0x0  }
0xaa: {  	s25 =	simm.s32 $0x1B8E;
	s24 =	sld [smem:$0x3FFE];
	[sflag:s23] =	ssyncadd.s32 $0xFFFFFFFF  }
0xab: {  	s26 =	simm.s32 $execute0_lowered;
	[smem:$0x3FD2] =	sst s25  }
0xac: {  	s7 =	sshll.u32 s26, $0x1;
	_ =	strace $0x80000046;
	[dreg:$0x1] =	wrdreg $0xFFFFFFFF  }
0xad: {  	s28 =	simm.s32 $_size_execute0_lowered;
	s5 =	sadd.s32 s5, s7;
	[dreg:$0x0] =	wrdreg $0x0  }
0xae: {  	s7 =	sshll.u32 s28, $0x1;
	[dreg:$0x2] =	wrdreg s5  }
0xaf: {  	[dreg:$0x3] =	wrdreg s7  }
0xb0: {  	[dreg:$0x4] =	wrdreg $0xC0  }
0xb1: {  	_ =	task [dreg:s9], $0x5FFFF  }
0xb2: {  	[dreg:$0x1] =	wrdreg $0xFFFFFFFF  }
0xb3: {  	[dreg:$0x0] =	wrdreg $0x60  }
0xb4: {  	[dreg:$0x2] =	wrdreg s24  }
0xb5: {  	[dreg:$0x3] =	wrdreg s15  }
0xb6: {  	[dreg:$0x4] =	wrdreg s16  }
0xb7: {  	[dreg:$0x5] =	wrdreg s17  }
0xb8: {  	[dreg:$0x6] =	wrdreg $0x9  }
0xb9: {  	_ =	task.clear_ibuf [dreg:s9], $0x7FFFF;
	_ =	strace $0x90000046  }
0xba: {  	s29 =	simm.s32 $0x9;
	_ =	strace $0x80000048  }
0xbb: {  	_ =	swait.ge [sflag:s29], $0x1  }
0xbc: {  	[sflag:s29] =	ssyncadd.s32 $0xFFFFFFFF  }
0xbd: {  	_ =	strace $0x90000048  }
0xbe: {  	_ =	sfence  }
0xbf: {  	s30 =	sld [smem:$0x0];
	_ =	sdelay $0x2  }
0xc0: {  	s31 =	sshll.u32 s1, $0xD;
	s1 =	sshrl.u32 s1, $0x2  }
0xc1: {  	s3 =	sand.u32 $0x4000, s31;
	s1 =	sadd.s32 s1, s30  }
0xc2: {  	s0 =	sor.u32 s3, s0;
	s1 =	sshll.u32 s1, $0x11  }
0xc3: {  	s0 =	sor.u32 s1, s0  }
0xc4: {  	s0 =	sadd.s32 $0x8F2B, s0  }
0xc5: {  	[sflag:s0] =	ssyncadd.remote.s32 $0x1  }
0xc6: {  	_ =	sfence.sel $0xFFFF  }
0xc7: {  	[dreg:$0x0] =	wrdreg $0xFFFFFFFF;
	(pc) =	sbr.abs _section_cstart, $3  }
0xc8: {  	[dreg:$0x1] =	wrdreg $0xFFFFFFFF  }
0xc9: {  	_ =	task.clear_ibuf [dreg:s9], $0x2FFFF;
	_ =	strace $0x9FFFFFFF  }
0xca: {  	(tm) =	ssettm $0x7FFFFFFF  }
0xcb: {  	_ =	shalt  }
tec
execute0_lowered:
.L_overlay_start_1:
0x0: {  	(tag) =	ssettag $0x1  }
0x1: {  	v1 =	vlaneseq.u32  }
0x2: {  	v0 =	vmul.u32 $0x3, v1;
	v1 =	vmul.u32 $0x5, v1  }
0x3: {  	s4 =	rddreg [dreg:$0x0]  }
0x4: {  	s10 =	rddreg [dreg:$0x1];
	v34 =	vadd.s32 $0x1, v0;
	v35 =	vadd.s32 $0x2, v0;
	v6 =	vadd.s32 $0x1, v1  }
0x5: {  	s1 =	srdreg.scid;
	s9 =	rddreg [dreg:$0x2];
	v7 =	vadd.s32 $0x2, v1;
	v8 =	vadd.s32 $0x3, v1;
	v19 =	vadd.s32 $0x30, v0  }
0x6: {  	s0 =	stileid.u32;
	s8 =	rddreg [dreg:$0x3];
	s16 =	simm.s32 $0x18800;
	v41 =	vadd.s32 $0x31, v0;
	v43 =	vadd.s32 $0x32, v0;
	v13 =	vadd.s32 $0x50, v1  }
0x7: {  	s17 =	simm.s32 $0x18A00;
	s18 =	simm.s32 $0x18C00;
	s7 =	sand.u32 $0x1, s1;
	v14 =	vadd.s32 $0x51, v1;
	v15 =	vadd.s32 $0x52, v1;
	v16 =	vadd.s32 $0x53, v1  }
0x8: {  	s19 =	simm.s32 $0x19600;
	s22 =	sshll.u32 s0, $0xB;
	s2 =	sshll.u32 s7, $0xA;
	v20 =	vadd.s32 $0x54, v1;
	v49 =	vadd.s32 $0x60, v0;
	v50 =	vadd.s32 $0x61, v0  }
0x9: {  	s20 =	simm.s32 $0x1A000;
	s3 =	smul.u32 $0x18000, s0;
	s1 =	sor.u32 s2, s22;
	v51 =	vadd.s32 $0x62, v0;
	v21 =	vadd.s32 $0xA0, v1;
	v22 =	vadd.s32 $0xA1, v1  }
0xa: {  	s21 =	simm.s32 $0x1A200;
	s13 =	smul.u32 $0x50000, s0;
	s2 =	simm.s32 $0x0;
	v23 =	vadd.s32 $0xA2, v1;
	v24 =	vadd.s32 $0xA3, v1;
	v2 =	vmov s1  }
0xb: {  	s26 =	sshll.u32 s0, $0xF;
	v28 =	vadd.s32 $0xA4, v1;
	v57 =	vadd.s32 $0x90, v0;
	[smem:$0x7FF] =	sst s2;
	[tilespmem:$0x1FF30] =	vst v2;
	v2 =	vadd.s32 $0x1E3, v1  }
0xc: {  	s23 =	sshll.u32 s0, $0x10;
	v58 =	vadd.s32 $0x91, v0;
	v59 =	vadd.s32 $0x92, v0;
	v29 =	vadd.s32 $0xF0, v1;
	s1 =	rddreg [dreg:$0x4];
	_ =	strace $0x80000047;
	[tilespmem:$0x1FF40] =	vst v2  }
0xd: {  	s5 =	smul.u32 $0xC000, s7;
	s6 =	sshll.u32 s7, $0xF;
	s24 =	ssub.s32 $0x2, s7;
	v30 =	vadd.s32 $0xF1, v1;
	v31 =	vadd.s32 $0xF2, v1;
	v26 =	vadd.s32 $0x122, v0;
	[tilespmem:$0x1FFB0] =	vst v19  }
0xe: {  	s15 =	smul.u32 $0x28000, s7;
	s28 =	sshll.u32 s7, $0xE;
	s25 =	sshrl.u32 s24, $0x1;
	v32 =	vadd.s32 $0xF3, v1;
	v36 =	vadd.s32 $0xF4, v1;
	v5 =	vor.u32 $0xC0, v0;
	[tilespmem:$0x1FFC0] =	vst v26  }
0xf: {  	v37 =	vadd.s32 $0xC1, v0;
	v38 =	vadd.s32 $0xC2, v0;
	v39 =	vadd.s32 $0x140, v1;
	s30 =	sor.u32 s28, s26;
	s22 =	simm.s32 $0x0;
	s3 =	sadd.s32 s5, s3;
	[tilespmem:$0x1FFD0] =	vst v41  }
0x10: {  	v40 =	vadd.s32 $0x141, v1;
	v44 =	vadd.s32 $0x142, v1;
	v33 =	vadd.s32 $0x1E2, v1;
	s5 =	sor.u32 s6, s23;
	s13 =	sadd.s32 s15, s13;
	s15 =	simm.s32 $0x18200;
	[tilespmem:$0x1FFE0] =	vst v43  }
0x11: {  	v45 =	vadd.s32 $0x143, v1;
	v46 =	vadd.s32 $0x144, v1;
	s3 =	sshrl.u32 s3, $0x3;
	s12 =	sshrl.u32 s5, $0x3;
	s5 =	ssub.s32 s24, s25;
	v2 =	vadd.s32 $0x1E4, v1;
	[tilespmem:$0x1FFF0] =	vst v33  }
0x12: {  	v47 =	vadd.s32 $0xF0, v0;
	v48 =	vadd.s32 $0xF1, v0;
	s29 =	sadd.s32 $0x14000, s13;
	s13 =	sshrl.u32 s13, $0x3;
	s11 =	sadd.s32 s3, s4;
	[tilespmem:$0x1FF50] =	vst v2;
	v2 =	vadd.s32 $0x150, v0  }
0x13: {  	v52 =	vadd.s32 $0xF2, v0;
	v53 =	vadd.s32 $0x190, v1;
	s3 =	sadd.s32 $0x21200, s4;
	s14 =	sadd.s32 s12, s4;
	s4 =	sadd.s32 $0x24200, s4;
	[tilespmem:$0x1FF60] =	vst v2;
	v2 =	vadd.s32 $0x151, v0  }
0x14: {  	v54 =	vadd.s32 $0x191, v1;
	v55 =	vadd.s32 $0x192, v1;
	s5 =	smax.u32 s5, $0x1;
	s7 =	sadd.s32 s12, s8;
	s31 =	sshrl.u32 s29, $0x3;
	[tilespmem:$0x1FF70] =	vst v2;
	v2 =	vadd.s32 $0x152, v0  }
0x15: {  	v56 =	vadd.s32 $0x193, v1;
	v60 =	vadd.s32 $0x194, v1;
	s12 =	sshrl.u32 s30, $0x3;
	s8 =	sadd.s32 s13, s9;
	s13 =	simm.s32 $0x1A400;
	[tilespmem:$0x1FF80] =	vst v2;
	v2 =	vadd.s32 $0x230, v1  }
0x16: {  	v61 =	vadd.s32 $0x120, v0;
	v25 =	vadd.s32 $0x121, v0;
	s6 =	sadd.s32 $0x1200, s14;
	s9 =	sadd.s32 s31, s9;
	s10 =	sadd.s32 s12, s10;
	[tilespmem:$0x1FF90] =	vst v2;
	v2 =	vadd.s32 $0x231, v1  }
0x17: {  	v12 =	vadd.s32 $0x4, v1;
	v27 =	vadd.s32 $0x1E0, v1;
	v42 =	vadd.s32 $0x1E1, v1;
	s11 =	sadd.s32 $0x824200, s11;
	s12 =	simm.s32 $0x1;
	s14 =	simm.s32 $0x18000;
	[tilespmem:$0x1FFA0] =	vst v2  }
.LBB2_1:
0x18: {  	[tilespmem:s2], [sflag:$0x1] =	stream.linear.gather [hbm4b:s3+s2], $0x18000, $0x38;
	[tilespmem:$0x1A480] =	vst v63  }
0x19: {  	_ =	swait.ge [sflag:s12], $0x18000  }
0x1a: {  	[sflag:s12] =	ssyncset.done $0x0  }
0x1b: {  	[sflag:s12] =	ssyncadd.s32 $0xFFFE8000  }
0x1c: {  	[tilespmem:s13], [sflag:$0x1] =	stream.linear.gather [hbm4b:s4+s2], $0x80, $0x38;
	[tilespmem:$0x1A480] =	vst v63  }
0x1d: {  	_ =	swait.ge [sflag:s12], $0x80  }
0x1e: {  	[sflag:s12] =	ssyncset.done $0x0  }
0x1f: {  	v2 =	vld [tilespmem:$0x1FF30];
	[sflag:s12] =	ssyncadd.s32 $0xFFFFFF80  }
0x20: {  	v62 =	vld [tilespmem:$0x1A400];
	_ =	sdelay $0x4  }
0x21: {  	s23 =	smov.u32 s11;
	v62 =	vadd.s32 v2, v62  }
0x22: {  	s24 =	smov.u32 s9;
	s25 =	smov.u32 s8;
	s26 =	simm.s32 $0x0;
	v63 =	vadd.s32 $0x400, v62  }
.LBB2_2:
0x23: {  	s28 =	sadd.s32 s26, s10  }
0x24: {  	[tilespmem:s14], [sflag:$0x1] =	stream.linear.gather [hbm4b:s28+s2], $0x200, $0x38;
	[tilespmem:$0x1A480] =	vst v63  }
0x25: {  	_ =	swait.ge [sflag:s12], $0x200  }
0x26: {  	[sflag:s12] =	ssyncset.done $0x0  }
0x27: {  	[sflag:s12] =	ssyncadd.s32 $0xFFFFFE00  }
0x28: {  	[tilespmem:s15], [sflag:$0x1] =	stream.linear.gather [hbm4b:s23+s2], $0x600, $0x38;
	[tilespmem:$0x1A480] =	vst v63  }
0x29: {  	_ =	swait.ge [sflag:s12], $0x600  }
0x2a: {  	[sflag:s12] =	ssyncset.done $0x0  }
0x2b: {  	s30 =	sadd.s32 s26, s6;
	[sflag:s12] =	ssyncadd.s32 $0xFFFFFA00  }
0x2c: {  	[tilespmem:s16], [sflag:$0x1] =	stream.linear.gather [hbm4b:s30+s2], $0x200, $0x38;
	[tilespmem:$0x1A480] =	vst v63  }
0x2d: {  	_ =	swait.ge [sflag:s12], $0x200  }
0x2e: {  	[sflag:s12] =	ssyncset.done $0x0  }
0x2f: {  	s28 =	sadd.s32 $0x800, s30;
	[sflag:s12] =	ssyncadd.s32 $0xFFFFFE00  }
0x30: {  	[tilespmem:s17], [sflag:$0x1] =	stream.linear.gather [hbm4b:s28+s2], $0x200, $0x38;
	[tilespmem:$0x1A480] =	vst v63  }
0x31: {  	_ =	swait.ge [sflag:s12], $0x200  }
0x32: {  	[sflag:s12] =	ssyncset.done $0x0  }
0x33: {  	[sflag:s12] =	ssyncadd.s32 $0xFFFFFE00  }
0x34: {  	v2 =	vld [tilespmem:$0x18000];
	_ =	sdelay $0x4  }
0x35: {  	v3 =	vmul.u32 $0x3, v2;
	_ =	sdelay $0x1  }
0x36: {  	v4 =	vadd.s32 $0x1, v3;
	_ =	sdelay $0x1  }
0x37: {  	v10 =	vld.idx.msk [tilespmem:v0+s15+$0x0], $0xffff;
	v9 =	vadd.s32 $0x2, v3  }
0x38: {  	v11 =	vld.idx.msk [tilespmem:v34+s15+$0x0], $0xffff  }
0x39: {  	v3 =	vld.idx.msk [tilespmem:v3+s2+$0x0], $0xffff  }
0x3a: {  	v4 =	vld.idx.msk [tilespmem:v4+s2+$0x0], $0xffff  }
0x3b: {  	v17 =	vld.idx.msk [tilespmem:v35+s15+$0x0], $0xffff  }
0x3c: {  	v9 =	vld.idx.msk [tilespmem:v9+s2+$0x0], $0xffff;
	_ =	sdelay $0x2  }
0x3d: {  	v3 =	vsub.f32 v10, v3;
	v4 =	vsub.f32 v11, v4;
	_ =	sdelay $0x1  }
0x3e: {  	v9 =	vsub.f32 v17, v9;
	v10 =	vmul.f32 v3, v3;
	v11 =	vmul.f32 v4, v4;
	_ =	sdelay $0x1  }
0x3f: {  	v10 =	vadd.f32 v11, v10;
	v11 =	vmul.f32 v9, v9;
	_ =	sdelay $0x1  }
0x40: {  	v10 =	vadd.f32 v11, v10;
	_ =	sdelay $0x1  }
0x41: {  	v11 =	vshrl.u32 v10, $0x1;
	v17 =	vmul.f32 $5.000000000e-01, v10  }
0x42: {  	v11 =	vsub.s32 $0x5F3759DF, v11  }
0x43: {  	v18 =	vmul.f32 v11, v17;
	_ =	sdelay $0x1  }
0x44: {  	v18 =	vmul.f32 v11, v18;
	_ =	sdelay $0x1  }
0x45: {  	v18 =	vsub.f32 $1.500000000e+00, v18;
	_ =	sdelay $0x1  }
0x46: {  	v11 =	vmul.f32 v11, v18;
	_ =	sdelay $0x1  }
0x47: {  	v18 =	vmul.f32 v11, v17;
	_ =	sdelay $0x1  }
0x48: {  	v18 =	vmul.f32 v18, v11;
	_ =	sdelay $0x1  }
0x49: {  	v18 =	vsub.f32 $1.500000000e+00, v18;
	_ =	sdelay $0x1  }
0x4a: {  	v11 =	vmul.f32 v18, v11;
	_ =	sdelay $0x1  }
0x4b: {  	v17 =	vmul.f32 v11, v17;
	_ =	sdelay $0x1  }
0x4c: {  	v17 =	vmul.f32 v17, v11;
	_ =	sdelay $0x1  }
0x4d: {  	v17 =	vsub.f32 $1.500000000e+00, v17;
	_ =	sdelay $0x1  }
0x4e: {  	v11 =	vmul.f32 v17, v11;
	_ =	sdelay $0x1  }
0x4f: {  	v10 =	vmul.f32 v11, v10;
	_ =	sdelay $0x1  }
0x50: {  	v11 =	vadd.f32 $9.999999930e-09, v10;
	_ =	sdelay $0x1  }
0x51: {  	(erf) = vrcp.f32 v11;
	_ =	sdelay $0x5  }
0x52: {  	v11 =	vld [tilespmem:$0x18800];
	_ =	sdelay $0x2  }
0x53: {  	v17 =	vpop (erf)  }
0x54: {  	v3 =	vmul.f32 v17, v3  }
0x55: {  	v18 =	vld [tilespmem:$0x18A00];
	[tilespmem:v1+s18+$0x0] =	vst.idx.msk $0xffff, v11;
	v4 =	vmul.f32 v17, v4  }
0x56: {  	v9 =	vmul.f32 v17, v9;
	[tilespmem:v6+s18+$0x0] =	vst.idx.msk $0xffff, v3  }
0x57: {  	[tilespmem:v7+s18+$0x0] =	vst.idx.msk $0xffff, v4  }
0x58: {  	[tilespmem:v8+s18+$0x0] =	vst.idx.msk $0xffff, v9  }
0x59: {  	[tilespmem:v12+s18+$0x0] =	vst.idx.msk $0xffff, v10  }
0x5a: {  	[tilespmem:v1+s19+$0x0] =	vst.idx.msk $0xffff, v18  }
0x5b: {  	[tilespmem:v6+s19+$0x0] =	vst.idx.msk $0xffff, v3  }
0x5c: {  	[tilespmem:v7+s19+$0x0] =	vst.idx.msk $0xffff, v4  }
0x5d: {  	[tilespmem:v8+s19+$0x0] =	vst.idx.msk $0xffff, v9  }
0x5e: {  	[tilespmem:v12+s19+$0x0] =	vst.idx.msk $0xffff, v10  }
0x5f: {  	v3 =	vld [tilespmem:$0x18010];
	_ =	sdelay $0x4  }
0x60: {  	v4 =	vmul.u32 $0x3, v3  }
0x61: {  	v10 =	vadd.s32 v62, v2  }
0x62: {  	v2 =	vadd.s32 v63, v2;
	[tilespmem:$0x1A000] =	vst v10;
	v9 =	vadd.s32 $0x1, v4  }
0x63: {  	[tilespmem:$0x1A200] =	vst v2  }
0x64: {  	v10 =	vld.idx.msk [tilespmem:v19+s15+$0x0], $0xffff;
	v2 =	vadd.s32 $0x2, v4  }
0x65: {  	v11 =	vld.idx.msk [tilespmem:v41+s15+$0x0], $0xffff  }
0x66: {  	v4 =	vld.idx.msk [tilespmem:v4+s2+$0x0], $0xffff  }
0x67: {  	v9 =	vld.idx.msk [tilespmem:v9+s2+$0x0], $0xffff  }
0x68: {  	v17 =	vld.idx.msk [tilespmem:v43+s15+$0x0], $0xffff  }
0x69: {  	v2 =	vld.idx.msk [tilespmem:v2+s2+$0x0], $0xffff;
	_ =	sdelay $0x2  }
0x6a: {  	v4 =	vsub.f32 v10, v4;
	v9 =	vsub.f32 v11, v9;
	_ =	sdelay $0x1  }
0x6b: {  	v2 =	vsub.f32 v17, v2;
	v10 =	vmul.f32 v4, v4;
	v11 =	vmul.f32 v9, v9;
	_ =	sdelay $0x1  }
0x6c: {  	v10 =	vadd.f32 v11, v10;
	v11 =	vmul.f32 v2, v2;
	_ =	sdelay $0x1  }
0x6d: {  	v10 =	vadd.f32 v11, v10;
	_ =	sdelay $0x1  }
0x6e: {  	v11 =	vshrl.u32 v10, $0x1;
	v17 =	vmul.f32 $5.000000000e-01, v10  }
0x6f: {  	v11 =	vsub.s32 $0x5F3759DF, v11  }
0x70: {  	v18 =	vmul.f32 v11, v17;
	_ =	sdelay $0x1  }
0x71: {  	v18 =	vmul.f32 v11, v18;
	_ =	sdelay $0x1  }
0x72: {  	v18 =	vsub.f32 $1.500000000e+00, v18;
	_ =	sdelay $0x1  }
0x73: {  	v11 =	vmul.f32 v11, v18;
	_ =	sdelay $0x1  }
0x74: {  	v18 =	vmul.f32 v11, v17;
	_ =	sdelay $0x1  }
0x75: {  	v18 =	vmul.f32 v18, v11;
	_ =	sdelay $0x1  }
0x76: {  	v18 =	vsub.f32 $1.500000000e+00, v18;
	_ =	sdelay $0x1  }
0x77: {  	v11 =	vmul.f32 v18, v11;
	_ =	sdelay $0x1  }
0x78: {  	v17 =	vmul.f32 v11, v17;
	_ =	sdelay $0x1  }
0x79: {  	v17 =	vmul.f32 v17, v11;
	_ =	sdelay $0x1  }
0x7a: {  	v17 =	vsub.f32 $1.500000000e+00, v17;
	_ =	sdelay $0x1  }
0x7b: {  	v11 =	vmul.f32 v17, v11;
	_ =	sdelay $0x1  }
0x7c: {  	v10 =	vmul.f32 v11, v10;
	_ =	sdelay $0x1  }
0x7d: {  	v11 =	vadd.f32 $9.999999930e-09, v10;
	_ =	sdelay $0x1  }
0x7e: {  	(erf) = vrcp.f32 v11;
	_ =	sdelay $0x5  }
0x7f: {  	v11 =	vld [tilespmem:$0x18810];
	_ =	sdelay $0x2  }
0x80: {  	v17 =	vpop (erf)  }
0x81: {  	v4 =	vmul.f32 v17, v4  }
0x82: {  	v18 =	vld [tilespmem:$0x18A10];
	[tilespmem:v13+s18+$0x0] =	vst.idx.msk $0xffff, v11;
	v9 =	vmul.f32 v17, v9  }
0x83: {  	v2 =	vmul.f32 v17, v2;
	[tilespmem:v14+s18+$0x0] =	vst.idx.msk $0xffff, v4  }
0x84: {  	[tilespmem:v15+s18+$0x0] =	vst.idx.msk $0xffff, v9  }
0x85: {  	[tilespmem:v16+s18+$0x0] =	vst.idx.msk $0xffff, v2  }
0x86: {  	[tilespmem:v20+s18+$0x0] =	vst.idx.msk $0xffff, v10  }
0x87: {  	[tilespmem:v13+s19+$0x0] =	vst.idx.msk $0xffff, v18  }
0x88: {  	[tilespmem:v14+s19+$0x0] =	vst.idx.msk $0xffff, v4  }
0x89: {  	[tilespmem:v15+s19+$0x0] =	vst.idx.msk $0xffff, v9  }
0x8a: {  	[tilespmem:v16+s19+$0x0] =	vst.idx.msk $0xffff, v2  }
0x8b: {  	[tilespmem:v20+s19+$0x0] =	vst.idx.msk $0xffff, v10  }
0x8c: {  	v2 =	vld [tilespmem:$0x18020];
	_ =	sdelay $0x4  }
0x8d: {  	v4 =	vmul.u32 $0x3, v2  }
0x8e: {  	v10 =	vadd.s32 v62, v3  }
0x8f: {  	v3 =	vadd.s32 v63, v3;
	[tilespmem:$0x1A010] =	vst v10;
	v9 =	vadd.s32 $0x1, v4  }
0x90: {  	[tilespmem:$0x1A210] =	vst v3  }
0x91: {  	v10 =	vld.idx.msk [tilespmem:v49+s15+$0x0], $0xffff;
	v3 =	vadd.s32 $0x2, v4  }
0x92: {  	v11 =	vld.idx.msk [tilespmem:v50+s15+$0x0], $0xffff  }
0x93: {  	v4 =	vld.idx.msk [tilespmem:v4+s2+$0x0], $0xffff  }
0x94: {  	v9 =	vld.idx.msk [tilespmem:v9+s2+$0x0], $0xffff  }
0x95: {  	v17 =	vld.idx.msk [tilespmem:v51+s15+$0x0], $0xffff  }
0x96: {  	v3 =	vld.idx.msk [tilespmem:v3+s2+$0x0], $0xffff;
	_ =	sdelay $0x2  }
0x97: {  	v4 =	vsub.f32 v10, v4;
	v9 =	vsub.f32 v11, v9;
	_ =	sdelay $0x1  }
0x98: {  	v3 =	vsub.f32 v17, v3;
	v10 =	vmul.f32 v4, v4;
	v11 =	vmul.f32 v9, v9;
	_ =	sdelay $0x1  }
0x99: {  	v10 =	vadd.f32 v11, v10;
	v11 =	vmul.f32 v3, v3;
	_ =	sdelay $0x1  }
0x9a: {  	v10 =	vadd.f32 v11, v10;
	_ =	sdelay $0x1  }
0x9b: {  	v11 =	vshrl.u32 v10, $0x1;
	v17 =	vmul.f32 $5.000000000e-01, v10  }
0x9c: {  	v11 =	vsub.s32 $0x5F3759DF, v11  }
0x9d: {  	v18 =	vmul.f32 v11, v17;
	_ =	sdelay $0x1  }
0x9e: {  	v18 =	vmul.f32 v11, v18;
	_ =	sdelay $0x1  }
0x9f: {  	v18 =	vsub.f32 $1.500000000e+00, v18;
	_ =	sdelay $0x1  }
0xa0: {  	v11 =	vmul.f32 v11, v18;
	_ =	sdelay $0x1  }
0xa1: {  	v18 =	vmul.f32 v11, v17;
	_ =	sdelay $0x1  }
0xa2: {  	v18 =	vmul.f32 v18, v11;
	_ =	sdelay $0x1  }
0xa3: {  	v18 =	vsub.f32 $1.500000000e+00, v18;
	_ =	sdelay $0x1  }
0xa4: {  	v11 =	vmul.f32 v18, v11;
	_ =	sdelay $0x1  }
0xa5: {  	v17 =	vmul.f32 v11, v17;
	_ =	sdelay $0x1  }
0xa6: {  	v17 =	vmul.f32 v17, v11;
	_ =	sdelay $0x1  }
0xa7: {  	v17 =	vsub.f32 $1.500000000e+00, v17;
	_ =	sdelay $0x1  }
0xa8: {  	v11 =	vmul.f32 v17, v11;
	_ =	sdelay $0x1  }
0xa9: {  	v10 =	vmul.f32 v11, v10;
	_ =	sdelay $0x1  }
0xaa: {  	v11 =	vadd.f32 $9.999999930e-09, v10;
	_ =	sdelay $0x1  }
0xab: {  	(erf) = vrcp.f32 v11;
	_ =	sdelay $0x5  }
0xac: {  	v11 =	vld [tilespmem:$0x18820];
	_ =	sdelay $0x2  }
0xad: {  	v17 =	vpop (erf)  }
0xae: {  	v4 =	vmul.f32 v17, v4  }
0xaf: {  	v18 =	vld [tilespmem:$0x18A20];
	[tilespmem:v21+s18+$0x0] =	vst.idx.msk $0xffff, v11;
	v9 =	vmul.f32 v17, v9  }
0xb0: {  	v3 =	vmul.f32 v17, v3;
	[tilespmem:v22+s18+$0x0] =	vst.idx.msk $0xffff, v4  }
0xb1: {  	[tilespmem:v23+s18+$0x0] =	vst.idx.msk $0xffff, v9  }
0xb2: {  	[tilespmem:v24+s18+$0x0] =	vst.idx.msk $0xffff, v3  }
0xb3: {  	[tilespmem:v28+s18+$0x0] =	vst.idx.msk $0xffff, v10  }
0xb4: {  	[tilespmem:v21+s19+$0x0] =	vst.idx.msk $0xffff, v18  }
0xb5: {  	[tilespmem:v22+s19+$0x0] =	vst.idx.msk $0xffff, v4  }
0xb6: {  	[tilespmem:v23+s19+$0x0] =	vst.idx.msk $0xffff, v9  }
0xb7: {  	[tilespmem:v24+s19+$0x0] =	vst.idx.msk $0xffff, v3  }
0xb8: {  	[tilespmem:v28+s19+$0x0] =	vst.idx.msk $0xffff, v10  }
0xb9: {  	v3 =	vld [tilespmem:$0x18030];
	_ =	sdelay $0x4  }
0xba: {  	v4 =	vmul.u32 $0x3, v3  }
0xbb: {  	v10 =	vadd.s32 v62, v2  }
0xbc: {  	v2 =	vadd.s32 v63, v2;
	[tilespmem:$0x1A020] =	vst v10;
	v9 =	vadd.s32 $0x1, v4  }
0xbd: {  	[tilespmem:$0x1A220] =	vst v2  }
0xbe: {  	v10 =	vld.idx.msk [tilespmem:v57+s15+$0x0], $0xffff;
	v2 =	vadd.s32 $0x2, v4  }
0xbf: {  	v11 =	vld.idx.msk [tilespmem:v58+s15+$0x0], $0xffff  }
0xc0: {  	v4 =	vld.idx.msk [tilespmem:v4+s2+$0x0], $0xffff  }
0xc1: {  	v9 =	vld.idx.msk [tilespmem:v9+s2+$0x0], $0xffff  }
0xc2: {  	v17 =	vld.idx.msk [tilespmem:v59+s15+$0x0], $0xffff  }
0xc3: {  	v2 =	vld.idx.msk [tilespmem:v2+s2+$0x0], $0xffff;
	_ =	sdelay $0x2  }
0xc4: {  	v4 =	vsub.f32 v10, v4;
	v9 =	vsub.f32 v11, v9;
	_ =	sdelay $0x1  }
0xc5: {  	v2 =	vsub.f32 v17, v2;
	v10 =	vmul.f32 v4, v4;
	v11 =	vmul.f32 v9, v9;
	_ =	sdelay $0x1  }
0xc6: {  	v10 =	vadd.f32 v11, v10;
	v11 =	vmul.f32 v2, v2;
	_ =	sdelay $0x1  }
0xc7: {  	v10 =	vadd.f32 v11, v10;
	_ =	sdelay $0x1  }
0xc8: {  	v11 =	vshrl.u32 v10, $0x1;
	v17 =	vmul.f32 $5.000000000e-01, v10  }
0xc9: {  	v11 =	vsub.s32 $0x5F3759DF, v11  }
0xca: {  	v18 =	vmul.f32 v11, v17;
	_ =	sdelay $0x1  }
0xcb: {  	v18 =	vmul.f32 v11, v18;
	_ =	sdelay $0x1  }
0xcc: {  	v18 =	vsub.f32 $1.500000000e+00, v18;
	_ =	sdelay $0x1  }
0xcd: {  	v11 =	vmul.f32 v11, v18;
	_ =	sdelay $0x1  }
0xce: {  	v18 =	vmul.f32 v11, v17;
	_ =	sdelay $0x1  }
0xcf: {  	v18 =	vmul.f32 v18, v11;
	_ =	sdelay $0x1  }
0xd0: {  	v18 =	vsub.f32 $1.500000000e+00, v18;
	_ =	sdelay $0x1  }
0xd1: {  	v11 =	vmul.f32 v18, v11;
	_ =	sdelay $0x1  }
0xd2: {  	v17 =	vmul.f32 v11, v17;
	_ =	sdelay $0x1  }
0xd3: {  	v17 =	vmul.f32 v17, v11;
	_ =	sdelay $0x1  }
0xd4: {  	v17 =	vsub.f32 $1.500000000e+00, v17;
	_ =	sdelay $0x1  }
0xd5: {  	v11 =	vmul.f32 v17, v11;
	_ =	sdelay $0x1  }
0xd6: {  	v10 =	vmul.f32 v11, v10;
	_ =	sdelay $0x1  }
0xd7: {  	v11 =	vadd.f32 $9.999999930e-09, v10;
	_ =	sdelay $0x1  }
0xd8: {  	(erf) = vrcp.f32 v11;
	_ =	sdelay $0x5  }
0xd9: {  	v11 =	vld [tilespmem:$0x18830];
	_ =	sdelay $0x2  }
0xda: {  	v17 =	vpop (erf)  }
0xdb: {  	v4 =	vmul.f32 v17, v4  }
0xdc: {  	v18 =	vld [tilespmem:$0x18A30];
	[tilespmem:v29+s18+$0x0] =	vst.idx.msk $0xffff, v11;
	v9 =	vmul.f32 v17, v9  }
0xdd: {  	v2 =	vmul.f32 v17, v2;
	[tilespmem:v30+s18+$0x0] =	vst.idx.msk $0xffff, v4  }
0xde: {  	[tilespmem:v31+s18+$0x0] =	vst.idx.msk $0xffff, v9  }
0xdf: {  	[tilespmem:v32+s18+$0x0] =	vst.idx.msk $0xffff, v2  }
0xe0: {  	[tilespmem:v36+s18+$0x0] =	vst.idx.msk $0xffff, v10  }
0xe1: {  	[tilespmem:v29+s19+$0x0] =	vst.idx.msk $0xffff, v18  }
0xe2: {  	[tilespmem:v30+s19+$0x0] =	vst.idx.msk $0xffff, v4  }
0xe3: {  	[tilespmem:v31+s19+$0x0] =	vst.idx.msk $0xffff, v9  }
0xe4: {  	[tilespmem:v32+s19+$0x0] =	vst.idx.msk $0xffff, v2  }
0xe5: {  	[tilespmem:v36+s19+$0x0] =	vst.idx.msk $0xffff, v10  }
0xe6: {  	v2 =	vld [tilespmem:$0x18040];
	_ =	sdelay $0x4  }
0xe7: {  	v4 =	vmul.u32 $0x3, v2  }
0xe8: {  	v10 =	vadd.s32 v62, v3  }
0xe9: {  	v3 =	vadd.s32 v63, v3;
	[tilespmem:$0x1A030] =	vst v10;
	v9 =	vadd.s32 $0x1, v4  }
0xea: {  	[tilespmem:$0x1A230] =	vst v3  }
0xeb: {  	v10 =	vld.idx.msk [tilespmem:v5+s15+$0x0], $0xffff;
	v3 =	vadd.s32 $0x2, v4  }
0xec: {  	v11 =	vld.idx.msk [tilespmem:v37+s15+$0x0], $0xffff  }
0xed: {  	v4 =	vld.idx.msk [tilespmem:v4+s2+$0x0], $0xffff  }
0xee: {  	v9 =	vld.idx.msk [tilespmem:v9+s2+$0x0], $0xffff  }
0xef: {  	v17 =	vld.idx.msk [tilespmem:v38+s15+$0x0], $0xffff  }
0xf0: {  	v3 =	vld.idx.msk [tilespmem:v3+s2+$0x0], $0xffff;
	_ =	sdelay $0x2  }
0xf1: {  	v4 =	vsub.f32 v10, v4;
	v9 =	vsub.f32 v11, v9;
	_ =	sdelay $0x1  }
0xf2: {  	v3 =	vsub.f32 v17, v3;
	v10 =	vmul.f32 v4, v4;
	v11 =	vmul.f32 v9, v9;
	_ =	sdelay $0x1  }
0xf3: {  	v10 =	vadd.f32 v11, v10;
	v11 =	vmul.f32 v3, v3;
	_ =	sdelay $0x1  }
0xf4: {  	v10 =	vadd.f32 v11, v10;
	_ =	sdelay $0x1  }
0xf5: {  	v11 =	vshrl.u32 v10, $0x1;
	v17 =	vmul.f32 $5.000000000e-01, v10  }
0xf6: {  	v11 =	vsub.s32 $0x5F3759DF, v11  }
0xf7: {  	v18 =	vmul.f32 v11, v17;
	_ =	sdelay $0x1  }
0xf8: {  	v18 =	vmul.f32 v11, v18;
	_ =	sdelay $0x1  }
0xf9: {  	v18 =	vsub.f32 $1.500000000e+00, v18;
	_ =	sdelay $0x1  }
0xfa: {  	v11 =	vmul.f32 v11, v18;
	_ =	sdelay $0x1  }
0xfb: {  	v18 =	vmul.f32 v11, v17;
	_ =	sdelay $0x1  }
0xfc: {  	v18 =	vmul.f32 v18, v11;
	_ =	sdelay $0x1  }
0xfd: {  	v18 =	vsub.f32 $1.500000000e+00, v18;
	_ =	sdelay $0x1  }
0xfe: {  	v11 =	vmul.f32 v18, v11;
	_ =	sdelay $0x1  }
0xff: {  	v17 =	vmul.f32 v11, v17;
	_ =	sdelay $0x1  }
0x100: {  	v17 =	vmul.f32 v17, v11;
	_ =	sdelay $0x1  }
0x101: {  	v17 =	vsub.f32 $1.500000000e+00, v17;
	_ =	sdelay $0x1  }
0x102: {  	v11 =	vmul.f32 v17, v11;
	_ =	sdelay $0x1  }
0x103: {  	v10 =	vmul.f32 v11, v10;
	_ =	sdelay $0x1  }
0x104: {  	v11 =	vadd.f32 $9.999999930e-09, v10;
	_ =	sdelay $0x1  }
0x105: {  	(erf) = vrcp.f32 v11;
	_ =	sdelay $0x5  }
0x106: {  	v11 =	vld [tilespmem:$0x18840];
	_ =	sdelay $0x2  }
0x107: {  	v17 =	vpop (erf)  }
0x108: {  	v4 =	vmul.f32 v17, v4  }
0x109: {  	v18 =	vld [tilespmem:$0x18A40];
	[tilespmem:v39+s18+$0x0] =	vst.idx.msk $0xffff, v11;
	v9 =	vmul.f32 v17, v9  }
0x10a: {  	v3 =	vmul.f32 v17, v3;
	[tilespmem:v40+s18+$0x0] =	vst.idx.msk $0xffff, v4  }
0x10b: {  	[tilespmem:v44+s18+$0x0] =	vst.idx.msk $0xffff, v9  }
0x10c: {  	[tilespmem:v45+s18+$0x0] =	vst.idx.msk $0xffff, v3  }
0x10d: {  	[tilespmem:v46+s18+$0x0] =	vst.idx.msk $0xffff, v10  }
0x10e: {  	[tilespmem:v39+s19+$0x0] =	vst.idx.msk $0xffff, v18  }
0x10f: {  	[tilespmem:v40+s19+$0x0] =	vst.idx.msk $0xffff, v4  }
0x110: {  	[tilespmem:v44+s19+$0x0] =	vst.idx.msk $0xffff, v9  }
0x111: {  	[tilespmem:v45+s19+$0x0] =	vst.idx.msk $0xffff, v3  }
0x112: {  	[tilespmem:v46+s19+$0x0] =	vst.idx.msk $0xffff, v10  }
0x113: {  	v3 =	vld [tilespmem:$0x18050];
	_ =	sdelay $0x4  }
0x114: {  	v4 =	vmul.u32 $0x3, v3  }
0x115: {  	v10 =	vadd.s32 v62, v2  }
0x116: {  	v2 =	vadd.s32 v63, v2;
	[tilespmem:$0x1A040] =	vst v10;
	v9 =	vadd.s32 $0x1, v4  }
0x117: {  	[tilespmem:$0x1A240] =	vst v2  }
0x118: {  	v10 =	vld.idx.msk [tilespmem:v47+s15+$0x0], $0xffff;
	v2 =	vadd.s32 $0x2, v4  }
0x119: {  	v11 =	vld.idx.msk [tilespmem:v48+s15+$0x0], $0xffff  }
0x11a: {  	v4 =	vld.idx.msk [tilespmem:v4+s2+$0x0], $0xffff  }
0x11b: {  	v9 =	vld.idx.msk [tilespmem:v9+s2+$0x0], $0xffff  }
0x11c: {  	v17 =	vld.idx.msk [tilespmem:v52+s15+$0x0], $0xffff  }
0x11d: {  	v2 =	vld.idx.msk [tilespmem:v2+s2+$0x0], $0xffff;
	_ =	sdelay $0x2  }
0x11e: {  	v4 =	vsub.f32 v10, v4;
	v9 =	vsub.f32 v11, v9;
	_ =	sdelay $0x1  }
0x11f: {  	v2 =	vsub.f32 v17, v2;
	v10 =	vmul.f32 v4, v4;
	v11 =	vmul.f32 v9, v9;
	_ =	sdelay $0x1  }
0x120: {  	v10 =	vadd.f32 v11, v10;
	v11 =	vmul.f32 v2, v2;
	_ =	sdelay $0x1  }
0x121: {  	v10 =	vadd.f32 v11, v10;
	_ =	sdelay $0x1  }
0x122: {  	v11 =	vshrl.u32 v10, $0x1;
	v17 =	vmul.f32 $5.000000000e-01, v10  }
0x123: {  	v11 =	vsub.s32 $0x5F3759DF, v11  }
0x124: {  	v18 =	vmul.f32 v11, v17;
	_ =	sdelay $0x1  }
0x125: {  	v18 =	vmul.f32 v11, v18;
	_ =	sdelay $0x1  }
0x126: {  	v18 =	vsub.f32 $1.500000000e+00, v18;
	_ =	sdelay $0x1  }
0x127: {  	v11 =	vmul.f32 v11, v18;
	_ =	sdelay $0x1  }
0x128: {  	v18 =	vmul.f32 v11, v17;
	_ =	sdelay $0x1  }
0x129: {  	v18 =	vmul.f32 v18, v11;
	_ =	sdelay $0x1  }
0x12a: {  	v18 =	vsub.f32 $1.500000000e+00, v18;
	_ =	sdelay $0x1  }
0x12b: {  	v11 =	vmul.f32 v18, v11;
	_ =	sdelay $0x1  }
0x12c: {  	v17 =	vmul.f32 v11, v17;
	_ =	sdelay $0x1  }
0x12d: {  	v17 =	vmul.f32 v17, v11;
	_ =	sdelay $0x1  }
0x12e: {  	v17 =	vsub.f32 $1.500000000e+00, v17;
	_ =	sdelay $0x1  }
0x12f: {  	v11 =	vmul.f32 v17, v11;
	_ =	sdelay $0x1  }
0x130: {  	v10 =	vmul.f32 v11, v10;
	_ =	sdelay $0x1  }
0x131: {  	v11 =	vadd.f32 $9.999999930e-09, v10;
	_ =	sdelay $0x1  }
0x132: {  	(erf) = vrcp.f32 v11;
	_ =	sdelay $0x5  }
0x133: {  	v11 =	vld [tilespmem:$0x18850];
	_ =	sdelay $0x2  }
0x134: {  	v17 =	vpop (erf)  }
0x135: {  	v4 =	vmul.f32 v17, v4  }
0x136: {  	v18 =	vld [tilespmem:$0x18A50];
	[tilespmem:v53+s18+$0x0] =	vst.idx.msk $0xffff, v11;
	v9 =	vmul.f32 v17, v9  }
0x137: {  	v2 =	vmul.f32 v17, v2;
	[tilespmem:v54+s18+$0x0] =	vst.idx.msk $0xffff, v4  }
0x138: {  	[tilespmem:v55+s18+$0x0] =	vst.idx.msk $0xffff, v9  }
0x139: {  	[tilespmem:v56+s18+$0x0] =	vst.idx.msk $0xffff, v2  }
0x13a: {  	[tilespmem:v60+s18+$0x0] =	vst.idx.msk $0xffff, v10  }
0x13b: {  	[tilespmem:v53+s19+$0x0] =	vst.idx.msk $0xffff, v18  }
0x13c: {  	[tilespmem:v54+s19+$0x0] =	vst.idx.msk $0xffff, v4  }
0x13d: {  	[tilespmem:v55+s19+$0x0] =	vst.idx.msk $0xffff, v9  }
0x13e: {  	[tilespmem:v56+s19+$0x0] =	vst.idx.msk $0xffff, v2  }
0x13f: {  	[tilespmem:v60+s19+$0x0] =	vst.idx.msk $0xffff, v10  }
0x140: {  	v2 =	vld [tilespmem:$0x18060];
	_ =	sdelay $0x4  }
0x141: {  	v4 =	vmul.u32 $0x3, v2  }
0x142: {  	v10 =	vadd.s32 v62, v3  }
0x143: {  	v3 =	vadd.s32 v63, v3;
	[tilespmem:$0x1A050] =	vst v10;
	v9 =	vadd.s32 $0x1, v4  }
0x144: {  	[tilespmem:$0x1A250] =	vst v3  }
0x145: {  	v10 =	vld.idx.msk [tilespmem:v61+s15+$0x0], $0xffff;
	v3 =	vadd.s32 $0x2, v4  }
0x146: {  	v11 =	vld.idx.msk [tilespmem:v25+s15+$0x0], $0xffff  }
0x147: {  	v4 =	vld.idx.msk [tilespmem:v4+s2+$0x0], $0xffff  }
0x148: {  	v9 =	vld.idx.msk [tilespmem:v9+s2+$0x0], $0xffff  }
0x149: {  	v17 =	vld.idx.msk [tilespmem:v26+s15+$0x0], $0xffff  }
0x14a: {  	v3 =	vld.idx.msk [tilespmem:v3+s2+$0x0], $0xffff;
	_ =	sdelay $0x2  }
0x14b: {  	v4 =	vsub.f32 v10, v4;
	v9 =	vsub.f32 v11, v9;
	_ =	sdelay $0x1  }
0x14c: {  	v3 =	vsub.f32 v17, v3;
	v10 =	vmul.f32 v4, v4;
	v11 =	vmul.f32 v9, v9;
	_ =	sdelay $0x1  }
0x14d: {  	v10 =	vadd.f32 v11, v10;
	v11 =	vmul.f32 v3, v3;
	_ =	sdelay $0x1  }
0x14e: {  	v10 =	vadd.f32 v11, v10;
	_ =	sdelay $0x1  }
0x14f: {  	v11 =	vshrl.u32 v10, $0x1;
	v17 =	vmul.f32 $5.000000000e-01, v10  }
0x150: {  	v11 =	vsub.s32 $0x5F3759DF, v11  }
0x151: {  	v18 =	vmul.f32 v11, v17;
	_ =	sdelay $0x1  }
0x152: {  	v18 =	vmul.f32 v11, v18;
	_ =	sdelay $0x1  }
0x153: {  	v18 =	vsub.f32 $1.500000000e+00, v18;
	_ =	sdelay $0x1  }
0x154: {  	v11 =	vmul.f32 v11, v18;
	_ =	sdelay $0x1  }
0x155: {  	v18 =	vmul.f32 v11, v17;
	_ =	sdelay $0x1  }
0x156: {  	v18 =	vmul.f32 v18, v11;
	_ =	sdelay $0x1  }
0x157: {  	v18 =	vsub.f32 $1.500000000e+00, v18;
	_ =	sdelay $0x1  }
0x158: {  	v11 =	vmul.f32 v18, v11;
	_ =	sdelay $0x1  }
0x159: {  	v17 =	vmul.f32 v11, v17;
	_ =	sdelay $0x1  }
0x15a: {  	v17 =	vmul.f32 v17, v11;
	_ =	sdelay $0x1  }
0x15b: {  	v17 =	vsub.f32 $1.500000000e+00, v17;
	_ =	sdelay $0x1  }
0x15c: {  	v11 =	vmul.f32 v17, v11;
	_ =	sdelay $0x1  }
0x15d: {  	v10 =	vmul.f32 v11, v10;
	_ =	sdelay $0x1  }
0x15e: {  	v11 =	vadd.f32 $9.999999930e-09, v10;
	_ =	sdelay $0x1  }
0x15f: {  	(erf) = vrcp.f32 v11;
	_ =	sdelay $0x4  }
0x160: {  	v11 =	vld [tilespmem:$0x18860];
	_ =	sdelay $0x3  }
0x161: {  	v18 =	vld [tilespmem:$0x18A60];
	v17 =	vpop (erf)  }
0x162: {  	[tilespmem:v27+s18+$0x0] =	vst.idx.msk $0xffff, v11;
	v11 =	vld [tilespmem:$0x1FF40];
	v4 =	vmul.f32 v17, v4  }
0x163: {  	v9 =	vmul.f32 v17, v9;
	v3 =	vmul.f32 v17, v3;
	v17 =	vld [tilespmem:$0x1FF50];
	_ =	sdelay $0x4  }
0x164: {  	[tilespmem:v42+s18+$0x0] =	vst.idx.msk $0xffff, v4  }
0x165: {  	[tilespmem:v33+s18+$0x0] =	vst.idx.msk $0xffff, v9  }
0x166: {  	[tilespmem:v11+s18+$0x0] =	vst.idx.msk $0xffff, v3  }
0x167: {  	[tilespmem:v17+s18+$0x0] =	vst.idx.msk $0xffff, v10  }
0x168: {  	[tilespmem:v27+s19+$0x0] =	vst.idx.msk $0xffff, v18  }
0x169: {  	[tilespmem:v42+s19+$0x0] =	vst.idx.msk $0xffff, v4  }
0x16a: {  	[tilespmem:v33+s19+$0x0] =	vst.idx.msk $0xffff, v9  }
0x16b: {  	[tilespmem:v11+s19+$0x0] =	vst.idx.msk $0xffff, v3  }
0x16c: {  	[tilespmem:v17+s19+$0x0] =	vst.idx.msk $0xffff, v10  }
0x16d: {  	v3 =	vld [tilespmem:$0x18070]  }
0x16e: {  	v11 =	vld [tilespmem:$0x1FF70];
	v10 =	vadd.s32 v62, v2  }
0x16f: {  	[tilespmem:$0x1A060] =	vst v10;
	v10 =	vld [tilespmem:$0x1FF60];
	_ =	sdelay $0x2  }
0x170: {  	v17 =	vld [tilespmem:$0x1FF80];
	v4 =	vmul.u32 $0x3, v3;
	_ =	sdelay $0x1  }
0x171: {  	v2 =	vadd.s32 v63, v2;
	v9 =	vadd.s32 $0x1, v4  }
0x172: {  	[tilespmem:$0x1A260] =	vst v2  }
0x173: {  	v11 =	vld.idx.msk [tilespmem:v11+s15+$0x0], $0xffff;
	v2 =	vadd.s32 $0x2, v4  }
0x174: {  	v10 =	vld.idx.msk [tilespmem:v10+s15+$0x0], $0xffff  }
0x175: {  	v4 =	vld.idx.msk [tilespmem:v4+s2+$0x0], $0xffff  }
0x176: {  	v9 =	vld.idx.msk [tilespmem:v9+s2+$0x0], $0xffff  }
0x177: {  	v17 =	vld.idx.msk [tilespmem:v17+s15+$0x0], $0xffff  }
0x178: {  	v2 =	vld.idx.msk [tilespmem:v2+s2+$0x0], $0xffff;
	_ =	sdelay $0x2  }
0x179: {  	v4 =	vsub.f32 v10, v4;
	v9 =	vsub.f32 v11, v9;
	_ =	sdelay $0x1  }
0x17a: {  	v2 =	vsub.f32 v17, v2;
	v10 =	vmul.f32 v4, v4;
	v11 =	vmul.f32 v9, v9;
	_ =	sdelay $0x1  }
0x17b: {  	v10 =	vadd.f32 v11, v10;
	v11 =	vmul.f32 v2, v2;
	_ =	sdelay $0x1  }
0x17c: {  	v10 =	vadd.f32 v11, v10;
	_ =	sdelay $0x1  }
0x17d: {  	v11 =	vshrl.u32 v10, $0x1;
	v17 =	vmul.f32 $5.000000000e-01, v10  }
0x17e: {  	v11 =	vsub.s32 $0x5F3759DF, v11  }
0x17f: {  	v18 =	vmul.f32 v11, v17;
	_ =	sdelay $0x1  }
0x180: {  	v18 =	vmul.f32 v11, v18;
	_ =	sdelay $0x1  }
0x181: {  	v18 =	vsub.f32 $1.500000000e+00, v18;
	_ =	sdelay $0x1  }
0x182: {  	v11 =	vmul.f32 v11, v18;
	_ =	sdelay $0x1  }
0x183: {  	v18 =	vmul.f32 v11, v17;
	_ =	sdelay $0x1  }
0x184: {  	v18 =	vmul.f32 v18, v11;
	_ =	sdelay $0x1  }
0x185: {  	v18 =	vsub.f32 $1.500000000e+00, v18;
	_ =	sdelay $0x1  }
0x186: {  	v11 =	vmul.f32 v18, v11;
	_ =	sdelay $0x1  }
0x187: {  	v17 =	vmul.f32 v11, v17;
	_ =	sdelay $0x1  }
0x188: {  	v17 =	vmul.f32 v17, v11;
	_ =	sdelay $0x1  }
0x189: {  	v17 =	vsub.f32 $1.500000000e+00, v17;
	_ =	sdelay $0x1  }
0x18a: {  	v11 =	vmul.f32 v17, v11;
	_ =	sdelay $0x1  }
0x18b: {  	v10 =	vmul.f32 v11, v10  }
0x18c: {  	v43 =	vmov v5;
	v5 =	vld [tilespmem:$0x1FF90]  }
0x18d: {  	v11 =	vadd.f32 $9.999999930e-09, v10;
	_ =	sdelay $0x1  }
0x18e: {  	(erf) = vrcp.f32 v11;
	v11 =	vld [tilespmem:$0x18870];
	_ =	sdelay $0x3  }
0x18f: {  	v41 =	vmov v6;
	v6 =	vmov v25;
	v25 =	vld [tilespmem:$0x18A70]  }
0x190: {  	[tilespmem:v5+s18+$0x0] =	vst.idx.msk $0xffff, v11;
	v11 =	vld [tilespmem:$0x1FFA0];
	_ =	sdelay $0x3  }
0x191: {  	v17 =	vadd.s32 $0x232, v1  }
0x192: {  	v19 =	vadd.s32 $0x233, v1;
	v18 =	vpop (erf)  }
0x193: {  	v26 =	vadd.s32 $0x234, v1;
	v4 =	vmul.f32 v18, v4  }
0x194: {  	v9 =	vmul.f32 v18, v9  }
0x195: {  	v2 =	vmul.f32 v18, v2;
	[tilespmem:v11+s18+$0x0] =	vst.idx.msk $0xffff, v4  }
0x196: {  	[tilespmem:v17+s18+$0x0] =	vst.idx.msk $0xffff, v9  }
0x197: {  	[tilespmem:v19+s18+$0x0] =	vst.idx.msk $0xffff, v2  }
0x198: {  	[tilespmem:v26+s18+$0x0] =	vst.idx.msk $0xffff, v10  }
0x199: {  	[tilespmem:v5+s19+$0x0] =	vst.idx.msk $0xffff, v25  }
0x19a: {  	[tilespmem:v11+s19+$0x0] =	vst.idx.msk $0xffff, v4  }
0x19b: {  	[tilespmem:v17+s19+$0x0] =	vst.idx.msk $0xffff, v9  }
0x19c: {  	[tilespmem:v19+s19+$0x0] =	vst.idx.msk $0xffff, v2  }
0x19d: {  	[tilespmem:v26+s19+$0x0] =	vst.idx.msk $0xffff, v10  }
0x19e: {  	v2 =	vld [tilespmem:$0x18080];
	_ =	sdelay $0x3  }
0x19f: {  	v11 =	vor.u32 $0x180, v0;
	v10 =	vadd.s32 v62, v3  }
0x1a0: {  	[tilespmem:$0x1A070] =	vst v10;
	v10 =	vadd.s32 $0x181, v0;
	v4 =	vmul.u32 $0x3, v2;
	_ =	sdelay $0x1  }
0x1a1: {  	v3 =	vadd.s32 v63, v3;
	v9 =	vadd.s32 $0x1, v4  }
0x1a2: {  	v17 =	vadd.s32 $0x182, v0;
	[tilespmem:$0x1A270] =	vst v3  }
0x1a3: {  	v11 =	vld.idx.msk [tilespmem:v11+s15+$0x0], $0xffff;
	v3 =	vadd.s32 $0x2, v4  }
0x1a4: {  	v10 =	vld.idx.msk [tilespmem:v10+s15+$0x0], $0xffff  }
0x1a5: {  	v4 =	vld.idx.msk [tilespmem:v4+s2+$0x0], $0xffff  }
0x1a6: {  	v9 =	vld.idx.msk [tilespmem:v9+s2+$0x0], $0xffff  }
0x1a7: {  	v17 =	vld.idx.msk [tilespmem:v17+s15+$0x0], $0xffff  }
0x1a8: {  	v3 =	vld.idx.msk [tilespmem:v3+s2+$0x0], $0xffff;
	_ =	sdelay $0x2  }
0x1a9: {  	v4 =	vsub.f32 v11, v4;
	v9 =	vsub.f32 v10, v9;
	_ =	sdelay $0x1  }
0x1aa: {  	v3 =	vsub.f32 v17, v3;
	v10 =	vmul.f32 v4, v4;
	v11 =	vmul.f32 v9, v9;
	_ =	sdelay $0x1  }
0x1ab: {  	v10 =	vadd.f32 v11, v10;
	v11 =	vmul.f32 v3, v3;
	_ =	sdelay $0x1  }
0x1ac: {  	v10 =	vadd.f32 v11, v10;
	_ =	sdelay $0x1  }
0x1ad: {  	v11 =	vshrl.u32 v10, $0x1;
	v17 =	vmul.f32 $5.000000000e-01, v10  }
0x1ae: {  	v11 =	vsub.s32 $0x5F3759DF, v11  }
0x1af: {  	v18 =	vmul.f32 v11, v17;
	_ =	sdelay $0x1  }
0x1b0: {  	v18 =	vmul.f32 v11, v18;
	_ =	sdelay $0x1  }
0x1b1: {  	v18 =	vsub.f32 $1.500000000e+00, v18;
	_ =	sdelay $0x1  }
0x1b2: {  	v11 =	vmul.f32 v11, v18;
	_ =	sdelay $0x1  }
0x1b3: {  	v18 =	vmul.f32 v11, v17;
	_ =	sdelay $0x1  }
0x1b4: {  	v18 =	vmul.f32 v18, v11;
	_ =	sdelay $0x1  }
0x1b5: {  	v18 =	vsub.f32 $1.500000000e+00, v18;
	_ =	sdelay $0x1  }
0x1b6: {  	v11 =	vmul.f32 v18, v11;
	_ =	sdelay $0x1  }
0x1b7: {  	v17 =	vmul.f32 v11, v17;
	_ =	sdelay $0x1  }
0x1b8: {  	v17 =	vmul.f32 v17, v11;
	_ =	sdelay $0x1  }
0x1b9: {  	v17 =	vsub.f32 $1.500000000e+00, v17;
	_ =	sdelay $0x1  }
0x1ba: {  	v11 =	vmul.f32 v17, v11;
	_ =	sdelay $0x1  }
0x1bb: {  	v10 =	vmul.f32 v11, v10;
	_ =	sdelay $0x1  }
0x1bc: {  	v11 =	vadd.f32 $9.999999930e-09, v10;
	_ =	sdelay $0x1  }
0x1bd: {  	(erf) = vrcp.f32 v11;
	_ =	sdelay $0x5  }
0x1be: {  	v17 =	vor.u32 $0x280, v1;
	v11 =	vld [tilespmem:$0x18880]  }
0x1bf: {  	v18 =	vadd.s32 $0x281, v1  }
0x1c0: {  	v19 =	vadd.s32 $0x282, v1  }
0x1c1: {  	v26 =	vadd.s32 $0x283, v1;
	v25 =	vpop (erf)  }
0x1c2: {  	v33 =	vadd.s32 $0x284, v1;
	v4 =	vmul.f32 v25, v4  }
0x1c3: {  	v5 =	vmov v27;
	v27 =	vld [tilespmem:$0x18A80];
	[tilespmem:v17+s18+$0x0] =	vst.idx.msk $0xffff, v11;
	v9 =	vmul.f32 v25, v9  }
0x1c4: {  	v3 =	vmul.f32 v25, v3;
	[tilespmem:v18+s18+$0x0] =	vst.idx.msk $0xffff, v4  }
0x1c5: {  	[tilespmem:v19+s18+$0x0] =	vst.idx.msk $0xffff, v9  }
0x1c6: {  	[tilespmem:v26+s18+$0x0] =	vst.idx.msk $0xffff, v3  }
0x1c7: {  	[tilespmem:v33+s18+$0x0] =	vst.idx.msk $0xffff, v10  }
0x1c8: {  	[tilespmem:v17+s19+$0x0] =	vst.idx.msk $0xffff, v27  }
0x1c9: {  	[tilespmem:v18+s19+$0x0] =	vst.idx.msk $0xffff, v4  }
0x1ca: {  	[tilespmem:v19+s19+$0x0] =	vst.idx.msk $0xffff, v9  }
0x1cb: {  	[tilespmem:v26+s19+$0x0] =	vst.idx.msk $0xffff, v3  }
0x1cc: {  	[tilespmem:v33+s19+$0x0] =	vst.idx.msk $0xffff, v10  }
0x1cd: {  	v3 =	vld [tilespmem:$0x18090];
	_ =	sdelay $0x3  }
0x1ce: {  	v11 =	vadd.s32 $0x1B0, v0;
	v10 =	vadd.s32 v62, v2  }
0x1cf: {  	[tilespmem:$0x1A080] =	vst v10;
	v10 =	vadd.s32 $0x1B1, v0;
	v4 =	vmul.u32 $0x3, v3;
	_ =	sdelay $0x1  }
0x1d0: {  	v2 =	vadd.s32 v63, v2;
	v9 =	vadd.s32 $0x1, v4  }
0x1d1: {  	v17 =	vadd.s32 $0x1B2, v0;
	[tilespmem:$0x1A280] =	vst v2  }
0x1d2: {  	v11 =	vld.idx.msk [tilespmem:v11+s15+$0x0], $0xffff;
	v2 =	vadd.s32 $0x2, v4  }
0x1d3: {  	v10 =	vld.idx.msk [tilespmem:v10+s15+$0x0], $0xffff  }
0x1d4: {  	v4 =	vld.idx.msk [tilespmem:v4+s2+$0x0], $0xffff  }
0x1d5: {  	v9 =	vld.idx.msk [tilespmem:v9+s2+$0x0], $0xffff  }
0x1d6: {  	v17 =	vld.idx.msk [tilespmem:v17+s15+$0x0], $0xffff  }
0x1d7: {  	v2 =	vld.idx.msk [tilespmem:v2+s2+$0x0], $0xffff;
	_ =	sdelay $0x2  }
0x1d8: {  	v4 =	vsub.f32 v11, v4;
	v9 =	vsub.f32 v10, v9;
	_ =	sdelay $0x1  }
0x1d9: {  	v2 =	vsub.f32 v17, v2;
	v10 =	vmul.f32 v4, v4;
	v11 =	vmul.f32 v9, v9;
	_ =	sdelay $0x1  }
0x1da: {  	v10 =	vadd.f32 v11, v10;
	v11 =	vmul.f32 v2, v2;
	_ =	sdelay $0x1  }
0x1db: {  	v10 =	vadd.f32 v11, v10;
	_ =	sdelay $0x1  }
0x1dc: {  	v11 =	vshrl.u32 v10, $0x1;
	v17 =	vmul.f32 $5.000000000e-01, v10  }
0x1dd: {  	v11 =	vsub.s32 $0x5F3759DF, v11  }
0x1de: {  	v18 =	vmul.f32 v11, v17;
	_ =	sdelay $0x1  }
0x1df: {  	v18 =	vmul.f32 v11, v18;
	_ =	sdelay $0x1  }
0x1e0: {  	v18 =	vsub.f32 $1.500000000e+00, v18;
	_ =	sdelay $0x1  }
0x1e1: {  	v11 =	vmul.f32 v11, v18;
	_ =	sdelay $0x1  }
0x1e2: {  	v18 =	vmul.f32 v11, v17;
	_ =	sdelay $0x1  }
0x1e3: {  	v18 =	vmul.f32 v18, v11;
	_ =	sdelay $0x1  }
0x1e4: {  	v18 =	vsub.f32 $1.500000000e+00, v18;
	_ =	sdelay $0x1  }
0x1e5: {  	v11 =	vmul.f32 v18, v11;
	_ =	sdelay $0x1  }
0x1e6: {  	v17 =	vmul.f32 v11, v17;
	_ =	sdelay $0x1  }
0x1e7: {  	v17 =	vmul.f32 v17, v11;
	_ =	sdelay $0x1  }
0x1e8: {  	v17 =	vsub.f32 $1.500000000e+00, v17;
	_ =	sdelay $0x1  }
0x1e9: {  	v11 =	vmul.f32 v17, v11;
	_ =	sdelay $0x1  }
0x1ea: {  	v10 =	vmul.f32 v11, v10;
	_ =	sdelay $0x1  }
0x1eb: {  	v11 =	vadd.f32 $9.999999930e-09, v10;
	_ =	sdelay $0x1  }
0x1ec: {  	(erf) = vrcp.f32 v11;
	_ =	sdelay $0x5  }
0x1ed: {  	v17 =	vadd.s32 $0x2D0, v1;
	v11 =	vld [tilespmem:$0x18890]  }
0x1ee: {  	v18 =	vadd.s32 $0x2D1, v1  }
0x1ef: {  	v19 =	vadd.s32 $0x2D2, v1  }
0x1f0: {  	v26 =	vadd.s32 $0x2D3, v1;
	v25 =	vpop (erf)  }
0x1f1: {  	v33 =	vadd.s32 $0x2D4, v1;
	v4 =	vmul.f32 v25, v4  }
0x1f2: {  	v27 =	vld [tilespmem:$0x18A90];
	[tilespmem:v17+s18+$0x0] =	vst.idx.msk $0xffff, v11;
	v9 =	vmul.f32 v25, v9  }
0x1f3: {  	v2 =	vmul.f32 v25, v2;
	[tilespmem:v18+s18+$0x0] =	vst.idx.msk $0xffff, v4  }
0x1f4: {  	[tilespmem:v19+s18+$0x0] =	vst.idx.msk $0xffff, v9  }
0x1f5: {  	[tilespmem:v26+s18+$0x0] =	vst.idx.msk $0xffff, v2  }
0x1f6: {  	[tilespmem:v33+s18+$0x0] =	vst.idx.msk $0xffff, v10  }
0x1f7: {  	[tilespmem:v17+s19+$0x0] =	vst.idx.msk $0xffff, v27  }
0x1f8: {  	[tilespmem:v18+s19+$0x0] =	vst.idx.msk $0xffff, v4  }
0x1f9: {  	[tilespmem:v19+s19+$0x0] =	vst.idx.msk $0xffff, v9  }
0x1fa: {  	[tilespmem:v26+s19+$0x0] =	vst.idx.msk $0xffff, v2  }
0x1fb: {  	[tilespmem:v33+s19+$0x0] =	vst.idx.msk $0xffff, v10  }
0x1fc: {  	v2 =	vld [tilespmem:$0x180A0];
	_ =	sdelay $0x3  }
0x1fd: {  	v11 =	vadd.s32 $0x1E0, v0;
	v10 =	vadd.s32 v62, v3  }
0x1fe: {  	[tilespmem:$0x1A090] =	vst v10;
	v10 =	vadd.s32 $0x1E1, v0;
	v4 =	vmul.u32 $0x3, v2;
	_ =	sdelay $0x1  }
0x1ff: {  	v3 =	vadd.s32 v63, v3;
	v9 =	vadd.s32 $0x1, v4  }
0x200: {  	v17 =	vadd.s32 $0x1E2, v0;
	[tilespmem:$0x1A290] =	vst v3  }
0x201: {  	v11 =	vld.idx.msk [tilespmem:v11+s15+$0x0], $0xffff;
	v3 =	vadd.s32 $0x2, v4  }
0x202: {  	v10 =	vld.idx.msk [tilespmem:v10+s15+$0x0], $0xffff  }
0x203: {  	v4 =	vld.idx.msk [tilespmem:v4+s2+$0x0], $0xffff  }
0x204: {  	v9 =	vld.idx.msk [tilespmem:v9+s2+$0x0], $0xffff  }
0x205: {  	v17 =	vld.idx.msk [tilespmem:v17+s15+$0x0], $0xffff  }
0x206: {  	v3 =	vld.idx.msk [tilespmem:v3+s2+$0x0], $0xffff;
	_ =	sdelay $0x2  }
0x207: {  	v4 =	vsub.f32 v11, v4;
	v9 =	vsub.f32 v10, v9;
	_ =	sdelay $0x1  }
0x208: {  	v3 =	vsub.f32 v17, v3;
	v10 =	vmul.f32 v4, v4;
	v11 =	vmul.f32 v9, v9;
	_ =	sdelay $0x1  }
0x209: {  	v10 =	vadd.f32 v11, v10;
	v11 =	vmul.f32 v3, v3;
	_ =	sdelay $0x1  }
0x20a: {  	v10 =	vadd.f32 v11, v10;
	_ =	sdelay $0x1  }
0x20b: {  	v11 =	vshrl.u32 v10, $0x1;
	v17 =	vmul.f32 $5.000000000e-01, v10  }
0x20c: {  	v11 =	vsub.s32 $0x5F3759DF, v11  }
0x20d: {  	v18 =	vmul.f32 v11, v17;
	_ =	sdelay $0x1  }
0x20e: {  	v18 =	vmul.f32 v11, v18;
	_ =	sdelay $0x1  }
0x20f: {  	v18 =	vsub.f32 $1.500000000e+00, v18;
	_ =	sdelay $0x1  }
0x210: {  	v11 =	vmul.f32 v11, v18;
	_ =	sdelay $0x1  }
0x211: {  	v18 =	vmul.f32 v11, v17;
	_ =	sdelay $0x1  }
0x212: {  	v18 =	vmul.f32 v18, v11;
	_ =	sdelay $0x1  }
0x213: {  	v18 =	vsub.f32 $1.500000000e+00, v18;
	_ =	sdelay $0x1  }
0x214: {  	v11 =	vmul.f32 v18, v11;
	_ =	sdelay $0x1  }
0x215: {  	v17 =	vmul.f32 v11, v17;
	_ =	sdelay $0x1  }
0x216: {  	v17 =	vmul.f32 v17, v11;
	_ =	sdelay $0x1  }
0x217: {  	v17 =	vsub.f32 $1.500000000e+00, v17;
	_ =	sdelay $0x1  }
0x218: {  	v11 =	vmul.f32 v17, v11;
	_ =	sdelay $0x1  }
0x219: {  	v10 =	vmul.f32 v11, v10;
	_ =	sdelay $0x1  }
0x21a: {  	v11 =	vadd.f32 $9.999999930e-09, v10;
	_ =	sdelay $0x1  }
0x21b: {  	(erf) = vrcp.f32 v11;
	_ =	sdelay $0x5  }
0x21c: {  	v17 =	vadd.s32 $0x320, v1;
	v11 =	vld [tilespmem:$0x188A0]  }
0x21d: {  	v18 =	vadd.s32 $0x321, v1  }
0x21e: {  	v19 =	vadd.s32 $0x322, v1  }
0x21f: {  	v26 =	vadd.s32 $0x323, v1;
	v25 =	vpop (erf)  }
0x220: {  	v33 =	vadd.s32 $0x324, v1;
	v4 =	vmul.f32 v25, v4  }
0x221: {  	v27 =	vld [tilespmem:$0x18AA0];
	[tilespmem:v17+s18+$0x0] =	vst.idx.msk $0xffff, v11;
	v9 =	vmul.f32 v25, v9  }
0x222: {  	v3 =	vmul.f32 v25, v3;
	[tilespmem:v18+s18+$0x0] =	vst.idx.msk $0xffff, v4  }
0x223: {  	[tilespmem:v19+s18+$0x0] =	vst.idx.msk $0xffff, v9  }
0x224: {  	[tilespmem:v26+s18+$0x0] =	vst.idx.msk $0xffff, v3  }
0x225: {  	[tilespmem:v33+s18+$0x0] =	vst.idx.msk $0xffff, v10  }
0x226: {  	[tilespmem:v17+s19+$0x0] =	vst.idx.msk $0xffff, v27  }
0x227: {  	[tilespmem:v18+s19+$0x0] =	vst.idx.msk $0xffff, v4  }
0x228: {  	[tilespmem:v19+s19+$0x0] =	vst.idx.msk $0xffff, v9  }
0x229: {  	[tilespmem:v26+s19+$0x0] =	vst.idx.msk $0xffff, v3  }
0x22a: {  	[tilespmem:v33+s19+$0x0] =	vst.idx.msk $0xffff, v10  }
0x22b: {  	v3 =	vld [tilespmem:$0x180B0];
	_ =	sdelay $0x3  }
0x22c: {  	v11 =	vadd.s32 $0x210, v0;
	v10 =	vadd.s32 v62, v2  }
0x22d: {  	[tilespmem:$0x1A0A0] =	vst v10;
	v10 =	vadd.s32 $0x211, v0;
	v4 =	vmul.u32 $0x3, v3;
	_ =	sdelay $0x1  }
0x22e: {  	v2 =	vadd.s32 v63, v2;
	v9 =	vadd.s32 $0x1, v4  }
0x22f: {  	v17 =	vadd.s32 $0x212, v0;
	[tilespmem:$0x1A2A0] =	vst v2  }
0x230: {  	v11 =	vld.idx.msk [tilespmem:v11+s15+$0x0], $0xffff;
	v2 =	vadd.s32 $0x2, v4  }
0x231: {  	v10 =	vld.idx.msk [tilespmem:v10+s15+$0x0], $0xffff  }
0x232: {  	v4 =	vld.idx.msk [tilespmem:v4+s2+$0x0], $0xffff  }
0x233: {  	v9 =	vld.idx.msk [tilespmem:v9+s2+$0x0], $0xffff  }
0x234: {  	v17 =	vld.idx.msk [tilespmem:v17+s15+$0x0], $0xffff  }
0x235: {  	v2 =	vld.idx.msk [tilespmem:v2+s2+$0x0], $0xffff;
	_ =	sdelay $0x2  }
0x236: {  	v4 =	vsub.f32 v11, v4;
	v9 =	vsub.f32 v10, v9;
	_ =	sdelay $0x1  }
0x237: {  	v2 =	vsub.f32 v17, v2;
	v10 =	vmul.f32 v4, v4;
	v11 =	vmul.f32 v9, v9;
	_ =	sdelay $0x1  }
0x238: {  	v10 =	vadd.f32 v11, v10;
	v11 =	vmul.f32 v2, v2;
	_ =	sdelay $0x1  }
0x239: {  	v10 =	vadd.f32 v11, v10;
	_ =	sdelay $0x1  }
0x23a: {  	v11 =	vshrl.u32 v10, $0x1;
	v17 =	vmul.f32 $5.000000000e-01, v10  }
0x23b: {  	v11 =	vsub.s32 $0x5F3759DF, v11  }
0x23c: {  	v18 =	vmul.f32 v11, v17;
	_ =	sdelay $0x1  }
0x23d: {  	v18 =	vmul.f32 v11, v18;
	_ =	sdelay $0x1  }
0x23e: {  	v18 =	vsub.f32 $1.500000000e+00, v18;
	_ =	sdelay $0x1  }
0x23f: {  	v11 =	vmul.f32 v11, v18;
	_ =	sdelay $0x1  }
0x240: {  	v18 =	vmul.f32 v11, v17;
	_ =	sdelay $0x1  }
0x241: {  	v18 =	vmul.f32 v18, v11;
	_ =	sdelay $0x1  }
0x242: {  	v18 =	vsub.f32 $1.500000000e+00, v18;
	_ =	sdelay $0x1  }
0x243: {  	v11 =	vmul.f32 v18, v11;
	_ =	sdelay $0x1  }
0x244: {  	v17 =	vmul.f32 v11, v17;
	_ =	sdelay $0x1  }
0x245: {  	v17 =	vmul.f32 v17, v11;
	_ =	sdelay $0x1  }
0x246: {  	v17 =	vsub.f32 $1.500000000e+00, v17;
	_ =	sdelay $0x1  }
0x247: {  	v11 =	vmul.f32 v17, v11;
	_ =	sdelay $0x1  }
0x248: {  	v10 =	vmul.f32 v11, v10;
	_ =	sdelay $0x1  }
0x249: {  	v11 =	vadd.f32 $9.999999930e-09, v10;
	_ =	sdelay $0x1  }
0x24a: {  	(erf) = vrcp.f32 v11;
	_ =	sdelay $0x5  }
0x24b: {  	v17 =	vadd.s32 $0x370, v1;
	v11 =	vld [tilespmem:$0x188B0]  }
0x24c: {  	v18 =	vadd.s32 $0x371, v1  }
0x24d: {  	v19 =	vadd.s32 $0x372, v1  }
0x24e: {  	v26 =	vadd.s32 $0x373, v1;
	v25 =	vpop (erf)  }
0x24f: {  	v33 =	vadd.s32 $0x374, v1;
	v4 =	vmul.f32 v25, v4  }
0x250: {  	v27 =	vld [tilespmem:$0x18AB0];
	[tilespmem:v17+s18+$0x0] =	vst.idx.msk $0xffff, v11;
	v9 =	vmul.f32 v25, v9  }
0x251: {  	v2 =	vmul.f32 v25, v2;
	[tilespmem:v18+s18+$0x0] =	vst.idx.msk $0xffff, v4  }
0x252: {  	[tilespmem:v19+s18+$0x0] =	vst.idx.msk $0xffff, v9  }
0x253: {  	[tilespmem:v26+s18+$0x0] =	vst.idx.msk $0xffff, v2  }
0x254: {  	[tilespmem:v33+s18+$0x0] =	vst.idx.msk $0xffff, v10  }
0x255: {  	[tilespmem:v17+s19+$0x0] =	vst.idx.msk $0xffff, v27  }
0x256: {  	[tilespmem:v18+s19+$0x0] =	vst.idx.msk $0xffff, v4  }
0x257: {  	[tilespmem:v19+s19+$0x0] =	vst.idx.msk $0xffff, v9  }
0x258: {  	[tilespmem:v26+s19+$0x0] =	vst.idx.msk $0xffff, v2  }
0x259: {  	[tilespmem:v33+s19+$0x0] =	vst.idx.msk $0xffff, v10  }
0x25a: {  	v2 =	vld [tilespmem:$0x180C0];
	_ =	sdelay $0x3  }
0x25b: {  	v11 =	vor.u32 $0x240, v0;
	v10 =	vadd.s32 v62, v3  }
0x25c: {  	[tilespmem:$0x1A0B0] =	vst v10;
	v10 =	vadd.s32 $0x241, v0;
	v4 =	vmul.u32 $0x3, v2;
	_ =	sdelay $0x1  }
0x25d: {  	v3 =	vadd.s32 v63, v3;
	v9 =	vadd.s32 $0x1, v4  }
0x25e: {  	v17 =	vadd.s32 $0x242, v0;
	[tilespmem:$0x1A2B0] =	vst v3  }
0x25f: {  	v11 =	vld.idx.msk [tilespmem:v11+s15+$0x0], $0xffff;
	v3 =	vadd.s32 $0x2, v4  }
0x260: {  	v10 =	vld.idx.msk [tilespmem:v10+s15+$0x0], $0xffff  }
0x261: {  	v4 =	vld.idx.msk [tilespmem:v4+s2+$0x0], $0xffff  }
0x262: {  	v9 =	vld.idx.msk [tilespmem:v9+s2+$0x0], $0xffff  }
0x263: {  	v17 =	vld.idx.msk [tilespmem:v17+s15+$0x0], $0xffff  }
0x264: {  	v3 =	vld.idx.msk [tilespmem:v3+s2+$0x0], $0xffff;
	_ =	sdelay $0x2  }
0x265: {  	v4 =	vsub.f32 v11, v4;
	v9 =	vsub.f32 v10, v9;
	_ =	sdelay $0x1  }
0x266: {  	v3 =	vsub.f32 v17, v3;
	v10 =	vmul.f32 v4, v4;
	v11 =	vmul.f32 v9, v9;
	_ =	sdelay $0x1  }
0x267: {  	v10 =	vadd.f32 v11, v10;
	v11 =	vmul.f32 v3, v3;
	_ =	sdelay $0x1  }
0x268: {  	v10 =	vadd.f32 v11, v10;
	_ =	sdelay $0x1  }
0x269: {  	v11 =	vshrl.u32 v10, $0x1;
	v17 =	vmul.f32 $5.000000000e-01, v10  }
0x26a: {  	v11 =	vsub.s32 $0x5F3759DF, v11  }
0x26b: {  	v18 =	vmul.f32 v11, v17;
	_ =	sdelay $0x1  }
0x26c: {  	v18 =	vmul.f32 v11, v18;
	_ =	sdelay $0x1  }
0x26d: {  	v18 =	vsub.f32 $1.500000000e+00, v18;
	_ =	sdelay $0x1  }
0x26e: {  	v11 =	vmul.f32 v11, v18;
	_ =	sdelay $0x1  }
0x26f: {  	v18 =	vmul.f32 v11, v17;
	_ =	sdelay $0x1  }
0x270: {  	v18 =	vmul.f32 v18, v11;
	_ =	sdelay $0x1  }
0x271: {  	v18 =	vsub.f32 $1.500000000e+00, v18;
	_ =	sdelay $0x1  }
0x272: {  	v11 =	vmul.f32 v18, v11;
	_ =	sdelay $0x1  }
0x273: {  	v17 =	vmul.f32 v11, v17;
	_ =	sdelay $0x1  }
0x274: {  	v17 =	vmul.f32 v17, v11;
	_ =	sdelay $0x1  }
0x275: {  	v17 =	vsub.f32 $1.500000000e+00, v17;
	_ =	sdelay $0x1  }
0x276: {  	v11 =	vmul.f32 v17, v11;
	_ =	sdelay $0x1  }
0x277: {  	v10 =	vmul.f32 v11, v10;
	_ =	sdelay $0x1  }
0x278: {  	v11 =	vadd.f32 $9.999999930e-09, v10;
	_ =	sdelay $0x1  }
0x279: {  	(erf) = vrcp.f32 v11;
	_ =	sdelay $0x5  }
0x27a: {  	v17 =	vadd.s32 $0x3C0, v1;
	v11 =	vld [tilespmem:$0x188C0]  }
0x27b: {  	v18 =	vadd.s32 $0x3C1, v1  }
0x27c: {  	v19 =	vadd.s32 $0x3C2, v1  }
0x27d: {  	v26 =	vadd.s32 $0x3C3, v1;
	v25 =	vpop (erf)  }
0x27e: {  	v33 =	vadd.s32 $0x3C4, v1;
	v4 =	vmul.f32 v25, v4  }
0x27f: {  	v27 =	vld [tilespmem:$0x18AC0];
	[tilespmem:v17+s18+$0x0] =	vst.idx.msk $0xffff, v11;
	v9 =	vmul.f32 v25, v9  }
0x280: {  	v3 =	vmul.f32 v25, v3;
	[tilespmem:v18+s18+$0x0] =	vst.idx.msk $0xffff, v4  }
0x281: {  	[tilespmem:v19+s18+$0x0] =	vst.idx.msk $0xffff, v9  }
0x282: {  	[tilespmem:v26+s18+$0x0] =	vst.idx.msk $0xffff, v3  }
0x283: {  	[tilespmem:v33+s18+$0x0] =	vst.idx.msk $0xffff, v10  }
0x284: {  	[tilespmem:v17+s19+$0x0] =	vst.idx.msk $0xffff, v27  }
0x285: {  	[tilespmem:v18+s19+$0x0] =	vst.idx.msk $0xffff, v4  }
0x286: {  	[tilespmem:v19+s19+$0x0] =	vst.idx.msk $0xffff, v9  }
0x287: {  	[tilespmem:v26+s19+$0x0] =	vst.idx.msk $0xffff, v3  }
0x288: {  	[tilespmem:v33+s19+$0x0] =	vst.idx.msk $0xffff, v10  }
0x289: {  	v3 =	vld [tilespmem:$0x180D0];
	_ =	sdelay $0x3  }
0x28a: {  	v11 =	vadd.s32 $0x270, v0;
	v10 =	vadd.s32 v62, v2  }
0x28b: {  	[tilespmem:$0x1A0C0] =	vst v10;
	v10 =	vadd.s32 $0x271, v0;
	v4 =	vmul.u32 $0x3, v3;
	_ =	sdelay $0x1  }
0x28c: {  	v2 =	vadd.s32 v63, v2;
	v9 =	vadd.s32 $0x1, v4  }
0x28d: {  	v17 =	vadd.s32 $0x272, v0;
	[tilespmem:$0x1A2C0] =	vst v2  }
0x28e: {  	v11 =	vld.idx.msk [tilespmem:v11+s15+$0x0], $0xffff;
	v2 =	vadd.s32 $0x2, v4  }
0x28f: {  	v10 =	vld.idx.msk [tilespmem:v10+s15+$0x0], $0xffff  }
0x290: {  	v4 =	vld.idx.msk [tilespmem:v4+s2+$0x0], $0xffff  }
0x291: {  	v9 =	vld.idx.msk [tilespmem:v9+s2+$0x0], $0xffff  }
0x292: {  	v17 =	vld.idx.msk [tilespmem:v17+s15+$0x0], $0xffff  }
0x293: {  	v2 =	vld.idx.msk [tilespmem:v2+s2+$0x0], $0xffff;
	_ =	sdelay $0x2  }
0x294: {  	v4 =	vsub.f32 v11, v4;
	v9 =	vsub.f32 v10, v9;
	_ =	sdelay $0x1  }
0x295: {  	v2 =	vsub.f32 v17, v2;
	v10 =	vmul.f32 v4, v4;
	v11 =	vmul.f32 v9, v9;
	_ =	sdelay $0x1  }
0x296: {  	v10 =	vadd.f32 v11, v10;
	v11 =	vmul.f32 v2, v2;
	_ =	sdelay $0x1  }
0x297: {  	v10 =	vadd.f32 v11, v10;
	_ =	sdelay $0x1  }
0x298: {  	v11 =	vshrl.u32 v10, $0x1;
	v17 =	vmul.f32 $5.000000000e-01, v10  }
0x299: {  	v11 =	vsub.s32 $0x5F3759DF, v11  }
0x29a: {  	v18 =	vmul.f32 v11, v17;
	_ =	sdelay $0x1  }
0x29b: {  	v18 =	vmul.f32 v11, v18;
	_ =	sdelay $0x1  }
0x29c: {  	v18 =	vsub.f32 $1.500000000e+00, v18;
	_ =	sdelay $0x1  }
0x29d: {  	v11 =	vmul.f32 v11, v18;
	_ =	sdelay $0x1  }
0x29e: {  	v18 =	vmul.f32 v11, v17;
	_ =	sdelay $0x1  }
0x29f: {  	v18 =	vmul.f32 v18, v11;
	_ =	sdelay $0x1  }
0x2a0: {  	v18 =	vsub.f32 $1.500000000e+00, v18;
	_ =	sdelay $0x1  }
0x2a1: {  	v11 =	vmul.f32 v18, v11;
	_ =	sdelay $0x1  }
0x2a2: {  	v17 =	vmul.f32 v11, v17;
	_ =	sdelay $0x1  }
0x2a3: {  	v17 =	vmul.f32 v17, v11;
	_ =	sdelay $0x1  }
0x2a4: {  	v17 =	vsub.f32 $1.500000000e+00, v17;
	_ =	sdelay $0x1  }
0x2a5: {  	v11 =	vmul.f32 v17, v11;
	_ =	sdelay $0x1  }
0x2a6: {  	v10 =	vmul.f32 v11, v10;
	_ =	sdelay $0x1  }
0x2a7: {  	v11 =	vadd.f32 $9.999999930e-09, v10;
	_ =	sdelay $0x1  }
0x2a8: {  	(erf) = vrcp.f32 v11;
	_ =	sdelay $0x5  }
0x2a9: {  	v17 =	vadd.s32 $0x410, v1;
	v11 =	vld [tilespmem:$0x188D0]  }
0x2aa: {  	v18 =	vadd.s32 $0x411, v1  }
0x2ab: {  	v19 =	vadd.s32 $0x412, v1  }
0x2ac: {  	v26 =	vadd.s32 $0x413, v1;
	v25 =	vpop (erf)  }
0x2ad: {  	v33 =	vadd.s32 $0x414, v1;
	v4 =	vmul.f32 v25, v4  }
0x2ae: {  	v27 =	vld [tilespmem:$0x18AD0];
	[tilespmem:v17+s18+$0x0] =	vst.idx.msk $0xffff, v11;
	v9 =	vmul.f32 v25, v9  }
0x2af: {  	v2 =	vmul.f32 v25, v2;
	[tilespmem:v18+s18+$0x0] =	vst.idx.msk $0xffff, v4  }
0x2b0: {  	[tilespmem:v19+s18+$0x0] =	vst.idx.msk $0xffff, v9  }
0x2b1: {  	[tilespmem:v26+s18+$0x0] =	vst.idx.msk $0xffff, v2  }
0x2b2: {  	[tilespmem:v33+s18+$0x0] =	vst.idx.msk $0xffff, v10  }
0x2b3: {  	[tilespmem:v17+s19+$0x0] =	vst.idx.msk $0xffff, v27  }
0x2b4: {  	[tilespmem:v18+s19+$0x0] =	vst.idx.msk $0xffff, v4  }
0x2b5: {  	[tilespmem:v19+s19+$0x0] =	vst.idx.msk $0xffff, v9  }
0x2b6: {  	[tilespmem:v26+s19+$0x0] =	vst.idx.msk $0xffff, v2  }
0x2b7: {  	[tilespmem:v33+s19+$0x0] =	vst.idx.msk $0xffff, v10  }
0x2b8: {  	v2 =	vld [tilespmem:$0x180E0];
	_ =	sdelay $0x3  }
0x2b9: {  	v11 =	vadd.s32 $0x2A0, v0;
	v10 =	vadd.s32 v62, v3  }
0x2ba: {  	[tilespmem:$0x1A0D0] =	vst v10;
	v10 =	vadd.s32 $0x2A1, v0;
	v4 =	vmul.u32 $0x3, v2;
	_ =	sdelay $0x1  }
0x2bb: {  	v3 =	vadd.s32 v63, v3;
	v9 =	vadd.s32 $0x1, v4  }
0x2bc: {  	v17 =	vadd.s32 $0x2A2, v0;
	[tilespmem:$0x1A2D0] =	vst v3  }
0x2bd: {  	v11 =	vld.idx.msk [tilespmem:v11+s15+$0x0], $0xffff;
	v3 =	vadd.s32 $0x2, v4  }
0x2be: {  	v10 =	vld.idx.msk [tilespmem:v10+s15+$0x0], $0xffff  }
0x2bf: {  	v4 =	vld.idx.msk [tilespmem:v4+s2+$0x0], $0xffff  }
0x2c0: {  	v9 =	vld.idx.msk [tilespmem:v9+s2+$0x0], $0xffff  }
0x2c1: {  	v17 =	vld.idx.msk [tilespmem:v17+s15+$0x0], $0xffff  }
0x2c2: {  	v3 =	vld.idx.msk [tilespmem:v3+s2+$0x0], $0xffff;
	_ =	sdelay $0x2  }
0x2c3: {  	v4 =	vsub.f32 v11, v4;
	v9 =	vsub.f32 v10, v9;
	_ =	sdelay $0x1  }
0x2c4: {  	v3 =	vsub.f32 v17, v3;
	v10 =	vmul.f32 v4, v4;
	v11 =	vmul.f32 v9, v9;
	_ =	sdelay $0x1  }
0x2c5: {  	v10 =	vadd.f32 v11, v10;
	v11 =	vmul.f32 v3, v3;
	_ =	sdelay $0x1  }
0x2c6: {  	v10 =	vadd.f32 v11, v10;
	_ =	sdelay $0x1  }
0x2c7: {  	v11 =	vshrl.u32 v10, $0x1;
	v17 =	vmul.f32 $5.000000000e-01, v10  }
0x2c8: {  	v11 =	vsub.s32 $0x5F3759DF, v11  }
0x2c9: {  	v18 =	vmul.f32 v11, v17;
	_ =	sdelay $0x1  }
0x2ca: {  	v18 =	vmul.f32 v11, v18;
	_ =	sdelay $0x1  }
0x2cb: {  	v18 =	vsub.f32 $1.500000000e+00, v18;
	_ =	sdelay $0x1  }
0x2cc: {  	v11 =	vmul.f32 v11, v18;
	_ =	sdelay $0x1  }
0x2cd: {  	v18 =	vmul.f32 v11, v17;
	_ =	sdelay $0x1  }
0x2ce: {  	v18 =	vmul.f32 v18, v11;
	_ =	sdelay $0x1  }
0x2cf: {  	v18 =	vsub.f32 $1.500000000e+00, v18;
	_ =	sdelay $0x1  }
0x2d0: {  	v11 =	vmul.f32 v18, v11;
	_ =	sdelay $0x1  }
0x2d1: {  	v17 =	vmul.f32 v11, v17;
	_ =	sdelay $0x1  }
0x2d2: {  	v17 =	vmul.f32 v17, v11;
	_ =	sdelay $0x1  }
0x2d3: {  	v17 =	vsub.f32 $1.500000000e+00, v17;
	_ =	sdelay $0x1  }
0x2d4: {  	v11 =	vmul.f32 v17, v11;
	_ =	sdelay $0x1  }
0x2d5: {  	v10 =	vmul.f32 v11, v10;
	_ =	sdelay $0x1  }
0x2d6: {  	v11 =	vadd.f32 $9.999999930e-09, v10;
	_ =	sdelay $0x1  }
0x2d7: {  	(erf) = vrcp.f32 v11;
	_ =	sdelay $0x5  }
0x2d8: {  	v17 =	vadd.s32 $0x460, v1;
	v11 =	vld [tilespmem:$0x188E0]  }
0x2d9: {  	v18 =	vadd.s32 $0x461, v1  }
0x2da: {  	v19 =	vadd.s32 $0x462, v1  }
0x2db: {  	v26 =	vadd.s32 $0x463, v1;
	v25 =	vpop (erf)  }
0x2dc: {  	v33 =	vadd.s32 $0x464, v1;
	v4 =	vmul.f32 v25, v4  }
0x2dd: {  	v27 =	vld [tilespmem:$0x18AE0];
	[tilespmem:v17+s18+$0x0] =	vst.idx.msk $0xffff, v11;
	v9 =	vmul.f32 v25, v9  }
0x2de: {  	v3 =	vmul.f32 v25, v3;
	[tilespmem:v18+s18+$0x0] =	vst.idx.msk $0xffff, v4  }
0x2df: {  	[tilespmem:v19+s18+$0x0] =	vst.idx.msk $0xffff, v9  }
0x2e0: {  	[tilespmem:v26+s18+$0x0] =	vst.idx.msk $0xffff, v3  }
0x2e1: {  	[tilespmem:v33+s18+$0x0] =	vst.idx.msk $0xffff, v10  }
0x2e2: {  	[tilespmem:v17+s19+$0x0] =	vst.idx.msk $0xffff, v27  }
0x2e3: {  	[tilespmem:v18+s19+$0x0] =	vst.idx.msk $0xffff, v4  }
0x2e4: {  	[tilespmem:v19+s19+$0x0] =	vst.idx.msk $0xffff, v9  }
0x2e5: {  	[tilespmem:v26+s19+$0x0] =	vst.idx.msk $0xffff, v3  }
0x2e6: {  	[tilespmem:v33+s19+$0x0] =	vst.idx.msk $0xffff, v10  }
0x2e7: {  	v3 =	vld [tilespmem:$0x180F0];
	_ =	sdelay $0x3  }
0x2e8: {  	v11 =	vadd.s32 $0x2D0, v0;
	v10 =	vadd.s32 v62, v2  }
0x2e9: {  	[tilespmem:$0x1A0E0] =	vst v10;
	v10 =	vadd.s32 $0x2D1, v0;
	v4 =	vmul.u32 $0x3, v3;
	_ =	sdelay $0x1  }
0x2ea: {  	v2 =	vadd.s32 v63, v2;
	v9 =	vadd.s32 $0x1, v4  }
0x2eb: {  	v17 =	vadd.s32 $0x2D2, v0;
	[tilespmem:$0x1A2E0] =	vst v2  }
0x2ec: {  	v11 =	vld.idx.msk [tilespmem:v11+s15+$0x0], $0xffff;
	v2 =	vadd.s32 $0x2, v4  }
0x2ed: {  	v10 =	vld.idx.msk [tilespmem:v10+s15+$0x0], $0xffff  }
0x2ee: {  	v4 =	vld.idx.msk [tilespmem:v4+s2+$0x0], $0xffff  }
0x2ef: {  	v9 =	vld.idx.msk [tilespmem:v9+s2+$0x0], $0xffff  }
0x2f0: {  	v17 =	vld.idx.msk [tilespmem:v17+s15+$0x0], $0xffff  }
0x2f1: {  	v2 =	vld.idx.msk [tilespmem:v2+s2+$0x0], $0xffff;
	_ =	sdelay $0x2  }
0x2f2: {  	v4 =	vsub.f32 v11, v4;
	v9 =	vsub.f32 v10, v9;
	_ =	sdelay $0x1  }
0x2f3: {  	v2 =	vsub.f32 v17, v2;
	v10 =	vmul.f32 v4, v4;
	v11 =	vmul.f32 v9, v9;
	_ =	sdelay $0x1  }
0x2f4: {  	v10 =	vadd.f32 v11, v10;
	v11 =	vmul.f32 v2, v2;
	_ =	sdelay $0x1  }
0x2f5: {  	v10 =	vadd.f32 v11, v10;
	_ =	sdelay $0x1  }
0x2f6: {  	v11 =	vshrl.u32 v10, $0x1;
	v17 =	vmul.f32 $5.000000000e-01, v10  }
0x2f7: {  	v11 =	vsub.s32 $0x5F3759DF, v11  }
0x2f8: {  	v18 =	vmul.f32 v11, v17;
	_ =	sdelay $0x1  }
0x2f9: {  	v18 =	vmul.f32 v11, v18;
	_ =	sdelay $0x1  }
0x2fa: {  	v18 =	vsub.f32 $1.500000000e+00, v18;
	_ =	sdelay $0x1  }
0x2fb: {  	v11 =	vmul.f32 v11, v18;
	_ =	sdelay $0x1  }
0x2fc: {  	v18 =	vmul.f32 v11, v17;
	_ =	sdelay $0x1  }
0x2fd: {  	v18 =	vmul.f32 v18, v11;
	_ =	sdelay $0x1  }
0x2fe: {  	v18 =	vsub.f32 $1.500000000e+00, v18;
	_ =	sdelay $0x1  }
0x2ff: {  	v11 =	vmul.f32 v18, v11;
	_ =	sdelay $0x1  }
0x300: {  	v17 =	vmul.f32 v11, v17;
	_ =	sdelay $0x1  }
0x301: {  	v17 =	vmul.f32 v17, v11;
	_ =	sdelay $0x1  }
0x302: {  	v17 =	vsub.f32 $1.500000000e+00, v17;
	_ =	sdelay $0x1  }
0x303: {  	v11 =	vmul.f32 v17, v11;
	_ =	sdelay $0x1  }
0x304: {  	v10 =	vmul.f32 v11, v10;
	_ =	sdelay $0x1  }
0x305: {  	v11 =	vadd.f32 $9.999999930e-09, v10;
	_ =	sdelay $0x1  }
0x306: {  	(erf) = vrcp.f32 v11;
	_ =	sdelay $0x5  }
0x307: {  	v17 =	vadd.s32 $0x4B0, v1;
	v11 =	vld [tilespmem:$0x188F0]  }
0x308: {  	v18 =	vadd.s32 $0x4B1, v1  }
0x309: {  	v19 =	vadd.s32 $0x4B2, v1  }
0x30a: {  	v26 =	vadd.s32 $0x4B3, v1;
	v25 =	vpop (erf)  }
0x30b: {  	v33 =	vadd.s32 $0x4B4, v1;
	v4 =	vmul.f32 v25, v4  }
0x30c: {  	v27 =	vld [tilespmem:$0x18AF0];
	[tilespmem:v17+s18+$0x0] =	vst.idx.msk $0xffff, v11;
	v9 =	vmul.f32 v25, v9  }
0x30d: {  	v2 =	vmul.f32 v25, v2;
	[tilespmem:v18+s18+$0x0] =	vst.idx.msk $0xffff, v4  }
0x30e: {  	[tilespmem:v19+s18+$0x0] =	vst.idx.msk $0xffff, v9  }
0x30f: {  	[tilespmem:v26+s18+$0x0] =	vst.idx.msk $0xffff, v2  }
0x310: {  	[tilespmem:v33+s18+$0x0] =	vst.idx.msk $0xffff, v10  }
0x311: {  	[tilespmem:v17+s19+$0x0] =	vst.idx.msk $0xffff, v27  }
0x312: {  	[tilespmem:v18+s19+$0x0] =	vst.idx.msk $0xffff, v4  }
0x313: {  	[tilespmem:v19+s19+$0x0] =	vst.idx.msk $0xffff, v9  }
0x314: {  	[tilespmem:v26+s19+$0x0] =	vst.idx.msk $0xffff, v2  }
0x315: {  	[tilespmem:v33+s19+$0x0] =	vst.idx.msk $0xffff, v10  }
0x316: {  	v2 =	vld [tilespmem:$0x18100];
	_ =	sdelay $0x3  }
0x317: {  	v11 =	vor.u32 $0x300, v0;
	v10 =	vadd.s32 v62, v3  }
0x318: {  	[tilespmem:$0x1A0F0] =	vst v10;
	v10 =	vadd.s32 $0x301, v0;
	v4 =	vmul.u32 $0x3, v2;
	_ =	sdelay $0x1  }
0x319: {  	v3 =	vadd.s32 v63, v3;
	v9 =	vadd.s32 $0x1, v4  }
0x31a: {  	v17 =	vadd.s32 $0x302, v0;
	[tilespmem:$0x1A2F0] =	vst v3  }
0x31b: {  	v11 =	vld.idx.msk [tilespmem:v11+s15+$0x0], $0xffff;
	v3 =	vadd.s32 $0x2, v4  }
0x31c: {  	v10 =	vld.idx.msk [tilespmem:v10+s15+$0x0], $0xffff  }
0x31d: {  	v4 =	vld.idx.msk [tilespmem:v4+s2+$0x0], $0xffff  }
0x31e: {  	v9 =	vld.idx.msk [tilespmem:v9+s2+$0x0], $0xffff  }
0x31f: {  	v17 =	vld.idx.msk [tilespmem:v17+s15+$0x0], $0xffff  }
0x320: {  	v3 =	vld.idx.msk [tilespmem:v3+s2+$0x0], $0xffff;
	_ =	sdelay $0x2  }
0x321: {  	v4 =	vsub.f32 v11, v4;
	v9 =	vsub.f32 v10, v9;
	_ =	sdelay $0x1  }
0x322: {  	v3 =	vsub.f32 v17, v3;
	v10 =	vmul.f32 v4, v4;
	v11 =	vmul.f32 v9, v9;
	_ =	sdelay $0x1  }
0x323: {  	v10 =	vadd.f32 v11, v10;
	v11 =	vmul.f32 v3, v3;
	_ =	sdelay $0x1  }
0x324: {  	v10 =	vadd.f32 v11, v10;
	_ =	sdelay $0x1  }
0x325: {  	v11 =	vshrl.u32 v10, $0x1;
	v17 =	vmul.f32 $5.000000000e-01, v10  }
0x326: {  	v11 =	vsub.s32 $0x5F3759DF, v11  }
0x327: {  	v18 =	vmul.f32 v11, v17;
	_ =	sdelay $0x1  }
0x328: {  	v18 =	vmul.f32 v11, v18;
	_ =	sdelay $0x1  }
0x329: {  	v18 =	vsub.f32 $1.500000000e+00, v18;
	_ =	sdelay $0x1  }
0x32a: {  	v11 =	vmul.f32 v11, v18;
	_ =	sdelay $0x1  }
0x32b: {  	v18 =	vmul.f32 v11, v17;
	_ =	sdelay $0x1  }
0x32c: {  	v18 =	vmul.f32 v18, v11;
	_ =	sdelay $0x1  }
0x32d: {  	v18 =	vsub.f32 $1.500000000e+00, v18;
	_ =	sdelay $0x1  }
0x32e: {  	v11 =	vmul.f32 v18, v11;
	_ =	sdelay $0x1  }
0x32f: {  	v17 =	vmul.f32 v11, v17;
	_ =	sdelay $0x1  }
0x330: {  	v17 =	vmul.f32 v17, v11;
	_ =	sdelay $0x1  }
0x331: {  	v17 =	vsub.f32 $1.500000000e+00, v17;
	_ =	sdelay $0x1  }
0x332: {  	v11 =	vmul.f32 v17, v11;
	_ =	sdelay $0x1  }
0x333: {  	v10 =	vmul.f32 v11, v10;
	_ =	sdelay $0x1  }
0x334: {  	v11 =	vadd.f32 $9.999999930e-09, v10;
	_ =	sdelay $0x1  }
0x335: {  	(erf) = vrcp.f32 v11;
	_ =	sdelay $0x5  }
0x336: {  	v17 =	vor.u32 $0x500, v1;
	v11 =	vld [tilespmem:$0x18900]  }
0x337: {  	v18 =	vadd.s32 $0x501, v1  }
0x338: {  	v19 =	vadd.s32 $0x502, v1  }
0x339: {  	v26 =	vadd.s32 $0x503, v1;
	v25 =	vpop (erf)  }
0x33a: {  	v33 =	vadd.s32 $0x504, v1;
	v4 =	vmul.f32 v25, v4  }
0x33b: {  	v27 =	vld [tilespmem:$0x18B00];
	[tilespmem:v17+s18+$0x0] =	vst.idx.msk $0xffff, v11;
	v9 =	vmul.f32 v25, v9  }
0x33c: {  	v3 =	vmul.f32 v25, v3;
	[tilespmem:v18+s18+$0x0] =	vst.idx.msk $0xffff, v4  }
0x33d: {  	[tilespmem:v19+s18+$0x0] =	vst.idx.msk $0xffff, v9  }
0x33e: {  	[tilespmem:v26+s18+$0x0] =	vst.idx.msk $0xffff, v3  }
0x33f: {  	[tilespmem:v33+s18+$0x0] =	vst.idx.msk $0xffff, v10  }
0x340: {  	[tilespmem:v17+s19+$0x0] =	vst.idx.msk $0xffff, v27  }
0x341: {  	[tilespmem:v18+s19+$0x0] =	vst.idx.msk $0xffff, v4  }
0x342: {  	[tilespmem:v19+s19+$0x0] =	vst.idx.msk $0xffff, v9  }
0x343: {  	[tilespmem:v26+s19+$0x0] =	vst.idx.msk $0xffff, v3  }
0x344: {  	[tilespmem:v33+s19+$0x0] =	vst.idx.msk $0xffff, v10  }
0x345: {  	v3 =	vld [tilespmem:$0x18110];
	_ =	sdelay $0x3  }
0x346: {  	v11 =	vadd.s32 $0x330, v0;
	v10 =	vadd.s32 v62, v2  }
0x347: {  	[tilespmem:$0x1A100] =	vst v10;
	v10 =	vadd.s32 $0x331, v0;
	v4 =	vmul.u32 $0x3, v3;
	_ =	sdelay $0x1  }
0x348: {  	v2 =	vadd.s32 v63, v2;
	v9 =	vadd.s32 $0x1, v4  }
0x349: {  	v17 =	vadd.s32 $0x332, v0;
	[tilespmem:$0x1A300] =	vst v2  }
0x34a: {  	v11 =	vld.idx.msk [tilespmem:v11+s15+$0x0], $0xffff;
	v2 =	vadd.s32 $0x2, v4  }
0x34b: {  	v10 =	vld.idx.msk [tilespmem:v10+s15+$0x0], $0xffff  }
0x34c: {  	v4 =	vld.idx.msk [tilespmem:v4+s2+$0x0], $0xffff  }
0x34d: {  	v9 =	vld.idx.msk [tilespmem:v9+s2+$0x0], $0xffff  }
0x34e: {  	v17 =	vld.idx.msk [tilespmem:v17+s15+$0x0], $0xffff  }
0x34f: {  	v2 =	vld.idx.msk [tilespmem:v2+s2+$0x0], $0xffff;
	_ =	sdelay $0x2  }
0x350: {  	v4 =	vsub.f32 v11, v4;
	v9 =	vsub.f32 v10, v9;
	_ =	sdelay $0x1  }
0x351: {  	v2 =	vsub.f32 v17, v2;
	v10 =	vmul.f32 v4, v4;
	v11 =	vmul.f32 v9, v9;
	_ =	sdelay $0x1  }
0x352: {  	v10 =	vadd.f32 v11, v10;
	v11 =	vmul.f32 v2, v2;
	_ =	sdelay $0x1  }
0x353: {  	v10 =	vadd.f32 v11, v10;
	_ =	sdelay $0x1  }
0x354: {  	v11 =	vshrl.u32 v10, $0x1;
	v17 =	vmul.f32 $5.000000000e-01, v10  }
0x355: {  	v11 =	vsub.s32 $0x5F3759DF, v11  }
0x356: {  	v18 =	vmul.f32 v11, v17;
	_ =	sdelay $0x1  }
0x357: {  	v18 =	vmul.f32 v11, v18;
	_ =	sdelay $0x1  }
0x358: {  	v18 =	vsub.f32 $1.500000000e+00, v18;
	_ =	sdelay $0x1  }
0x359: {  	v11 =	vmul.f32 v11, v18;
	_ =	sdelay $0x1  }
0x35a: {  	v18 =	vmul.f32 v11, v17;
	_ =	sdelay $0x1  }
0x35b: {  	v18 =	vmul.f32 v18, v11;
	_ =	sdelay $0x1  }
0x35c: {  	v18 =	vsub.f32 $1.500000000e+00, v18;
	_ =	sdelay $0x1  }
0x35d: {  	v11 =	vmul.f32 v18, v11;
	_ =	sdelay $0x1  }
0x35e: {  	v17 =	vmul.f32 v11, v17;
	_ =	sdelay $0x1  }
0x35f: {  	v17 =	vmul.f32 v17, v11;
	_ =	sdelay $0x1  }
0x360: {  	v17 =	vsub.f32 $1.500000000e+00, v17;
	_ =	sdelay $0x1  }
0x361: {  	v11 =	vmul.f32 v17, v11;
	_ =	sdelay $0x1  }
0x362: {  	v10 =	vmul.f32 v11, v10;
	_ =	sdelay $0x1  }
0x363: {  	v11 =	vadd.f32 $9.999999930e-09, v10;
	_ =	sdelay $0x1  }
0x364: {  	(erf) = vrcp.f32 v11;
	_ =	sdelay $0x5  }
0x365: {  	v17 =	vadd.s32 $0x550, v1;
	v11 =	vld [tilespmem:$0x18910]  }
0x366: {  	v18 =	vadd.s32 $0x551, v1  }
0x367: {  	v19 =	vadd.s32 $0x552, v1  }
0x368: {  	v26 =	vadd.s32 $0x553, v1;
	v25 =	vpop (erf)  }
0x369: {  	v33 =	vadd.s32 $0x554, v1;
	v4 =	vmul.f32 v25, v4  }
0x36a: {  	v27 =	vld [tilespmem:$0x18B10];
	[tilespmem:v17+s18+$0x0] =	vst.idx.msk $0xffff, v11;
	v9 =	vmul.f32 v25, v9  }
0x36b: {  	v2 =	vmul.f32 v25, v2;
	[tilespmem:v18+s18+$0x0] =	vst.idx.msk $0xffff, v4  }
0x36c: {  	[tilespmem:v19+s18+$0x0] =	vst.idx.msk $0xffff, v9  }
0x36d: {  	[tilespmem:v26+s18+$0x0] =	vst.idx.msk $0xffff, v2  }
0x36e: {  	[tilespmem:v33+s18+$0x0] =	vst.idx.msk $0xffff, v10  }
0x36f: {  	[tilespmem:v17+s19+$0x0] =	vst.idx.msk $0xffff, v27  }
0x370: {  	[tilespmem:v18+s19+$0x0] =	vst.idx.msk $0xffff, v4  }
0x371: {  	[tilespmem:v19+s19+$0x0] =	vst.idx.msk $0xffff, v9  }
0x372: {  	[tilespmem:v26+s19+$0x0] =	vst.idx.msk $0xffff, v2  }
0x373: {  	[tilespmem:v33+s19+$0x0] =	vst.idx.msk $0xffff, v10  }
0x374: {  	v2 =	vld [tilespmem:$0x18120];
	_ =	sdelay $0x3  }
0x375: {  	v11 =	vadd.s32 $0x360, v0;
	v10 =	vadd.s32 v62, v3  }
0x376: {  	[tilespmem:$0x1A110] =	vst v10;
	v10 =	vadd.s32 $0x361, v0;
	v4 =	vmul.u32 $0x3, v2;
	_ =	sdelay $0x1  }
0x377: {  	v3 =	vadd.s32 v63, v3;
	v9 =	vadd.s32 $0x1, v4  }
0x378: {  	v17 =	vadd.s32 $0x362, v0;
	[tilespmem:$0x1A310] =	vst v3  }
0x379: {  	v11 =	vld.idx.msk [tilespmem:v11+s15+$0x0], $0xffff;
	v3 =	vadd.s32 $0x2, v4  }
0x37a: {  	v10 =	vld.idx.msk [tilespmem:v10+s15+$0x0], $0xffff  }
0x37b: {  	v4 =	vld.idx.msk [tilespmem:v4+s2+$0x0], $0xffff  }
0x37c: {  	v9 =	vld.idx.msk [tilespmem:v9+s2+$0x0], $0xffff  }
0x37d: {  	v17 =	vld.idx.msk [tilespmem:v17+s15+$0x0], $0xffff  }
0x37e: {  	v3 =	vld.idx.msk [tilespmem:v3+s2+$0x0], $0xffff;
	_ =	sdelay $0x2  }
0x37f: {  	v4 =	vsub.f32 v11, v4;
	v9 =	vsub.f32 v10, v9;
	_ =	sdelay $0x1  }
0x380: {  	v3 =	vsub.f32 v17, v3;
	v10 =	vmul.f32 v4, v4;
	v11 =	vmul.f32 v9, v9;
	_ =	sdelay $0x1  }
0x381: {  	v10 =	vadd.f32 v11, v10;
	v11 =	vmul.f32 v3, v3;
	_ =	sdelay $0x1  }
0x382: {  	v10 =	vadd.f32 v11, v10;
	_ =	sdelay $0x1  }
0x383: {  	v11 =	vshrl.u32 v10, $0x1;
	v17 =	vmul.f32 $5.000000000e-01, v10  }
0x384: {  	v11 =	vsub.s32 $0x5F3759DF, v11  }
0x385: {  	v18 =	vmul.f32 v11, v17;
	_ =	sdelay $0x1  }
0x386: {  	v18 =	vmul.f32 v11, v18;
	_ =	sdelay $0x1  }
0x387: {  	v18 =	vsub.f32 $1.500000000e+00, v18;
	_ =	sdelay $0x1  }
0x388: {  	v11 =	vmul.f32 v11, v18;
	_ =	sdelay $0x1  }
0x389: {  	v18 =	vmul.f32 v11, v17;
	_ =	sdelay $0x1  }
0x38a: {  	v18 =	vmul.f32 v18, v11;
	_ =	sdelay $0x1  }
0x38b: {  	v18 =	vsub.f32 $1.500000000e+00, v18;
	_ =	sdelay $0x1  }
0x38c: {  	v11 =	vmul.f32 v18, v11;
	_ =	sdelay $0x1  }
0x38d: {  	v17 =	vmul.f32 v11, v17;
	_ =	sdelay $0x1  }
0x38e: {  	v17 =	vmul.f32 v17, v11;
	_ =	sdelay $0x1  }
0x38f: {  	v17 =	vsub.f32 $1.500000000e+00, v17;
	_ =	sdelay $0x1  }
0x390: {  	v11 =	vmul.f32 v17, v11;
	_ =	sdelay $0x1  }
0x391: {  	v10 =	vmul.f32 v11, v10;
	_ =	sdelay $0x1  }
0x392: {  	v11 =	vadd.f32 $9.999999930e-09, v10;
	_ =	sdelay $0x1  }
0x393: {  	(erf) = vrcp.f32 v11;
	_ =	sdelay $0x5  }
0x394: {  	v17 =	vadd.s32 $0x5A0, v1;
	v11 =	vld [tilespmem:$0x18920]  }
0x395: {  	v18 =	vadd.s32 $0x5A1, v1  }
0x396: {  	v19 =	vadd.s32 $0x5A2, v1  }
0x397: {  	v26 =	vadd.s32 $0x5A3, v1;
	v25 =	vpop (erf)  }
0x398: {  	v33 =	vadd.s32 $0x5A4, v1;
	v4 =	vmul.f32 v25, v4  }
0x399: {  	v27 =	vld [tilespmem:$0x18B20];
	[tilespmem:v17+s18+$0x0] =	vst.idx.msk $0xffff, v11;
	v9 =	vmul.f32 v25, v9  }
0x39a: {  	v3 =	vmul.f32 v25, v3;
	[tilespmem:v18+s18+$0x0] =	vst.idx.msk $0xffff, v4  }
0x39b: {  	[tilespmem:v19+s18+$0x0] =	vst.idx.msk $0xffff, v9  }
0x39c: {  	[tilespmem:v26+s18+$0x0] =	vst.idx.msk $0xffff, v3  }
0x39d: {  	[tilespmem:v33+s18+$0x0] =	vst.idx.msk $0xffff, v10  }
0x39e: {  	[tilespmem:v17+s19+$0x0] =	vst.idx.msk $0xffff, v27  }
0x39f: {  	[tilespmem:v18+s19+$0x0] =	vst.idx.msk $0xffff, v4  }
0x3a0: {  	[tilespmem:v19+s19+$0x0] =	vst.idx.msk $0xffff, v9  }
0x3a1: {  	[tilespmem:v26+s19+$0x0] =	vst.idx.msk $0xffff, v3  }
0x3a2: {  	[tilespmem:v33+s19+$0x0] =	vst.idx.msk $0xffff, v10  }
0x3a3: {  	v3 =	vld [tilespmem:$0x18130];
	_ =	sdelay $0x3  }
0x3a4: {  	v11 =	vadd.s32 $0x390, v0;
	v10 =	vadd.s32 v62, v2  }
0x3a5: {  	[tilespmem:$0x1A120] =	vst v10;
	v10 =	vadd.s32 $0x391, v0;
	v4 =	vmul.u32 $0x3, v3;
	_ =	sdelay $0x1  }
0x3a6: {  	v2 =	vadd.s32 v63, v2;
	v9 =	vadd.s32 $0x1, v4  }
0x3a7: {  	v17 =	vadd.s32 $0x392, v0;
	[tilespmem:$0x1A320] =	vst v2  }
0x3a8: {  	v11 =	vld.idx.msk [tilespmem:v11+s15+$0x0], $0xffff;
	v2 =	vadd.s32 $0x2, v4  }
0x3a9: {  	v10 =	vld.idx.msk [tilespmem:v10+s15+$0x0], $0xffff  }
0x3aa: {  	v4 =	vld.idx.msk [tilespmem:v4+s2+$0x0], $0xffff  }
0x3ab: {  	v9 =	vld.idx.msk [tilespmem:v9+s2+$0x0], $0xffff  }
0x3ac: {  	v17 =	vld.idx.msk [tilespmem:v17+s15+$0x0], $0xffff  }
0x3ad: {  	v2 =	vld.idx.msk [tilespmem:v2+s2+$0x0], $0xffff;
	_ =	sdelay $0x2  }
0x3ae: {  	v4 =	vsub.f32 v11, v4;
	v9 =	vsub.f32 v10, v9;
	_ =	sdelay $0x1  }
0x3af: {  	v2 =	vsub.f32 v17, v2;
	v10 =	vmul.f32 v4, v4;
	v11 =	vmul.f32 v9, v9;
	_ =	sdelay $0x1  }
0x3b0: {  	v10 =	vadd.f32 v11, v10;
	v11 =	vmul.f32 v2, v2;
	_ =	sdelay $0x1  }
0x3b1: {  	v10 =	vadd.f32 v11, v10;
	_ =	sdelay $0x1  }
0x3b2: {  	v11 =	vshrl.u32 v10, $0x1;
	v17 =	vmul.f32 $5.000000000e-01, v10  }
0x3b3: {  	v11 =	vsub.s32 $0x5F3759DF, v11  }
0x3b4: {  	v18 =	vmul.f32 v11, v17;
	_ =	sdelay $0x1  }
0x3b5: {  	v18 =	vmul.f32 v11, v18;
	_ =	sdelay $0x1  }
0x3b6: {  	v18 =	vsub.f32 $1.500000000e+00, v18;
	_ =	sdelay $0x1  }
0x3b7: {  	v11 =	vmul.f32 v11, v18;
	_ =	sdelay $0x1  }
0x3b8: {  	v18 =	vmul.f32 v11, v17;
	_ =	sdelay $0x1  }
0x3b9: {  	v18 =	vmul.f32 v18, v11;
	_ =	sdelay $0x1  }
0x3ba: {  	v18 =	vsub.f32 $1.500000000e+00, v18;
	_ =	sdelay $0x1  }
0x3bb: {  	v11 =	vmul.f32 v18, v11;
	_ =	sdelay $0x1  }
0x3bc: {  	v17 =	vmul.f32 v11, v17;
	_ =	sdelay $0x1  }
0x3bd: {  	v17 =	vmul.f32 v17, v11;
	_ =	sdelay $0x1  }
0x3be: {  	v17 =	vsub.f32 $1.500000000e+00, v17;
	_ =	sdelay $0x1  }
0x3bf: {  	v11 =	vmul.f32 v17, v11;
	_ =	sdelay $0x1  }
0x3c0: {  	v10 =	vmul.f32 v11, v10;
	_ =	sdelay $0x1  }
0x3c1: {  	v11 =	vadd.f32 $9.999999930e-09, v10;
	_ =	sdelay $0x1  }
0x3c2: {  	(erf) = vrcp.f32 v11;
	_ =	sdelay $0x5  }
0x3c3: {  	v17 =	vadd.s32 $0x5F0, v1;
	v11 =	vld [tilespmem:$0x18930]  }
0x3c4: {  	v18 =	vadd.s32 $0x5F1, v1  }
0x3c5: {  	v19 =	vadd.s32 $0x5F2, v1  }
0x3c6: {  	v26 =	vadd.s32 $0x5F3, v1;
	v25 =	vpop (erf)  }
0x3c7: {  	v33 =	vadd.s32 $0x5F4, v1;
	v4 =	vmul.f32 v25, v4  }
0x3c8: {  	v27 =	vld [tilespmem:$0x18B30];
	[tilespmem:v17+s18+$0x0] =	vst.idx.msk $0xffff, v11;
	v9 =	vmul.f32 v25, v9  }
0x3c9: {  	v2 =	vmul.f32 v25, v2;
	[tilespmem:v18+s18+$0x0] =	vst.idx.msk $0xffff, v4  }
0x3ca: {  	[tilespmem:v19+s18+$0x0] =	vst.idx.msk $0xffff, v9  }
0x3cb: {  	[tilespmem:v26+s18+$0x0] =	vst.idx.msk $0xffff, v2  }
0x3cc: {  	[tilespmem:v33+s18+$0x0] =	vst.idx.msk $0xffff, v10  }
0x3cd: {  	[tilespmem:v17+s19+$0x0] =	vst.idx.msk $0xffff, v27  }
0x3ce: {  	[tilespmem:v18+s19+$0x0] =	vst.idx.msk $0xffff, v4  }
0x3cf: {  	[tilespmem:v19+s19+$0x0] =	vst.idx.msk $0xffff, v9  }
0x3d0: {  	[tilespmem:v26+s19+$0x0] =	vst.idx.msk $0xffff, v2  }
0x3d1: {  	[tilespmem:v33+s19+$0x0] =	vst.idx.msk $0xffff, v10  }
0x3d2: {  	v2 =	vld [tilespmem:$0x18140];
	_ =	sdelay $0x3  }
0x3d3: {  	v11 =	vor.u32 $0x3C0, v0;
	v10 =	vadd.s32 v62, v3  }
0x3d4: {  	[tilespmem:$0x1A130] =	vst v10;
	v10 =	vadd.s32 $0x3C1, v0;
	v4 =	vmul.u32 $0x3, v2;
	_ =	sdelay $0x1  }
0x3d5: {  	v3 =	vadd.s32 v63, v3;
	v9 =	vadd.s32 $0x1, v4  }
0x3d6: {  	v17 =	vadd.s32 $0x3C2, v0;
	[tilespmem:$0x1A330] =	vst v3  }
0x3d7: {  	v11 =	vld.idx.msk [tilespmem:v11+s15+$0x0], $0xffff;
	v3 =	vadd.s32 $0x2, v4  }
0x3d8: {  	v10 =	vld.idx.msk [tilespmem:v10+s15+$0x0], $0xffff  }
0x3d9: {  	v4 =	vld.idx.msk [tilespmem:v4+s2+$0x0], $0xffff  }
0x3da: {  	v9 =	vld.idx.msk [tilespmem:v9+s2+$0x0], $0xffff  }
0x3db: {  	v17 =	vld.idx.msk [tilespmem:v17+s15+$0x0], $0xffff  }
0x3dc: {  	v3 =	vld.idx.msk [tilespmem:v3+s2+$0x0], $0xffff;
	_ =	sdelay $0x2  }
0x3dd: {  	v4 =	vsub.f32 v11, v4;
	v9 =	vsub.f32 v10, v9;
	_ =	sdelay $0x1  }
0x3de: {  	v3 =	vsub.f32 v17, v3;
	v10 =	vmul.f32 v4, v4;
	v11 =	vmul.f32 v9, v9;
	_ =	sdelay $0x1  }
0x3df: {  	v10 =	vadd.f32 v11, v10;
	v11 =	vmul.f32 v3, v3;
	_ =	sdelay $0x1  }
0x3e0: {  	v10 =	vadd.f32 v11, v10;
	_ =	sdelay $0x1  }
0x3e1: {  	v11 =	vshrl.u32 v10, $0x1;
	v17 =	vmul.f32 $5.000000000e-01, v10  }
0x3e2: {  	v11 =	vsub.s32 $0x5F3759DF, v11  }
0x3e3: {  	v18 =	vmul.f32 v11, v17;
	_ =	sdelay $0x1  }
0x3e4: {  	v18 =	vmul.f32 v11, v18;
	_ =	sdelay $0x1  }
0x3e5: {  	v18 =	vsub.f32 $1.500000000e+00, v18;
	_ =	sdelay $0x1  }
0x3e6: {  	v11 =	vmul.f32 v11, v18;
	_ =	sdelay $0x1  }
0x3e7: {  	v18 =	vmul.f32 v11, v17;
	_ =	sdelay $0x1  }
0x3e8: {  	v18 =	vmul.f32 v18, v11;
	_ =	sdelay $0x1  }
0x3e9: {  	v18 =	vsub.f32 $1.500000000e+00, v18;
	_ =	sdelay $0x1  }
0x3ea: {  	v11 =	vmul.f32 v18, v11;
	_ =	sdelay $0x1  }
0x3eb: {  	v17 =	vmul.f32 v11, v17;
	_ =	sdelay $0x1  }
0x3ec: {  	v17 =	vmul.f32 v17, v11;
	_ =	sdelay $0x1  }
0x3ed: {  	v17 =	vsub.f32 $1.500000000e+00, v17;
	_ =	sdelay $0x1  }
0x3ee: {  	v11 =	vmul.f32 v17, v11;
	_ =	sdelay $0x1  }
0x3ef: {  	v10 =	vmul.f32 v11, v10;
	_ =	sdelay $0x1  }
0x3f0: {  	v11 =	vadd.f32 $9.999999930e-09, v10;
	_ =	sdelay $0x1  }
0x3f1: {  	(erf) = vrcp.f32 v11;
	_ =	sdelay $0x5  }
0x3f2: {  	v17 =	vadd.s32 $0x640, v1;
	v11 =	vld [tilespmem:$0x18940]  }
0x3f3: {  	v18 =	vadd.s32 $0x641, v1  }
0x3f4: {  	v19 =	vadd.s32 $0x642, v1  }
0x3f5: {  	v26 =	vadd.s32 $0x643, v1;
	v25 =	vpop (erf)  }
0x3f6: {  	v33 =	vadd.s32 $0x644, v1;
	v4 =	vmul.f32 v25, v4  }
0x3f7: {  	v27 =	vld [tilespmem:$0x18B40];
	[tilespmem:v17+s18+$0x0] =	vst.idx.msk $0xffff, v11;
	v9 =	vmul.f32 v25, v9  }
0x3f8: {  	v3 =	vmul.f32 v25, v3;
	[tilespmem:v18+s18+$0x0] =	vst.idx.msk $0xffff, v4  }
0x3f9: {  	[tilespmem:v19+s18+$0x0] =	vst.idx.msk $0xffff, v9  }
0x3fa: {  	[tilespmem:v26+s18+$0x0] =	vst.idx.msk $0xffff, v3  }
0x3fb: {  	[tilespmem:v33+s18+$0x0] =	vst.idx.msk $0xffff, v10  }
0x3fc: {  	[tilespmem:v17+s19+$0x0] =	vst.idx.msk $0xffff, v27  }
0x3fd: {  	[tilespmem:v18+s19+$0x0] =	vst.idx.msk $0xffff, v4  }
0x3fe: {  	[tilespmem:v19+s19+$0x0] =	vst.idx.msk $0xffff, v9  }
0x3ff: {  	[tilespmem:v26+s19+$0x0] =	vst.idx.msk $0xffff, v3  }
0x400: {  	[tilespmem:v33+s19+$0x0] =	vst.idx.msk $0xffff, v10  }
0x401: {  	v3 =	vld [tilespmem:$0x18150];
	_ =	sdelay $0x3  }
0x402: {  	v11 =	vadd.s32 $0x3F0, v0;
	v10 =	vadd.s32 v62, v2  }
0x403: {  	[tilespmem:$0x1A140] =	vst v10;
	v10 =	vadd.s32 $0x3F1, v0;
	v4 =	vmul.u32 $0x3, v3;
	_ =	sdelay $0x1  }
0x404: {  	v2 =	vadd.s32 v63, v2;
	v9 =	vadd.s32 $0x1, v4  }
0x405: {  	v17 =	vadd.s32 $0x3F2, v0;
	[tilespmem:$0x1A340] =	vst v2  }
0x406: {  	v11 =	vld.idx.msk [tilespmem:v11+s15+$0x0], $0xffff;
	v2 =	vadd.s32 $0x2, v4  }
0x407: {  	v10 =	vld.idx.msk [tilespmem:v10+s15+$0x0], $0xffff  }
0x408: {  	v4 =	vld.idx.msk [tilespmem:v4+s2+$0x0], $0xffff  }
0x409: {  	v9 =	vld.idx.msk [tilespmem:v9+s2+$0x0], $0xffff  }
0x40a: {  	v17 =	vld.idx.msk [tilespmem:v17+s15+$0x0], $0xffff  }
0x40b: {  	v2 =	vld.idx.msk [tilespmem:v2+s2+$0x0], $0xffff;
	_ =	sdelay $0x2  }
0x40c: {  	v4 =	vsub.f32 v11, v4;
	v9 =	vsub.f32 v10, v9;
	_ =	sdelay $0x1  }
0x40d: {  	v2 =	vsub.f32 v17, v2;
	v10 =	vmul.f32 v4, v4;
	v11 =	vmul.f32 v9, v9;
	_ =	sdelay $0x1  }
0x40e: {  	v10 =	vadd.f32 v11, v10;
	v11 =	vmul.f32 v2, v2;
	_ =	sdelay $0x1  }
0x40f: {  	v10 =	vadd.f32 v11, v10;
	_ =	sdelay $0x1  }
0x410: {  	v11 =	vshrl.u32 v10, $0x1;
	v17 =	vmul.f32 $5.000000000e-01, v10  }
0x411: {  	v11 =	vsub.s32 $0x5F3759DF, v11  }
0x412: {  	v18 =	vmul.f32 v11, v17;
	_ =	sdelay $0x1  }
0x413: {  	v18 =	vmul.f32 v11, v18;
	_ =	sdelay $0x1  }
0x414: {  	v18 =	vsub.f32 $1.500000000e+00, v18;
	_ =	sdelay $0x1  }
0x415: {  	v11 =	vmul.f32 v11, v18;
	_ =	sdelay $0x1  }
0x416: {  	v18 =	vmul.f32 v11, v17;
	_ =	sdelay $0x1  }
0x417: {  	v18 =	vmul.f32 v18, v11;
	_ =	sdelay $0x1  }
0x418: {  	v18 =	vsub.f32 $1.500000000e+00, v18;
	_ =	sdelay $0x1  }
0x419: {  	v11 =	vmul.f32 v18, v11;
	_ =	sdelay $0x1  }
0x41a: {  	v17 =	vmul.f32 v11, v17;
	_ =	sdelay $0x1  }
0x41b: {  	v17 =	vmul.f32 v17, v11;
	_ =	sdelay $0x1  }
0x41c: {  	v17 =	vsub.f32 $1.500000000e+00, v17;
	_ =	sdelay $0x1  }
0x41d: {  	v11 =	vmul.f32 v17, v11;
	_ =	sdelay $0x1  }
0x41e: {  	v10 =	vmul.f32 v11, v10;
	_ =	sdelay $0x1  }
0x41f: {  	v11 =	vadd.f32 $9.999999930e-09, v10;
	_ =	sdelay $0x1  }
0x420: {  	(erf) = vrcp.f32 v11;
	_ =	sdelay $0x5  }
0x421: {  	v17 =	vadd.s32 $0x690, v1;
	v11 =	vld [tilespmem:$0x18950]  }
0x422: {  	v18 =	vadd.s32 $0x691, v1  }
0x423: {  	v19 =	vadd.s32 $0x692, v1  }
0x424: {  	v26 =	vadd.s32 $0x693, v1;
	v25 =	vpop (erf)  }
0x425: {  	v33 =	vadd.s32 $0x694, v1;
	v4 =	vmul.f32 v25, v4  }
0x426: {  	v27 =	vld [tilespmem:$0x18B50];
	[tilespmem:v17+s18+$0x0] =	vst.idx.msk $0xffff, v11;
	v9 =	vmul.f32 v25, v9  }
0x427: {  	v2 =	vmul.f32 v25, v2;
	[tilespmem:v18+s18+$0x0] =	vst.idx.msk $0xffff, v4  }
0x428: {  	[tilespmem:v19+s18+$0x0] =	vst.idx.msk $0xffff, v9  }
0x429: {  	[tilespmem:v26+s18+$0x0] =	vst.idx.msk $0xffff, v2  }
0x42a: {  	[tilespmem:v33+s18+$0x0] =	vst.idx.msk $0xffff, v10  }
0x42b: {  	[tilespmem:v17+s19+$0x0] =	vst.idx.msk $0xffff, v27  }
0x42c: {  	[tilespmem:v18+s19+$0x0] =	vst.idx.msk $0xffff, v4  }
0x42d: {  	[tilespmem:v19+s19+$0x0] =	vst.idx.msk $0xffff, v9  }
0x42e: {  	[tilespmem:v26+s19+$0x0] =	vst.idx.msk $0xffff, v2  }
0x42f: {  	[tilespmem:v33+s19+$0x0] =	vst.idx.msk $0xffff, v10  }
0x430: {  	v2 =	vld [tilespmem:$0x18160];
	_ =	sdelay $0x3  }
0x431: {  	v11 =	vadd.s32 $0x420, v0;
	v10 =	vadd.s32 v62, v3  }
0x432: {  	[tilespmem:$0x1A150] =	vst v10;
	v10 =	vadd.s32 $0x421, v0;
	v4 =	vmul.u32 $0x3, v2;
	_ =	sdelay $0x1  }
0x433: {  	v3 =	vadd.s32 v63, v3;
	v9 =	vadd.s32 $0x1, v4  }
0x434: {  	v17 =	vadd.s32 $0x422, v0;
	[tilespmem:$0x1A350] =	vst v3  }
0x435: {  	v11 =	vld.idx.msk [tilespmem:v11+s15+$0x0], $0xffff;
	v3 =	vadd.s32 $0x2, v4  }
0x436: {  	v10 =	vld.idx.msk [tilespmem:v10+s15+$0x0], $0xffff  }
0x437: {  	v4 =	vld.idx.msk [tilespmem:v4+s2+$0x0], $0xffff  }
0x438: {  	v9 =	vld.idx.msk [tilespmem:v9+s2+$0x0], $0xffff  }
0x439: {  	v17 =	vld.idx.msk [tilespmem:v17+s15+$0x0], $0xffff  }
0x43a: {  	v3 =	vld.idx.msk [tilespmem:v3+s2+$0x0], $0xffff;
	_ =	sdelay $0x2  }
0x43b: {  	v4 =	vsub.f32 v11, v4;
	v9 =	vsub.f32 v10, v9;
	_ =	sdelay $0x1  }
0x43c: {  	v3 =	vsub.f32 v17, v3;
	v10 =	vmul.f32 v4, v4;
	v11 =	vmul.f32 v9, v9;
	_ =	sdelay $0x1  }
0x43d: {  	v10 =	vadd.f32 v11, v10;
	v11 =	vmul.f32 v3, v3;
	_ =	sdelay $0x1  }
0x43e: {  	v10 =	vadd.f32 v11, v10;
	_ =	sdelay $0x1  }
0x43f: {  	v11 =	vshrl.u32 v10, $0x1;
	v17 =	vmul.f32 $5.000000000e-01, v10  }
0x440: {  	v11 =	vsub.s32 $0x5F3759DF, v11  }
0x441: {  	v18 =	vmul.f32 v11, v17;
	_ =	sdelay $0x1  }
0x442: {  	v18 =	vmul.f32 v11, v18;
	_ =	sdelay $0x1  }
0x443: {  	v18 =	vsub.f32 $1.500000000e+00, v18;
	_ =	sdelay $0x1  }
0x444: {  	v11 =	vmul.f32 v11, v18;
	_ =	sdelay $0x1  }
0x445: {  	v18 =	vmul.f32 v11, v17;
	_ =	sdelay $0x1  }
0x446: {  	v18 =	vmul.f32 v18, v11;
	_ =	sdelay $0x1  }
0x447: {  	v18 =	vsub.f32 $1.500000000e+00, v18;
	_ =	sdelay $0x1  }
0x448: {  	v11 =	vmul.f32 v18, v11;
	_ =	sdelay $0x1  }
0x449: {  	v17 =	vmul.f32 v11, v17;
	_ =	sdelay $0x1  }
0x44a: {  	v17 =	vmul.f32 v17, v11;
	_ =	sdelay $0x1  }
0x44b: {  	v17 =	vsub.f32 $1.500000000e+00, v17;
	_ =	sdelay $0x1  }
0x44c: {  	v11 =	vmul.f32 v17, v11;
	_ =	sdelay $0x1  }
0x44d: {  	v10 =	vmul.f32 v11, v10;
	_ =	sdelay $0x1  }
0x44e: {  	v11 =	vadd.f32 $9.999999930e-09, v10;
	_ =	sdelay $0x1  }
0x44f: {  	(erf) = vrcp.f32 v11;
	_ =	sdelay $0x5  }
0x450: {  	v17 =	vadd.s32 $0x6E0, v1;
	v11 =	vld [tilespmem:$0x18960]  }
0x451: {  	v18 =	vadd.s32 $0x6E1, v1  }
0x452: {  	v19 =	vadd.s32 $0x6E2, v1  }
0x453: {  	v26 =	vadd.s32 $0x6E3, v1;
	v25 =	vpop (erf)  }
0x454: {  	v33 =	vadd.s32 $0x6E4, v1;
	v4 =	vmul.f32 v25, v4  }
0x455: {  	v27 =	vld [tilespmem:$0x18B60];
	[tilespmem:v17+s18+$0x0] =	vst.idx.msk $0xffff, v11;
	v9 =	vmul.f32 v25, v9  }
0x456: {  	v3 =	vmul.f32 v25, v3;
	[tilespmem:v18+s18+$0x0] =	vst.idx.msk $0xffff, v4  }
0x457: {  	[tilespmem:v19+s18+$0x0] =	vst.idx.msk $0xffff, v9  }
0x458: {  	[tilespmem:v26+s18+$0x0] =	vst.idx.msk $0xffff, v3  }
0x459: {  	[tilespmem:v33+s18+$0x0] =	vst.idx.msk $0xffff, v10  }
0x45a: {  	[tilespmem:v17+s19+$0x0] =	vst.idx.msk $0xffff, v27  }
0x45b: {  	[tilespmem:v18+s19+$0x0] =	vst.idx.msk $0xffff, v4  }
0x45c: {  	[tilespmem:v19+s19+$0x0] =	vst.idx.msk $0xffff, v9  }
0x45d: {  	[tilespmem:v26+s19+$0x0] =	vst.idx.msk $0xffff, v3  }
0x45e: {  	[tilespmem:v33+s19+$0x0] =	vst.idx.msk $0xffff, v10  }
0x45f: {  	v3 =	vld [tilespmem:$0x18170];
	_ =	sdelay $0x3  }
0x460: {  	v11 =	vadd.s32 $0x450, v0;
	v10 =	vadd.s32 v62, v2  }
0x461: {  	[tilespmem:$0x1A160] =	vst v10;
	v10 =	vadd.s32 $0x451, v0;
	v4 =	vmul.u32 $0x3, v3;
	_ =	sdelay $0x1  }
0x462: {  	v2 =	vadd.s32 v63, v2;
	v9 =	vadd.s32 $0x1, v4  }
0x463: {  	v17 =	vadd.s32 $0x452, v0;
	[tilespmem:$0x1A360] =	vst v2  }
0x464: {  	v11 =	vld.idx.msk [tilespmem:v11+s15+$0x0], $0xffff;
	v2 =	vadd.s32 $0x2, v4  }
0x465: {  	v10 =	vld.idx.msk [tilespmem:v10+s15+$0x0], $0xffff  }
0x466: {  	v4 =	vld.idx.msk [tilespmem:v4+s2+$0x0], $0xffff  }
0x467: {  	v9 =	vld.idx.msk [tilespmem:v9+s2+$0x0], $0xffff  }
0x468: {  	v17 =	vld.idx.msk [tilespmem:v17+s15+$0x0], $0xffff  }
0x469: {  	v2 =	vld.idx.msk [tilespmem:v2+s2+$0x0], $0xffff;
	_ =	sdelay $0x2  }
0x46a: {  	v4 =	vsub.f32 v11, v4;
	v9 =	vsub.f32 v10, v9;
	_ =	sdelay $0x1  }
0x46b: {  	v2 =	vsub.f32 v17, v2;
	v10 =	vmul.f32 v4, v4;
	v11 =	vmul.f32 v9, v9;
	_ =	sdelay $0x1  }
0x46c: {  	v10 =	vadd.f32 v11, v10;
	v11 =	vmul.f32 v2, v2;
	_ =	sdelay $0x1  }
0x46d: {  	v10 =	vadd.f32 v11, v10;
	_ =	sdelay $0x1  }
0x46e: {  	v11 =	vshrl.u32 v10, $0x1;
	v17 =	vmul.f32 $5.000000000e-01, v10  }
0x46f: {  	v11 =	vsub.s32 $0x5F3759DF, v11  }
0x470: {  	v18 =	vmul.f32 v11, v17;
	_ =	sdelay $0x1  }
0x471: {  	v18 =	vmul.f32 v11, v18;
	_ =	sdelay $0x1  }
0x472: {  	v18 =	vsub.f32 $1.500000000e+00, v18;
	_ =	sdelay $0x1  }
0x473: {  	v11 =	vmul.f32 v11, v18;
	_ =	sdelay $0x1  }
0x474: {  	v18 =	vmul.f32 v11, v17;
	_ =	sdelay $0x1  }
0x475: {  	v18 =	vmul.f32 v18, v11;
	_ =	sdelay $0x1  }
0x476: {  	v18 =	vsub.f32 $1.500000000e+00, v18;
	_ =	sdelay $0x1  }
0x477: {  	v11 =	vmul.f32 v18, v11;
	_ =	sdelay $0x1  }
0x478: {  	v17 =	vmul.f32 v11, v17;
	_ =	sdelay $0x1  }
0x479: {  	v17 =	vmul.f32 v17, v11;
	_ =	sdelay $0x1  }
0x47a: {  	v17 =	vsub.f32 $1.500000000e+00, v17;
	_ =	sdelay $0x1  }
0x47b: {  	v11 =	vmul.f32 v17, v11;
	_ =	sdelay $0x1  }
0x47c: {  	v10 =	vmul.f32 v11, v10;
	_ =	sdelay $0x1  }
0x47d: {  	v11 =	vadd.f32 $9.999999930e-09, v10;
	_ =	sdelay $0x1  }
0x47e: {  	(erf) = vrcp.f32 v11;
	_ =	sdelay $0x5  }
0x47f: {  	v17 =	vadd.s32 $0x730, v1;
	v11 =	vld [tilespmem:$0x18970]  }
0x480: {  	v18 =	vadd.s32 $0x731, v1  }
0x481: {  	v19 =	vadd.s32 $0x732, v1  }
0x482: {  	v26 =	vadd.s32 $0x733, v1;
	v25 =	vpop (erf)  }
0x483: {  	v33 =	vadd.s32 $0x734, v1;
	v4 =	vmul.f32 v25, v4  }
0x484: {  	v27 =	vld [tilespmem:$0x18B70];
	[tilespmem:v17+s18+$0x0] =	vst.idx.msk $0xffff, v11;
	v9 =	vmul.f32 v25, v9  }
0x485: {  	v2 =	vmul.f32 v25, v2;
	[tilespmem:v18+s18+$0x0] =	vst.idx.msk $0xffff, v4  }
0x486: {  	[tilespmem:v19+s18+$0x0] =	vst.idx.msk $0xffff, v9  }
0x487: {  	[tilespmem:v26+s18+$0x0] =	vst.idx.msk $0xffff, v2  }
0x488: {  	[tilespmem:v33+s18+$0x0] =	vst.idx.msk $0xffff, v10  }
0x489: {  	[tilespmem:v17+s19+$0x0] =	vst.idx.msk $0xffff, v27  }
0x48a: {  	[tilespmem:v18+s19+$0x0] =	vst.idx.msk $0xffff, v4  }
0x48b: {  	[tilespmem:v19+s19+$0x0] =	vst.idx.msk $0xffff, v9  }
0x48c: {  	[tilespmem:v26+s19+$0x0] =	vst.idx.msk $0xffff, v2  }
0x48d: {  	[tilespmem:v33+s19+$0x0] =	vst.idx.msk $0xffff, v10  }
0x48e: {  	v2 =	vld [tilespmem:$0x18180];
	_ =	sdelay $0x3  }
0x48f: {  	v11 =	vor.u32 $0x480, v0;
	v10 =	vadd.s32 v62, v3  }
0x490: {  	[tilespmem:$0x1A170] =	vst v10;
	v10 =	vadd.s32 $0x481, v0;
	v4 =	vmul.u32 $0x3, v2;
	_ =	sdelay $0x1  }
0x491: {  	v3 =	vadd.s32 v63, v3;
	v9 =	vadd.s32 $0x1, v4  }
0x492: {  	v17 =	vadd.s32 $0x482, v0;
	[tilespmem:$0x1A370] =	vst v3  }
0x493: {  	v11 =	vld.idx.msk [tilespmem:v11+s15+$0x0], $0xffff;
	v3 =	vadd.s32 $0x2, v4  }
0x494: {  	v10 =	vld.idx.msk [tilespmem:v10+s15+$0x0], $0xffff  }
0x495: {  	v4 =	vld.idx.msk [tilespmem:v4+s2+$0x0], $0xffff  }
0x496: {  	v9 =	vld.idx.msk [tilespmem:v9+s2+$0x0], $0xffff  }
0x497: {  	v17 =	vld.idx.msk [tilespmem:v17+s15+$0x0], $0xffff  }
0x498: {  	v3 =	vld.idx.msk [tilespmem:v3+s2+$0x0], $0xffff;
	_ =	sdelay $0x2  }
0x499: {  	v4 =	vsub.f32 v11, v4;
	v9 =	vsub.f32 v10, v9;
	_ =	sdelay $0x1  }
0x49a: {  	v3 =	vsub.f32 v17, v3;
	v10 =	vmul.f32 v4, v4;
	v11 =	vmul.f32 v9, v9;
	_ =	sdelay $0x1  }
0x49b: {  	v10 =	vadd.f32 v11, v10;
	v11 =	vmul.f32 v3, v3;
	_ =	sdelay $0x1  }
0x49c: {  	v10 =	vadd.f32 v11, v10;
	_ =	sdelay $0x1  }
0x49d: {  	v11 =	vshrl.u32 v10, $0x1;
	v17 =	vmul.f32 $5.000000000e-01, v10  }
0x49e: {  	v11 =	vsub.s32 $0x5F3759DF, v11  }
0x49f: {  	v18 =	vmul.f32 v11, v17;
	_ =	sdelay $0x1  }
0x4a0: {  	v18 =	vmul.f32 v11, v18;
	_ =	sdelay $0x1  }
0x4a1: {  	v18 =	vsub.f32 $1.500000000e+00, v18;
	_ =	sdelay $0x1  }
0x4a2: {  	v11 =	vmul.f32 v11, v18;
	_ =	sdelay $0x1  }
0x4a3: {  	v18 =	vmul.f32 v11, v17;
	_ =	sdelay $0x1  }
0x4a4: {  	v18 =	vmul.f32 v18, v11;
	_ =	sdelay $0x1  }
0x4a5: {  	v18 =	vsub.f32 $1.500000000e+00, v18;
	_ =	sdelay $0x1  }
0x4a6: {  	v11 =	vmul.f32 v18, v11;
	_ =	sdelay $0x1  }
0x4a7: {  	v17 =	vmul.f32 v11, v17;
	_ =	sdelay $0x1  }
0x4a8: {  	v17 =	vmul.f32 v17, v11;
	_ =	sdelay $0x1  }
0x4a9: {  	v17 =	vsub.f32 $1.500000000e+00, v17;
	_ =	sdelay $0x1  }
0x4aa: {  	v11 =	vmul.f32 v17, v11;
	_ =	sdelay $0x1  }
0x4ab: {  	v10 =	vmul.f32 v11, v10;
	_ =	sdelay $0x1  }
0x4ac: {  	v11 =	vadd.f32 $9.999999930e-09, v10;
	_ =	sdelay $0x1  }
0x4ad: {  	(erf) = vrcp.f32 v11;
	_ =	sdelay $0x5  }
0x4ae: {  	v17 =	vor.u32 $0x780, v1;
	v11 =	vld [tilespmem:$0x18980]  }
0x4af: {  	v18 =	vadd.s32 $0x781, v1  }
0x4b0: {  	v19 =	vadd.s32 $0x782, v1  }
0x4b1: {  	v26 =	vadd.s32 $0x783, v1;
	v25 =	vpop (erf)  }
0x4b2: {  	v33 =	vadd.s32 $0x784, v1;
	v4 =	vmul.f32 v25, v4  }
0x4b3: {  	v27 =	vld [tilespmem:$0x18B80];
	[tilespmem:v17+s18+$0x0] =	vst.idx.msk $0xffff, v11;
	v9 =	vmul.f32 v25, v9  }
0x4b4: {  	v3 =	vmul.f32 v25, v3;
	[tilespmem:v18+s18+$0x0] =	vst.idx.msk $0xffff, v4  }
0x4b5: {  	[tilespmem:v19+s18+$0x0] =	vst.idx.msk $0xffff, v9  }
0x4b6: {  	[tilespmem:v26+s18+$0x0] =	vst.idx.msk $0xffff, v3  }
0x4b7: {  	[tilespmem:v33+s18+$0x0] =	vst.idx.msk $0xffff, v10  }
0x4b8: {  	[tilespmem:v17+s19+$0x0] =	vst.idx.msk $0xffff, v27  }
0x4b9: {  	[tilespmem:v18+s19+$0x0] =	vst.idx.msk $0xffff, v4  }
0x4ba: {  	[tilespmem:v19+s19+$0x0] =	vst.idx.msk $0xffff, v9  }
0x4bb: {  	[tilespmem:v26+s19+$0x0] =	vst.idx.msk $0xffff, v3  }
0x4bc: {  	[tilespmem:v33+s19+$0x0] =	vst.idx.msk $0xffff, v10  }
0x4bd: {  	v3 =	vld [tilespmem:$0x18190];
	_ =	sdelay $0x3  }
0x4be: {  	v11 =	vadd.s32 $0x4B0, v0;
	v10 =	vadd.s32 v62, v2  }
0x4bf: {  	[tilespmem:$0x1A180] =	vst v10;
	v10 =	vadd.s32 $0x4B1, v0;
	v4 =	vmul.u32 $0x3, v3;
	_ =	sdelay $0x1  }
0x4c0: {  	v2 =	vadd.s32 v63, v2;
	v9 =	vadd.s32 $0x1, v4  }
0x4c1: {  	v17 =	vadd.s32 $0x4B2, v0;
	[tilespmem:$0x1A380] =	vst v2  }
0x4c2: {  	v11 =	vld.idx.msk [tilespmem:v11+s15+$0x0], $0xffff;
	v2 =	vadd.s32 $0x2, v4  }
0x4c3: {  	v10 =	vld.idx.msk [tilespmem:v10+s15+$0x0], $0xffff  }
0x4c4: {  	v4 =	vld.idx.msk [tilespmem:v4+s2+$0x0], $0xffff  }
0x4c5: {  	v9 =	vld.idx.msk [tilespmem:v9+s2+$0x0], $0xffff  }
0x4c6: {  	v17 =	vld.idx.msk [tilespmem:v17+s15+$0x0], $0xffff  }
0x4c7: {  	v2 =	vld.idx.msk [tilespmem:v2+s2+$0x0], $0xffff;
	_ =	sdelay $0x2  }
0x4c8: {  	v4 =	vsub.f32 v11, v4;
	v9 =	vsub.f32 v10, v9;
	_ =	sdelay $0x1  }
0x4c9: {  	v2 =	vsub.f32 v17, v2;
	v10 =	vmul.f32 v4, v4;
	v11 =	vmul.f32 v9, v9;
	_ =	sdelay $0x1  }
0x4ca: {  	v10 =	vadd.f32 v11, v10;
	v11 =	vmul.f32 v2, v2;
	_ =	sdelay $0x1  }
0x4cb: {  	v10 =	vadd.f32 v11, v10;
	_ =	sdelay $0x1  }
0x4cc: {  	v11 =	vshrl.u32 v10, $0x1;
	v17 =	vmul.f32 $5.000000000e-01, v10  }
0x4cd: {  	v11 =	vsub.s32 $0x5F3759DF, v11  }
0x4ce: {  	v18 =	vmul.f32 v11, v17;
	_ =	sdelay $0x1  }
0x4cf: {  	v18 =	vmul.f32 v11, v18;
	_ =	sdelay $0x1  }
0x4d0: {  	v18 =	vsub.f32 $1.500000000e+00, v18;
	_ =	sdelay $0x1  }
0x4d1: {  	v11 =	vmul.f32 v11, v18;
	_ =	sdelay $0x1  }
0x4d2: {  	v18 =	vmul.f32 v11, v17;
	_ =	sdelay $0x1  }
0x4d3: {  	v18 =	vmul.f32 v18, v11;
	_ =	sdelay $0x1  }
0x4d4: {  	v18 =	vsub.f32 $1.500000000e+00, v18;
	_ =	sdelay $0x1  }
0x4d5: {  	v11 =	vmul.f32 v18, v11;
	_ =	sdelay $0x1  }
0x4d6: {  	v17 =	vmul.f32 v11, v17;
	_ =	sdelay $0x1  }
0x4d7: {  	v17 =	vmul.f32 v17, v11;
	_ =	sdelay $0x1  }
0x4d8: {  	v17 =	vsub.f32 $1.500000000e+00, v17;
	_ =	sdelay $0x1  }
0x4d9: {  	v11 =	vmul.f32 v17, v11;
	_ =	sdelay $0x1  }
0x4da: {  	v10 =	vmul.f32 v11, v10;
	_ =	sdelay $0x1  }
0x4db: {  	v11 =	vadd.f32 $9.999999930e-09, v10;
	_ =	sdelay $0x1  }
0x4dc: {  	(erf) = vrcp.f32 v11;
	_ =	sdelay $0x5  }
0x4dd: {  	v17 =	vadd.s32 $0x7D0, v1;
	v11 =	vld [tilespmem:$0x18990]  }
0x4de: {  	v18 =	vadd.s32 $0x7D1, v1  }
0x4df: {  	v19 =	vadd.s32 $0x7D2, v1  }
0x4e0: {  	v26 =	vadd.s32 $0x7D3, v1;
	v25 =	vpop (erf)  }
0x4e1: {  	v33 =	vadd.s32 $0x7D4, v1;
	v4 =	vmul.f32 v25, v4  }
0x4e2: {  	v27 =	vld [tilespmem:$0x18B90];
	[tilespmem:v17+s18+$0x0] =	vst.idx.msk $0xffff, v11;
	v9 =	vmul.f32 v25, v9  }
0x4e3: {  	v2 =	vmul.f32 v25, v2;
	[tilespmem:v18+s18+$0x0] =	vst.idx.msk $0xffff, v4  }
0x4e4: {  	[tilespmem:v19+s18+$0x0] =	vst.idx.msk $0xffff, v9  }
0x4e5: {  	[tilespmem:v26+s18+$0x0] =	vst.idx.msk $0xffff, v2  }
0x4e6: {  	[tilespmem:v33+s18+$0x0] =	vst.idx.msk $0xffff, v10  }
0x4e7: {  	[tilespmem:v17+s19+$0x0] =	vst.idx.msk $0xffff, v27  }
0x4e8: {  	[tilespmem:v18+s19+$0x0] =	vst.idx.msk $0xffff, v4  }
0x4e9: {  	[tilespmem:v19+s19+$0x0] =	vst.idx.msk $0xffff, v9  }
0x4ea: {  	[tilespmem:v26+s19+$0x0] =	vst.idx.msk $0xffff, v2  }
0x4eb: {  	[tilespmem:v33+s19+$0x0] =	vst.idx.msk $0xffff, v10  }
0x4ec: {  	v2 =	vld [tilespmem:$0x181A0];
	_ =	sdelay $0x3  }
0x4ed: {  	v11 =	vadd.s32 $0x4E0, v0;
	v10 =	vadd.s32 v62, v3  }
0x4ee: {  	[tilespmem:$0x1A190] =	vst v10;
	v10 =	vadd.s32 $0x4E1, v0;
	v4 =	vmul.u32 $0x3, v2;
	_ =	sdelay $0x1  }
0x4ef: {  	v3 =	vadd.s32 v63, v3;
	v9 =	vadd.s32 $0x1, v4  }
0x4f0: {  	v17 =	vadd.s32 $0x4E2, v0;
	[tilespmem:$0x1A390] =	vst v3  }
0x4f1: {  	v11 =	vld.idx.msk [tilespmem:v11+s15+$0x0], $0xffff;
	v3 =	vadd.s32 $0x2, v4  }
0x4f2: {  	v10 =	vld.idx.msk [tilespmem:v10+s15+$0x0], $0xffff  }
0x4f3: {  	v4 =	vld.idx.msk [tilespmem:v4+s2+$0x0], $0xffff  }
0x4f4: {  	v9 =	vld.idx.msk [tilespmem:v9+s2+$0x0], $0xffff  }
0x4f5: {  	v17 =	vld.idx.msk [tilespmem:v17+s15+$0x0], $0xffff  }
0x4f6: {  	v3 =	vld.idx.msk [tilespmem:v3+s2+$0x0], $0xffff;
	_ =	sdelay $0x2  }
0x4f7: {  	v4 =	vsub.f32 v11, v4;
	v9 =	vsub.f32 v10, v9;
	_ =	sdelay $0x1  }
0x4f8: {  	v3 =	vsub.f32 v17, v3;
	v10 =	vmul.f32 v4, v4;
	v11 =	vmul.f32 v9, v9;
	_ =	sdelay $0x1  }
0x4f9: {  	v10 =	vadd.f32 v11, v10;
	v11 =	vmul.f32 v3, v3;
	_ =	sdelay $0x1  }
0x4fa: {  	v10 =	vadd.f32 v11, v10;
	_ =	sdelay $0x1  }
0x4fb: {  	v11 =	vshrl.u32 v10, $0x1;
	v17 =	vmul.f32 $5.000000000e-01, v10  }
0x4fc: {  	v11 =	vsub.s32 $0x5F3759DF, v11  }
0x4fd: {  	v18 =	vmul.f32 v11, v17;
	_ =	sdelay $0x1  }
0x4fe: {  	v18 =	vmul.f32 v11, v18;
	_ =	sdelay $0x1  }
0x4ff: {  	v18 =	vsub.f32 $1.500000000e+00, v18;
	_ =	sdelay $0x1  }
0x500: {  	v11 =	vmul.f32 v11, v18;
	_ =	sdelay $0x1  }
0x501: {  	v18 =	vmul.f32 v11, v17;
	_ =	sdelay $0x1  }
0x502: {  	v18 =	vmul.f32 v18, v11;
	_ =	sdelay $0x1  }
0x503: {  	v18 =	vsub.f32 $1.500000000e+00, v18;
	_ =	sdelay $0x1  }
0x504: {  	v11 =	vmul.f32 v18, v11;
	_ =	sdelay $0x1  }
0x505: {  	v17 =	vmul.f32 v11, v17;
	_ =	sdelay $0x1  }
0x506: {  	v17 =	vmul.f32 v17, v11;
	_ =	sdelay $0x1  }
0x507: {  	v17 =	vsub.f32 $1.500000000e+00, v17;
	_ =	sdelay $0x1  }
0x508: {  	v11 =	vmul.f32 v17, v11;
	_ =	sdelay $0x1  }
0x509: {  	v10 =	vmul.f32 v11, v10;
	_ =	sdelay $0x1  }
0x50a: {  	v11 =	vadd.f32 $9.999999930e-09, v10;
	_ =	sdelay $0x1  }
0x50b: {  	(erf) = vrcp.f32 v11;
	_ =	sdelay $0x5  }
0x50c: {  	v17 =	vadd.s32 $0x820, v1;
	v11 =	vld [tilespmem:$0x189A0]  }
0x50d: {  	v18 =	vadd.s32 $0x821, v1  }
0x50e: {  	v19 =	vadd.s32 $0x822, v1  }
0x50f: {  	v26 =	vadd.s32 $0x823, v1;
	v25 =	vpop (erf)  }
0x510: {  	v33 =	vadd.s32 $0x824, v1;
	v4 =	vmul.f32 v25, v4  }
0x511: {  	v27 =	vld [tilespmem:$0x18BA0];
	[tilespmem:v17+s18+$0x0] =	vst.idx.msk $0xffff, v11;
	v9 =	vmul.f32 v25, v9  }
0x512: {  	v3 =	vmul.f32 v25, v3;
	[tilespmem:v18+s18+$0x0] =	vst.idx.msk $0xffff, v4  }
0x513: {  	[tilespmem:v19+s18+$0x0] =	vst.idx.msk $0xffff, v9  }
0x514: {  	[tilespmem:v26+s18+$0x0] =	vst.idx.msk $0xffff, v3  }
0x515: {  	[tilespmem:v33+s18+$0x0] =	vst.idx.msk $0xffff, v10  }
0x516: {  	[tilespmem:v17+s19+$0x0] =	vst.idx.msk $0xffff, v27  }
0x517: {  	[tilespmem:v18+s19+$0x0] =	vst.idx.msk $0xffff, v4  }
0x518: {  	[tilespmem:v19+s19+$0x0] =	vst.idx.msk $0xffff, v9  }
0x519: {  	[tilespmem:v26+s19+$0x0] =	vst.idx.msk $0xffff, v3  }
0x51a: {  	[tilespmem:v33+s19+$0x0] =	vst.idx.msk $0xffff, v10  }
0x51b: {  	v3 =	vld [tilespmem:$0x181B0];
	_ =	sdelay $0x3  }
0x51c: {  	v11 =	vadd.s32 $0x510, v0;
	v10 =	vadd.s32 v62, v2  }
0x51d: {  	[tilespmem:$0x1A1A0] =	vst v10;
	v10 =	vadd.s32 $0x511, v0;
	v4 =	vmul.u32 $0x3, v3;
	_ =	sdelay $0x1  }
0x51e: {  	v2 =	vadd.s32 v63, v2;
	v9 =	vadd.s32 $0x1, v4  }
0x51f: {  	v17 =	vadd.s32 $0x512, v0;
	[tilespmem:$0x1A3A0] =	vst v2  }
0x520: {  	v11 =	vld.idx.msk [tilespmem:v11+s15+$0x0], $0xffff;
	v2 =	vadd.s32 $0x2, v4  }
0x521: {  	v10 =	vld.idx.msk [tilespmem:v10+s15+$0x0], $0xffff  }
0x522: {  	v4 =	vld.idx.msk [tilespmem:v4+s2+$0x0], $0xffff  }
0x523: {  	v9 =	vld.idx.msk [tilespmem:v9+s2+$0x0], $0xffff  }
0x524: {  	v17 =	vld.idx.msk [tilespmem:v17+s15+$0x0], $0xffff  }
0x525: {  	v2 =	vld.idx.msk [tilespmem:v2+s2+$0x0], $0xffff;
	_ =	sdelay $0x2  }
0x526: {  	v4 =	vsub.f32 v11, v4;
	v9 =	vsub.f32 v10, v9;
	_ =	sdelay $0x1  }
0x527: {  	v2 =	vsub.f32 v17, v2;
	v10 =	vmul.f32 v4, v4;
	v11 =	vmul.f32 v9, v9;
	_ =	sdelay $0x1  }
0x528: {  	v10 =	vadd.f32 v11, v10;
	v11 =	vmul.f32 v2, v2;
	_ =	sdelay $0x1  }
0x529: {  	v10 =	vadd.f32 v11, v10;
	_ =	sdelay $0x1  }
0x52a: {  	v11 =	vshrl.u32 v10, $0x1;
	v17 =	vmul.f32 $5.000000000e-01, v10  }
0x52b: {  	v11 =	vsub.s32 $0x5F3759DF, v11  }
0x52c: {  	v18 =	vmul.f32 v11, v17;
	_ =	sdelay $0x1  }
0x52d: {  	v18 =	vmul.f32 v11, v18;
	_ =	sdelay $0x1  }
0x52e: {  	v18 =	vsub.f32 $1.500000000e+00, v18;
	_ =	sdelay $0x1  }
0x52f: {  	v11 =	vmul.f32 v11, v18;
	_ =	sdelay $0x1  }
0x530: {  	v18 =	vmul.f32 v11, v17;
	_ =	sdelay $0x1  }
0x531: {  	v18 =	vmul.f32 v18, v11;
	_ =	sdelay $0x1  }
0x532: {  	v18 =	vsub.f32 $1.500000000e+00, v18;
	_ =	sdelay $0x1  }
0x533: {  	v11 =	vmul.f32 v18, v11;
	_ =	sdelay $0x1  }
0x534: {  	v17 =	vmul.f32 v11, v17;
	_ =	sdelay $0x1  }
0x535: {  	v17 =	vmul.f32 v17, v11;
	_ =	sdelay $0x1  }
0x536: {  	v17 =	vsub.f32 $1.500000000e+00, v17;
	_ =	sdelay $0x1  }
0x537: {  	v11 =	vmul.f32 v17, v11;
	_ =	sdelay $0x1  }
0x538: {  	v10 =	vmul.f32 v11, v10;
	_ =	sdelay $0x1  }
0x539: {  	v11 =	vadd.f32 $9.999999930e-09, v10;
	_ =	sdelay $0x1  }
0x53a: {  	(erf) = vrcp.f32 v11;
	_ =	sdelay $0x5  }
0x53b: {  	v17 =	vadd.s32 $0x870, v1;
	v11 =	vld [tilespmem:$0x189B0]  }
0x53c: {  	v18 =	vadd.s32 $0x871, v1  }
0x53d: {  	v19 =	vadd.s32 $0x872, v1  }
0x53e: {  	v26 =	vadd.s32 $0x873, v1;
	v25 =	vpop (erf)  }
0x53f: {  	v33 =	vadd.s32 $0x874, v1;
	v4 =	vmul.f32 v25, v4  }
0x540: {  	v27 =	vld [tilespmem:$0x18BB0];
	[tilespmem:v17+s18+$0x0] =	vst.idx.msk $0xffff, v11;
	v9 =	vmul.f32 v25, v9  }
0x541: {  	v2 =	vmul.f32 v25, v2;
	[tilespmem:v18+s18+$0x0] =	vst.idx.msk $0xffff, v4  }
0x542: {  	[tilespmem:v19+s18+$0x0] =	vst.idx.msk $0xffff, v9  }
0x543: {  	[tilespmem:v26+s18+$0x0] =	vst.idx.msk $0xffff, v2  }
0x544: {  	[tilespmem:v33+s18+$0x0] =	vst.idx.msk $0xffff, v10  }
0x545: {  	[tilespmem:v17+s19+$0x0] =	vst.idx.msk $0xffff, v27  }
0x546: {  	[tilespmem:v18+s19+$0x0] =	vst.idx.msk $0xffff, v4  }
0x547: {  	[tilespmem:v19+s19+$0x0] =	vst.idx.msk $0xffff, v9  }
0x548: {  	[tilespmem:v26+s19+$0x0] =	vst.idx.msk $0xffff, v2  }
0x549: {  	[tilespmem:v33+s19+$0x0] =	vst.idx.msk $0xffff, v10  }
0x54a: {  	v2 =	vld [tilespmem:$0x181C0];
	_ =	sdelay $0x3  }
0x54b: {  	v11 =	vor.u32 $0x540, v0;
	v10 =	vadd.s32 v62, v3  }
0x54c: {  	[tilespmem:$0x1A1B0] =	vst v10;
	v10 =	vadd.s32 $0x541, v0;
	v4 =	vmul.u32 $0x3, v2;
	_ =	sdelay $0x1  }
0x54d: {  	v3 =	vadd.s32 v63, v3;
	v9 =	vadd.s32 $0x1, v4  }
0x54e: {  	v17 =	vadd.s32 $0x542, v0;
	[tilespmem:$0x1A3B0] =	vst v3  }
0x54f: {  	v11 =	vld.idx.msk [tilespmem:v11+s15+$0x0], $0xffff;
	v3 =	vadd.s32 $0x2, v4  }
0x550: {  	v10 =	vld.idx.msk [tilespmem:v10+s15+$0x0], $0xffff  }
0x551: {  	v4 =	vld.idx.msk [tilespmem:v4+s2+$0x0], $0xffff  }
0x552: {  	v9 =	vld.idx.msk [tilespmem:v9+s2+$0x0], $0xffff  }
0x553: {  	v17 =	vld.idx.msk [tilespmem:v17+s15+$0x0], $0xffff  }
0x554: {  	v3 =	vld.idx.msk [tilespmem:v3+s2+$0x0], $0xffff;
	_ =	sdelay $0x2  }
0x555: {  	v4 =	vsub.f32 v11, v4;
	v9 =	vsub.f32 v10, v9;
	_ =	sdelay $0x1  }
0x556: {  	v3 =	vsub.f32 v17, v3;
	v10 =	vmul.f32 v4, v4;
	v11 =	vmul.f32 v9, v9;
	_ =	sdelay $0x1  }
0x557: {  	v10 =	vadd.f32 v11, v10;
	v11 =	vmul.f32 v3, v3;
	_ =	sdelay $0x1  }
0x558: {  	v10 =	vadd.f32 v11, v10;
	_ =	sdelay $0x1  }
0x559: {  	v11 =	vshrl.u32 v10, $0x1;
	v17 =	vmul.f32 $5.000000000e-01, v10  }
0x55a: {  	v11 =	vsub.s32 $0x5F3759DF, v11  }
0x55b: {  	v18 =	vmul.f32 v11, v17;
	_ =	sdelay $0x1  }
0x55c: {  	v18 =	vmul.f32 v11, v18;
	_ =	sdelay $0x1  }
0x55d: {  	v18 =	vsub.f32 $1.500000000e+00, v18;
	_ =	sdelay $0x1  }
0x55e: {  	v11 =	vmul.f32 v11, v18;
	_ =	sdelay $0x1  }
0x55f: {  	v18 =	vmul.f32 v11, v17;
	_ =	sdelay $0x1  }
0x560: {  	v18 =	vmul.f32 v18, v11;
	_ =	sdelay $0x1  }
0x561: {  	v18 =	vsub.f32 $1.500000000e+00, v18;
	_ =	sdelay $0x1  }
0x562: {  	v11 =	vmul.f32 v18, v11;
	_ =	sdelay $0x1  }
0x563: {  	v17 =	vmul.f32 v11, v17;
	_ =	sdelay $0x1  }
0x564: {  	v17 =	vmul.f32 v17, v11;
	_ =	sdelay $0x1  }
0x565: {  	v17 =	vsub.f32 $1.500000000e+00, v17;
	_ =	sdelay $0x1  }
0x566: {  	v11 =	vmul.f32 v17, v11;
	_ =	sdelay $0x1  }
0x567: {  	v10 =	vmul.f32 v11, v10;
	_ =	sdelay $0x1  }
0x568: {  	v11 =	vadd.f32 $9.999999930e-09, v10;
	_ =	sdelay $0x1  }
0x569: {  	(erf) = vrcp.f32 v11;
	_ =	sdelay $0x5  }
0x56a: {  	v17 =	vadd.s32 $0x8C0, v1;
	v11 =	vld [tilespmem:$0x189C0]  }
0x56b: {  	v18 =	vadd.s32 $0x8C1, v1  }
0x56c: {  	v19 =	vadd.s32 $0x8C2, v1  }
0x56d: {  	v26 =	vadd.s32 $0x8C3, v1;
	v25 =	vpop (erf)  }
0x56e: {  	v33 =	vadd.s32 $0x8C4, v1;
	v4 =	vmul.f32 v25, v4  }
0x56f: {  	v27 =	vld [tilespmem:$0x18BC0];
	[tilespmem:v17+s18+$0x0] =	vst.idx.msk $0xffff, v11;
	v9 =	vmul.f32 v25, v9  }
0x570: {  	v3 =	vmul.f32 v25, v3;
	[tilespmem:v18+s18+$0x0] =	vst.idx.msk $0xffff, v4  }
0x571: {  	[tilespmem:v19+s18+$0x0] =	vst.idx.msk $0xffff, v9  }
0x572: {  	[tilespmem:v26+s18+$0x0] =	vst.idx.msk $0xffff, v3  }
0x573: {  	[tilespmem:v33+s18+$0x0] =	vst.idx.msk $0xffff, v10  }
0x574: {  	[tilespmem:v17+s19+$0x0] =	vst.idx.msk $0xffff, v27  }
0x575: {  	[tilespmem:v18+s19+$0x0] =	vst.idx.msk $0xffff, v4  }
0x576: {  	[tilespmem:v19+s19+$0x0] =	vst.idx.msk $0xffff, v9  }
0x577: {  	[tilespmem:v26+s19+$0x0] =	vst.idx.msk $0xffff, v3  }
0x578: {  	[tilespmem:v33+s19+$0x0] =	vst.idx.msk $0xffff, v10  }
0x579: {  	v3 =	vld [tilespmem:$0x181D0];
	_ =	sdelay $0x3  }
0x57a: {  	v11 =	vadd.s32 $0x570, v0;
	v10 =	vadd.s32 v62, v2  }
0x57b: {  	[tilespmem:$0x1A1C0] =	vst v10;
	v10 =	vadd.s32 $0x571, v0;
	v4 =	vmul.u32 $0x3, v3;
	_ =	sdelay $0x1  }
0x57c: {  	v2 =	vadd.s32 v63, v2;
	v9 =	vadd.s32 $0x1, v4  }
0x57d: {  	v17 =	vadd.s32 $0x572, v0;
	[tilespmem:$0x1A3C0] =	vst v2  }
0x57e: {  	v11 =	vld.idx.msk [tilespmem:v11+s15+$0x0], $0xffff;
	v2 =	vadd.s32 $0x2, v4  }
0x57f: {  	v10 =	vld.idx.msk [tilespmem:v10+s15+$0x0], $0xffff  }
0x580: {  	v4 =	vld.idx.msk [tilespmem:v4+s2+$0x0], $0xffff  }
0x581: {  	v9 =	vld.idx.msk [tilespmem:v9+s2+$0x0], $0xffff  }
0x582: {  	v17 =	vld.idx.msk [tilespmem:v17+s15+$0x0], $0xffff  }
0x583: {  	v2 =	vld.idx.msk [tilespmem:v2+s2+$0x0], $0xffff;
	_ =	sdelay $0x2  }
0x584: {  	v4 =	vsub.f32 v11, v4;
	v9 =	vsub.f32 v10, v9;
	_ =	sdelay $0x1  }
0x585: {  	v2 =	vsub.f32 v17, v2;
	v10 =	vmul.f32 v4, v4;
	v11 =	vmul.f32 v9, v9;
	_ =	sdelay $0x1  }
0x586: {  	v10 =	vadd.f32 v11, v10;
	v11 =	vmul.f32 v2, v2;
	_ =	sdelay $0x1  }
0x587: {  	v10 =	vadd.f32 v11, v10;
	_ =	sdelay $0x1  }
0x588: {  	v11 =	vshrl.u32 v10, $0x1;
	v17 =	vmul.f32 $5.000000000e-01, v10  }
0x589: {  	v11 =	vsub.s32 $0x5F3759DF, v11  }
0x58a: {  	v18 =	vmul.f32 v11, v17;
	_ =	sdelay $0x1  }
0x58b: {  	v18 =	vmul.f32 v11, v18;
	_ =	sdelay $0x1  }
0x58c: {  	v18 =	vsub.f32 $1.500000000e+00, v18;
	_ =	sdelay $0x1  }
0x58d: {  	v11 =	vmul.f32 v11, v18;
	_ =	sdelay $0x1  }
0x58e: {  	v18 =	vmul.f32 v11, v17;
	_ =	sdelay $0x1  }
0x58f: {  	v18 =	vmul.f32 v18, v11;
	_ =	sdelay $0x1  }
0x590: {  	v18 =	vsub.f32 $1.500000000e+00, v18;
	_ =	sdelay $0x1  }
0x591: {  	v11 =	vmul.f32 v18, v11;
	_ =	sdelay $0x1  }
0x592: {  	v17 =	vmul.f32 v11, v17;
	_ =	sdelay $0x1  }
0x593: {  	v17 =	vmul.f32 v17, v11;
	_ =	sdelay $0x1  }
0x594: {  	v17 =	vsub.f32 $1.500000000e+00, v17;
	_ =	sdelay $0x1  }
0x595: {  	v11 =	vmul.f32 v17, v11;
	_ =	sdelay $0x1  }
0x596: {  	v10 =	vmul.f32 v11, v10;
	_ =	sdelay $0x1  }
0x597: {  	v11 =	vadd.f32 $9.999999930e-09, v10;
	_ =	sdelay $0x1  }
0x598: {  	(erf) = vrcp.f32 v11;
	_ =	sdelay $0x5  }
0x599: {  	v17 =	vadd.s32 $0x910, v1;
	v11 =	vld [tilespmem:$0x189D0]  }
0x59a: {  	v18 =	vadd.s32 $0x911, v1  }
0x59b: {  	v19 =	vadd.s32 $0x912, v1  }
0x59c: {  	v26 =	vadd.s32 $0x913, v1;
	v25 =	vpop (erf)  }
0x59d: {  	v33 =	vadd.s32 $0x914, v1;
	v4 =	vmul.f32 v25, v4  }
0x59e: {  	v27 =	vld [tilespmem:$0x18BD0];
	[tilespmem:v17+s18+$0x0] =	vst.idx.msk $0xffff, v11;
	v9 =	vmul.f32 v25, v9  }
0x59f: {  	v2 =	vmul.f32 v25, v2;
	[tilespmem:v18+s18+$0x0] =	vst.idx.msk $0xffff, v4  }
0x5a0: {  	[tilespmem:v19+s18+$0x0] =	vst.idx.msk $0xffff, v9  }
0x5a1: {  	[tilespmem:v26+s18+$0x0] =	vst.idx.msk $0xffff, v2  }
0x5a2: {  	[tilespmem:v33+s18+$0x0] =	vst.idx.msk $0xffff, v10  }
0x5a3: {  	[tilespmem:v17+s19+$0x0] =	vst.idx.msk $0xffff, v27  }
0x5a4: {  	[tilespmem:v18+s19+$0x0] =	vst.idx.msk $0xffff, v4  }
0x5a5: {  	[tilespmem:v19+s19+$0x0] =	vst.idx.msk $0xffff, v9  }
0x5a6: {  	[tilespmem:v26+s19+$0x0] =	vst.idx.msk $0xffff, v2  }
0x5a7: {  	[tilespmem:v33+s19+$0x0] =	vst.idx.msk $0xffff, v10  }
0x5a8: {  	v2 =	vld [tilespmem:$0x181E0];
	_ =	sdelay $0x3  }
0x5a9: {  	v11 =	vadd.s32 $0x5A0, v0;
	v10 =	vadd.s32 v62, v3  }
0x5aa: {  	[tilespmem:$0x1A1D0] =	vst v10;
	v10 =	vadd.s32 $0x5A1, v0;
	v4 =	vmul.u32 $0x3, v2;
	_ =	sdelay $0x1  }
0x5ab: {  	v3 =	vadd.s32 v63, v3;
	v9 =	vadd.s32 $0x1, v4  }
0x5ac: {  	v17 =	vadd.s32 $0x5A2, v0;
	[tilespmem:$0x1A3D0] =	vst v3  }
0x5ad: {  	v11 =	vld.idx.msk [tilespmem:v11+s15+$0x0], $0xffff;
	v3 =	vadd.s32 $0x2, v4  }
0x5ae: {  	v10 =	vld.idx.msk [tilespmem:v10+s15+$0x0], $0xffff  }
0x5af: {  	v4 =	vld.idx.msk [tilespmem:v4+s2+$0x0], $0xffff  }
0x5b0: {  	v9 =	vld.idx.msk [tilespmem:v9+s2+$0x0], $0xffff  }
0x5b1: {  	v17 =	vld.idx.msk [tilespmem:v17+s15+$0x0], $0xffff  }
0x5b2: {  	v3 =	vld.idx.msk [tilespmem:v3+s2+$0x0], $0xffff;
	_ =	sdelay $0x2  }
0x5b3: {  	v4 =	vsub.f32 v11, v4;
	v9 =	vsub.f32 v10, v9;
	_ =	sdelay $0x1  }
0x5b4: {  	v3 =	vsub.f32 v17, v3;
	v10 =	vmul.f32 v4, v4;
	v11 =	vmul.f32 v9, v9;
	_ =	sdelay $0x1  }
0x5b5: {  	v10 =	vadd.f32 v11, v10;
	v11 =	vmul.f32 v3, v3;
	_ =	sdelay $0x1  }
0x5b6: {  	v10 =	vadd.f32 v11, v10;
	_ =	sdelay $0x1  }
0x5b7: {  	v11 =	vshrl.u32 v10, $0x1;
	v17 =	vmul.f32 $5.000000000e-01, v10  }
0x5b8: {  	v11 =	vsub.s32 $0x5F3759DF, v11  }
0x5b9: {  	v18 =	vmul.f32 v11, v17;
	_ =	sdelay $0x1  }
0x5ba: {  	v18 =	vmul.f32 v11, v18;
	_ =	sdelay $0x1  }
0x5bb: {  	v18 =	vsub.f32 $1.500000000e+00, v18;
	_ =	sdelay $0x1  }
0x5bc: {  	v11 =	vmul.f32 v11, v18;
	_ =	sdelay $0x1  }
0x5bd: {  	v18 =	vmul.f32 v11, v17;
	_ =	sdelay $0x1  }
0x5be: {  	v18 =	vmul.f32 v18, v11;
	_ =	sdelay $0x1  }
0x5bf: {  	v18 =	vsub.f32 $1.500000000e+00, v18;
	_ =	sdelay $0x1  }
0x5c0: {  	v11 =	vmul.f32 v18, v11;
	_ =	sdelay $0x1  }
0x5c1: {  	v17 =	vmul.f32 v11, v17;
	_ =	sdelay $0x1  }
0x5c2: {  	v17 =	vmul.f32 v17, v11;
	_ =	sdelay $0x1  }
0x5c3: {  	v17 =	vsub.f32 $1.500000000e+00, v17;
	_ =	sdelay $0x1  }
0x5c4: {  	v11 =	vmul.f32 v17, v11;
	_ =	sdelay $0x1  }
0x5c5: {  	v10 =	vmul.f32 v11, v10;
	_ =	sdelay $0x1  }
0x5c6: {  	v11 =	vadd.f32 $9.999999930e-09, v10;
	_ =	sdelay $0x1  }
0x5c7: {  	(erf) = vrcp.f32 v11;
	_ =	sdelay $0x5  }
0x5c8: {  	v17 =	vadd.s32 $0x960, v1;
	v11 =	vld [tilespmem:$0x189E0]  }
0x5c9: {  	v18 =	vadd.s32 $0x961, v1  }
0x5ca: {  	v19 =	vadd.s32 $0x962, v1  }
0x5cb: {  	v26 =	vadd.s32 $0x963, v1;
	v25 =	vpop (erf)  }
0x5cc: {  	v33 =	vadd.s32 $0x964, v1;
	v4 =	vmul.f32 v25, v4  }
0x5cd: {  	v27 =	vld [tilespmem:$0x18BE0];
	[tilespmem:v17+s18+$0x0] =	vst.idx.msk $0xffff, v11;
	v9 =	vmul.f32 v25, v9  }
0x5ce: {  	v3 =	vmul.f32 v25, v3;
	[tilespmem:v18+s18+$0x0] =	vst.idx.msk $0xffff, v4  }
0x5cf: {  	[tilespmem:v19+s18+$0x0] =	vst.idx.msk $0xffff, v9  }
0x5d0: {  	[tilespmem:v26+s18+$0x0] =	vst.idx.msk $0xffff, v3  }
0x5d1: {  	[tilespmem:v33+s18+$0x0] =	vst.idx.msk $0xffff, v10  }
0x5d2: {  	[tilespmem:v17+s19+$0x0] =	vst.idx.msk $0xffff, v27  }
0x5d3: {  	[tilespmem:v18+s19+$0x0] =	vst.idx.msk $0xffff, v4  }
0x5d4: {  	[tilespmem:v19+s19+$0x0] =	vst.idx.msk $0xffff, v9  }
0x5d5: {  	[tilespmem:v26+s19+$0x0] =	vst.idx.msk $0xffff, v3  }
0x5d6: {  	[tilespmem:v33+s19+$0x0] =	vst.idx.msk $0xffff, v10  }
0x5d7: {  	v3 =	vld [tilespmem:$0x181F0];
	_ =	sdelay $0x3  }
0x5d8: {  	v11 =	vadd.s32 $0x5D0, v0;
	v10 =	vadd.s32 v62, v2  }
0x5d9: {  	[tilespmem:$0x1A1E0] =	vst v10;
	v10 =	vadd.s32 $0x5D1, v0;
	v4 =	vmul.u32 $0x3, v3;
	_ =	sdelay $0x1  }
0x5da: {  	v2 =	vadd.s32 v63, v2;
	v9 =	vadd.s32 $0x1, v4  }
0x5db: {  	v17 =	vadd.s32 $0x5D2, v0;
	[tilespmem:$0x1A3E0] =	vst v2  }
0x5dc: {  	v11 =	vld.idx.msk [tilespmem:v11+s15+$0x0], $0xffff;
	v2 =	vadd.s32 $0x2, v4  }
0x5dd: {  	v10 =	vld.idx.msk [tilespmem:v10+s15+$0x0], $0xffff  }
0x5de: {  	v4 =	vld.idx.msk [tilespmem:v4+s2+$0x0], $0xffff  }
0x5df: {  	v9 =	vld.idx.msk [tilespmem:v9+s2+$0x0], $0xffff  }
0x5e0: {  	v17 =	vld.idx.msk [tilespmem:v17+s15+$0x0], $0xffff  }
0x5e1: {  	v2 =	vld.idx.msk [tilespmem:v2+s2+$0x0], $0xffff;
	_ =	sdelay $0x2  }
0x5e2: {  	v4 =	vsub.f32 v11, v4;
	v9 =	vsub.f32 v10, v9;
	_ =	sdelay $0x1  }
0x5e3: {  	v2 =	vsub.f32 v17, v2;
	v10 =	vmul.f32 v4, v4;
	v11 =	vmul.f32 v9, v9;
	_ =	sdelay $0x1  }
0x5e4: {  	v10 =	vadd.f32 v11, v10;
	v11 =	vmul.f32 v2, v2;
	_ =	sdelay $0x1  }
0x5e5: {  	v10 =	vadd.f32 v11, v10;
	_ =	sdelay $0x1  }
0x5e6: {  	v11 =	vshrl.u32 v10, $0x1;
	v17 =	vmul.f32 $5.000000000e-01, v10  }
0x5e7: {  	v11 =	vsub.s32 $0x5F3759DF, v11  }
0x5e8: {  	v18 =	vmul.f32 v11, v17;
	_ =	sdelay $0x1  }
0x5e9: {  	v18 =	vmul.f32 v11, v18;
	_ =	sdelay $0x1  }
0x5ea: {  	v18 =	vsub.f32 $1.500000000e+00, v18;
	_ =	sdelay $0x1  }
0x5eb: {  	v11 =	vmul.f32 v11, v18;
	_ =	sdelay $0x1  }
0x5ec: {  	v18 =	vmul.f32 v11, v17;
	_ =	sdelay $0x1  }
0x5ed: {  	v18 =	vmul.f32 v18, v11;
	_ =	sdelay $0x1  }
0x5ee: {  	v18 =	vsub.f32 $1.500000000e+00, v18;
	_ =	sdelay $0x1  }
0x5ef: {  	v11 =	vmul.f32 v18, v11;
	_ =	sdelay $0x1  }
0x5f0: {  	v17 =	vmul.f32 v11, v17;
	_ =	sdelay $0x1  }
0x5f1: {  	v17 =	vmul.f32 v17, v11;
	_ =	sdelay $0x1  }
0x5f2: {  	v17 =	vsub.f32 $1.500000000e+00, v17;
	_ =	sdelay $0x1  }
0x5f3: {  	v11 =	vmul.f32 v17, v11;
	_ =	sdelay $0x1  }
0x5f4: {  	v10 =	vmul.f32 v11, v10;
	_ =	sdelay $0x1  }
0x5f5: {  	v11 =	vadd.f32 $9.999999930e-09, v10;
	_ =	sdelay $0x1  }
0x5f6: {  	(erf) = vrcp.f32 v11;
	_ =	sdelay $0x5  }
0x5f7: {  	v17 =	vadd.s32 $0x9B0, v1;
	v11 =	vld [tilespmem:$0x189F0]  }
0x5f8: {  	v18 =	vadd.s32 $0x9B1, v1  }
0x5f9: {  	v19 =	vadd.s32 $0x9B2, v1  }
0x5fa: {  	v26 =	vadd.s32 $0x9B3, v1;
	v25 =	vpop (erf)  }
0x5fb: {  	v33 =	vadd.s32 $0x9B4, v1;
	v4 =	vmul.f32 v25, v4  }
0x5fc: {  	v27 =	vld [tilespmem:$0x18BF0];
	[tilespmem:v17+s18+$0x0] =	vst.idx.msk $0xffff, v11;
	v9 =	vmul.f32 v25, v9  }
0x5fd: {  	v2 =	vmul.f32 v25, v2;
	[tilespmem:v18+s18+$0x0] =	vst.idx.msk $0xffff, v4  }
0x5fe: {  	[tilespmem:v19+s18+$0x0] =	vst.idx.msk $0xffff, v9  }
0x5ff: {  	[tilespmem:v26+s18+$0x0] =	vst.idx.msk $0xffff, v2  }
0x600: {  	[tilespmem:v33+s18+$0x0] =	vst.idx.msk $0xffff, v10  }
0x601: {  	[tilespmem:v17+s19+$0x0] =	vst.idx.msk $0xffff, v27  }
0x602: {  	[tilespmem:v18+s19+$0x0] =	vst.idx.msk $0xffff, v4  }
0x603: {  	[tilespmem:v19+s19+$0x0] =	vst.idx.msk $0xffff, v9  }
0x604: {  	[tilespmem:v26+s19+$0x0] =	vst.idx.msk $0xffff, v2  }
0x605: {  	v25 =	vmov v6;
	v6 =	vmov v41;
	v41 =	vld [tilespmem:$0x1FFD0];
	v2 =	vadd.s32 v62, v3;
	[tilespmem:v33+s19+$0x0] =	vst.idx.msk $0xffff, v10  }
0x606: {  	v27 =	vmov v5;
	v5 =	vmov v43;
	v43 =	vld [tilespmem:$0x1FFE0];
	[tilespmem:$0x1A1F0] =	vst v2;
	v2 =	vadd.s32 v63, v3  }
0x607: {  	v19 =	vld [tilespmem:$0x1FFB0];
	[tilespmem:$0x1A3F0] =	vst v2  }
0x608: {  	v26 =	vld [tilespmem:$0x1FFC0];
	[hbm4b:s25+s2] =	stream.linear.scatter [tilespmem:s18], [sflag:$0x1], $0xA00, $0x38  }
0x609: {  	v33 =	vld [tilespmem:$0x1FFF0];
	_ =	swait.ge [sflag:s12], $0xA00  }
0x60a: {  	[sflag:s12] =	ssyncset.done $0x0  }
0x60b: {  	[sflag:s12] =	ssyncadd.s32 $0xFFFFF600  }
0x60c: {  	[hbm4b:s24+s2] =	stream.linear.scatter [tilespmem:s19], [sflag:$0x1], $0xA00, $0x38;
	[tilespmem:$0x1A480] =	vst v63  }
0x60d: {  	_ =	swait.ge [sflag:s12], $0xA00  }
0x60e: {  	[sflag:s12] =	ssyncset.done $0x0  }
0x60f: {  	s31 =	sadd.s32 s26, s7;
	[sflag:s12] =	ssyncadd.s32 $0xFFFFF600  }
0x610: {  	[hbm4b:s31+s2] =	stream.linear.scatter [tilespmem:s20], [sflag:$0x1], $0x200, $0x38;
	[tilespmem:$0x1A480] =	vst v63  }
0x611: {  	_ =	swait.ge [sflag:s12], $0x200  }
0x612: {  	p0 =	sne.s32 s26, $0x7C0;
	[sflag:s12] =	ssyncset.done $0x0  }
.Ltmp0:
0x613: {  	s28 =	sadd.s32 $0x800, s31;
	[sflag:s12] =	ssyncadd.s32 $0xFFFFFE00;
	(pc) =	sbr.rel @p0 .LBB2_2-.Ltmp0, $4  }
0x614: {  	[hbm4b:s28+s2] =	stream.linear.scatter [tilespmem:s21], [sflag:$0x1], $0x200, $0x38;
	[tilespmem:$0x1A480] =	vst v63  }
0x615: {  	_ =	swait.ge [sflag:s12], $0x200  }
0x616: {  	s26 =	sadd.s32 $0x40, s26;
	s23 =	sadd.s32 $0xC0, s23;
	[sflag:s12] =	ssyncset.done $0x0  }
0x617: {  	s25 =	sadd.s32 $0x140, s25;
	s24 =	sadd.s32 $0x140, s24;
	[sflag:s12] =	ssyncadd.s32 $0xFFFFFE00  }
0x618: {  	s22 =	sadd.s32 $0x1, s22  }
0x619: {  	p0 =	sne.s32 s22, s5  }
.Ltmp1:
0x61a: {  	_ = 	snop;
	(pc) =	sbr.rel @p0 .LBB2_1-.Ltmp1, $1  }
0x61b: {  	_ =	sdelay $0x3  }
0x61c: {  	_ =	sfence.sel $0x180000  }
0x61d: {  	[bflag:$0x0] =	sbarrier.arrive $0xFFFF  }
0x61e: {  	p0 =	sne.s32 s0, $0x0;
	_ =	strace $0x90000047  }
0x61f: {  	s0 =	sadd.s32 @!p0 $0x100000, s1;
	[bflag:$0x2] =	sbarrier.arrive $0xFFFF  }
0x620: {  	[sflag:s0] =	ssyncadd.tile.s32 @!p0 $0x1;
	_ =	shalt  }
.Lfunc_end2:
_tile_overlayer_lowered:
.L_overlay_start_2:
0x621: {  	(tag) =	ssettag $0x2  }
0x622: {  	s0 =	rddreg [dreg:$0x0];
	s2 =	stileid.u32  }
0x623: {  	s1 =	rddreg [dreg:$0x1];
	p0 =	sne.s32 s2, $0x0  }
0x624: {  	s3 =	rddreg [dreg:$0x2];
	[bflag:$0x3] =	sbarrier.arrive $0xFFFF;
	s2 =	simm.s32 @!p0 $0x1C01  }
0x625: {  	[timem:s3], [sflag:s2] =	dma.local @!p0 [hbm:s0], s1  }
0x626: {  	s0 =	simm.s32 @!p0 $0x1  }
0x627: {  	_ =	swait.ge @!p0 [sflag:s0], s1  }
0x628: {  	s1 =	ssub.s32 @!p0 $0x0, s1;
	[sflag:s0] =	ssyncset.done @!p0 $0x0  }
0x629: {  	[sflag:s0] =	ssyncadd.s32 @!p0 s1  }
0x62a: {  	[bflag:$0x3] =	sbarrier.arrive $0xFFFF  }
0x62b: {  	_ =	shalt  }

</sc_bundles>
